<compile_context>
chip_gen: v7x
topology: tpu7x:2x2x1
jax: 0.10.2.dev20260603
libtpu: 0.0.44.dev20260713+nightly
codegen_flags: <defaults>
</compile_context>

<pallas_src>
import functools

import jax
import jax.numpy as jnp
from jax import lax
from jax.experimental import pallas as pl
from jax.experimental.pallas import tpu as pltpu
from jax.experimental.pallas import tpu_sc as plsc

NC = 2
NS = 16
NW = NC * NS
CHUNK = 128
NBUF = 8


def _unpack_rows(pk_ref, flat_ref, nrow):
  @pl.loop(0, nrow)
  def _(i):
    for p in range(8):
      flat_ref[8 * i + p] = pk_ref[i, pl.ds(p * 16, 16)]


def _pack_rows(flat_ref, pk_ref, nrow):
  @pl.loop(0, nrow)
  def _(i):
    for p in range(8):
      pk_ref[i, pl.ds(p * 16, 16)] = flat_ref[8 * i + p]


def _make_sc_agg(n_pad, k, feat):
  stripe = n_pad // NS
  stripe_pk = stripe // 8
  mesh = plsc.VectorSubcoreMesh(core_axis_name="c", subcore_axis_name="s")
  assert k % NBUF == 0 and stripe % 8 == 0

  @functools.partial(
      pl.kernel,
      out_type=(jax.ShapeDtypeStruct((NC, n_pad // 8, 128), jnp.float32),
                jax.ShapeDtypeStruct((NC, n_pad, feat), jnp.float32)),
      mesh=mesh,
      compiler_params=pltpu.CompilerParams(use_tc_tiling_on_sc=False),
      scratch_types=[
          pltpu.VMEM((k, CHUNK), jnp.int32),
          pltpu.VMEM((k, CHUNK), jnp.int32),
          pltpu.VMEM((NBUF, CHUNK, feat), jnp.float32),
          pltpu.VMEM((stripe, feat), jnp.float32),
          pltpu.VMEM((stripe_pk, 128), jnp.float32),
          pltpu.VMEM_SHARED((n_pad, feat), jnp.float32),
          pltpu.SemaphoreType.DMA((NBUF,)),
          pltpu.SemaphoreType.DMA((NBUF,)),
          pltpu.SemaphoreType.DMA,
      ],
  )
  def agg(g_hbm, src_hbm, dst_hbm, zeros_hbm, out_hbm, gtab_hbm,
          src_v, dst_v, rows_v, flat_v, pk_v, acc, gsem, ssem, sem):
    c = lax.axis_index("c")
    s = lax.axis_index("s")
    w = c * NS + s
    pltpu.sync_copy(src_hbm.at[pl.ds(w * k, k)], src_v)
    pltpu.sync_copy(dst_hbm.at[pl.ds(w * k, k)], dst_v)
    pltpu.sync_copy(g_hbm.at[pl.ds(s * stripe_pk, stripe_pk)], pk_v)
    _unpack_rows(pk_v, flat_v, stripe_pk)
    pltpu.async_copy(flat_v, gtab_hbm.at[c, pl.ds(s * stripe, stripe)], sem)
    pltpu.sync_copy(zeros_hbm.at[pl.ds(s * stripe, stripe)],
                    acc.at[pl.ds(s * stripe, stripe)])
    pltpu.make_async_copy(
        flat_v, gtab_hbm.at[c, pl.ds(s * stripe, stripe)], sem).wait()
    plsc.subcore_barrier()

    gtab = gtab_hbm.at[c]
    for b in range(NBUF):
      pltpu.async_copy(gtab.at[src_v.at[b]], rows_v.at[b], gsem.at[b])

    @pl.loop(0, k, step=NBUF)
    def _(j):
      for b in range(NBUF):
        cj = j + b
        pltpu.make_async_copy(gtab.at[src_v.at[cj]], rows_v.at[b],
                              gsem.at[b]).wait()
        pltpu.async_copy(rows_v.at[b], acc.at[dst_v.at[cj]], ssem.at[b],
                         add=True)
        bq = (b - 1) % NBUF
        pv = cj - 1

        @pl.when(jnp.logical_and(pv >= 0, pv + NBUF < k))
        def _():
          pltpu.make_async_copy(rows_v.at[bq], acc.at[dst_v.at[0]],
                                ssem.at[bq]).wait()
          pltpu.async_copy(gtab.at[src_v.at[pv + NBUF]], rows_v.at[bq],
                           gsem.at[bq])

    for b in range(NBUF):
      pltpu.make_async_copy(rows_v.at[b], acc.at[dst_v.at[0]],
                            ssem.at[b]).wait()

    plsc.subcore_barrier()
    pltpu.sync_copy(acc.at[pl.ds(s * stripe, stripe)], flat_v)
    _pack_rows(flat_v, pk_v, stripe_pk)
    pltpu.sync_copy(pk_v, out_hbm.at[c, pl.ds(s * stripe_pk, stripe_pk)])

  return agg


def _make_sc_deg(n_pad, k, feat):
  stripe = n_pad // NS
  stripe_pk = stripe // 8
  mesh = plsc.VectorSubcoreMesh(core_axis_name="c", subcore_axis_name="s")

  @functools.partial(
      pl.kernel,
      out_type=jax.ShapeDtypeStruct((NC, n_pad // 8, 128), jnp.float32),
      mesh=mesh,
      compiler_params=pltpu.CompilerParams(use_tc_tiling_on_sc=False),
      scratch_types=[
          pltpu.VMEM((k, CHUNK), jnp.int32),
          pltpu.VMEM((CHUNK, feat), jnp.float32),
          pltpu.VMEM((stripe, feat), jnp.float32),
          pltpu.VMEM((stripe_pk, 128), jnp.float32),
          pltpu.VMEM_SHARED((n_pad, feat), jnp.float32),
          pltpu.SemaphoreType.DMA((NBUF,)),
      ],
  )
  def deg(ones_hbm, dst_hbm, zeros_hbm, out_hbm,
          dst_v, ones_v, flat_v, pk_v, acc, ssem):
    c = lax.axis_index("c")
    s = lax.axis_index("s")
    w = c * NS + s
    pltpu.sync_copy(dst_hbm.at[pl.ds(w * k, k)], dst_v)
    pltpu.sync_copy(ones_hbm, ones_v)
    pltpu.sync_copy(zeros_hbm.at[pl.ds(s * stripe, stripe)],
                    acc.at[pl.ds(s * stripe, stripe)])
    plsc.subcore_barrier()

    for b in range(NBUF):
      pltpu.async_copy(ones_v, acc.at[dst_v.at[b]], ssem.at[b], add=True)

    @pl.loop(NBUF, k, step=NBUF)
    def _(j):
      for b in range(NBUF):
        pltpu.make_async_copy(ones_v, acc.at[dst_v.at[0]], ssem.at[b]).wait()
        pltpu.async_copy(ones_v, acc.at[dst_v.at[j + b]], ssem.at[b],
                         add=True)

    for b in range(NBUF):
      pltpu.make_async_copy(ones_v, acc.at[dst_v.at[0]], ssem.at[b]).wait()

    plsc.subcore_barrier()
    pltpu.sync_copy(acc.at[pl.ds(s * stripe, stripe)], flat_v)
    _pack_rows(flat_v, pk_v, stripe_pk)
    pltpu.sync_copy(pk_v, out_hbm.at[c, pl.ds(s * stripe_pk, stripe_pk)])

  return deg


def kernel(x, edge_index, W1, b1, W2, b2):
  n, d = x.shape
  h = W1.shape[1]
  ncls = W2.shape[1]
  e = edge_index.shape[1]
  feat = 16

  k = -(-e // (NW * CHUNK))
  k += k % 2
  e_pad = NW * k * CHUNK
  stripe = -(-n // NS)
  stripe += (-stripe) % 8
  n_pad = NS * stripe
  npk = n_pad // 8
  n_trash = n_pad - n
  pad_cnt = e_pad - e
  ew = e // 128

  def prep_body(ei_ref, src_ref, dst_ref):
    src_ref[:ew] = ei_ref[0:1, :].reshape(ew, 128)
    dst_ref[:ew] = ei_ref[1:2, :].reshape(ew, 128)
    if pad_cnt:
      i = (lax.broadcasted_iota(jnp.int32, (pad_cnt // 128, 128), 0) * 128
           + lax.broadcasted_iota(jnp.int32, (pad_cnt // 128, 128), 1))
      src_ref[ew:] = (i * 97) % n
      dst_ref[ew:] = n + i % n_trash

  src, dst = pl.pallas_call(
      prep_body,
      out_shape=(jax.ShapeDtypeStruct((NW * k, CHUNK), jnp.int32),
                 jax.ShapeDtypeStruct((NW * k, CHUNK), jnp.int32)),
  )(edge_index)

  zeros = jnp.zeros((n_pad, feat), jnp.float32)
  ones_rows = jnp.ones((CHUNK, feat), jnp.float32)
  W2p = jnp.pad(W2, ((0, 0), (0, feat - ncls)))
  W2bd = jnp.kron(jnp.eye(8, dtype=jnp.float32), W2p)
  vrow = (jnp.arange(feat) < ncls).astype(jnp.float32)[:, None]
  Msum = jnp.kron(jnp.eye(8, dtype=jnp.float32),
                  vrow * jnp.ones((1, feat), jnp.float32))
  b1t = jnp.tile(b1, 8).reshape(1, 128)
  b2t = jnp.tile(jnp.pad(b2, (0, feat - ncls)), 8).reshape(1, 128)

  sc_agg = _make_sc_agg(n_pad, k, feat)
  sc_deg = _make_sc_deg(n_pad, k, feat)

  def mm1_body(x_ref, w_ref, o_ref):
    zpad = jnp.zeros((npk - n // 8, feat), jnp.float32)
    for p in range(8):
      hp = jnp.dot(x_ref[p::8, :], w_ref[...],
                   preferred_element_type=jnp.float32)
      o_ref[:, p * feat:(p + 1) * feat] = jnp.concatenate([hp, zpad], axis=0)

  h1 = pl.pallas_call(
      mm1_body,
      out_shape=jax.ShapeDtypeStruct((npk, 128), jnp.float32),
  )(x, W1)

  deg_p = sc_deg(ones_rows, dst, zeros)

  def scale1_body(degp_ref, h1_ref, g_ref, dinv_ref):
    dinv = lax.rsqrt(degp_ref[0] + degp_ref[1] + 1.0)
    dinv_ref[...] = dinv
    g_ref[...] = dinv * h1_ref[...]

  g1, dinv_pk = pl.pallas_call(
      scale1_body,
      out_shape=(jax.ShapeDtypeStruct((npk, 128), jnp.float32),
                 jax.ShapeDtypeStruct((npk, 128), jnp.float32)),
  )(deg_p, h1)

  acc1, _ = sc_agg(g1, src, dst, zeros)

  def stage2_body(accp_ref, g1_ref, dinv_ref, b1_ref, w2bd_ref, o_ref):
    dinv = dinv_ref[...]
    out1 = dinv * (accp_ref[0] + accp_ref[1] + g1_ref[...]) + b1_ref[...]
    r = jnp.maximum(out1, 0.0)
    h2 = jnp.dot(r, w2bd_ref[...], preferred_element_type=jnp.float32)
    o_ref[...] = dinv * h2

  g2 = pl.pallas_call(
      stage2_body,
      out_shape=jax.ShapeDtypeStruct((npk, 128), jnp.float32),
  )(acc1, g1, dinv_pk, b1t, W2bd)

  acc2, _ = sc_agg(g2, src, dst, zeros)

  def stage3_body(accp_ref, g2_ref, dinv_ref, b2_ref, msum_ref, o_ref):
    z = dinv_ref[...] * (accp_ref[0] + accp_ref[1] + g2_ref[...]) + b2_ref[...]
    lane = lax.broadcasted_iota(jnp.int32, (npk, 128), 1)
    valid = lane % feat < ncls
    m = jnp.max(jnp.where(valid, z, -jnp.inf), axis=1, keepdims=True)
    ex = jnp.exp(z - m)
    sums = jnp.dot(ex, msum_ref[...], preferred_element_type=jnp.float32)
    res = z - m - jnp.log(sums)
    for p in range(8):
      o_ref[p::8, :] = res[:n // 8, p * feat:p * feat + ncls]

  out = pl.pallas_call(
      stage3_body,
      out_shape=jax.ShapeDtypeStruct((n, ncls), jnp.float32),
  )(acc2, g2, dinv_pk, b2t, Msum)

  return out

# --- scband reference (transcript-rebuilt; emitter-appended) ---
"""Pipeline reference for scband-gcn-1434519077421 (READ-ONLY COPY).

The authoritative reference and input builder live on the scoring server;
editing this copy changes nothing except your own understanding.
"""

import jax, jax.numpy as jnp
import numpy as np

N = 10000
E = 320000
D = 128
H = 16
C = 7


def setup_inputs(seed: int = 0) -> dict:
    key = jax.random.key(seed)
    k1, k2, k3, k4 = jax.random.split(key, 4)
    x = jax.random.normal(k1, (N, D), dtype=jnp.float32)
    edge_index = jax.random.randint(k2, (2, E), 0, N, dtype=jnp.int32)
    W1 = jax.random.normal(k3, (D, H), dtype=jnp.float32) * (1.0 / np.sqrt(D))
    b1 = jnp.zeros((H,), dtype=jnp.float32)
    W2 = jax.random.normal(k4, (H, C), dtype=jnp.float32) * (1.0 / np.sqrt(H))
    b2 = jnp.zeros((C,), dtype=jnp.float32)
    return {"x": x, "edge_index": edge_index, "W1": W1, "b1": b1, "W2": W2, "b2": b2}


def _gcn_conv(x, edge_index, W, b):
    n = x.shape[0]
    loops = jnp.arange(n, dtype=edge_index.dtype)
    src = jnp.concatenate([edge_index[0], loops])
    dst = jnp.concatenate([edge_index[1], loops])
    # degree with self-loops (edge_weight = 1), scattered by dst (PyG GCNConv convention)
    deg = jnp.zeros((n,), dtype=x.dtype).at[dst].add(1.0)
    dinv = jnp.where(deg > 0, jax.lax.rsqrt(deg), 0.0)
    norm = dinv[src] * dinv[dst]
    h = x @ W
    msg = jnp.take(h, src, axis=0) * norm[:, None]
    out = jnp.zeros((n, W.shape[1]), dtype=x.dtype).at[dst].add(msg)
    return out + b


def reference(x, edge_index, W1, b1, W2, b2):
    h = _gcn_conv(x, edge_index, W1, b1)
    h = jax.nn.relu(h)
    # dropout is identity in eval mode
    h = _gcn_conv(h, edge_index, W2, b2)
    return jax.nn.log_softmax(h, axis=1)

if __name__ == "__main__":
    import jax
    _d = setup_inputs()
    print(jax.jit(kernel)(*tuple(_d.values())))

</pallas_src>

<mosaic_0001>
#map = affine_map<(d0, d1) -> (0, 0)>
#map1 = affine_map<(d0, d1) -> (0, 0, 0)>
module attributes {stable_mosaic.version = 14 : i64} {
  func.func @deg(%arg0: i32, %arg1: i32, %arg2: memref<128x16xf32, #tpu.memory_space<hbm>>, %arg3: memref<2560x128xi32, #tpu.memory_space<hbm>>, %arg4: memref<10112x16xf32, #tpu.memory_space<hbm>>, %arg5: memref<2x1264x128xf32, #tpu.memory_space<hbm>>, %arg6: memref<80x128xi32, #tpu.memory_space<vmem>>, %arg7: memref<128x16xf32, #tpu.memory_space<vmem>>, %arg8: memref<632x16xf32, #tpu.memory_space<vmem>>, %arg9: memref<79x128xf32, #tpu.memory_space<vmem>>, %arg10: memref<10112x16xf32, #tpu.memory_space<vmem_shared>>, %arg11: memref<8x!tpu.dma_semaphore, #tpu.memory_space<semaphore_mem>>) attributes {dimension_semantics = [#tpu.dimension_semantics<core_parallel>, #tpu.dimension_semantics<subcore_parallel>], iteration_bounds = array<i64: 2, 16>, scalar_prefetch = 0 : i64, scratch_operands = 6 : i64, tpu.core_type = #tpu.core_type<sc_vector_subcore>, window_params = [{transform_indices = #map}, {transform_indices = #map}, {transform_indices = #map}, {transform_indices = #map1}]} {
    %mul3A = arith.constant 16 : i32
    %mul3A_0 = arith.muli %arg0, %mul3A : i32
    %add3A = arith.addi %mul3A_0, %arg1 : i32
    %mul3A_1 = arith.constant 80 : i32
    %mul3A_2 = arith.muli %add3A, %mul3A_1 : i32
    "tpu.region"() ({
      %run_scoped3A = tpu.sem_alloc : memref<!tpu.dma_semaphore, #tpu.memory_space<semaphore_mem>>
      %dma_start3A_179 = arith.constant 0 : i32
      %dma_start3A_180 = tpu.memref_slice %arg3[%mul3A_2, %dma_start3A_179] : memref<2560x128xi32, #tpu.memory_space<hbm>> -> memref<80x128xi32, #tpu.memory_space<hbm>>
      %dma_start3A_181 = arith.constant 0 : i32
      %dma_start3A_182 = tpu.memref_slice %arg3[%mul3A_2, %dma_start3A_181] : memref<2560x128xi32, #tpu.memory_space<hbm>> -> memref<80x128xi32, #tpu.memory_space<hbm>>
      tpu.enqueue_dma source(%dma_start3A_182 : memref<80x128xi32, #tpu.memory_space<hbm>>) target(%arg6 : memref<80x128xi32, #tpu.memory_space<vmem>>) target_semaphore(%run_scoped3A : memref<!tpu.dma_semaphore, #tpu.memory_space<semaphore_mem>>)
      %dma_wait3A_183 = arith.constant 0 : i32
      %dma_wait3A_184 = tpu.memref_slice %arg3[%mul3A_2, %dma_wait3A_183] : memref<2560x128xi32, #tpu.memory_space<hbm>> -> memref<80x128xi32, #tpu.memory_space<hbm>>
      %dma_wait3A_185 = arith.constant 0 : i32
      %dma_wait3A_186 = tpu.memref_slice %arg3[%mul3A_2, %dma_wait3A_185] : memref<2560x128xi32, #tpu.memory_space<hbm>> -> memref<80x128xi32, #tpu.memory_space<hbm>>
      tpu.wait_dma2 semaphore(%run_scoped3A : memref<!tpu.dma_semaphore, #tpu.memory_space<semaphore_mem>>) src(%dma_wait3A_186 : memref<80x128xi32, #tpu.memory_space<hbm>>) dst(%arg6 : memref<80x128xi32, #tpu.memory_space<vmem>>)
      tpu.yield
    }) : () -> ()
    "tpu.region"() ({
      %run_scoped3A = tpu.sem_alloc : memref<!tpu.dma_semaphore, #tpu.memory_space<semaphore_mem>>
      tpu.enqueue_dma source(%arg2 : memref<128x16xf32, #tpu.memory_space<hbm>>) target(%arg7 : memref<128x16xf32, #tpu.memory_space<vmem>>) target_semaphore(%run_scoped3A : memref<!tpu.dma_semaphore, #tpu.memory_space<semaphore_mem>>)
      tpu.wait_dma2 semaphore(%run_scoped3A : memref<!tpu.dma_semaphore, #tpu.memory_space<semaphore_mem>>) src(%arg2 : memref<128x16xf32, #tpu.memory_space<hbm>>) dst(%arg7 : memref<128x16xf32, #tpu.memory_space<vmem>>)
      tpu.yield
    }) : () -> ()
    %mul3A_3 = arith.constant 632 : i32
    %mul3A_4 = arith.muli %arg1, %mul3A_3 : i32
    %mul3A_5 = arith.constant 632 : i32
    %mul3A_6 = arith.muli %arg1, %mul3A_5 : i32
    "tpu.region"() ({
      %run_scoped3A = tpu.sem_alloc : memref<!tpu.dma_semaphore, #tpu.memory_space<semaphore_mem>>
      %dma_start3A_179 = arith.constant 0 : i32
      %dma_start3A_180 = tpu.memref_slice %arg10[%mul3A_6, %dma_start3A_179] : memref<10112x16xf32, #tpu.memory_space<vmem_shared>> -> memref<632x16xf32, #tpu.memory_space<vmem_shared>>
      %dma_start3A_181 = arith.constant 0 : i32
      %dma_start3A_182 = tpu.memref_slice %arg4[%mul3A_4, %dma_start3A_181] : memref<10112x16xf32, #tpu.memory_space<hbm>> -> memref<632x16xf32, #tpu.memory_space<hbm>>
      tpu.enqueue_dma source(%dma_start3A_182 : memref<632x16xf32, #tpu.memory_space<hbm>>) target(%dma_start3A_180 : memref<632x16xf32, #tpu.memory_space<vmem_shared>>) target_semaphore(%run_scoped3A : memref<!tpu.dma_semaphore, #tpu.memory_space<semaphore_mem>>)
      %dma_wait3A_183 = arith.constant 0 : i32
      %dma_wait3A_184 = tpu.memref_slice %arg10[%mul3A_6, %dma_wait3A_183] : memref<10112x16xf32, #tpu.memory_space<vmem_shared>> -> memref<632x16xf32, #tpu.memory_space<vmem_shared>>
      %dma_wait3A_185 = arith.constant 0 : i32
      %dma_wait3A_186 = tpu.memref_slice %arg4[%mul3A_4, %dma_wait3A_185] : memref<10112x16xf32, #tpu.memory_space<hbm>> -> memref<632x16xf32, #tpu.memory_space<hbm>>
      tpu.wait_dma2 semaphore(%run_scoped3A : memref<!tpu.dma_semaphore, #tpu.memory_space<semaphore_mem>>) src(%dma_wait3A_186 : memref<632x16xf32, #tpu.memory_space<hbm>>) dst(%dma_wait3A_184 : memref<632x16xf32, #tpu.memory_space<vmem_shared>>)
      tpu.yield
    }) : () -> ()
    %barrier3A = arith.constant 0 : index
    tpu.barrier barrier_id(%barrier3A)
    %dma_start3A = arith.constant 0 : i32
    %dma_start3A_7 = arith.constant 0 : i32
    %dma_start3A_8 = arith.constant 0 : i32
    %dma_start3A_9 = tpu.memref_slice %arg6[%dma_start3A, %dma_start3A_8] : memref<80x128xi32, #tpu.memory_space<vmem>> -> memref<1x128xi32, #tpu.memory_space<vmem>>
    %dma_start3A_10 = tpu.memref_squeeze %dma_start3A_9 : memref<1x128xi32, #tpu.memory_space<vmem>> -> memref<128xi32, #tpu.memory_space<vmem>>
    %dma_start3A_11 = arith.constant 0 : i32
    %dma_start3A_12 = arith.constant 0 : i32
    %dma_start3A_13 = tpu.memref_slice %arg10[%dma_start3A_11, %dma_start3A_12] : memref<10112x16xf32, #tpu.memory_space<vmem_shared>> -> memref<10112x16xf32, #tpu.memory_space<vmem_shared>>
    %dma_start3A_14 = tpu.memref_slice %arg11[%dma_start3A_7] : memref<8x!tpu.dma_semaphore, #tpu.memory_space<semaphore_mem>> -> memref<1x!tpu.dma_semaphore, #tpu.memory_space<semaphore_mem>>
    %dma_start3A_15 = tpu.memref_squeeze %dma_start3A_14 : memref<1x!tpu.dma_semaphore, #tpu.memory_space<semaphore_mem>> -> memref<!tpu.dma_semaphore, #tpu.memory_space<semaphore_mem>>
    tpu.enqueue_indirect_dma source(%arg7 : memref<128x16xf32, #tpu.memory_space<vmem>>) target(%dma_start3A_13 : memref<10112x16xf32, #tpu.memory_space<vmem_shared>>) offsets(%dma_start3A_10 : memref<128xi32, #tpu.memory_space<vmem>>) semaphore(%dma_start3A_15 : memref<!tpu.dma_semaphore, #tpu.memory_space<semaphore_mem>>) {add = true}
    %dma_start3A_16 = arith.constant 1 : i32
    %dma_start3A_17 = arith.constant 1 : i32
    %dma_start3A_18 = arith.constant 0 : i32
    %dma_start3A_19 = tpu.memref_slice %arg6[%dma_start3A_16, %dma_start3A_18] : memref<80x128xi32, #tpu.memory_space<vmem>> -> memref<1x128xi32, #tpu.memory_space<vmem>>
    %dma_start3A_20 = tpu.memref_squeeze %dma_start3A_19 : memref<1x128xi32, #tpu.memory_space<vmem>> -> memref<128xi32, #tpu.memory_space<vmem>>
    %dma_start3A_21 = arith.constant 0 : i32
    %dma_start3A_22 = arith.constant 0 : i32
    %dma_start3A_23 = tpu.memref_slice %arg10[%dma_start3A_21, %dma_start3A_22] : memref<10112x16xf32, #tpu.memory_space<vmem_shared>> -> memref<10112x16xf32, #tpu.memory_space<vmem_shared>>
    %dma_start3A_24 = tpu.memref_slice %arg11[%dma_start3A_17] : memref<8x!tpu.dma_semaphore, #tpu.memory_space<semaphore_mem>> -> memref<1x!tpu.dma_semaphore, #tpu.memory_space<semaphore_mem>>
    %dma_start3A_25 = tpu.memref_squeeze %dma_start3A_24 : memref<1x!tpu.dma_semaphore, #tpu.memory_space<semaphore_mem>> -> memref<!tpu.dma_semaphore, #tpu.memory_space<semaphore_mem>>
    tpu.enqueue_indirect_dma source(%arg7 : memref<128x16xf32, #tpu.memory_space<vmem>>) target(%dma_start3A_23 : memref<10112x16xf32, #tpu.memory_space<vmem_shared>>) offsets(%dma_start3A_20 : memref<128xi32, #tpu.memory_space<vmem>>) semaphore(%dma_start3A_25 : memref<!tpu.dma_semaphore, #tpu.memory_space<semaphore_mem>>) {add = true}
    %dma_start3A_26 = arith.constant 2 : i32
    %dma_start3A_27 = arith.constant 2 : i32
    %dma_start3A_28 = arith.constant 0 : i32
    %dma_start3A_29 = tpu.memref_slice %arg6[%dma_start3A_26, %dma_start3A_28] : memref<80x128xi32, #tpu.memory_space<vmem>> -> memref<1x128xi32, #tpu.memory_space<vmem>>
    %dma_start3A_30 = tpu.memref_squeeze %dma_start3A_29 : memref<1x128xi32, #tpu.memory_space<vmem>> -> memref<128xi32, #tpu.memory_space<vmem>>
    %dma_start3A_31 = arith.constant 0 : i32
    %dma_start3A_32 = arith.constant 0 : i32
    %dma_start3A_33 = tpu.memref_slice %arg10[%dma_start3A_31, %dma_start3A_32] : memref<10112x16xf32, #tpu.memory_space<vmem_shared>> -> memref<10112x16xf32, #tpu.memory_space<vmem_shared>>
    %dma_start3A_34 = tpu.memref_slice %arg11[%dma_start3A_27] : memref<8x!tpu.dma_semaphore, #tpu.memory_space<semaphore_mem>> -> memref<1x!tpu.dma_semaphore, #tpu.memory_space<semaphore_mem>>
    %dma_start3A_35 = tpu.memref_squeeze %dma_start3A_34 : memref<1x!tpu.dma_semaphore, #tpu.memory_space<semaphore_mem>> -> memref<!tpu.dma_semaphore, #tpu.memory_space<semaphore_mem>>
    tpu.enqueue_indirect_dma source(%arg7 : memref<128x16xf32, #tpu.memory_space<vmem>>) target(%dma_start3A_33 : memref<10112x16xf32, #tpu.memory_space<vmem_shared>>) offsets(%dma_start3A_30 : memref<128xi32, #tpu.memory_space<vmem>>) semaphore(%dma_start3A_35 : memref<!tpu.dma_semaphore, #tpu.memory_space<semaphore_mem>>) {add = true}
    %dma_start3A_36 = arith.constant 3 : i32
    %dma_start3A_37 = arith.constant 3 : i32
    %dma_start3A_38 = arith.constant 0 : i32
    %dma_start3A_39 = tpu.memref_slice %arg6[%dma_start3A_36, %dma_start3A_38] : memref<80x128xi32, #tpu.memory_space<vmem>> -> memref<1x128xi32, #tpu.memory_space<vmem>>
    %dma_start3A_40 = tpu.memref_squeeze %dma_start3A_39 : memref<1x128xi32, #tpu.memory_space<vmem>> -> memref<128xi32, #tpu.memory_space<vmem>>
    %dma_start3A_41 = arith.constant 0 : i32
    %dma_start3A_42 = arith.constant 0 : i32
    %dma_start3A_43 = tpu.memref_slice %arg10[%dma_start3A_41, %dma_start3A_42] : memref<10112x16xf32, #tpu.memory_space<vmem_shared>> -> memref<10112x16xf32, #tpu.memory_space<vmem_shared>>
    %dma_start3A_44 = tpu.memref_slice %arg11[%dma_start3A_37] : memref<8x!tpu.dma_semaphore, #tpu.memory_space<semaphore_mem>> -> memref<1x!tpu.dma_semaphore, #tpu.memory_space<semaphore_mem>>
    %dma_start3A_45 = tpu.memref_squeeze %dma_start3A_44 : memref<1x!tpu.dma_semaphore, #tpu.memory_space<semaphore_mem>> -> memref<!tpu.dma_semaphore, #tpu.memory_space<semaphore_mem>>
    tpu.enqueue_indirect_dma source(%arg7 : memref<128x16xf32, #tpu.memory_space<vmem>>) target(%dma_start3A_43 : memref<10112x16xf32, #tpu.memory_space<vmem_shared>>) offsets(%dma_start3A_40 : memref<128xi32, #tpu.memory_space<vmem>>) semaphore(%dma_start3A_45 : memref<!tpu.dma_semaphore, #tpu.memory_space<semaphore_mem>>) {add = true}
    %dma_start3A_46 = arith.constant 4 : i32
    %dma_start3A_47 = arith.constant 4 : i32
    %dma_start3A_48 = arith.constant 0 : i32
    %dma_start3A_49 = tpu.memref_slice %arg6[%dma_start3A_46, %dma_start3A_48] : memref<80x128xi32, #tpu.memory_space<vmem>> -> memref<1x128xi32, #tpu.memory_space<vmem>>
    %dma_start3A_50 = tpu.memref_squeeze %dma_start3A_49 : memref<1x128xi32, #tpu.memory_space<vmem>> -> memref<128xi32, #tpu.memory_space<vmem>>
    %dma_start3A_51 = arith.constant 0 : i32
    %dma_start3A_52 = arith.constant 0 : i32
    %dma_start3A_53 = tpu.memref_slice %arg10[%dma_start3A_51, %dma_start3A_52] : memref<10112x16xf32, #tpu.memory_space<vmem_shared>> -> memref<10112x16xf32, #tpu.memory_space<vmem_shared>>
    %dma_start3A_54 = tpu.memref_slice %arg11[%dma_start3A_47] : memref<8x!tpu.dma_semaphore, #tpu.memory_space<semaphore_mem>> -> memref<1x!tpu.dma_semaphore, #tpu.memory_space<semaphore_mem>>
    %dma_start3A_55 = tpu.memref_squeeze %dma_start3A_54 : memref<1x!tpu.dma_semaphore, #tpu.memory_space<semaphore_mem>> -> memref<!tpu.dma_semaphore, #tpu.memory_space<semaphore_mem>>
    tpu.enqueue_indirect_dma source(%arg7 : memref<128x16xf32, #tpu.memory_space<vmem>>) target(%dma_start3A_53 : memref<10112x16xf32, #tpu.memory_space<vmem_shared>>) offsets(%dma_start3A_50 : memref<128xi32, #tpu.memory_space<vmem>>) semaphore(%dma_start3A_55 : memref<!tpu.dma_semaphore, #tpu.memory_space<semaphore_mem>>) {add = true}
    %dma_start3A_56 = arith.constant 5 : i32
    %dma_start3A_57 = arith.constant 5 : i32
    %dma_start3A_58 = arith.constant 0 : i32
    %dma_start3A_59 = tpu.memref_slice %arg6[%dma_start3A_56, %dma_start3A_58] : memref<80x128xi32, #tpu.memory_space<vmem>> -> memref<1x128xi32, #tpu.memory_space<vmem>>
    %dma_start3A_60 = tpu.memref_squeeze %dma_start3A_59 : memref<1x128xi32, #tpu.memory_space<vmem>> -> memref<128xi32, #tpu.memory_space<vmem>>
    %dma_start3A_61 = arith.constant 0 : i32
    %dma_start3A_62 = arith.constant 0 : i32
    %dma_start3A_63 = tpu.memref_slice %arg10[%dma_start3A_61, %dma_start3A_62] : memref<10112x16xf32, #tpu.memory_space<vmem_shared>> -> memref<10112x16xf32, #tpu.memory_space<vmem_shared>>
    %dma_start3A_64 = tpu.memref_slice %arg11[%dma_start3A_57] : memref<8x!tpu.dma_semaphore, #tpu.memory_space<semaphore_mem>> -> memref<1x!tpu.dma_semaphore, #tpu.memory_space<semaphore_mem>>
    %dma_start3A_65 = tpu.memref_squeeze %dma_start3A_64 : memref<1x!tpu.dma_semaphore, #tpu.memory_space<semaphore_mem>> -> memref<!tpu.dma_semaphore, #tpu.memory_space<semaphore_mem>>
    tpu.enqueue_indirect_dma source(%arg7 : memref<128x16xf32, #tpu.memory_space<vmem>>) target(%dma_start3A_63 : memref<10112x16xf32, #tpu.memory_space<vmem_shared>>) offsets(%dma_start3A_60 : memref<128xi32, #tpu.memory_space<vmem>>) semaphore(%dma_start3A_65 : memref<!tpu.dma_semaphore, #tpu.memory_space<semaphore_mem>>) {add = true}
    %dma_start3A_66 = arith.constant 6 : i32
    %dma_start3A_67 = arith.constant 6 : i32
    %dma_start3A_68 = arith.constant 0 : i32
    %dma_start3A_69 = tpu.memref_slice %arg6[%dma_start3A_66, %dma_start3A_68] : memref<80x128xi32, #tpu.memory_space<vmem>> -> memref<1x128xi32, #tpu.memory_space<vmem>>
    %dma_start3A_70 = tpu.memref_squeeze %dma_start3A_69 : memref<1x128xi32, #tpu.memory_space<vmem>> -> memref<128xi32, #tpu.memory_space<vmem>>
    %dma_start3A_71 = arith.constant 0 : i32
    %dma_start3A_72 = arith.constant 0 : i32
    %dma_start3A_73 = tpu.memref_slice %arg10[%dma_start3A_71, %dma_start3A_72] : memref<10112x16xf32, #tpu.memory_space<vmem_shared>> -> memref<10112x16xf32, #tpu.memory_space<vmem_shared>>
    %dma_start3A_74 = tpu.memref_slice %arg11[%dma_start3A_67] : memref<8x!tpu.dma_semaphore, #tpu.memory_space<semaphore_mem>> -> memref<1x!tpu.dma_semaphore, #tpu.memory_space<semaphore_mem>>
    %dma_start3A_75 = tpu.memref_squeeze %dma_start3A_74 : memref<1x!tpu.dma_semaphore, #tpu.memory_space<semaphore_mem>> -> memref<!tpu.dma_semaphore, #tpu.memory_space<semaphore_mem>>
    tpu.enqueue_indirect_dma source(%arg7 : memref<128x16xf32, #tpu.memory_space<vmem>>) target(%dma_start3A_73 : memref<10112x16xf32, #tpu.memory_space<vmem_shared>>) offsets(%dma_start3A_70 : memref<128xi32, #tpu.memory_space<vmem>>) semaphore(%dma_start3A_75 : memref<!tpu.dma_semaphore, #tpu.memory_space<semaphore_mem>>) {add = true}
    %dma_start3A_76 = arith.constant 7 : i32
    %dma_start3A_77 = arith.constant 7 : i32
    %dma_start3A_78 = arith.constant 0 : i32
    %dma_start3A_79 = tpu.memref_slice %arg6[%dma_start3A_76, %dma_start3A_78] : memref<80x128xi32, #tpu.memory_space<vmem>> -> memref<1x128xi32, #tpu.memory_space<vmem>>
    %dma_start3A_80 = tpu.memref_squeeze %dma_start3A_79 : memref<1x128xi32, #tpu.memory_space<vmem>> -> memref<128xi32, #tpu.memory_space<vmem>>
    %dma_start3A_81 = arith.constant 0 : i32
    %dma_start3A_82 = arith.constant 0 : i32
    %dma_start3A_83 = tpu.memref_slice %arg10[%dma_start3A_81, %dma_start3A_82] : memref<10112x16xf32, #tpu.memory_space<vmem_shared>> -> memref<10112x16xf32, #tpu.memory_space<vmem_shared>>
    %dma_start3A_84 = tpu.memref_slice %arg11[%dma_start3A_77] : memref<8x!tpu.dma_semaphore, #tpu.memory_space<semaphore_mem>> -> memref<1x!tpu.dma_semaphore, #tpu.memory_space<semaphore_mem>>
    %dma_start3A_85 = tpu.memref_squeeze %dma_start3A_84 : memref<1x!tpu.dma_semaphore, #tpu.memory_space<semaphore_mem>> -> memref<!tpu.dma_semaphore, #tpu.memory_space<semaphore_mem>>
    tpu.enqueue_indirect_dma source(%arg7 : memref<128x16xf32, #tpu.memory_space<vmem>>) target(%dma_start3A_83 : memref<10112x16xf32, #tpu.memory_space<vmem_shared>>) offsets(%dma_start3A_80 : memref<128xi32, #tpu.memory_space<vmem>>) semaphore(%dma_start3A_85 : memref<!tpu.dma_semaphore, #tpu.memory_space<semaphore_mem>>) {add = true}
    %scan3A = arith.constant 0 : i32
    %scan3A_86 = arith.constant 9 : i32
    %scan3A_87 = arith.addi %scan3A, %scan3A_86 : i32
    %scan3A_88 = arith.constant 1 : i32
    scf.for %scan3A_179 = %scan3A to %scan3A_87 step %scan3A_88  : i32 {
      %mul3A_180 = arith.constant 8 : i32
      %mul3A_181 = arith.muli %scan3A_179, %mul3A_180 : i32
      %add3A_182 = arith.constant 8 : i32
      %add3A_183 = arith.addi %add3A_182, %mul3A_181 : i32
      %dma_wait3A_184 = arith.constant 0 : i32
      %dma_wait3A_185 = arith.constant 0 : i32
      %dma_wait3A_186 = arith.constant 0 : i32
      %dma_wait3A_187 = tpu.memref_slice %arg6[%dma_wait3A_184, %dma_wait3A_186] : memref<80x128xi32, #tpu.memory_space<vmem>> -> memref<1x128xi32, #tpu.memory_space<vmem>>
      %dma_wait3A_188 = tpu.memref_squeeze %dma_wait3A_187 : memref<1x128xi32, #tpu.memory_space<vmem>> -> memref<128xi32, #tpu.memory_space<vmem>>
      %dma_wait3A_189 = arith.constant 0 : i32
      %dma_wait3A_190 = arith.constant 0 : i32
      %dma_wait3A_191 = tpu.memref_slice %arg10[%dma_wait3A_189, %dma_wait3A_190] : memref<10112x16xf32, #tpu.memory_space<vmem_shared>> -> memref<10112x16xf32, #tpu.memory_space<vmem_shared>>
      %dma_wait3A_192 = tpu.memref_slice %arg11[%dma_wait3A_185] : memref<8x!tpu.dma_semaphore, #tpu.memory_space<semaphore_mem>> -> memref<1x!tpu.dma_semaphore, #tpu.memory_space<semaphore_mem>>
      %dma_wait3A_193 = tpu.memref_squeeze %dma_wait3A_192 : memref<1x!tpu.dma_semaphore, #tpu.memory_space<semaphore_mem>> -> memref<!tpu.dma_semaphore, #tpu.memory_space<semaphore_mem>>
      tpu.wait_indirect_dma semaphore(%dma_wait3A_193 : memref<!tpu.dma_semaphore, #tpu.memory_space<semaphore_mem>>) src(%arg7 : memref<128x16xf32, #tpu.memory_space<vmem>>) dst(%dma_wait3A_191 : memref<10112x16xf32, #tpu.memory_space<vmem_shared>>)
      %add3A_194 = arith.constant 0 : i32
      %add3A_195 = arith.addi %add3A_183, %add3A_194 : i32
      %dma_start3A_196 = arith.constant 0 : i32
      %dma_start3A_197 = arith.constant 0 : i32
      %dma_start3A_198 = tpu.memref_slice %arg6[%add3A_195, %dma_start3A_197] : memref<80x128xi32, #tpu.memory_space<vmem>> -> memref<1x128xi32, #tpu.memory_space<vmem>>
      %dma_start3A_199 = tpu.memref_squeeze %dma_start3A_198 : memref<1x128xi32, #tpu.memory_space<vmem>> -> memref<128xi32, #tpu.memory_space<vmem>>
      %dma_start3A_200 = arith.constant 0 : i32
      %dma_start3A_201 = arith.constant 0 : i32
      %dma_start3A_202 = tpu.memref_slice %arg10[%dma_start3A_200, %dma_start3A_201] : memref<10112x16xf32, #tpu.memory_space<vmem_shared>> -> memref<10112x16xf32, #tpu.memory_space<vmem_shared>>
      %dma_start3A_203 = tpu.memref_slice %arg11[%dma_start3A_196] : memref<8x!tpu.dma_semaphore, #tpu.memory_space<semaphore_mem>> -> memref<1x!tpu.dma_semaphore, #tpu.memory_space<semaphore_mem>>
      %dma_start3A_204 = tpu.memref_squeeze %dma_start3A_203 : memref<1x!tpu.dma_semaphore, #tpu.memory_space<semaphore_mem>> -> memref<!tpu.dma_semaphore, #tpu.memory_space<semaphore_mem>>
      tpu.enqueue_indirect_dma source(%arg7 : memref<128x16xf32, #tpu.memory_space<vmem>>) target(%dma_start3A_202 : memref<10112x16xf32, #tpu.memory_space<vmem_shared>>) offsets(%dma_start3A_199 : memref<128xi32, #tpu.memory_space<vmem>>) semaphore(%dma_start3A_204 : memref<!tpu.dma_semaphore, #tpu.memory_space<semaphore_mem>>) {add = true}
      %dma_wait3A_205 = arith.constant 0 : i32
      %dma_wait3A_206 = arith.constant 1 : i32
      %dma_wait3A_207 = arith.constant 0 : i32
      %dma_wait3A_208 = tpu.memref_slice %arg6[%dma_wait3A_205, %dma_wait3A_207] : memref<80x128xi32, #tpu.memory_space<vmem>> -> memref<1x128xi32, #tpu.memory_space<vmem>>
      %dma_wait3A_209 = tpu.memref_squeeze %dma_wait3A_208 : memref<1x128xi32, #tpu.memory_space<vmem>> -> memref<128xi32, #tpu.memory_space<vmem>>
      %dma_wait3A_210 = arith.constant 0 : i32
      %dma_wait3A_211 = arith.constant 0 : i32
      %dma_wait3A_212 = tpu.memref_slice %arg10[%dma_wait3A_210, %dma_wait3A_211] : memref<10112x16xf32, #tpu.memory_space<vmem_shared>> -> memref<10112x16xf32, #tpu.memory_space<vmem_shared>>
      %dma_wait3A_213 = tpu.memref_slice %arg11[%dma_wait3A_206] : memref<8x!tpu.dma_semaphore, #tpu.memory_space<semaphore_mem>> -> memref<1x!tpu.dma_semaphore, #tpu.memory_space<semaphore_mem>>
      %dma_wait3A_214 = tpu.memref_squeeze %dma_wait3A_213 : memref<1x!tpu.dma_semaphore, #tpu.memory_space<semaphore_mem>> -> memref<!tpu.dma_semaphore, #tpu.memory_space<semaphore_mem>>
      tpu.wait_indirect_dma semaphore(%dma_wait3A_214 : memref<!tpu.dma_semaphore, #tpu.memory_space<semaphore_mem>>) src(%arg7 : memref<128x16xf32, #tpu.memory_space<vmem>>) dst(%dma_wait3A_212 : memref<10112x16xf32, #tpu.memory_space<vmem_shared>>)
      %add3A_215 = arith.constant 1 : i32
      %add3A_216 = arith.addi %add3A_183, %add3A_215 : i32
      %dma_start3A_217 = arith.constant 1 : i32
      %dma_start3A_218 = arith.constant 0 : i32
      %dma_start3A_219 = tpu.memref_slice %arg6[%add3A_216, %dma_start3A_218] : memref<80x128xi32, #tpu.memory_space<vmem>> -> memref<1x128xi32, #tpu.memory_space<vmem>>
      %dma_start3A_220 = tpu.memref_squeeze %dma_start3A_219 : memref<1x128xi32, #tpu.memory_space<vmem>> -> memref<128xi32, #tpu.memory_space<vmem>>
      %dma_start3A_221 = arith.constant 0 : i32
      %dma_start3A_222 = arith.constant 0 : i32
      %dma_start3A_223 = tpu.memref_slice %arg10[%dma_start3A_221, %dma_start3A_222] : memref<10112x16xf32, #tpu.memory_space<vmem_shared>> -> memref<10112x16xf32, #tpu.memory_space<vmem_shared>>
      %dma_start3A_224 = tpu.memref_slice %arg11[%dma_start3A_217] : memref<8x!tpu.dma_semaphore, #tpu.memory_space<semaphore_mem>> -> memref<1x!tpu.dma_semaphore, #tpu.memory_space<semaphore_mem>>
      %dma_start3A_225 = tpu.memref_squeeze %dma_start3A_224 : memref<1x!tpu.dma_semaphore, #tpu.memory_space<semaphore_mem>> -> memref<!tpu.dma_semaphore, #tpu.memory_space<semaphore_mem>>
      tpu.enqueue_indirect_dma source(%arg7 : memref<128x16xf32, #tpu.memory_space<vmem>>) target(%dma_start3A_223 : memref<10112x16xf32, #tpu.memory_space<vmem_shared>>) offsets(%dma_start3A_220 : memref<128xi32, #tpu.memory_space<vmem>>) semaphore(%dma_start3A_225 : memref<!tpu.dma_semaphore, #tpu.memory_space<semaphore_mem>>) {add = true}
      %dma_wait3A_226 = arith.constant 0 : i32
      %dma_wait3A_227 = arith.constant 2 : i32
      %dma_wait3A_228 = arith.constant 0 : i32
      %dma_wait3A_229 = tpu.memref_slice %arg6[%dma_wait3A_226, %dma_wait3A_228] : memref<80x128xi32, #tpu.memory_space<vmem>> -> memref<1x128xi32, #tpu.memory_space<vmem>>
      %dma_wait3A_230 = tpu.memref_squeeze %dma_wait3A_229 : memref<1x128xi32, #tpu.memory_space<vmem>> -> memref<128xi32, #tpu.memory_space<vmem>>
      %dma_wait3A_231 = arith.constant 0 : i32
      %dma_wait3A_232 = arith.constant 0 : i32
      %dma_wait3A_233 = tpu.memref_slice %arg10[%dma_wait3A_231, %dma_wait3A_232] : memref<10112x16xf32, #tpu.memory_space<vmem_shared>> -> memref<10112x16xf32, #tpu.memory_space<vmem_shared>>
      %dma_wait3A_234 = tpu.memref_slice %arg11[%dma_wait3A_227] : memref<8x!tpu.dma_semaphore, #tpu.memory_space<semaphore_mem>> -> memref<1x!tpu.dma_semaphore, #tpu.memory_space<semaphore_mem>>
      %dma_wait3A_235 = tpu.memref_squeeze %dma_wait3A_234 : memref<1x!tpu.dma_semaphore, #tpu.memory_space<semaphore_mem>> -> memref<!tpu.dma_semaphore, #tpu.memory_space<semaphore_mem>>
      tpu.wait_indirect_dma semaphore(%dma_wait3A_235 : memref<!tpu.dma_semaphore, #tpu.memory_space<semaphore_mem>>) src(%arg7 : memref<128x16xf32, #tpu.memory_space<vmem>>) dst(%dma_wait3A_233 : memref<10112x16xf32, #tpu.memory_space<vmem_shared>>)
      %add3A_236 = arith.constant 2 : i32
      %add3A_237 = arith.addi %add3A_183, %add3A_236 : i32
      %dma_start3A_238 = arith.constant 2 : i32
      %dma_start3A_239 = arith.constant 0 : i32
      %dma_start3A_240 = tpu.memref_slice %arg6[%add3A_237, %dma_start3A_239] : memref<80x128xi32, #tpu.memory_space<vmem>> -> memref<1x128xi32, #tpu.memory_space<vmem>>
      %dma_start3A_241 = tpu.memref_squeeze %dma_start3A_240 : memref<1x128xi32, #tpu.memory_space<vmem>> -> memref<128xi32, #tpu.memory_space<vmem>>
      %dma_start3A_242 = arith.constant 0 : i32
      %dma_start3A_243 = arith.constant 0 : i32
      %dma_start3A_244 = tpu.memref_slice %arg10[%dma_start3A_242, %dma_start3A_243] : memref<10112x16xf32, #tpu.memory_space<vmem_shared>> -> memref<10112x16xf32, #tpu.memory_space<vmem_shared>>
      %dma_start3A_245 = tpu.memref_slice %arg11[%dma_start3A_238] : memref<8x!tpu.dma_semaphore, #tpu.memory_space<semaphore_mem>> -> memref<1x!tpu.dma_semaphore, #tpu.memory_space<semaphore_mem>>
      %dma_start3A_246 = tpu.memref_squeeze %dma_start3A_245 : memref<1x!tpu.dma_semaphore, #tpu.memory_space<semaphore_mem>> -> memref<!tpu.dma_semaphore, #tpu.memory_space<semaphore_mem>>
      tpu.enqueue_indirect_dma source(%arg7 : memref<128x16xf32, #tpu.memory_space<vmem>>) target(%dma_start3A_244 : memref<10112x16xf32, #tpu.memory_space<vmem_shared>>) offsets(%dma_start3A_241 : memref<128xi32, #tpu.memory_space<vmem>>) semaphore(%dma_start3A_246 : memref<!tpu.dma_semaphore, #tpu.memory_space<semaphore_mem>>) {add = true}
      %dma_wait3A_247 = arith.constant 0 : i32
      %dma_wait3A_248 = arith.constant 3 : i32
      %dma_wait3A_249 = arith.constant 0 : i32
      %dma_wait3A_250 = tpu.memref_slice %arg6[%dma_wait3A_247, %dma_wait3A_249] : memref<80x128xi32, #tpu.memory_space<vmem>> -> memref<1x128xi32, #tpu.memory_space<vmem>>
      %dma_wait3A_251 = tpu.memref_squeeze %dma_wait3A_250 : memref<1x128xi32, #tpu.memory_space<vmem>> -> memref<128xi32, #tpu.memory_space<vmem>>
      %dma_wait3A_252 = arith.constant 0 : i32
      %dma_wait3A_253 = arith.constant 0 : i32
      %dma_wait3A_254 = tpu.memref_slice %arg10[%dma_wait3A_252, %dma_wait3A_253] : memref<10112x16xf32, #tpu.memory_space<vmem_shared>> -> memref<10112x16xf32, #tpu.memory_space<vmem_shared>>
      %dma_wait3A_255 = tpu.memref_slice %arg11[%dma_wait3A_248] : memref<8x!tpu.dma_semaphore, #tpu.memory_space<semaphore_mem>> -> memref<1x!tpu.dma_semaphore, #tpu.memory_space<semaphore_mem>>
      %dma_wait3A_256 = tpu.memref_squeeze %dma_wait3A_255 : memref<1x!tpu.dma_semaphore, #tpu.memory_space<semaphore_mem>> -> memref<!tpu.dma_semaphore, #tpu.memory_space<semaphore_mem>>
      tpu.wait_indirect_dma semaphore(%dma_wait3A_256 : memref<!tpu.dma_semaphore, #tpu.memory_space<semaphore_mem>>) src(%arg7 : memref<128x16xf32, #tpu.memory_space<vmem>>) dst(%dma_wait3A_254 : memref<10112x16xf32, #tpu.memory_space<vmem_shared>>)
      %add3A_257 = arith.constant 3 : i32
      %add3A_258 = arith.addi %add3A_183, %add3A_257 : i32
      %dma_start3A_259 = arith.constant 3 : i32
      %dma_start3A_260 = arith.constant 0 : i32
      %dma_start3A_261 = tpu.memref_slice %arg6[%add3A_258, %dma_start3A_260] : memref<80x128xi32, #tpu.memory_space<vmem>> -> memref<1x128xi32, #tpu.memory_space<vmem>>
      %dma_start3A_262 = tpu.memref_squeeze %dma_start3A_261 : memref<1x128xi32, #tpu.memory_space<vmem>> -> memref<128xi32, #tpu.memory_space<vmem>>
      %dma_start3A_263 = arith.constant 0 : i32
      %dma_start3A_264 = arith.constant 0 : i32
      %dma_start3A_265 = tpu.memref_slice %arg10[%dma_start3A_263, %dma_start3A_264] : memref<10112x16xf32, #tpu.memory_space<vmem_shared>> -> memref<10112x16xf32, #tpu.memory_space<vmem_shared>>
      %dma_start3A_266 = tpu.memref_slice %arg11[%dma_start3A_259] : memref<8x!tpu.dma_semaphore, #tpu.memory_space<semaphore_mem>> -> memref<1x!tpu.dma_semaphore, #tpu.memory_space<semaphore_mem>>
      %dma_start3A_267 = tpu.memref_squeeze %dma_start3A_266 : memref<1x!tpu.dma_semaphore, #tpu.memory_space<semaphore_mem>> -> memref<!tpu.dma_semaphore, #tpu.memory_space<semaphore_mem>>
      tpu.enqueue_indirect_dma source(%arg7 : memref<128x16xf32, #tpu.memory_space<vmem>>) target(%dma_start3A_265 : memref<10112x16xf32, #tpu.memory_space<vmem_shared>>) offsets(%dma_start3A_262 : memref<128xi32, #tpu.memory_space<vmem>>) semaphore(%dma_start3A_267 : memref<!tpu.dma_semaphore, #tpu.memory_space<semaphore_mem>>) {add = true}
      %dma_wait3A_268 = arith.constant 0 : i32
      %dma_wait3A_269 = arith.constant 4 : i32
      %dma_wait3A_270 = arith.constant 0 : i32
      %dma_wait3A_271 = tpu.memref_slice %arg6[%dma_wait3A_268, %dma_wait3A_270] : memref<80x128xi32, #tpu.memory_space<vmem>> -> memref<1x128xi32, #tpu.memory_space<vmem>>
      %dma_wait3A_272 = tpu.memref_squeeze %dma_wait3A_271 : memref<1x128xi32, #tpu.memory_space<vmem>> -> memref<128xi32, #tpu.memory_space<vmem>>
      %dma_wait3A_273 = arith.constant 0 : i32
      %dma_wait3A_274 = arith.constant 0 : i32
      %dma_wait3A_275 = tpu.memref_slice %arg10[%dma_wait3A_273, %dma_wait3A_274] : memref<10112x16xf32, #tpu.memory_space<vmem_shared>> -> memref<10112x16xf32, #tpu.memory_space<vmem_shared>>
      %dma_wait3A_276 = tpu.memref_slice %arg11[%dma_wait3A_269] : memref<8x!tpu.dma_semaphore, #tpu.memory_space<semaphore_mem>> -> memref<1x!tpu.dma_semaphore, #tpu.memory_space<semaphore_mem>>
      %dma_wait3A_277 = tpu.memref_squeeze %dma_wait3A_276 : memref<1x!tpu.dma_semaphore, #tpu.memory_space<semaphore_mem>> -> memref<!tpu.dma_semaphore, #tpu.memory_space<semaphore_mem>>
      tpu.wait_indirect_dma semaphore(%dma_wait3A_277 : memref<!tpu.dma_semaphore, #tpu.memory_space<semaphore_mem>>) src(%arg7 : memref<128x16xf32, #tpu.memory_space<vmem>>) dst(%dma_wait3A_275 : memref<10112x16xf32, #tpu.memory_space<vmem_shared>>)
      %add3A_278 = arith.constant 4 : i32
      %add3A_279 = arith.addi %add3A_183, %add3A_278 : i32
      %dma_start3A_280 = arith.constant 4 : i32
      %dma_start3A_281 = arith.constant 0 : i32
      %dma_start3A_282 = tpu.memref_slice %arg6[%add3A_279, %dma_start3A_281] : memref<80x128xi32, #tpu.memory_space<vmem>> -> memref<1x128xi32, #tpu.memory_space<vmem>>
      %dma_start3A_283 = tpu.memref_squeeze %dma_start3A_282 : memref<1x128xi32, #tpu.memory_space<vmem>> -> memref<128xi32, #tpu.memory_space<vmem>>
      %dma_start3A_284 = arith.constant 0 : i32
      %dma_start3A_285 = arith.constant 0 : i32
      %dma_start3A_286 = tpu.memref_slice %arg10[%dma_start3A_284, %dma_start3A_285] : memref<10112x16xf32, #tpu.memory_space<vmem_shared>> -> memref<10112x16xf32, #tpu.memory_space<vmem_shared>>
      %dma_start3A_287 = tpu.memref_slice %arg11[%dma_start3A_280] : memref<8x!tpu.dma_semaphore, #tpu.memory_space<semaphore_mem>> -> memref<1x!tpu.dma_semaphore, #tpu.memory_space<semaphore_mem>>
      %dma_start3A_288 = tpu.memref_squeeze %dma_start3A_287 : memref<1x!tpu.dma_semaphore, #tpu.memory_space<semaphore_mem>> -> memref<!tpu.dma_semaphore, #tpu.memory_space<semaphore_mem>>
      tpu.enqueue_indirect_dma source(%arg7 : memref<128x16xf32, #tpu.memory_space<vmem>>) target(%dma_start3A_286 : memref<10112x16xf32, #tpu.memory_space<vmem_shared>>) offsets(%dma_start3A_283 : memref<128xi32, #tpu.memory_space<vmem>>) semaphore(%dma_start3A_288 : memref<!tpu.dma_semaphore, #tpu.memory_space<semaphore_mem>>) {add = true}
      %dma_wait3A_289 = arith.constant 0 : i32
      %dma_wait3A_290 = arith.constant 5 : i32
      %dma_wait3A_291 = arith.constant 0 : i32
      %dma_wait3A_292 = tpu.memref_slice %arg6[%dma_wait3A_289, %dma_wait3A_291] : memref<80x128xi32, #tpu.memory_space<vmem>> -> memref<1x128xi32, #tpu.memory_space<vmem>>
      %dma_wait3A_293 = tpu.memref_squeeze %dma_wait3A_292 : memref<1x128xi32, #tpu.memory_space<vmem>> -> memref<128xi32, #tpu.memory_space<vmem>>
      %dma_wait3A_294 = arith.constant 0 : i32
      %dma_wait3A_295 = arith.constant 0 : i32
      %dma_wait3A_296 = tpu.memref_slice %arg10[%dma_wait3A_294, %dma_wait3A_295] : memref<10112x16xf32, #tpu.memory_space<vmem_shared>> -> memref<10112x16xf32, #tpu.memory_space<vmem_shared>>
      %dma_wait3A_297 = tpu.memref_slice %arg11[%dma_wait3A_290] : memref<8x!tpu.dma_semaphore, #tpu.memory_space<semaphore_mem>> -> memref<1x!tpu.dma_semaphore, #tpu.memory_space<semaphore_mem>>
      %dma_wait3A_298 = tpu.memref_squeeze %dma_wait3A_297 : memref<1x!tpu.dma_semaphore, #tpu.memory_space<semaphore_mem>> -> memref<!tpu.dma_semaphore, #tpu.memory_space<semaphore_mem>>
      tpu.wait_indirect_dma semaphore(%dma_wait3A_298 : memref<!tpu.dma_semaphore, #tpu.memory_space<semaphore_mem>>) src(%arg7 : memref<128x16xf32, #tpu.memory_space<vmem>>) dst(%dma_wait3A_296 : memref<10112x16xf32, #tpu.memory_space<vmem_shared>>)
      %add3A_299 = arith.constant 5 : i32
      %add3A_300 = arith.addi %add3A_183, %add3A_299 : i32
      %dma_start3A_301 = arith.constant 5 : i32
      %dma_start3A_302 = arith.constant 0 : i32
      %dma_start3A_303 = tpu.memref_slice %arg6[%add3A_300, %dma_start3A_302] : memref<80x128xi32, #tpu.memory_space<vmem>> -> memref<1x128xi32, #tpu.memory_space<vmem>>
      %dma_start3A_304 = tpu.memref_squeeze %dma_start3A_303 : memref<1x128xi32, #tpu.memory_space<vmem>> -> memref<128xi32, #tpu.memory_space<vmem>>
      %dma_start3A_305 = arith.constant 0 : i32
      %dma_start3A_306 = arith.constant 0 : i32
      %dma_start3A_307 = tpu.memref_slice %arg10[%dma_start3A_305, %dma_start3A_306] : memref<10112x16xf32, #tpu.memory_space<vmem_shared>> -> memref<10112x16xf32, #tpu.memory_space<vmem_shared>>
      %dma_start3A_308 = tpu.memref_slice %arg11[%dma_start3A_301] : memref<8x!tpu.dma_semaphore, #tpu.memory_space<semaphore_mem>> -> memref<1x!tpu.dma_semaphore, #tpu.memory_space<semaphore_mem>>
      %dma_start3A_309 = tpu.memref_squeeze %dma_start3A_308 : memref<1x!tpu.dma_semaphore, #tpu.memory_space<semaphore_mem>> -> memref<!tpu.dma_semaphore, #tpu.memory_space<semaphore_mem>>
      tpu.enqueue_indirect_dma source(%arg7 : memref<128x16xf32, #tpu.memory_space<vmem>>) target(%dma_start3A_307 : memref<10112x16xf32, #tpu.memory_space<vmem_shared>>) offsets(%dma_start3A_304 : memref<128xi32, #tpu.memory_space<vmem>>) semaphore(%dma_start3A_309 : memref<!tpu.dma_semaphore, #tpu.memory_space<semaphore_mem>>) {add = true}
      %dma_wait3A_310 = arith.constant 0 : i32
      %dma_wait3A_311 = arith.constant 6 : i32
      %dma_wait3A_312 = arith.constant 0 : i32
      %dma_wait3A_313 = tpu.memref_slice %arg6[%dma_wait3A_310, %dma_wait3A_312] : memref<80x128xi32, #tpu.memory_space<vmem>> -> memref<1x128xi32, #tpu.memory_space<vmem>>
      %dma_wait3A_314 = tpu.memref_squeeze %dma_wait3A_313 : memref<1x128xi32, #tpu.memory_space<vmem>> -> memref<128xi32, #tpu.memory_space<vmem>>
      %dma_wait3A_315 = arith.constant 0 : i32
      %dma_wait3A_316 = arith.constant 0 : i32
      %dma_wait3A_317 = tpu.memref_slice %arg10[%dma_wait3A_315, %dma_wait3A_316] : memref<10112x16xf32, #tpu.memory_space<vmem_shared>> -> memref<10112x16xf32, #tpu.memory_space<vmem_shared>>
      %dma_wait3A_318 = tpu.memref_slice %arg11[%dma_wait3A_311] : memref<8x!tpu.dma_semaphore, #tpu.memory_space<semaphore_mem>> -> memref<1x!tpu.dma_semaphore, #tpu.memory_space<semaphore_mem>>
      %dma_wait3A_319 = tpu.memref_squeeze %dma_wait3A_318 : memref<1x!tpu.dma_semaphore, #tpu.memory_space<semaphore_mem>> -> memref<!tpu.dma_semaphore, #tpu.memory_space<semaphore_mem>>
      tpu.wait_indirect_dma semaphore(%dma_wait3A_319 : memref<!tpu.dma_semaphore, #tpu.memory_space<semaphore_mem>>) src(%arg7 : memref<128x16xf32, #tpu.memory_space<vmem>>) dst(%dma_wait3A_317 : memref<10112x16xf32, #tpu.memory_space<vmem_shared>>)
      %add3A_320 = arith.constant 6 : i32
      %add3A_321 = arith.addi %add3A_183, %add3A_320 : i32
      %dma_start3A_322 = arith.constant 6 : i32
      %dma_start3A_323 = arith.constant 0 : i32
      %dma_start3A_324 = tpu.memref_slice %arg6[%add3A_321, %dma_start3A_323] : memref<80x128xi32, #tpu.memory_space<vmem>> -> memref<1x128xi32, #tpu.memory_space<vmem>>
      %dma_start3A_325 = tpu.memref_squeeze %dma_start3A_324 : memref<1x128xi32, #tpu.memory_space<vmem>> -> memref<128xi32, #tpu.memory_space<vmem>>
      %dma_start3A_326 = arith.constant 0 : i32
      %dma_start3A_327 = arith.constant 0 : i32
      %dma_start3A_328 = tpu.memref_slice %arg10[%dma_start3A_326, %dma_start3A_327] : memref<10112x16xf32, #tpu.memory_space<vmem_shared>> -> memref<10112x16xf32, #tpu.memory_space<vmem_shared>>
      %dma_start3A_329 = tpu.memref_slice %arg11[%dma_start3A_322] : memref<8x!tpu.dma_semaphore, #tpu.memory_space<semaphore_mem>> -> memref<1x!tpu.dma_semaphore, #tpu.memory_space<semaphore_mem>>
      %dma_start3A_330 = tpu.memref_squeeze %dma_start3A_329 : memref<1x!tpu.dma_semaphore, #tpu.memory_space<semaphore_mem>> -> memref<!tpu.dma_semaphore, #tpu.memory_space<semaphore_mem>>
      tpu.enqueue_indirect_dma source(%arg7 : memref<128x16xf32, #tpu.memory_space<vmem>>) target(%dma_start3A_328 : memref<10112x16xf32, #tpu.memory_space<vmem_shared>>) offsets(%dma_start3A_325 : memref<128xi32, #tpu.memory_space<vmem>>) semaphore(%dma_start3A_330 : memref<!tpu.dma_semaphore, #tpu.memory_space<semaphore_mem>>) {add = true}
      %dma_wait3A_331 = arith.constant 0 : i32
      %dma_wait3A_332 = arith.constant 7 : i32
      %dma_wait3A_333 = arith.constant 0 : i32
      %dma_wait3A_334 = tpu.memref_slice %arg6[%dma_wait3A_331, %dma_wait3A_333] : memref<80x128xi32, #tpu.memory_space<vmem>> -> memref<1x128xi32, #tpu.memory_space<vmem>>
      %dma_wait3A_335 = tpu.memref_squeeze %dma_wait3A_334 : memref<1x128xi32, #tpu.memory_space<vmem>> -> memref<128xi32, #tpu.memory_space<vmem>>
      %dma_wait3A_336 = arith.constant 0 : i32
      %dma_wait3A_337 = arith.constant 0 : i32
      %dma_wait3A_338 = tpu.memref_slice %arg10[%dma_wait3A_336, %dma_wait3A_337] : memref<10112x16xf32, #tpu.memory_space<vmem_shared>> -> memref<10112x16xf32, #tpu.memory_space<vmem_shared>>
      %dma_wait3A_339 = tpu.memref_slice %arg11[%dma_wait3A_332] : memref<8x!tpu.dma_semaphore, #tpu.memory_space<semaphore_mem>> -> memref<1x!tpu.dma_semaphore, #tpu.memory_space<semaphore_mem>>
      %dma_wait3A_340 = tpu.memref_squeeze %dma_wait3A_339 : memref<1x!tpu.dma_semaphore, #tpu.memory_space<semaphore_mem>> -> memref<!tpu.dma_semaphore, #tpu.memory_space<semaphore_mem>>
      tpu.wait_indirect_dma semaphore(%dma_wait3A_340 : memref<!tpu.dma_semaphore, #tpu.memory_space<semaphore_mem>>) src(%arg7 : memref<128x16xf32, #tpu.memory_space<vmem>>) dst(%dma_wait3A_338 : memref<10112x16xf32, #tpu.memory_space<vmem_shared>>)
      %add3A_341 = arith.constant 7 : i32
      %add3A_342 = arith.addi %add3A_183, %add3A_341 : i32
      %dma_start3A_343 = arith.constant 7 : i32
      %dma_start3A_344 = arith.constant 0 : i32
      %dma_start3A_345 = tpu.memref_slice %arg6[%add3A_342, %dma_start3A_344] : memref<80x128xi32, #tpu.memory_space<vmem>> -> memref<1x128xi32, #tpu.memory_space<vmem>>
      %dma_start3A_346 = tpu.memref_squeeze %dma_start3A_345 : memref<1x128xi32, #tpu.memory_space<vmem>> -> memref<128xi32, #tpu.memory_space<vmem>>
      %dma_start3A_347 = arith.constant 0 : i32
      %dma_start3A_348 = arith.constant 0 : i32
      %dma_start3A_349 = tpu.memref_slice %arg10[%dma_start3A_347, %dma_start3A_348] : memref<10112x16xf32, #tpu.memory_space<vmem_shared>> -> memref<10112x16xf32, #tpu.memory_space<vmem_shared>>
      %dma_start3A_350 = tpu.memref_slice %arg11[%dma_start3A_343] : memref<8x!tpu.dma_semaphore, #tpu.memory_space<semaphore_mem>> -> memref<1x!tpu.dma_semaphore, #tpu.memory_space<semaphore_mem>>
      %dma_start3A_351 = tpu.memref_squeeze %dma_start3A_350 : memref<1x!tpu.dma_semaphore, #tpu.memory_space<semaphore_mem>> -> memref<!tpu.dma_semaphore, #tpu.memory_space<semaphore_mem>>
      tpu.enqueue_indirect_dma source(%arg7 : memref<128x16xf32, #tpu.memory_space<vmem>>) target(%dma_start3A_349 : memref<10112x16xf32, #tpu.memory_space<vmem_shared>>) offsets(%dma_start3A_346 : memref<128xi32, #tpu.memory_space<vmem>>) semaphore(%dma_start3A_351 : memref<!tpu.dma_semaphore, #tpu.memory_space<semaphore_mem>>) {add = true}
    }
    %scan3A_89 = arith.constant 9 : i32
    %dma_wait3A = arith.constant 0 : i32
    %dma_wait3A_90 = arith.constant 0 : i32
    %dma_wait3A_91 = arith.constant 0 : i32
    %dma_wait3A_92 = tpu.memref_slice %arg6[%dma_wait3A, %dma_wait3A_91] : memref<80x128xi32, #tpu.memory_space<vmem>> -> memref<1x128xi32, #tpu.memory_space<vmem>>
    %dma_wait3A_93 = tpu.memref_squeeze %dma_wait3A_92 : memref<1x128xi32, #tpu.memory_space<vmem>> -> memref<128xi32, #tpu.memory_space<vmem>>
    %dma_wait3A_94 = arith.constant 0 : i32
    %dma_wait3A_95 = arith.constant 0 : i32
    %dma_wait3A_96 = tpu.memref_slice %arg10[%dma_wait3A_94, %dma_wait3A_95] : memref<10112x16xf32, #tpu.memory_space<vmem_shared>> -> memref<10112x16xf32, #tpu.memory_space<vmem_shared>>
    %dma_wait3A_97 = tpu.memref_slice %arg11[%dma_wait3A_90] : memref<8x!tpu.dma_semaphore, #tpu.memory_space<semaphore_mem>> -> memref<1x!tpu.dma_semaphore, #tpu.memory_space<semaphore_mem>>
    %dma_wait3A_98 = tpu.memref_squeeze %dma_wait3A_97 : memref<1x!tpu.dma_semaphore, #tpu.memory_space<semaphore_mem>> -> memref<!tpu.dma_semaphore, #tpu.memory_space<semaphore_mem>>
    tpu.wait_indirect_dma semaphore(%dma_wait3A_98 : memref<!tpu.dma_semaphore, #tpu.memory_space<semaphore_mem>>) src(%arg7 : memref<128x16xf32, #tpu.memory_space<vmem>>) dst(%dma_wait3A_96 : memref<10112x16xf32, #tpu.memory_space<vmem_shared>>)
    %dma_wait3A_99 = arith.constant 0 : i32
    %dma_wait3A_100 = arith.constant 1 : i32
    %dma_wait3A_101 = arith.constant 0 : i32
    %dma_wait3A_102 = tpu.memref_slice %arg6[%dma_wait3A_99, %dma_wait3A_101] : memref<80x128xi32, #tpu.memory_space<vmem>> -> memref<1x128xi32, #tpu.memory_space<vmem>>
    %dma_wait3A_103 = tpu.memref_squeeze %dma_wait3A_102 : memref<1x128xi32, #tpu.memory_space<vmem>> -> memref<128xi32, #tpu.memory_space<vmem>>
    %dma_wait3A_104 = arith.constant 0 : i32
    %dma_wait3A_105 = arith.constant 0 : i32
    %dma_wait3A_106 = tpu.memref_slice %arg10[%dma_wait3A_104, %dma_wait3A_105] : memref<10112x16xf32, #tpu.memory_space<vmem_shared>> -> memref<10112x16xf32, #tpu.memory_space<vmem_shared>>
    %dma_wait3A_107 = tpu.memref_slice %arg11[%dma_wait3A_100] : memref<8x!tpu.dma_semaphore, #tpu.memory_space<semaphore_mem>> -> memref<1x!tpu.dma_semaphore, #tpu.memory_space<semaphore_mem>>
    %dma_wait3A_108 = tpu.memref_squeeze %dma_wait3A_107 : memref<1x!tpu.dma_semaphore, #tpu.memory_space<semaphore_mem>> -> memref<!tpu.dma_semaphore, #tpu.memory_space<semaphore_mem>>
    tpu.wait_indirect_dma semaphore(%dma_wait3A_108 : memref<!tpu.dma_semaphore, #tpu.memory_space<semaphore_mem>>) src(%arg7 : memref<128x16xf32, #tpu.memory_space<vmem>>) dst(%dma_wait3A_106 : memref<10112x16xf32, #tpu.memory_space<vmem_shared>>)
    %dma_wait3A_109 = arith.constant 0 : i32
    %dma_wait3A_110 = arith.constant 2 : i32
    %dma_wait3A_111 = arith.constant 0 : i32
    %dma_wait3A_112 = tpu.memref_slice %arg6[%dma_wait3A_109, %dma_wait3A_111] : memref<80x128xi32, #tpu.memory_space<vmem>> -> memref<1x128xi32, #tpu.memory_space<vmem>>
    %dma_wait3A_113 = tpu.memref_squeeze %dma_wait3A_112 : memref<1x128xi32, #tpu.memory_space<vmem>> -> memref<128xi32, #tpu.memory_space<vmem>>
    %dma_wait3A_114 = arith.constant 0 : i32
    %dma_wait3A_115 = arith.constant 0 : i32
    %dma_wait3A_116 = tpu.memref_slice %arg10[%dma_wait3A_114, %dma_wait3A_115] : memref<10112x16xf32, #tpu.memory_space<vmem_shared>> -> memref<10112x16xf32, #tpu.memory_space<vmem_shared>>
    %dma_wait3A_117 = tpu.memref_slice %arg11[%dma_wait3A_110] : memref<8x!tpu.dma_semaphore, #tpu.memory_space<semaphore_mem>> -> memref<1x!tpu.dma_semaphore, #tpu.memory_space<semaphore_mem>>
    %dma_wait3A_118 = tpu.memref_squeeze %dma_wait3A_117 : memref<1x!tpu.dma_semaphore, #tpu.memory_space<semaphore_mem>> -> memref<!tpu.dma_semaphore, #tpu.memory_space<semaphore_mem>>
    tpu.wait_indirect_dma semaphore(%dma_wait3A_118 : memref<!tpu.dma_semaphore, #tpu.memory_space<semaphore_mem>>) src(%arg7 : memref<128x16xf32, #tpu.memory_space<vmem>>) dst(%dma_wait3A_116 : memref<10112x16xf32, #tpu.memory_space<vmem_shared>>)
    %dma_wait3A_119 = arith.constant 0 : i32
    %dma_wait3A_120 = arith.constant 3 : i32
    %dma_wait3A_121 = arith.constant 0 : i32
    %dma_wait3A_122 = tpu.memref_slice %arg6[%dma_wait3A_119, %dma_wait3A_121] : memref<80x128xi32, #tpu.memory_space<vmem>> -> memref<1x128xi32, #tpu.memory_space<vmem>>
    %dma_wait3A_123 = tpu.memref_squeeze %dma_wait3A_122 : memref<1x128xi32, #tpu.memory_space<vmem>> -> memref<128xi32, #tpu.memory_space<vmem>>
    %dma_wait3A_124 = arith.constant 0 : i32
    %dma_wait3A_125 = arith.constant 0 : i32
    %dma_wait3A_126 = tpu.memref_slice %arg10[%dma_wait3A_124, %dma_wait3A_125] : memref<10112x16xf32, #tpu.memory_space<vmem_shared>> -> memref<10112x16xf32, #tpu.memory_space<vmem_shared>>
    %dma_wait3A_127 = tpu.memref_slice %arg11[%dma_wait3A_120] : memref<8x!tpu.dma_semaphore, #tpu.memory_space<semaphore_mem>> -> memref<1x!tpu.dma_semaphore, #tpu.memory_space<semaphore_mem>>
    %dma_wait3A_128 = tpu.memref_squeeze %dma_wait3A_127 : memref<1x!tpu.dma_semaphore, #tpu.memory_space<semaphore_mem>> -> memref<!tpu.dma_semaphore, #tpu.memory_space<semaphore_mem>>
    tpu.wait_indirect_dma semaphore(%dma_wait3A_128 : memref<!tpu.dma_semaphore, #tpu.memory_space<semaphore_mem>>) src(%arg7 : memref<128x16xf32, #tpu.memory_space<vmem>>) dst(%dma_wait3A_126 : memref<10112x16xf32, #tpu.memory_space<vmem_shared>>)
    %dma_wait3A_129 = arith.constant 0 : i32
    %dma_wait3A_130 = arith.constant 4 : i32
    %dma_wait3A_131 = arith.constant 0 : i32
    %dma_wait3A_132 = tpu.memref_slice %arg6[%dma_wait3A_129, %dma_wait3A_131] : memref<80x128xi32, #tpu.memory_space<vmem>> -> memref<1x128xi32, #tpu.memory_space<vmem>>
    %dma_wait3A_133 = tpu.memref_squeeze %dma_wait3A_132 : memref<1x128xi32, #tpu.memory_space<vmem>> -> memref<128xi32, #tpu.memory_space<vmem>>
    %dma_wait3A_134 = arith.constant 0 : i32
    %dma_wait3A_135 = arith.constant 0 : i32
    %dma_wait3A_136 = tpu.memref_slice %arg10[%dma_wait3A_134, %dma_wait3A_135] : memref<10112x16xf32, #tpu.memory_space<vmem_shared>> -> memref<10112x16xf32, #tpu.memory_space<vmem_shared>>
    %dma_wait3A_137 = tpu.memref_slice %arg11[%dma_wait3A_130] : memref<8x!tpu.dma_semaphore, #tpu.memory_space<semaphore_mem>> -> memref<1x!tpu.dma_semaphore, #tpu.memory_space<semaphore_mem>>
    %dma_wait3A_138 = tpu.memref_squeeze %dma_wait3A_137 : memref<1x!tpu.dma_semaphore, #tpu.memory_space<semaphore_mem>> -> memref<!tpu.dma_semaphore, #tpu.memory_space<semaphore_mem>>
    tpu.wait_indirect_dma semaphore(%dma_wait3A_138 : memref<!tpu.dma_semaphore, #tpu.memory_space<semaphore_mem>>) src(%arg7 : memref<128x16xf32, #tpu.memory_space<vmem>>) dst(%dma_wait3A_136 : memref<10112x16xf32, #tpu.memory_space<vmem_shared>>)
    %dma_wait3A_139 = arith.constant 0 : i32
    %dma_wait3A_140 = arith.constant 5 : i32
    %dma_wait3A_141 = arith.constant 0 : i32
    %dma_wait3A_142 = tpu.memref_slice %arg6[%dma_wait3A_139, %dma_wait3A_141] : memref<80x128xi32, #tpu.memory_space<vmem>> -> memref<1x128xi32, #tpu.memory_space<vmem>>
    %dma_wait3A_143 = tpu.memref_squeeze %dma_wait3A_142 : memref<1x128xi32, #tpu.memory_space<vmem>> -> memref<128xi32, #tpu.memory_space<vmem>>
    %dma_wait3A_144 = arith.constant 0 : i32
    %dma_wait3A_145 = arith.constant 0 : i32
    %dma_wait3A_146 = tpu.memref_slice %arg10[%dma_wait3A_144, %dma_wait3A_145] : memref<10112x16xf32, #tpu.memory_space<vmem_shared>> -> memref<10112x16xf32, #tpu.memory_space<vmem_shared>>
    %dma_wait3A_147 = tpu.memref_slice %arg11[%dma_wait3A_140] : memref<8x!tpu.dma_semaphore, #tpu.memory_space<semaphore_mem>> -> memref<1x!tpu.dma_semaphore, #tpu.memory_space<semaphore_mem>>
    %dma_wait3A_148 = tpu.memref_squeeze %dma_wait3A_147 : memref<1x!tpu.dma_semaphore, #tpu.memory_space<semaphore_mem>> -> memref<!tpu.dma_semaphore, #tpu.memory_space<semaphore_mem>>
    tpu.wait_indirect_dma semaphore(%dma_wait3A_148 : memref<!tpu.dma_semaphore, #tpu.memory_space<semaphore_mem>>) src(%arg7 : memref<128x16xf32, #tpu.memory_space<vmem>>) dst(%dma_wait3A_146 : memref<10112x16xf32, #tpu.memory_space<vmem_shared>>)
    %dma_wait3A_149 = arith.constant 0 : i32
    %dma_wait3A_150 = arith.constant 6 : i32
    %dma_wait3A_151 = arith.constant 0 : i32
    %dma_wait3A_152 = tpu.memref_slice %arg6[%dma_wait3A_149, %dma_wait3A_151] : memref<80x128xi32, #tpu.memory_space<vmem>> -> memref<1x128xi32, #tpu.memory_space<vmem>>
    %dma_wait3A_153 = tpu.memref_squeeze %dma_wait3A_152 : memref<1x128xi32, #tpu.memory_space<vmem>> -> memref<128xi32, #tpu.memory_space<vmem>>
    %dma_wait3A_154 = arith.constant 0 : i32
    %dma_wait3A_155 = arith.constant 0 : i32
    %dma_wait3A_156 = tpu.memref_slice %arg10[%dma_wait3A_154, %dma_wait3A_155] : memref<10112x16xf32, #tpu.memory_space<vmem_shared>> -> memref<10112x16xf32, #tpu.memory_space<vmem_shared>>
    %dma_wait3A_157 = tpu.memref_slice %arg11[%dma_wait3A_150] : memref<8x!tpu.dma_semaphore, #tpu.memory_space<semaphore_mem>> -> memref<1x!tpu.dma_semaphore, #tpu.memory_space<semaphore_mem>>
    %dma_wait3A_158 = tpu.memref_squeeze %dma_wait3A_157 : memref<1x!tpu.dma_semaphore, #tpu.memory_space<semaphore_mem>> -> memref<!tpu.dma_semaphore, #tpu.memory_space<semaphore_mem>>
    tpu.wait_indirect_dma semaphore(%dma_wait3A_158 : memref<!tpu.dma_semaphore, #tpu.memory_space<semaphore_mem>>) src(%arg7 : memref<128x16xf32, #tpu.memory_space<vmem>>) dst(%dma_wait3A_156 : memref<10112x16xf32, #tpu.memory_space<vmem_shared>>)
    %dma_wait3A_159 = arith.constant 0 : i32
    %dma_wait3A_160 = arith.constant 7 : i32
    %dma_wait3A_161 = arith.constant 0 : i32
    %dma_wait3A_162 = tpu.memref_slice %arg6[%dma_wait3A_159, %dma_wait3A_161] : memref<80x128xi32, #tpu.memory_space<vmem>> -> memref<1x128xi32, #tpu.memory_space<vmem>>
    %dma_wait3A_163 = tpu.memref_squeeze %dma_wait3A_162 : memref<1x128xi32, #tpu.memory_space<vmem>> -> memref<128xi32, #tpu.memory_space<vmem>>
    %dma_wait3A_164 = arith.constant 0 : i32
    %dma_wait3A_165 = arith.constant 0 : i32
    %dma_wait3A_166 = tpu.memref_slice %arg10[%dma_wait3A_164, %dma_wait3A_165] : memref<10112x16xf32, #tpu.memory_space<vmem_shared>> -> memref<10112x16xf32, #tpu.memory_space<vmem_shared>>
    %dma_wait3A_167 = tpu.memref_slice %arg11[%dma_wait3A_160] : memref<8x!tpu.dma_semaphore, #tpu.memory_space<semaphore_mem>> -> memref<1x!tpu.dma_semaphore, #tpu.memory_space<semaphore_mem>>
    %dma_wait3A_168 = tpu.memref_squeeze %dma_wait3A_167 : memref<1x!tpu.dma_semaphore, #tpu.memory_space<semaphore_mem>> -> memref<!tpu.dma_semaphore, #tpu.memory_space<semaphore_mem>>
    tpu.wait_indirect_dma semaphore(%dma_wait3A_168 : memref<!tpu.dma_semaphore, #tpu.memory_space<semaphore_mem>>) src(%arg7 : memref<128x16xf32, #tpu.memory_space<vmem>>) dst(%dma_wait3A_166 : memref<10112x16xf32, #tpu.memory_space<vmem_shared>>)
    %barrier3A_169 = arith.constant 0 : index
    tpu.barrier barrier_id(%barrier3A_169)
    %mul3A_170 = arith.constant 632 : i32
    %mul3A_171 = arith.muli %arg1, %mul3A_170 : i32
    "tpu.region"() ({
      %run_scoped3A = tpu.sem_alloc : memref<!tpu.dma_semaphore, #tpu.memory_space<semaphore_mem>>
      %dma_start3A_179 = arith.constant 0 : i32
      %dma_start3A_180 = tpu.memref_slice %arg10[%mul3A_171, %dma_start3A_179] : memref<10112x16xf32, #tpu.memory_space<vmem_shared>> -> memref<632x16xf32, #tpu.memory_space<vmem_shared>>
      %dma_start3A_181 = arith.constant 0 : i32
      %dma_start3A_182 = tpu.memref_slice %arg10[%mul3A_171, %dma_start3A_181] : memref<10112x16xf32, #tpu.memory_space<vmem_shared>> -> memref<632x16xf32, #tpu.memory_space<vmem_shared>>
      tpu.enqueue_dma source(%dma_start3A_182 : memref<632x16xf32, #tpu.memory_space<vmem_shared>>) target(%arg8 : memref<632x16xf32, #tpu.memory_space<vmem>>) target_semaphore(%run_scoped3A : memref<!tpu.dma_semaphore, #tpu.memory_space<semaphore_mem>>)
      %dma_wait3A_183 = arith.constant 0 : i32
      %dma_wait3A_184 = tpu.memref_slice %arg10[%mul3A_171, %dma_wait3A_183] : memref<10112x16xf32, #tpu.memory_space<vmem_shared>> -> memref<632x16xf32, #tpu.memory_space<vmem_shared>>
      %dma_wait3A_185 = arith.constant 0 : i32
      %dma_wait3A_186 = tpu.memref_slice %arg10[%mul3A_171, %dma_wait3A_185] : memref<10112x16xf32, #tpu.memory_space<vmem_shared>> -> memref<632x16xf32, #tpu.memory_space<vmem_shared>>
      tpu.wait_dma2 semaphore(%run_scoped3A : memref<!tpu.dma_semaphore, #tpu.memory_space<semaphore_mem>>) src(%dma_wait3A_186 : memref<632x16xf32, #tpu.memory_space<vmem_shared>>) dst(%arg8 : memref<632x16xf32, #tpu.memory_space<vmem>>)
      tpu.yield
    }) : () -> ()
    %scan3A_172 = arith.constant 0 : i32
    %scan3A_173 = arith.constant 79 : i32
    %scan3A_174 = arith.addi %scan3A_172, %scan3A_173 : i32
    %scan3A_175 = arith.constant 1 : i32
    scf.for %scan3A_179 = %scan3A_172 to %scan3A_174 step %scan3A_175  : i32 {
      %mul3A_180 = arith.constant 1 : i32
      %mul3A_181 = arith.muli %scan3A_179, %mul3A_180 : i32
      %add3A_182 = arith.constant 0 : i32
      %add3A_183 = arith.addi %add3A_182, %mul3A_181 : i32
      %mul3A_184 = arith.constant 8 : i32
      %mul3A_185 = arith.muli %mul3A_184, %add3A_183 : i32
      %add3A_186 = arith.constant 0 : i32
      %add3A_187 = arith.addi %mul3A_185, %add3A_186 : i32
      %get3A = arith.index_cast %add3A_187 : i32 to index
      %get3A_188 = arith.constant 0 : index
      %get3A_189 = tpu.vector_load %arg8[%get3A, %get3A_188] {strides = array<i32>} : memref<632x16xf32, #tpu.memory_space<vmem>>, vector<1x16xf32>,
      %get3A_190 = vector.shape_cast %get3A_189 : vector<1x16xf32> to vector<16xf32>
      %swap3A = arith.index_cast %add3A_183 : i32 to index
      %swap3A_191 = arith.constant 0 : index
      %swap3A_192 = tpu.vector_load %arg9[%swap3A, %swap3A_191] {strides = array<i32>} : memref<79x128xf32, #tpu.memory_space<vmem>>, vector<1x16xf32>,
      %swap3A_193 = vector.shape_cast %swap3A_192 : vector<1x16xf32> to vector<16xf32>
      %swap3A_194 = vector.shape_cast %get3A_190 : vector<16xf32> to vector<1x16xf32>
      tpu.vector_store %arg9[%swap3A, %swap3A_191], %swap3A_194 {strides = array<i32>} : memref<79x128xf32, #tpu.memory_space<vmem>>, vector<1x16xf32>,
      %mul3A_195 = arith.constant 8 : i32
      %mul3A_196 = arith.muli %mul3A_195, %add3A_183 : i32
      %add3A_197 = arith.constant 1 : i32
      %add3A_198 = arith.addi %mul3A_196, %add3A_197 : i32
      %get3A_199 = arith.index_cast %add3A_198 : i32 to index
      %get3A_200 = arith.constant 0 : index
      %get3A_201 = tpu.vector_load %arg8[%get3A_199, %get3A_200] {strides = array<i32>} : memref<632x16xf32, #tpu.memory_space<vmem>>, vector<1x16xf32>,
      %get3A_202 = vector.shape_cast %get3A_201 : vector<1x16xf32> to vector<16xf32>
      %swap3A_203 = arith.index_cast %add3A_183 : i32 to index
      %swap3A_204 = arith.constant 16 : index
      %swap3A_205 = tpu.vector_load %arg9[%swap3A_203, %swap3A_204] {strides = array<i32>} : memref<79x128xf32, #tpu.memory_space<vmem>>, vector<1x16xf32>,
      %swap3A_206 = vector.shape_cast %swap3A_205 : vector<1x16xf32> to vector<16xf32>
      %swap3A_207 = vector.shape_cast %get3A_202 : vector<16xf32> to vector<1x16xf32>
      tpu.vector_store %arg9[%swap3A_203, %swap3A_204], %swap3A_207 {strides = array<i32>} : memref<79x128xf32, #tpu.memory_space<vmem>>, vector<1x16xf32>,
      %mul3A_208 = arith.constant 8 : i32
      %mul3A_209 = arith.muli %mul3A_208, %add3A_183 : i32
      %add3A_210 = arith.constant 2 : i32
      %add3A_211 = arith.addi %mul3A_209, %add3A_210 : i32
      %get3A_212 = arith.index_cast %add3A_211 : i32 to index
      %get3A_213 = arith.constant 0 : index
      %get3A_214 = tpu.vector_load %arg8[%get3A_212, %get3A_213] {strides = array<i32>} : memref<632x16xf32, #tpu.memory_space<vmem>>, vector<1x16xf32>,
      %get3A_215 = vector.shape_cast %get3A_214 : vector<1x16xf32> to vector<16xf32>
      %swap3A_216 = arith.index_cast %add3A_183 : i32 to index
      %swap3A_217 = arith.constant 32 : index
      %swap3A_218 = tpu.vector_load %arg9[%swap3A_216, %swap3A_217] {strides = array<i32>} : memref<79x128xf32, #tpu.memory_space<vmem>>, vector<1x16xf32>,
      %swap3A_219 = vector.shape_cast %swap3A_218 : vector<1x16xf32> to vector<16xf32>
      %swap3A_220 = vector.shape_cast %get3A_215 : vector<16xf32> to vector<1x16xf32>
      tpu.vector_store %arg9[%swap3A_216, %swap3A_217], %swap3A_220 {strides = array<i32>} : memref<79x128xf32, #tpu.memory_space<vmem>>, vector<1x16xf32>,
      %mul3A_221 = arith.constant 8 : i32
      %mul3A_222 = arith.muli %mul3A_221, %add3A_183 : i32
      %add3A_223 = arith.constant 3 : i32
      %add3A_224 = arith.addi %mul3A_222, %add3A_223 : i32
      %get3A_225 = arith.index_cast %add3A_224 : i32 to index
      %get3A_226 = arith.constant 0 : index
      %get3A_227 = tpu.vector_load %arg8[%get3A_225, %get3A_226] {strides = array<i32>} : memref<632x16xf32, #tpu.memory_space<vmem>>, vector<1x16xf32>,
      %get3A_228 = vector.shape_cast %get3A_227 : vector<1x16xf32> to vector<16xf32>
      %swap3A_229 = arith.index_cast %add3A_183 : i32 to index
      %swap3A_230 = arith.constant 48 : index
      %swap3A_231 = tpu.vector_load %arg9[%swap3A_229, %swap3A_230] {strides = array<i32>} : memref<79x128xf32, #tpu.memory_space<vmem>>, vector<1x16xf32>,
      %swap3A_232 = vector.shape_cast %swap3A_231 : vector<1x16xf32> to vector<16xf32>
      %swap3A_233 = vector.shape_cast %get3A_228 : vector<16xf32> to vector<1x16xf32>
      tpu.vector_store %arg9[%swap3A_229, %swap3A_230], %swap3A_233 {strides = array<i32>} : memref<79x128xf32, #tpu.memory_space<vmem>>, vector<1x16xf32>,
      %mul3A_234 = arith.constant 8 : i32
      %mul3A_235 = arith.muli %mul3A_234, %add3A_183 : i32
      %add3A_236 = arith.constant 4 : i32
      %add3A_237 = arith.addi %mul3A_235, %add3A_236 : i32
      %get3A_238 = arith.index_cast %add3A_237 : i32 to index
      %get3A_239 = arith.constant 0 : index
      %get3A_240 = tpu.vector_load %arg8[%get3A_238, %get3A_239] {strides = array<i32>} : memref<632x16xf32, #tpu.memory_space<vmem>>, vector<1x16xf32>,
      %get3A_241 = vector.shape_cast %get3A_240 : vector<1x16xf32> to vector<16xf32>
      %swap3A_242 = arith.index_cast %add3A_183 : i32 to index
      %swap3A_243 = arith.constant 64 : index
      %swap3A_244 = tpu.vector_load %arg9[%swap3A_242, %swap3A_243] {strides = array<i32>} : memref<79x128xf32, #tpu.memory_space<vmem>>, vector<1x16xf32>,
      %swap3A_245 = vector.shape_cast %swap3A_244 : vector<1x16xf32> to vector<16xf32>
      %swap3A_246 = vector.shape_cast %get3A_241 : vector<16xf32> to vector<1x16xf32>
      tpu.vector_store %arg9[%swap3A_242, %swap3A_243], %swap3A_246 {strides = array<i32>} : memref<79x128xf32, #tpu.memory_space<vmem>>, vector<1x16xf32>,
      %mul3A_247 = arith.constant 8 : i32
      %mul3A_248 = arith.muli %mul3A_247, %add3A_183 : i32
      %add3A_249 = arith.constant 5 : i32
      %add3A_250 = arith.addi %mul3A_248, %add3A_249 : i32
      %get3A_251 = arith.index_cast %add3A_250 : i32 to index
      %get3A_252 = arith.constant 0 : index
      %get3A_253 = tpu.vector_load %arg8[%get3A_251, %get3A_252] {strides = array<i32>} : memref<632x16xf32, #tpu.memory_space<vmem>>, vector<1x16xf32>,
      %get3A_254 = vector.shape_cast %get3A_253 : vector<1x16xf32> to vector<16xf32>
      %swap3A_255 = arith.index_cast %add3A_183 : i32 to index
      %swap3A_256 = arith.constant 80 : index
      %swap3A_257 = tpu.vector_load %arg9[%swap3A_255, %swap3A_256] {strides = array<i32>} : memref<79x128xf32, #tpu.memory_space<vmem>>, vector<1x16xf32>,
      %swap3A_258 = vector.shape_cast %swap3A_257 : vector<1x16xf32> to vector<16xf32>
      %swap3A_259 = vector.shape_cast %get3A_254 : vector<16xf32> to vector<1x16xf32>
      tpu.vector_store %arg9[%swap3A_255, %swap3A_256], %swap3A_259 {strides = array<i32>} : memref<79x128xf32, #tpu.memory_space<vmem>>, vector<1x16xf32>,
      %mul3A_260 = arith.constant 8 : i32
      %mul3A_261 = arith.muli %mul3A_260, %add3A_183 : i32
      %add3A_262 = arith.constant 6 : i32
      %add3A_263 = arith.addi %mul3A_261, %add3A_262 : i32
      %get3A_264 = arith.index_cast %add3A_263 : i32 to index
      %get3A_265 = arith.constant 0 : index
      %get3A_266 = tpu.vector_load %arg8[%get3A_264, %get3A_265] {strides = array<i32>} : memref<632x16xf32, #tpu.memory_space<vmem>>, vector<1x16xf32>,
      %get3A_267 = vector.shape_cast %get3A_266 : vector<1x16xf32> to vector<16xf32>
      %swap3A_268 = arith.index_cast %add3A_183 : i32 to index
      %swap3A_269 = arith.constant 96 : index
      %swap3A_270 = tpu.vector_load %arg9[%swap3A_268, %swap3A_269] {strides = array<i32>} : memref<79x128xf32, #tpu.memory_space<vmem>>, vector<1x16xf32>,
      %swap3A_271 = vector.shape_cast %swap3A_270 : vector<1x16xf32> to vector<16xf32>
      %swap3A_272 = vector.shape_cast %get3A_267 : vector<16xf32> to vector<1x16xf32>
      tpu.vector_store %arg9[%swap3A_268, %swap3A_269], %swap3A_272 {strides = array<i32>} : memref<79x128xf32, #tpu.memory_space<vmem>>, vector<1x16xf32>,
      %mul3A_273 = arith.constant 8 : i32
      %mul3A_274 = arith.muli %mul3A_273, %add3A_183 : i32
      %add3A_275 = arith.constant 7 : i32
      %add3A_276 = arith.addi %mul3A_274, %add3A_275 : i32
      %get3A_277 = arith.index_cast %add3A_276 : i32 to index
      %get3A_278 = arith.constant 0 : index
      %get3A_279 = tpu.vector_load %arg8[%get3A_277, %get3A_278] {strides = array<i32>} : memref<632x16xf32, #tpu.memory_space<vmem>>, vector<1x16xf32>,
      %get3A_280 = vector.shape_cast %get3A_279 : vector<1x16xf32> to vector<16xf32>
      %swap3A_281 = arith.index_cast %add3A_183 : i32 to index
      %swap3A_282 = arith.constant 112 : index
      %swap3A_283 = tpu.vector_load %arg9[%swap3A_281, %swap3A_282] {strides = array<i32>} : memref<79x128xf32, #tpu.memory_space<vmem>>, vector<1x16xf32>,
      %swap3A_284 = vector.shape_cast %swap3A_283 : vector<1x16xf32> to vector<16xf32>
      %swap3A_285 = vector.shape_cast %get3A_280 : vector<16xf32> to vector<1x16xf32>
      tpu.vector_store %arg9[%swap3A_281, %swap3A_282], %swap3A_285 {strides = array<i32>} : memref<79x128xf32, #tpu.memory_space<vmem>>, vector<1x16xf32>,
    }
    %scan3A_176 = arith.constant 79 : i32
    %mul3A_177 = arith.constant 79 : i32
    %mul3A_178 = arith.muli %arg1, %mul3A_177 : i32
    "tpu.region"() ({
      %run_scoped3A = tpu.sem_alloc : memref<!tpu.dma_semaphore, #tpu.memory_space<semaphore_mem>>
      %dma_start3A_179 = arith.constant 0 : i32
      %dma_start3A_180 = tpu.memref_slice %arg5[%arg0, %mul3A_178, %dma_start3A_179] : memref<2x1264x128xf32, #tpu.memory_space<hbm>> -> memref<1x79x128xf32, #tpu.memory_space<hbm>>
      %dma_start3A_181 = tpu.memref_squeeze %dma_start3A_180 : memref<1x79x128xf32, #tpu.memory_space<hbm>> -> memref<79x128xf32, #tpu.memory_space<hbm>>
      %dma_start3A_182 = arith.constant 0 : i32
      %dma_start3A_183 = tpu.memref_slice %arg5[%arg0, %mul3A_178, %dma_start3A_182] : memref<2x1264x128xf32, #tpu.memory_space<hbm>> -> memref<1x79x128xf32, #tpu.memory_space<hbm>>
      %dma_start3A_184 = tpu.memref_squeeze %dma_start3A_183 : memref<1x79x128xf32, #tpu.memory_space<hbm>> -> memref<79x128xf32, #tpu.memory_space<hbm>>
      tpu.enqueue_dma source(%arg9 : memref<79x128xf32, #tpu.memory_space<vmem>>) target(%dma_start3A_184 : memref<79x128xf32, #tpu.memory_space<hbm>>) target_semaphore(%run_scoped3A : memref<!tpu.dma_semaphore, #tpu.memory_space<semaphore_mem>>)
      %dma_wait3A_185 = arith.constant 0 : i32
      %dma_wait3A_186 = tpu.memref_slice %arg5[%arg0, %mul3A_178, %dma_wait3A_185] : memref<2x1264x128xf32, #tpu.memory_space<hbm>> -> memref<1x79x128xf32, #tpu.memory_space<hbm>>
      %dma_wait3A_187 = tpu.memref_squeeze %dma_wait3A_186 : memref<1x79x128xf32, #tpu.memory_space<hbm>> -> memref<79x128xf32, #tpu.memory_space<hbm>>
      %dma_wait3A_188 = arith.constant 0 : i32
      %dma_wait3A_189 = tpu.memref_slice %arg5[%arg0, %mul3A_178, %dma_wait3A_188] : memref<2x1264x128xf32, #tpu.memory_space<hbm>> -> memref<1x79x128xf32, #tpu.memory_space<hbm>>
      %dma_wait3A_190 = tpu.memref_squeeze %dma_wait3A_189 : memref<1x79x128xf32, #tpu.memory_space<hbm>> -> memref<79x128xf32, #tpu.memory_space<hbm>>
      tpu.wait_dma2 semaphore(%run_scoped3A : memref<!tpu.dma_semaphore, #tpu.memory_space<semaphore_mem>>) src(%arg9 : memref<79x128xf32, #tpu.memory_space<vmem>>) dst(%dma_wait3A_190 : memref<79x128xf32, #tpu.memory_space<hbm>>)
      tpu.yield
    }) : () -> ()
    return
  }
}

#map = affine_map<(d0, d1) -> (0, 0)>
#map1 = affine_map<(d0, d1) -> (0, 0, 0)>
module attributes {stable_mosaic.version = 14 : i64} {
  func.func @agg(%arg0: i32, %arg1: i32, %arg2: memref<1264x128xf32, #tpu.memory_space<hbm>>, %arg3: memref<2560x128xi32, #tpu.memory_space<hbm>>, %arg4: memref<2560x128xi32, #tpu.memory_space<hbm>>, %arg5: memref<10112x16xf32, #tpu.memory_space<hbm>>, %arg6: memref<2x1264x128xf32, #tpu.memory_space<hbm>>, %arg7: memref<2x10112x16xf32, #tpu.memory_space<hbm>>, %arg8: memref<80x128xi32, #tpu.memory_space<vmem>>, %arg9: memref<80x128xi32, #tpu.memory_space<vmem>>, %arg10: memref<8x128x16xf32, #tpu.memory_space<vmem>>, %arg11: memref<632x16xf32, #tpu.memory_space<vmem>>, %arg12: memref<79x128xf32, #tpu.memory_space<vmem>>, %arg13: memref<10112x16xf32, #tpu.memory_space<vmem_shared>>, %arg14: memref<8x!tpu.dma_semaphore, #tpu.memory_space<semaphore_mem>>, %arg15: memref<8x!tpu.dma_semaphore, #tpu.memory_space<semaphore_mem>>, %arg16: memref<!tpu.dma_semaphore, #tpu.memory_space<semaphore_mem>>) attributes {dimension_semantics = [#tpu.dimension_semantics<core_parallel>, #tpu.dimension_semantics<subcore_parallel>], iteration_bounds = array<i64: 2, 16>, scalar_prefetch = 0 : i64, scratch_operands = 9 : i64, tpu.core_type = #tpu.core_type<sc_vector_subcore>, window_params = [{transform_indices = #map}, {transform_indices = #map}, {transform_indices = #map}, {transform_indices = #map}, {transform_indices = #map1}, {transform_indices = #map1}]} {
    %mul3A = arith.constant 16 : i32
    %mul3A_0 = arith.muli %arg0, %mul3A : i32
    %add3A = arith.addi %mul3A_0, %arg1 : i32
    %mul3A_1 = arith.constant 80 : i32
    %mul3A_2 = arith.muli %add3A, %mul3A_1 : i32
    "tpu.region"() ({
      %run_scoped3A = tpu.sem_alloc : memref<!tpu.dma_semaphore, #tpu.memory_space<semaphore_mem>>
      %dma_start3A_316 = arith.constant 0 : i32
      %dma_start3A_317 = tpu.memref_slice %arg3[%mul3A_2, %dma_start3A_316] : memref<2560x128xi32, #tpu.memory_space<hbm>> -> memref<80x128xi32, #tpu.memory_space<hbm>>
      %dma_start3A_318 = arith.constant 0 : i32
      %dma_start3A_319 = tpu.memref_slice %arg3[%mul3A_2, %dma_start3A_318] : memref<2560x128xi32, #tpu.memory_space<hbm>> -> memref<80x128xi32, #tpu.memory_space<hbm>>
      tpu.enqueue_dma source(%dma_start3A_319 : memref<80x128xi32, #tpu.memory_space<hbm>>) target(%arg8 : memref<80x128xi32, #tpu.memory_space<vmem>>) target_semaphore(%run_scoped3A : memref<!tpu.dma_semaphore, #tpu.memory_space<semaphore_mem>>)
      %dma_wait3A_320 = arith.constant 0 : i32
      %dma_wait3A_321 = tpu.memref_slice %arg3[%mul3A_2, %dma_wait3A_320] : memref<2560x128xi32, #tpu.memory_space<hbm>> -> memref<80x128xi32, #tpu.memory_space<hbm>>
      %dma_wait3A_322 = arith.constant 0 : i32
      %dma_wait3A_323 = tpu.memref_slice %arg3[%mul3A_2, %dma_wait3A_322] : memref<2560x128xi32, #tpu.memory_space<hbm>> -> memref<80x128xi32, #tpu.memory_space<hbm>>
      tpu.wait_dma2 semaphore(%run_scoped3A : memref<!tpu.dma_semaphore, #tpu.memory_space<semaphore_mem>>) src(%dma_wait3A_323 : memref<80x128xi32, #tpu.memory_space<hbm>>) dst(%arg8 : memref<80x128xi32, #tpu.memory_space<vmem>>)
      tpu.yield
    }) : () -> ()
    %mul3A_3 = arith.constant 80 : i32
    %mul3A_4 = arith.muli %add3A, %mul3A_3 : i32
    "tpu.region"() ({
      %run_scoped3A = tpu.sem_alloc : memref<!tpu.dma_semaphore, #tpu.memory_space<semaphore_mem>>
      %dma_start3A_316 = arith.constant 0 : i32
      %dma_start3A_317 = tpu.memref_slice %arg4[%mul3A_4, %dma_start3A_316] : memref<2560x128xi32, #tpu.memory_space<hbm>> -> memref<80x128xi32, #tpu.memory_space<hbm>>
      %dma_start3A_318 = arith.constant 0 : i32
      %dma_start3A_319 = tpu.memref_slice %arg4[%mul3A_4, %dma_start3A_318] : memref<2560x128xi32, #tpu.memory_space<hbm>> -> memref<80x128xi32, #tpu.memory_space<hbm>>
      tpu.enqueue_dma source(%dma_start3A_319 : memref<80x128xi32, #tpu.memory_space<hbm>>) target(%arg9 : memref<80x128xi32, #tpu.memory_space<vmem>>) target_semaphore(%run_scoped3A : memref<!tpu.dma_semaphore, #tpu.memory_space<semaphore_mem>>)
      %dma_wait3A_320 = arith.constant 0 : i32
      %dma_wait3A_321 = tpu.memref_slice %arg4[%mul3A_4, %dma_wait3A_320] : memref<2560x128xi32, #tpu.memory_space<hbm>> -> memref<80x128xi32, #tpu.memory_space<hbm>>
      %dma_wait3A_322 = arith.constant 0 : i32
      %dma_wait3A_323 = tpu.memref_slice %arg4[%mul3A_4, %dma_wait3A_322] : memref<2560x128xi32, #tpu.memory_space<hbm>> -> memref<80x128xi32, #tpu.memory_space<hbm>>
      tpu.wait_dma2 semaphore(%run_scoped3A : memref<!tpu.dma_semaphore, #tpu.memory_space<semaphore_mem>>) src(%dma_wait3A_323 : memref<80x128xi32, #tpu.memory_space<hbm>>) dst(%arg9 : memref<80x128xi32, #tpu.memory_space<vmem>>)
      tpu.yield
    }) : () -> ()
    %mul3A_5 = arith.constant 79 : i32
    %mul3A_6 = arith.muli %arg1, %mul3A_5 : i32
    "tpu.region"() ({
      %run_scoped3A = tpu.sem_alloc : memref<!tpu.dma_semaphore, #tpu.memory_space<semaphore_mem>>
      %dma_start3A_316 = arith.constant 0 : i32
      %dma_start3A_317 = tpu.memref_slice %arg2[%mul3A_6, %dma_start3A_316] : memref<1264x128xf32, #tpu.memory_space<hbm>> -> memref<79x128xf32, #tpu.memory_space<hbm>>
      %dma_start3A_318 = arith.constant 0 : i32
      %dma_start3A_319 = tpu.memref_slice %arg2[%mul3A_6, %dma_start3A_318] : memref<1264x128xf32, #tpu.memory_space<hbm>> -> memref<79x128xf32, #tpu.memory_space<hbm>>
      tpu.enqueue_dma source(%dma_start3A_319 : memref<79x128xf32, #tpu.memory_space<hbm>>) target(%arg12 : memref<79x128xf32, #tpu.memory_space<vmem>>) target_semaphore(%run_scoped3A : memref<!tpu.dma_semaphore, #tpu.memory_space<semaphore_mem>>)
      %dma_wait3A_320 = arith.constant 0 : i32
      %dma_wait3A_321 = tpu.memref_slice %arg2[%mul3A_6, %dma_wait3A_320] : memref<1264x128xf32, #tpu.memory_space<hbm>> -> memref<79x128xf32, #tpu.memory_space<hbm>>
      %dma_wait3A_322 = arith.constant 0 : i32
      %dma_wait3A_323 = tpu.memref_slice %arg2[%mul3A_6, %dma_wait3A_322] : memref<1264x128xf32, #tpu.memory_space<hbm>> -> memref<79x128xf32, #tpu.memory_space<hbm>>
      tpu.wait_dma2 semaphore(%run_scoped3A : memref<!tpu.dma_semaphore, #tpu.memory_space<semaphore_mem>>) src(%dma_wait3A_323 : memref<79x128xf32, #tpu.memory_space<hbm>>) dst(%arg12 : memref<79x128xf32, #tpu.memory_space<vmem>>)
      tpu.yield
    }) : () -> ()
    %scan3A = arith.constant 0 : i32
    %scan3A_7 = arith.constant 79 : i32
    %scan3A_8 = arith.addi %scan3A, %scan3A_7 : i32
    %scan3A_9 = arith.constant 1 : i32
    scf.for %scan3A_316 = %scan3A to %scan3A_8 step %scan3A_9  : i32 {
      %mul3A_317 = arith.constant 1 : i32
      %mul3A_318 = arith.muli %scan3A_316, %mul3A_317 : i32
      %add3A_319 = arith.constant 0 : i32
      %add3A_320 = arith.addi %add3A_319, %mul3A_318 : i32
      %get3A = arith.index_cast %add3A_320 : i32 to index
      %get3A_321 = arith.constant 0 : index
      %get3A_322 = tpu.vector_load %arg12[%get3A, %get3A_321] {strides = array<i32>} : memref<79x128xf32, #tpu.memory_space<vmem>>, vector<1x16xf32>,
      %get3A_323 = vector.shape_cast %get3A_322 : vector<1x16xf32> to vector<16xf32>
      %mul3A_324 = arith.constant 8 : i32
      %mul3A_325 = arith.muli %mul3A_324, %add3A_320 : i32
      %add3A_326 = arith.constant 0 : i32
      %add3A_327 = arith.addi %mul3A_325, %add3A_326 : i32
      %swap3A = arith.index_cast %add3A_327 : i32 to index
      %swap3A_328 = arith.constant 0 : index
      %swap3A_329 = tpu.vector_load %arg11[%swap3A, %swap3A_328] {strides = array<i32>} : memref<632x16xf32, #tpu.memory_space<vmem>>, vector<1x16xf32>,
      %swap3A_330 = vector.shape_cast %swap3A_329 : vector<1x16xf32> to vector<16xf32>
      %swap3A_331 = vector.shape_cast %get3A_323 : vector<16xf32> to vector<1x16xf32>
      tpu.vector_store %arg11[%swap3A, %swap3A_328], %swap3A_331 {strides = array<i32>} : memref<632x16xf32, #tpu.memory_space<vmem>>, vector<1x16xf32>,
      %get3A_332 = arith.index_cast %add3A_320 : i32 to index
      %get3A_333 = arith.constant 16 : index
      %get3A_334 = tpu.vector_load %arg12[%get3A_332, %get3A_333] {strides = array<i32>} : memref<79x128xf32, #tpu.memory_space<vmem>>, vector<1x16xf32>,
      %get3A_335 = vector.shape_cast %get3A_334 : vector<1x16xf32> to vector<16xf32>
      %mul3A_336 = arith.constant 8 : i32
      %mul3A_337 = arith.muli %mul3A_336, %add3A_320 : i32
      %add3A_338 = arith.constant 1 : i32
      %add3A_339 = arith.addi %mul3A_337, %add3A_338 : i32
      %swap3A_340 = arith.index_cast %add3A_339 : i32 to index
      %swap3A_341 = arith.constant 0 : index
      %swap3A_342 = tpu.vector_load %arg11[%swap3A_340, %swap3A_341] {strides = array<i32>} : memref<632x16xf32, #tpu.memory_space<vmem>>, vector<1x16xf32>,
      %swap3A_343 = vector.shape_cast %swap3A_342 : vector<1x16xf32> to vector<16xf32>
      %swap3A_344 = vector.shape_cast %get3A_335 : vector<16xf32> to vector<1x16xf32>
      tpu.vector_store %arg11[%swap3A_340, %swap3A_341], %swap3A_344 {strides = array<i32>} : memref<632x16xf32, #tpu.memory_space<vmem>>, vector<1x16xf32>,
      %get3A_345 = arith.index_cast %add3A_320 : i32 to index
      %get3A_346 = arith.constant 32 : index
      %get3A_347 = tpu.vector_load %arg12[%get3A_345, %get3A_346] {strides = array<i32>} : memref<79x128xf32, #tpu.memory_space<vmem>>, vector<1x16xf32>,
      %get3A_348 = vector.shape_cast %get3A_347 : vector<1x16xf32> to vector<16xf32>
      %mul3A_349 = arith.constant 8 : i32
      %mul3A_350 = arith.muli %mul3A_349, %add3A_320 : i32
      %add3A_351 = arith.constant 2 : i32
      %add3A_352 = arith.addi %mul3A_350, %add3A_351 : i32
      %swap3A_353 = arith.index_cast %add3A_352 : i32 to index
      %swap3A_354 = arith.constant 0 : index
      %swap3A_355 = tpu.vector_load %arg11[%swap3A_353, %swap3A_354] {strides = array<i32>} : memref<632x16xf32, #tpu.memory_space<vmem>>, vector<1x16xf32>,
      %swap3A_356 = vector.shape_cast %swap3A_355 : vector<1x16xf32> to vector<16xf32>
      %swap3A_357 = vector.shape_cast %get3A_348 : vector<16xf32> to vector<1x16xf32>
      tpu.vector_store %arg11[%swap3A_353, %swap3A_354], %swap3A_357 {strides = array<i32>} : memref<632x16xf32, #tpu.memory_space<vmem>>, vector<1x16xf32>,
      %get3A_358 = arith.index_cast %add3A_320 : i32 to index
      %get3A_359 = arith.constant 48 : index
      %get3A_360 = tpu.vector_load %arg12[%get3A_358, %get3A_359] {strides = array<i32>} : memref<79x128xf32, #tpu.memory_space<vmem>>, vector<1x16xf32>,
      %get3A_361 = vector.shape_cast %get3A_360 : vector<1x16xf32> to vector<16xf32>
      %mul3A_362 = arith.constant 8 : i32
      %mul3A_363 = arith.muli %mul3A_362, %add3A_320 : i32
      %add3A_364 = arith.constant 3 : i32
      %add3A_365 = arith.addi %mul3A_363, %add3A_364 : i32
      %swap3A_366 = arith.index_cast %add3A_365 : i32 to index
      %swap3A_367 = arith.constant 0 : index
      %swap3A_368 = tpu.vector_load %arg11[%swap3A_366, %swap3A_367] {strides = array<i32>} : memref<632x16xf32, #tpu.memory_space<vmem>>, vector<1x16xf32>,
      %swap3A_369 = vector.shape_cast %swap3A_368 : vector<1x16xf32> to vector<16xf32>
      %swap3A_370 = vector.shape_cast %get3A_361 : vector<16xf32> to vector<1x16xf32>
      tpu.vector_store %arg11[%swap3A_366, %swap3A_367], %swap3A_370 {strides = array<i32>} : memref<632x16xf32, #tpu.memory_space<vmem>>, vector<1x16xf32>,
      %get3A_371 = arith.index_cast %add3A_320 : i32 to index
      %get3A_372 = arith.constant 64 : index
      %get3A_373 = tpu.vector_load %arg12[%get3A_371, %get3A_372] {strides = array<i32>} : memref<79x128xf32, #tpu.memory_space<vmem>>, vector<1x16xf32>,
      %get3A_374 = vector.shape_cast %get3A_373 : vector<1x16xf32> to vector<16xf32>
      %mul3A_375 = arith.constant 8 : i32
      %mul3A_376 = arith.muli %mul3A_375, %add3A_320 : i32
      %add3A_377 = arith.constant 4 : i32
      %add3A_378 = arith.addi %mul3A_376, %add3A_377 : i32
      %swap3A_379 = arith.index_cast %add3A_378 : i32 to index
      %swap3A_380 = arith.constant 0 : index
      %swap3A_381 = tpu.vector_load %arg11[%swap3A_379, %swap3A_380] {strides = array<i32>} : memref<632x16xf32, #tpu.memory_space<vmem>>, vector<1x16xf32>,
      %swap3A_382 = vector.shape_cast %swap3A_381 : vector<1x16xf32> to vector<16xf32>
      %swap3A_383 = vector.shape_cast %get3A_374 : vector<16xf32> to vector<1x16xf32>
      tpu.vector_store %arg11[%swap3A_379, %swap3A_380], %swap3A_383 {strides = array<i32>} : memref<632x16xf32, #tpu.memory_space<vmem>>, vector<1x16xf32>,
      %get3A_384 = arith.index_cast %add3A_320 : i32 to index
      %get3A_385 = arith.constant 80 : index
      %get3A_386 = tpu.vector_load %arg12[%get3A_384, %get3A_385] {strides = array<i32>} : memref<79x128xf32, #tpu.memory_space<vmem>>, vector<1x16xf32>,
      %get3A_387 = vector.shape_cast %get3A_386 : vector<1x16xf32> to vector<16xf32>
      %mul3A_388 = arith.constant 8 : i32
      %mul3A_389 = arith.muli %mul3A_388, %add3A_320 : i32
      %add3A_390 = arith.constant 5 : i32
      %add3A_391 = arith.addi %mul3A_389, %add3A_390 : i32
      %swap3A_392 = arith.index_cast %add3A_391 : i32 to index
      %swap3A_393 = arith.constant 0 : index
      %swap3A_394 = tpu.vector_load %arg11[%swap3A_392, %swap3A_393] {strides = array<i32>} : memref<632x16xf32, #tpu.memory_space<vmem>>, vector<1x16xf32>,
      %swap3A_395 = vector.shape_cast %swap3A_394 : vector<1x16xf32> to vector<16xf32>
      %swap3A_396 = vector.shape_cast %get3A_387 : vector<16xf32> to vector<1x16xf32>
      tpu.vector_store %arg11[%swap3A_392, %swap3A_393], %swap3A_396 {strides = array<i32>} : memref<632x16xf32, #tpu.memory_space<vmem>>, vector<1x16xf32>,
      %get3A_397 = arith.index_cast %add3A_320 : i32 to index
      %get3A_398 = arith.constant 96 : index
      %get3A_399 = tpu.vector_load %arg12[%get3A_397, %get3A_398] {strides = array<i32>} : memref<79x128xf32, #tpu.memory_space<vmem>>, vector<1x16xf32>,
      %get3A_400 = vector.shape_cast %get3A_399 : vector<1x16xf32> to vector<16xf32>
      %mul3A_401 = arith.constant 8 : i32
      %mul3A_402 = arith.muli %mul3A_401, %add3A_320 : i32
      %add3A_403 = arith.constant 6 : i32
      %add3A_404 = arith.addi %mul3A_402, %add3A_403 : i32
      %swap3A_405 = arith.index_cast %add3A_404 : i32 to index
      %swap3A_406 = arith.constant 0 : index
      %swap3A_407 = tpu.vector_load %arg11[%swap3A_405, %swap3A_406] {strides = array<i32>} : memref<632x16xf32, #tpu.memory_space<vmem>>, vector<1x16xf32>,
      %swap3A_408 = vector.shape_cast %swap3A_407 : vector<1x16xf32> to vector<16xf32>
      %swap3A_409 = vector.shape_cast %get3A_400 : vector<16xf32> to vector<1x16xf32>
      tpu.vector_store %arg11[%swap3A_405, %swap3A_406], %swap3A_409 {strides = array<i32>} : memref<632x16xf32, #tpu.memory_space<vmem>>, vector<1x16xf32>,
      %get3A_410 = arith.index_cast %add3A_320 : i32 to index
      %get3A_411 = arith.constant 112 : index
      %get3A_412 = tpu.vector_load %arg12[%get3A_410, %get3A_411] {strides = array<i32>} : memref<79x128xf32, #tpu.memory_space<vmem>>, vector<1x16xf32>,
      %get3A_413 = vector.shape_cast %get3A_412 : vector<1x16xf32> to vector<16xf32>
      %mul3A_414 = arith.constant 8 : i32
      %mul3A_415 = arith.muli %mul3A_414, %add3A_320 : i32
      %add3A_416 = arith.constant 7 : i32
      %add3A_417 = arith.addi %mul3A_415, %add3A_416 : i32
      %swap3A_418 = arith.index_cast %add3A_417 : i32 to index
      %swap3A_419 = arith.constant 0 : index
      %swap3A_420 = tpu.vector_load %arg11[%swap3A_418, %swap3A_419] {strides = array<i32>} : memref<632x16xf32, #tpu.memory_space<vmem>>, vector<1x16xf32>,
      %swap3A_421 = vector.shape_cast %swap3A_420 : vector<1x16xf32> to vector<16xf32>
      %swap3A_422 = vector.shape_cast %get3A_413 : vector<16xf32> to vector<1x16xf32>
      tpu.vector_store %arg11[%swap3A_418, %swap3A_419], %swap3A_422 {strides = array<i32>} : memref<632x16xf32, #tpu.memory_space<vmem>>, vector<1x16xf32>,
    }
    %scan3A_10 = arith.constant 79 : i32
    %mul3A_11 = arith.constant 632 : i32
    %mul3A_12 = arith.muli %arg1, %mul3A_11 : i32
    %dma_start3A = arith.constant 0 : i32
    %dma_start3A_13 = tpu.memref_slice %arg7[%arg0, %mul3A_12, %dma_start3A] : memref<2x10112x16xf32, #tpu.memory_space<hbm>> -> memref<1x632x16xf32, #tpu.memory_space<hbm>>
    %dma_start3A_14 = tpu.memref_squeeze %dma_start3A_13 : memref<1x632x16xf32, #tpu.memory_space<hbm>> -> memref<632x16xf32, #tpu.memory_space<hbm>>
    %dma_start3A_15 = arith.constant 0 : i32
    %dma_start3A_16 = tpu.memref_slice %arg7[%arg0, %mul3A_12, %dma_start3A_15] : memref<2x10112x16xf32, #tpu.memory_space<hbm>> -> memref<1x632x16xf32, #tpu.memory_space<hbm>>
    %dma_start3A_17 = tpu.memref_squeeze %dma_start3A_16 : memref<1x632x16xf32, #tpu.memory_space<hbm>> -> memref<632x16xf32, #tpu.memory_space<hbm>>
    tpu.enqueue_dma source(%arg11 : memref<632x16xf32, #tpu.memory_space<vmem>>) target(%dma_start3A_17 : memref<632x16xf32, #tpu.memory_space<hbm>>) target_semaphore(%arg16 : memref<!tpu.dma_semaphore, #tpu.memory_space<semaphore_mem>>)
    %mul3A_18 = arith.constant 632 : i32
    %mul3A_19 = arith.muli %arg1, %mul3A_18 : i32
    %mul3A_20 = arith.constant 632 : i32
    %mul3A_21 = arith.muli %arg1, %mul3A_20 : i32
    "tpu.region"() ({
      %run_scoped3A = tpu.sem_alloc : memref<!tpu.dma_semaphore, #tpu.memory_space<semaphore_mem>>
      %dma_start3A_316 = arith.constant 0 : i32
      %dma_start3A_317 = tpu.memref_slice %arg13[%mul3A_21, %dma_start3A_316] : memref<10112x16xf32, #tpu.memory_space<vmem_shared>> -> memref<632x16xf32, #tpu.memory_space<vmem_shared>>
      %dma_start3A_318 = arith.constant 0 : i32
      %dma_start3A_319 = tpu.memref_slice %arg5[%mul3A_19, %dma_start3A_318] : memref<10112x16xf32, #tpu.memory_space<hbm>> -> memref<632x16xf32, #tpu.memory_space<hbm>>
      tpu.enqueue_dma source(%dma_start3A_319 : memref<632x16xf32, #tpu.memory_space<hbm>>) target(%dma_start3A_317 : memref<632x16xf32, #tpu.memory_space<vmem_shared>>) target_semaphore(%run_scoped3A : memref<!tpu.dma_semaphore, #tpu.memory_space<semaphore_mem>>)
      %dma_wait3A_320 = arith.constant 0 : i32
      %dma_wait3A_321 = tpu.memref_slice %arg13[%mul3A_21, %dma_wait3A_320] : memref<10112x16xf32, #tpu.memory_space<vmem_shared>> -> memref<632x16xf32, #tpu.memory_space<vmem_shared>>
      %dma_wait3A_322 = arith.constant 0 : i32
      %dma_wait3A_323 = tpu.memref_slice %arg5[%mul3A_19, %dma_wait3A_322] : memref<10112x16xf32, #tpu.memory_space<hbm>> -> memref<632x16xf32, #tpu.memory_space<hbm>>
      tpu.wait_dma2 semaphore(%run_scoped3A : memref<!tpu.dma_semaphore, #tpu.memory_space<semaphore_mem>>) src(%dma_wait3A_323 : memref<632x16xf32, #tpu.memory_space<hbm>>) dst(%dma_wait3A_321 : memref<632x16xf32, #tpu.memory_space<vmem_shared>>)
      tpu.yield
    }) : () -> ()
    %mul3A_22 = arith.constant 632 : i32
    %mul3A_23 = arith.muli %arg1, %mul3A_22 : i32
    %dma_wait3A = arith.constant 0 : i32
    %dma_wait3A_24 = tpu.memref_slice %arg7[%arg0, %mul3A_23, %dma_wait3A] : memref<2x10112x16xf32, #tpu.memory_space<hbm>> -> memref<1x632x16xf32, #tpu.memory_space<hbm>>
    %dma_wait3A_25 = tpu.memref_squeeze %dma_wait3A_24 : memref<1x632x16xf32, #tpu.memory_space<hbm>> -> memref<632x16xf32, #tpu.memory_space<hbm>>
    %dma_wait3A_26 = arith.constant 0 : i32
    %dma_wait3A_27 = tpu.memref_slice %arg7[%arg0, %mul3A_23, %dma_wait3A_26] : memref<2x10112x16xf32, #tpu.memory_space<hbm>> -> memref<1x632x16xf32, #tpu.memory_space<hbm>>
    %dma_wait3A_28 = tpu.memref_squeeze %dma_wait3A_27 : memref<1x632x16xf32, #tpu.memory_space<hbm>> -> memref<632x16xf32, #tpu.memory_space<hbm>>
    tpu.wait_dma2 semaphore(%arg16 : memref<!tpu.dma_semaphore, #tpu.memory_space<semaphore_mem>>) src(%arg11 : memref<632x16xf32, #tpu.memory_space<vmem>>) dst(%dma_wait3A_28 : memref<632x16xf32, #tpu.memory_space<hbm>>)
    %barrier3A = arith.constant 0 : index
    tpu.barrier barrier_id(%barrier3A)
    %dma_start3A_29 = arith.constant 0 : i32
    %dma_start3A_30 = arith.constant 0 : i32
    %dma_start3A_31 = arith.constant 0 : i32
    %dma_start3A_32 = arith.constant 0 : i32
    %dma_start3A_33 = arith.constant 0 : i32
    %dma_start3A_34 = tpu.memref_slice %arg10[%dma_start3A_30, %dma_start3A_32, %dma_start3A_33] : memref<8x128x16xf32, #tpu.memory_space<vmem>> -> memref<1x128x16xf32, #tpu.memory_space<vmem>>
    %dma_start3A_35 = tpu.memref_squeeze %dma_start3A_34 : memref<1x128x16xf32, #tpu.memory_space<vmem>> -> memref<128x16xf32, #tpu.memory_space<vmem>>
    %dma_start3A_36 = arith.constant 0 : i32
    %dma_start3A_37 = tpu.memref_slice %arg8[%dma_start3A_29, %dma_start3A_36] : memref<80x128xi32, #tpu.memory_space<vmem>> -> memref<1x128xi32, #tpu.memory_space<vmem>>
    %dma_start3A_38 = tpu.memref_squeeze %dma_start3A_37 : memref<1x128xi32, #tpu.memory_space<vmem>> -> memref<128xi32, #tpu.memory_space<vmem>>
    %dma_start3A_39 = arith.constant 0 : i32
    %dma_start3A_40 = arith.constant 0 : i32
    %dma_start3A_41 = tpu.memref_slice %arg7[%arg0, %dma_start3A_39, %dma_start3A_40] : memref<2x10112x16xf32, #tpu.memory_space<hbm>> -> memref<1x10112x16xf32, #tpu.memory_space<hbm>>
    %dma_start3A_42 = tpu.memref_squeeze %dma_start3A_41 : memref<1x10112x16xf32, #tpu.memory_space<hbm>> -> memref<10112x16xf32, #tpu.memory_space<hbm>>
    %dma_start3A_43 = arith.constant 0 : i32
    %dma_start3A_44 = arith.constant 0 : i32
    %dma_start3A_45 = tpu.memref_slice %dma_start3A_42[%dma_start3A_43, %dma_start3A_44] : memref<10112x16xf32, #tpu.memory_space<hbm>> -> memref<10112x16xf32, #tpu.memory_space<hbm>>
    %dma_start3A_46 = tpu.memref_slice %arg14[%dma_start3A_31] : memref<8x!tpu.dma_semaphore, #tpu.memory_space<semaphore_mem>> -> memref<1x!tpu.dma_semaphore, #tpu.memory_space<semaphore_mem>>
    %dma_start3A_47 = tpu.memref_squeeze %dma_start3A_46 : memref<1x!tpu.dma_semaphore, #tpu.memory_space<semaphore_mem>> -> memref<!tpu.dma_semaphore, #tpu.memory_space<semaphore_mem>>
    tpu.enqueue_indirect_dma source(%dma_start3A_45 : memref<10112x16xf32, #tpu.memory_space<hbm>>) target(%dma_start3A_35 : memref<128x16xf32, #tpu.memory_space<vmem>>) offsets(%dma_start3A_38 : memref<128xi32, #tpu.memory_space<vmem>>) semaphore(%dma_start3A_47 : memref<!tpu.dma_semaphore, #tpu.memory_space<semaphore_mem>>)
    %dma_start3A_48 = arith.constant 1 : i32
    %dma_start3A_49 = arith.constant 1 : i32
    %dma_start3A_50 = arith.constant 1 : i32
    %dma_start3A_51 = arith.constant 0 : i32
    %dma_start3A_52 = arith.constant 0 : i32
    %dma_start3A_53 = tpu.memref_slice %arg10[%dma_start3A_49, %dma_start3A_51, %dma_start3A_52] : memref<8x128x16xf32, #tpu.memory_space<vmem>> -> memref<1x128x16xf32, #tpu.memory_space<vmem>>
    %dma_start3A_54 = tpu.memref_squeeze %dma_start3A_53 : memref<1x128x16xf32, #tpu.memory_space<vmem>> -> memref<128x16xf32, #tpu.memory_space<vmem>>
    %dma_start3A_55 = arith.constant 0 : i32
    %dma_start3A_56 = tpu.memref_slice %arg8[%dma_start3A_48, %dma_start3A_55] : memref<80x128xi32, #tpu.memory_space<vmem>> -> memref<1x128xi32, #tpu.memory_space<vmem>>
    %dma_start3A_57 = tpu.memref_squeeze %dma_start3A_56 : memref<1x128xi32, #tpu.memory_space<vmem>> -> memref<128xi32, #tpu.memory_space<vmem>>
    %dma_start3A_58 = arith.constant 0 : i32
    %dma_start3A_59 = arith.constant 0 : i32
    %dma_start3A_60 = tpu.memref_slice %arg7[%arg0, %dma_start3A_58, %dma_start3A_59] : memref<2x10112x16xf32, #tpu.memory_space<hbm>> -> memref<1x10112x16xf32, #tpu.memory_space<hbm>>
    %dma_start3A_61 = tpu.memref_squeeze %dma_start3A_60 : memref<1x10112x16xf32, #tpu.memory_space<hbm>> -> memref<10112x16xf32, #tpu.memory_space<hbm>>
    %dma_start3A_62 = arith.constant 0 : i32
    %dma_start3A_63 = arith.constant 0 : i32
    %dma_start3A_64 = tpu.memref_slice %dma_start3A_61[%dma_start3A_62, %dma_start3A_63] : memref<10112x16xf32, #tpu.memory_space<hbm>> -> memref<10112x16xf32, #tpu.memory_space<hbm>>
    %dma_start3A_65 = tpu.memref_slice %arg14[%dma_start3A_50] : memref<8x!tpu.dma_semaphore, #tpu.memory_space<semaphore_mem>> -> memref<1x!tpu.dma_semaphore, #tpu.memory_space<semaphore_mem>>
    %dma_start3A_66 = tpu.memref_squeeze %dma_start3A_65 : memref<1x!tpu.dma_semaphore, #tpu.memory_space<semaphore_mem>> -> memref<!tpu.dma_semaphore, #tpu.memory_space<semaphore_mem>>
    tpu.enqueue_indirect_dma source(%dma_start3A_64 : memref<10112x16xf32, #tpu.memory_space<hbm>>) target(%dma_start3A_54 : memref<128x16xf32, #tpu.memory_space<vmem>>) offsets(%dma_start3A_57 : memref<128xi32, #tpu.memory_space<vmem>>) semaphore(%dma_start3A_66 : memref<!tpu.dma_semaphore, #tpu.memory_space<semaphore_mem>>)
    %dma_start3A_67 = arith.constant 2 : i32
    %dma_start3A_68 = arith.constant 2 : i32
    %dma_start3A_69 = arith.constant 2 : i32
    %dma_start3A_70 = arith.constant 0 : i32
    %dma_start3A_71 = arith.constant 0 : i32
    %dma_start3A_72 = tpu.memref_slice %arg10[%dma_start3A_68, %dma_start3A_70, %dma_start3A_71] : memref<8x128x16xf32, #tpu.memory_space<vmem>> -> memref<1x128x16xf32, #tpu.memory_space<vmem>>
    %dma_start3A_73 = tpu.memref_squeeze %dma_start3A_72 : memref<1x128x16xf32, #tpu.memory_space<vmem>> -> memref<128x16xf32, #tpu.memory_space<vmem>>
    %dma_start3A_74 = arith.constant 0 : i32
    %dma_start3A_75 = tpu.memref_slice %arg8[%dma_start3A_67, %dma_start3A_74] : memref<80x128xi32, #tpu.memory_space<vmem>> -> memref<1x128xi32, #tpu.memory_space<vmem>>
    %dma_start3A_76 = tpu.memref_squeeze %dma_start3A_75 : memref<1x128xi32, #tpu.memory_space<vmem>> -> memref<128xi32, #tpu.memory_space<vmem>>
    %dma_start3A_77 = arith.constant 0 : i32
    %dma_start3A_78 = arith.constant 0 : i32
    %dma_start3A_79 = tpu.memref_slice %arg7[%arg0, %dma_start3A_77, %dma_start3A_78] : memref<2x10112x16xf32, #tpu.memory_space<hbm>> -> memref<1x10112x16xf32, #tpu.memory_space<hbm>>
    %dma_start3A_80 = tpu.memref_squeeze %dma_start3A_79 : memref<1x10112x16xf32, #tpu.memory_space<hbm>> -> memref<10112x16xf32, #tpu.memory_space<hbm>>
    %dma_start3A_81 = arith.constant 0 : i32
    %dma_start3A_82 = arith.constant 0 : i32
    %dma_start3A_83 = tpu.memref_slice %dma_start3A_80[%dma_start3A_81, %dma_start3A_82] : memref<10112x16xf32, #tpu.memory_space<hbm>> -> memref<10112x16xf32, #tpu.memory_space<hbm>>
    %dma_start3A_84 = tpu.memref_slice %arg14[%dma_start3A_69] : memref<8x!tpu.dma_semaphore, #tpu.memory_space<semaphore_mem>> -> memref<1x!tpu.dma_semaphore, #tpu.memory_space<semaphore_mem>>
    %dma_start3A_85 = tpu.memref_squeeze %dma_start3A_84 : memref<1x!tpu.dma_semaphore, #tpu.memory_space<semaphore_mem>> -> memref<!tpu.dma_semaphore, #tpu.memory_space<semaphore_mem>>
    tpu.enqueue_indirect_dma source(%dma_start3A_83 : memref<10112x16xf32, #tpu.memory_space<hbm>>) target(%dma_start3A_73 : memref<128x16xf32, #tpu.memory_space<vmem>>) offsets(%dma_start3A_76 : memref<128xi32, #tpu.memory_space<vmem>>) semaphore(%dma_start3A_85 : memref<!tpu.dma_semaphore, #tpu.memory_space<semaphore_mem>>)
    %dma_start3A_86 = arith.constant 3 : i32
    %dma_start3A_87 = arith.constant 3 : i32
    %dma_start3A_88 = arith.constant 3 : i32
    %dma_start3A_89 = arith.constant 0 : i32
    %dma_start3A_90 = arith.constant 0 : i32
    %dma_start3A_91 = tpu.memref_slice %arg10[%dma_start3A_87, %dma_start3A_89, %dma_start3A_90] : memref<8x128x16xf32, #tpu.memory_space<vmem>> -> memref<1x128x16xf32, #tpu.memory_space<vmem>>
    %dma_start3A_92 = tpu.memref_squeeze %dma_start3A_91 : memref<1x128x16xf32, #tpu.memory_space<vmem>> -> memref<128x16xf32, #tpu.memory_space<vmem>>
    %dma_start3A_93 = arith.constant 0 : i32
    %dma_start3A_94 = tpu.memref_slice %arg8[%dma_start3A_86, %dma_start3A_93] : memref<80x128xi32, #tpu.memory_space<vmem>> -> memref<1x128xi32, #tpu.memory_space<vmem>>
    %dma_start3A_95 = tpu.memref_squeeze %dma_start3A_94 : memref<1x128xi32, #tpu.memory_space<vmem>> -> memref<128xi32, #tpu.memory_space<vmem>>
    %dma_start3A_96 = arith.constant 0 : i32
    %dma_start3A_97 = arith.constant 0 : i32
    %dma_start3A_98 = tpu.memref_slice %arg7[%arg0, %dma_start3A_96, %dma_start3A_97] : memref<2x10112x16xf32, #tpu.memory_space<hbm>> -> memref<1x10112x16xf32, #tpu.memory_space<hbm>>
    %dma_start3A_99 = tpu.memref_squeeze %dma_start3A_98 : memref<1x10112x16xf32, #tpu.memory_space<hbm>> -> memref<10112x16xf32, #tpu.memory_space<hbm>>
    %dma_start3A_100 = arith.constant 0 : i32
    %dma_start3A_101 = arith.constant 0 : i32
    %dma_start3A_102 = tpu.memref_slice %dma_start3A_99[%dma_start3A_100, %dma_start3A_101] : memref<10112x16xf32, #tpu.memory_space<hbm>> -> memref<10112x16xf32, #tpu.memory_space<hbm>>
    %dma_start3A_103 = tpu.memref_slice %arg14[%dma_start3A_88] : memref<8x!tpu.dma_semaphore, #tpu.memory_space<semaphore_mem>> -> memref<1x!tpu.dma_semaphore, #tpu.memory_space<semaphore_mem>>
    %dma_start3A_104 = tpu.memref_squeeze %dma_start3A_103 : memref<1x!tpu.dma_semaphore, #tpu.memory_space<semaphore_mem>> -> memref<!tpu.dma_semaphore, #tpu.memory_space<semaphore_mem>>
    tpu.enqueue_indirect_dma source(%dma_start3A_102 : memref<10112x16xf32, #tpu.memory_space<hbm>>) target(%dma_start3A_92 : memref<128x16xf32, #tpu.memory_space<vmem>>) offsets(%dma_start3A_95 : memref<128xi32, #tpu.memory_space<vmem>>) semaphore(%dma_start3A_104 : memref<!tpu.dma_semaphore, #tpu.memory_space<semaphore_mem>>)
    %dma_start3A_105 = arith.constant 4 : i32
    %dma_start3A_106 = arith.constant 4 : i32
    %dma_start3A_107 = arith.constant 4 : i32
    %dma_start3A_108 = arith.constant 0 : i32
    %dma_start3A_109 = arith.constant 0 : i32
    %dma_start3A_110 = tpu.memref_slice %arg10[%dma_start3A_106, %dma_start3A_108, %dma_start3A_109] : memref<8x128x16xf32, #tpu.memory_space<vmem>> -> memref<1x128x16xf32, #tpu.memory_space<vmem>>
    %dma_start3A_111 = tpu.memref_squeeze %dma_start3A_110 : memref<1x128x16xf32, #tpu.memory_space<vmem>> -> memref<128x16xf32, #tpu.memory_space<vmem>>
    %dma_start3A_112 = arith.constant 0 : i32
    %dma_start3A_113 = tpu.memref_slice %arg8[%dma_start3A_105, %dma_start3A_112] : memref<80x128xi32, #tpu.memory_space<vmem>> -> memref<1x128xi32, #tpu.memory_space<vmem>>
    %dma_start3A_114 = tpu.memref_squeeze %dma_start3A_113 : memref<1x128xi32, #tpu.memory_space<vmem>> -> memref<128xi32, #tpu.memory_space<vmem>>
    %dma_start3A_115 = arith.constant 0 : i32
    %dma_start3A_116 = arith.constant 0 : i32
    %dma_start3A_117 = tpu.memref_slice %arg7[%arg0, %dma_start3A_115, %dma_start3A_116] : memref<2x10112x16xf32, #tpu.memory_space<hbm>> -> memref<1x10112x16xf32, #tpu.memory_space<hbm>>
    %dma_start3A_118 = tpu.memref_squeeze %dma_start3A_117 : memref<1x10112x16xf32, #tpu.memory_space<hbm>> -> memref<10112x16xf32, #tpu.memory_space<hbm>>
    %dma_start3A_119 = arith.constant 0 : i32
    %dma_start3A_120 = arith.constant 0 : i32
    %dma_start3A_121 = tpu.memref_slice %dma_start3A_118[%dma_start3A_119, %dma_start3A_120] : memref<10112x16xf32, #tpu.memory_space<hbm>> -> memref<10112x16xf32, #tpu.memory_space<hbm>>
    %dma_start3A_122 = tpu.memref_slice %arg14[%dma_start3A_107] : memref<8x!tpu.dma_semaphore, #tpu.memory_space<semaphore_mem>> -> memref<1x!tpu.dma_semaphore, #tpu.memory_space<semaphore_mem>>
    %dma_start3A_123 = tpu.memref_squeeze %dma_start3A_122 : memref<1x!tpu.dma_semaphore, #tpu.memory_space<semaphore_mem>> -> memref<!tpu.dma_semaphore, #tpu.memory_space<semaphore_mem>>
    tpu.enqueue_indirect_dma source(%dma_start3A_121 : memref<10112x16xf32, #tpu.memory_space<hbm>>) target(%dma_start3A_111 : memref<128x16xf32, #tpu.memory_space<vmem>>) offsets(%dma_start3A_114 : memref<128xi32, #tpu.memory_space<vmem>>) semaphore(%dma_start3A_123 : memref<!tpu.dma_semaphore, #tpu.memory_space<semaphore_mem>>)
    %dma_start3A_124 = arith.constant 5 : i32
    %dma_start3A_125 = arith.constant 5 : i32
    %dma_start3A_126 = arith.constant 5 : i32
    %dma_start3A_127 = arith.constant 0 : i32
    %dma_start3A_128 = arith.constant 0 : i32
    %dma_start3A_129 = tpu.memref_slice %arg10[%dma_start3A_125, %dma_start3A_127, %dma_start3A_128] : memref<8x128x16xf32, #tpu.memory_space<vmem>> -> memref<1x128x16xf32, #tpu.memory_space<vmem>>
    %dma_start3A_130 = tpu.memref_squeeze %dma_start3A_129 : memref<1x128x16xf32, #tpu.memory_space<vmem>> -> memref<128x16xf32, #tpu.memory_space<vmem>>
    %dma_start3A_131 = arith.constant 0 : i32
    %dma_start3A_132 = tpu.memref_slice %arg8[%dma_start3A_124, %dma_start3A_131] : memref<80x128xi32, #tpu.memory_space<vmem>> -> memref<1x128xi32, #tpu.memory_space<vmem>>
    %dma_start3A_133 = tpu.memref_squeeze %dma_start3A_132 : memref<1x128xi32, #tpu.memory_space<vmem>> -> memref<128xi32, #tpu.memory_space<vmem>>
    %dma_start3A_134 = arith.constant 0 : i32
    %dma_start3A_135 = arith.constant 0 : i32
    %dma_start3A_136 = tpu.memref_slice %arg7[%arg0, %dma_start3A_134, %dma_start3A_135] : memref<2x10112x16xf32, #tpu.memory_space<hbm>> -> memref<1x10112x16xf32, #tpu.memory_space<hbm>>
    %dma_start3A_137 = tpu.memref_squeeze %dma_start3A_136 : memref<1x10112x16xf32, #tpu.memory_space<hbm>> -> memref<10112x16xf32, #tpu.memory_space<hbm>>
    %dma_start3A_138 = arith.constant 0 : i32
    %dma_start3A_139 = arith.constant 0 : i32
    %dma_start3A_140 = tpu.memref_slice %dma_start3A_137[%dma_start3A_138, %dma_start3A_139] : memref<10112x16xf32, #tpu.memory_space<hbm>> -> memref<10112x16xf32, #tpu.memory_space<hbm>>
    %dma_start3A_141 = tpu.memref_slice %arg14[%dma_start3A_126] : memref<8x!tpu.dma_semaphore, #tpu.memory_space<semaphore_mem>> -> memref<1x!tpu.dma_semaphore, #tpu.memory_space<semaphore_mem>>
    %dma_start3A_142 = tpu.memref_squeeze %dma_start3A_141 : memref<1x!tpu.dma_semaphore, #tpu.memory_space<semaphore_mem>> -> memref<!tpu.dma_semaphore, #tpu.memory_space<semaphore_mem>>
    tpu.enqueue_indirect_dma source(%dma_start3A_140 : memref<10112x16xf32, #tpu.memory_space<hbm>>) target(%dma_start3A_130 : memref<128x16xf32, #tpu.memory_space<vmem>>) offsets(%dma_start3A_133 : memref<128xi32, #tpu.memory_space<vmem>>) semaphore(%dma_start3A_142 : memref<!tpu.dma_semaphore, #tpu.memory_space<semaphore_mem>>)
    %dma_start3A_143 = arith.constant 6 : i32
    %dma_start3A_144 = arith.constant 6 : i32
    %dma_start3A_145 = arith.constant 6 : i32
    %dma_start3A_146 = arith.constant 0 : i32
    %dma_start3A_147 = arith.constant 0 : i32
    %dma_start3A_148 = tpu.memref_slice %arg10[%dma_start3A_144, %dma_start3A_146, %dma_start3A_147] : memref<8x128x16xf32, #tpu.memory_space<vmem>> -> memref<1x128x16xf32, #tpu.memory_space<vmem>>
    %dma_start3A_149 = tpu.memref_squeeze %dma_start3A_148 : memref<1x128x16xf32, #tpu.memory_space<vmem>> -> memref<128x16xf32, #tpu.memory_space<vmem>>
    %dma_start3A_150 = arith.constant 0 : i32
    %dma_start3A_151 = tpu.memref_slice %arg8[%dma_start3A_143, %dma_start3A_150] : memref<80x128xi32, #tpu.memory_space<vmem>> -> memref<1x128xi32, #tpu.memory_space<vmem>>
    %dma_start3A_152 = tpu.memref_squeeze %dma_start3A_151 : memref<1x128xi32, #tpu.memory_space<vmem>> -> memref<128xi32, #tpu.memory_space<vmem>>
    %dma_start3A_153 = arith.constant 0 : i32
    %dma_start3A_154 = arith.constant 0 : i32
    %dma_start3A_155 = tpu.memref_slice %arg7[%arg0, %dma_start3A_153, %dma_start3A_154] : memref<2x10112x16xf32, #tpu.memory_space<hbm>> -> memref<1x10112x16xf32, #tpu.memory_space<hbm>>
    %dma_start3A_156 = tpu.memref_squeeze %dma_start3A_155 : memref<1x10112x16xf32, #tpu.memory_space<hbm>> -> memref<10112x16xf32, #tpu.memory_space<hbm>>
    %dma_start3A_157 = arith.constant 0 : i32
    %dma_start3A_158 = arith.constant 0 : i32
    %dma_start3A_159 = tpu.memref_slice %dma_start3A_156[%dma_start3A_157, %dma_start3A_158] : memref<10112x16xf32, #tpu.memory_space<hbm>> -> memref<10112x16xf32, #tpu.memory_space<hbm>>
    %dma_start3A_160 = tpu.memref_slice %arg14[%dma_start3A_145] : memref<8x!tpu.dma_semaphore, #tpu.memory_space<semaphore_mem>> -> memref<1x!tpu.dma_semaphore, #tpu.memory_space<semaphore_mem>>
    %dma_start3A_161 = tpu.memref_squeeze %dma_start3A_160 : memref<1x!tpu.dma_semaphore, #tpu.memory_space<semaphore_mem>> -> memref<!tpu.dma_semaphore, #tpu.memory_space<semaphore_mem>>
    tpu.enqueue_indirect_dma source(%dma_start3A_159 : memref<10112x16xf32, #tpu.memory_space<hbm>>) target(%dma_start3A_149 : memref<128x16xf32, #tpu.memory_space<vmem>>) offsets(%dma_start3A_152 : memref<128xi32, #tpu.memory_space<vmem>>) semaphore(%dma_start3A_161 : memref<!tpu.dma_semaphore, #tpu.memory_space<semaphore_mem>>)
    %dma_start3A_162 = arith.constant 7 : i32
    %dma_start3A_163 = arith.constant 7 : i32
    %dma_start3A_164 = arith.constant 7 : i32
    %dma_start3A_165 = arith.constant 0 : i32
    %dma_start3A_166 = arith.constant 0 : i32
    %dma_start3A_167 = tpu.memref_slice %arg10[%dma_start3A_163, %dma_start3A_165, %dma_start3A_166] : memref<8x128x16xf32, #tpu.memory_space<vmem>> -> memref<1x128x16xf32, #tpu.memory_space<vmem>>
    %dma_start3A_168 = tpu.memref_squeeze %dma_start3A_167 : memref<1x128x16xf32, #tpu.memory_space<vmem>> -> memref<128x16xf32, #tpu.memory_space<vmem>>
    %dma_start3A_169 = arith.constant 0 : i32
    %dma_start3A_170 = tpu.memref_slice %arg8[%dma_start3A_162, %dma_start3A_169] : memref<80x128xi32, #tpu.memory_space<vmem>> -> memref<1x128xi32, #tpu.memory_space<vmem>>
    %dma_start3A_171 = tpu.memref_squeeze %dma_start3A_170 : memref<1x128xi32, #tpu.memory_space<vmem>> -> memref<128xi32, #tpu.memory_space<vmem>>
    %dma_start3A_172 = arith.constant 0 : i32
    %dma_start3A_173 = arith.constant 0 : i32
    %dma_start3A_174 = tpu.memref_slice %arg7[%arg0, %dma_start3A_172, %dma_start3A_173] : memref<2x10112x16xf32, #tpu.memory_space<hbm>> -> memref<1x10112x16xf32, #tpu.memory_space<hbm>>
    %dma_start3A_175 = tpu.memref_squeeze %dma_start3A_174 : memref<1x10112x16xf32, #tpu.memory_space<hbm>> -> memref<10112x16xf32, #tpu.memory_space<hbm>>
    %dma_start3A_176 = arith.constant 0 : i32
    %dma_start3A_177 = arith.constant 0 : i32
    %dma_start3A_178 = tpu.memref_slice %dma_start3A_175[%dma_start3A_176, %dma_start3A_177] : memref<10112x16xf32, #tpu.memory_space<hbm>> -> memref<10112x16xf32, #tpu.memory_space<hbm>>
    %dma_start3A_179 = tpu.memref_slice %arg14[%dma_start3A_164] : memref<8x!tpu.dma_semaphore, #tpu.memory_space<semaphore_mem>> -> memref<1x!tpu.dma_semaphore, #tpu.memory_space<semaphore_mem>>
    %dma_start3A_180 = tpu.memref_squeeze %dma_start3A_179 : memref<1x!tpu.dma_semaphore, #tpu.memory_space<semaphore_mem>> -> memref<!tpu.dma_semaphore, #tpu.memory_space<semaphore_mem>>
    tpu.enqueue_indirect_dma source(%dma_start3A_178 : memref<10112x16xf32, #tpu.memory_space<hbm>>) target(%dma_start3A_168 : memref<128x16xf32, #tpu.memory_space<vmem>>) offsets(%dma_start3A_171 : memref<128xi32, #tpu.memory_space<vmem>>) semaphore(%dma_start3A_180 : memref<!tpu.dma_semaphore, #tpu.memory_space<semaphore_mem>>)
    %scan3A_181 = arith.constant 0 : i32
    %scan3A_182 = arith.constant 10 : i32
    %scan3A_183 = arith.addi %scan3A_181, %scan3A_182 : i32
    %scan3A_184 = arith.constant 1 : i32
    scf.for %scan3A_316 = %scan3A_181 to %scan3A_183 step %scan3A_184  : i32 {
      %mul3A_317 = arith.constant 8 : i32
      %mul3A_318 = arith.muli %scan3A_316, %mul3A_317 : i32
      %add3A_319 = arith.constant 0 : i32
      %add3A_320 = arith.addi %add3A_319, %mul3A_318 : i32
      %add3A_321 = arith.constant 0 : i32
      %add3A_322 = arith.addi %add3A_320, %add3A_321 : i32
      %dma_wait3A_323 = arith.constant 0 : i32
      %dma_wait3A_324 = arith.constant 0 : i32
      %dma_wait3A_325 = arith.constant 0 : i32
      %dma_wait3A_326 = arith.constant 0 : i32
      %dma_wait3A_327 = tpu.memref_slice %arg10[%dma_wait3A_323, %dma_wait3A_325, %dma_wait3A_326] : memref<8x128x16xf32, #tpu.memory_space<vmem>> -> memref<1x128x16xf32, #tpu.memory_space<vmem>>
      %dma_wait3A_328 = tpu.memref_squeeze %dma_wait3A_327 : memref<1x128x16xf32, #tpu.memory_space<vmem>> -> memref<128x16xf32, #tpu.memory_space<vmem>>
      %dma_wait3A_329 = arith.constant 0 : i32
      %dma_wait3A_330 = tpu.memref_slice %arg8[%add3A_322, %dma_wait3A_329] : memref<80x128xi32, #tpu.memory_space<vmem>> -> memref<1x128xi32, #tpu.memory_space<vmem>>
      %dma_wait3A_331 = tpu.memref_squeeze %dma_wait3A_330 : memref<1x128xi32, #tpu.memory_space<vmem>> -> memref<128xi32, #tpu.memory_space<vmem>>
      %dma_wait3A_332 = arith.constant 0 : i32
      %dma_wait3A_333 = arith.constant 0 : i32
      %dma_wait3A_334 = tpu.memref_slice %arg7[%arg0, %dma_wait3A_332, %dma_wait3A_333] : memref<2x10112x16xf32, #tpu.memory_space<hbm>> -> memref<1x10112x16xf32, #tpu.memory_space<hbm>>
      %dma_wait3A_335 = tpu.memref_squeeze %dma_wait3A_334 : memref<1x10112x16xf32, #tpu.memory_space<hbm>> -> memref<10112x16xf32, #tpu.memory_space<hbm>>
      %dma_wait3A_336 = arith.constant 0 : i32
      %dma_wait3A_337 = arith.constant 0 : i32
      %dma_wait3A_338 = tpu.memref_slice %dma_wait3A_335[%dma_wait3A_336, %dma_wait3A_337] : memref<10112x16xf32, #tpu.memory_space<hbm>> -> memref<10112x16xf32, #tpu.memory_space<hbm>>
      %dma_wait3A_339 = tpu.memref_slice %arg14[%dma_wait3A_324] : memref<8x!tpu.dma_semaphore, #tpu.memory_space<semaphore_mem>> -> memref<1x!tpu.dma_semaphore, #tpu.memory_space<semaphore_mem>>
      %dma_wait3A_340 = tpu.memref_squeeze %dma_wait3A_339 : memref<1x!tpu.dma_semaphore, #tpu.memory_space<semaphore_mem>> -> memref<!tpu.dma_semaphore, #tpu.memory_space<semaphore_mem>>
      tpu.wait_indirect_dma semaphore(%dma_wait3A_340 : memref<!tpu.dma_semaphore, #tpu.memory_space<semaphore_mem>>) src(%dma_wait3A_338 : memref<10112x16xf32, #tpu.memory_space<hbm>>) dst(%dma_wait3A_328 : memref<128x16xf32, #tpu.memory_space<vmem>>)
      %dma_start3A_341 = arith.constant 0 : i32
      %dma_start3A_342 = arith.constant 0 : i32
      %dma_start3A_343 = arith.constant 0 : i32
      %dma_start3A_344 = arith.constant 0 : i32
      %dma_start3A_345 = tpu.memref_slice %arg10[%dma_start3A_341, %dma_start3A_343, %dma_start3A_344] : memref<8x128x16xf32, #tpu.memory_space<vmem>> -> memref<1x128x16xf32, #tpu.memory_space<vmem>>
      %dma_start3A_346 = tpu.memref_squeeze %dma_start3A_345 : memref<1x128x16xf32, #tpu.memory_space<vmem>> -> memref<128x16xf32, #tpu.memory_space<vmem>>
      %dma_start3A_347 = arith.constant 0 : i32
      %dma_start3A_348 = tpu.memref_slice %arg9[%add3A_322, %dma_start3A_347] : memref<80x128xi32, #tpu.memory_space<vmem>> -> memref<1x128xi32, #tpu.memory_space<vmem>>
      %dma_start3A_349 = tpu.memref_squeeze %dma_start3A_348 : memref<1x128xi32, #tpu.memory_space<vmem>> -> memref<128xi32, #tpu.memory_space<vmem>>
      %dma_start3A_350 = arith.constant 0 : i32
      %dma_start3A_351 = arith.constant 0 : i32
      %dma_start3A_352 = tpu.memref_slice %arg13[%dma_start3A_350, %dma_start3A_351] : memref<10112x16xf32, #tpu.memory_space<vmem_shared>> -> memref<10112x16xf32, #tpu.memory_space<vmem_shared>>
      %dma_start3A_353 = tpu.memref_slice %arg15[%dma_start3A_342] : memref<8x!tpu.dma_semaphore, #tpu.memory_space<semaphore_mem>> -> memref<1x!tpu.dma_semaphore, #tpu.memory_space<semaphore_mem>>
      %dma_start3A_354 = tpu.memref_squeeze %dma_start3A_353 : memref<1x!tpu.dma_semaphore, #tpu.memory_space<semaphore_mem>> -> memref<!tpu.dma_semaphore, #tpu.memory_space<semaphore_mem>>
      tpu.enqueue_indirect_dma source(%dma_start3A_346 : memref<128x16xf32, #tpu.memory_space<vmem>>) target(%dma_start3A_352 : memref<10112x16xf32, #tpu.memory_space<vmem_shared>>) offsets(%dma_start3A_349 : memref<128xi32, #tpu.memory_space<vmem>>) semaphore(%dma_start3A_354 : memref<!tpu.dma_semaphore, #tpu.memory_space<semaphore_mem>>) {add = true}
      %sub3A = arith.constant 1 : i32
      %sub3A_355 = arith.subi %add3A_322, %sub3A : i32
      %ge3A = arith.constant 0 : i32
      %ge3A_356 = arith.cmpi sge, %sub3A_355, %ge3A : i32
      %add3A_357 = arith.constant 8 : i32
      %add3A_358 = arith.addi %sub3A_355, %add3A_357 : i32
      %lt3A = arith.constant 80 : i32
      %lt3A_359 = arith.cmpi slt, %add3A_358, %lt3A : i32
      %and3A = arith.andi %ge3A_356, %lt3A_359 : i1
      %convert_element_type3A = arith.extui %and3A : i1 to i32
      %cond3A = arith.constant 0 : i32
      %cond3A_360 = arith.cmpi ne, %convert_element_type3A, %cond3A : i32
      scf.if %cond3A_360 {
        %dma_wait3A_683 = arith.constant 7 : i32
        %dma_wait3A_684 = arith.constant 0 : i32
        %dma_wait3A_685 = arith.constant 7 : i32
        %dma_wait3A_686 = arith.constant 0 : i32
        %dma_wait3A_687 = arith.constant 0 : i32
        %dma_wait3A_688 = tpu.memref_slice %arg10[%dma_wait3A_683, %dma_wait3A_686, %dma_wait3A_687] : memref<8x128x16xf32, #tpu.memory_space<vmem>> -> memref<1x128x16xf32, #tpu.memory_space<vmem>>
        %dma_wait3A_689 = tpu.memref_squeeze %dma_wait3A_688 : memref<1x128x16xf32, #tpu.memory_space<vmem>> -> memref<128x16xf32, #tpu.memory_space<vmem>>
        %dma_wait3A_690 = arith.constant 0 : i32
        %dma_wait3A_691 = tpu.memref_slice %arg9[%dma_wait3A_684, %dma_wait3A_690] : memref<80x128xi32, #tpu.memory_space<vmem>> -> memref<1x128xi32, #tpu.memory_space<vmem>>
        %dma_wait3A_692 = tpu.memref_squeeze %dma_wait3A_691 : memref<1x128xi32, #tpu.memory_space<vmem>> -> memref<128xi32, #tpu.memory_space<vmem>>
        %dma_wait3A_693 = arith.constant 0 : i32
        %dma_wait3A_694 = arith.constant 0 : i32
        %dma_wait3A_695 = tpu.memref_slice %arg13[%dma_wait3A_693, %dma_wait3A_694] : memref<10112x16xf32, #tpu.memory_space<vmem_shared>> -> memref<10112x16xf32, #tpu.memory_space<vmem_shared>>
        %dma_wait3A_696 = tpu.memref_slice %arg15[%dma_wait3A_685] : memref<8x!tpu.dma_semaphore, #tpu.memory_space<semaphore_mem>> -> memref<1x!tpu.dma_semaphore, #tpu.memory_space<semaphore_mem>>
        %dma_wait3A_697 = tpu.memref_squeeze %dma_wait3A_696 : memref<1x!tpu.dma_semaphore, #tpu.memory_space<semaphore_mem>> -> memref<!tpu.dma_semaphore, #tpu.memory_space<semaphore_mem>>
        tpu.wait_indirect_dma semaphore(%dma_wait3A_697 : memref<!tpu.dma_semaphore, #tpu.memory_space<semaphore_mem>>) src(%dma_wait3A_689 : memref<128x16xf32, #tpu.memory_space<vmem>>) dst(%dma_wait3A_695 : memref<10112x16xf32, #tpu.memory_space<vmem_shared>>)
        %add3A_698 = arith.constant 8 : i32
        %add3A_699 = arith.addi %sub3A_355, %add3A_698 : i32
        %dma_start3A_700 = arith.constant 7 : i32
        %dma_start3A_701 = arith.constant 7 : i32
        %dma_start3A_702 = arith.constant 0 : i32
        %dma_start3A_703 = arith.constant 0 : i32
        %dma_start3A_704 = tpu.memref_slice %arg10[%dma_start3A_700, %dma_start3A_702, %dma_start3A_703] : memref<8x128x16xf32, #tpu.memory_space<vmem>> -> memref<1x128x16xf32, #tpu.memory_space<vmem>>
        %dma_start3A_705 = tpu.memref_squeeze %dma_start3A_704 : memref<1x128x16xf32, #tpu.memory_space<vmem>> -> memref<128x16xf32, #tpu.memory_space<vmem>>
        %dma_start3A_706 = arith.constant 0 : i32
        %dma_start3A_707 = tpu.memref_slice %arg8[%add3A_699, %dma_start3A_706] : memref<80x128xi32, #tpu.memory_space<vmem>> -> memref<1x128xi32, #tpu.memory_space<vmem>>
        %dma_start3A_708 = tpu.memref_squeeze %dma_start3A_707 : memref<1x128xi32, #tpu.memory_space<vmem>> -> memref<128xi32, #tpu.memory_space<vmem>>
        %dma_start3A_709 = arith.constant 0 : i32
        %dma_start3A_710 = arith.constant 0 : i32
        %dma_start3A_711 = tpu.memref_slice %arg7[%arg0, %dma_start3A_709, %dma_start3A_710] : memref<2x10112x16xf32, #tpu.memory_space<hbm>> -> memref<1x10112x16xf32, #tpu.memory_space<hbm>>
        %dma_start3A_712 = tpu.memref_squeeze %dma_start3A_711 : memref<1x10112x16xf32, #tpu.memory_space<hbm>> -> memref<10112x16xf32, #tpu.memory_space<hbm>>
        %dma_start3A_713 = arith.constant 0 : i32
        %dma_start3A_714 = arith.constant 0 : i32
        %dma_start3A_715 = tpu.memref_slice %dma_start3A_712[%dma_start3A_713, %dma_start3A_714] : memref<10112x16xf32, #tpu.memory_space<hbm>> -> memref<10112x16xf32, #tpu.memory_space<hbm>>
        %dma_start3A_716 = tpu.memref_slice %arg14[%dma_start3A_701] : memref<8x!tpu.dma_semaphore, #tpu.memory_space<semaphore_mem>> -> memref<1x!tpu.dma_semaphore, #tpu.memory_space<semaphore_mem>>
        %dma_start3A_717 = tpu.memref_squeeze %dma_start3A_716 : memref<1x!tpu.dma_semaphore, #tpu.memory_space<semaphore_mem>> -> memref<!tpu.dma_semaphore, #tpu.memory_space<semaphore_mem>>
        tpu.enqueue_indirect_dma source(%dma_start3A_715 : memref<10112x16xf32, #tpu.memory_space<hbm>>) target(%dma_start3A_705 : memref<128x16xf32, #tpu.memory_space<vmem>>) offsets(%dma_start3A_708 : memref<128xi32, #tpu.memory_space<vmem>>) semaphore(%dma_start3A_717 : memref<!tpu.dma_semaphore, #tpu.memory_space<semaphore_mem>>)
      } else {
      }
      %add3A_361 = arith.constant 1 : i32
      %add3A_362 = arith.addi %add3A_320, %add3A_361 : i32
      %dma_wait3A_363 = arith.constant 1 : i32
      %dma_wait3A_364 = arith.constant 1 : i32
      %dma_wait3A_365 = arith.constant 0 : i32
      %dma_wait3A_366 = arith.constant 0 : i32
      %dma_wait3A_367 = tpu.memref_slice %arg10[%dma_wait3A_363, %dma_wait3A_365, %dma_wait3A_366] : memref<8x128x16xf32, #tpu.memory_space<vmem>> -> memref<1x128x16xf32, #tpu.memory_space<vmem>>
      %dma_wait3A_368 = tpu.memref_squeeze %dma_wait3A_367 : memref<1x128x16xf32, #tpu.memory_space<vmem>> -> memref<128x16xf32, #tpu.memory_space<vmem>>
      %dma_wait3A_369 = arith.constant 0 : i32
      %dma_wait3A_370 = tpu.memref_slice %arg8[%add3A_362, %dma_wait3A_369] : memref<80x128xi32, #tpu.memory_space<vmem>> -> memref<1x128xi32, #tpu.memory_space<vmem>>
      %dma_wait3A_371 = tpu.memref_squeeze %dma_wait3A_370 : memref<1x128xi32, #tpu.memory_space<vmem>> -> memref<128xi32, #tpu.memory_space<vmem>>
      %dma_wait3A_372 = arith.constant 0 : i32
      %dma_wait3A_373 = arith.constant 0 : i32
      %dma_wait3A_374 = tpu.memref_slice %arg7[%arg0, %dma_wait3A_372, %dma_wait3A_373] : memref<2x10112x16xf32, #tpu.memory_space<hbm>> -> memref<1x10112x16xf32, #tpu.memory_space<hbm>>
      %dma_wait3A_375 = tpu.memref_squeeze %dma_wait3A_374 : memref<1x10112x16xf32, #tpu.memory_space<hbm>> -> memref<10112x16xf32, #tpu.memory_space<hbm>>
      %dma_wait3A_376 = arith.constant 0 : i32
      %dma_wait3A_377 = arith.constant 0 : i32
      %dma_wait3A_378 = tpu.memref_slice %dma_wait3A_375[%dma_wait3A_376, %dma_wait3A_377] : memref<10112x16xf32, #tpu.memory_space<hbm>> -> memref<10112x16xf32, #tpu.memory_space<hbm>>
      %dma_wait3A_379 = tpu.memref_slice %arg14[%dma_wait3A_364] : memref<8x!tpu.dma_semaphore, #tpu.memory_space<semaphore_mem>> -> memref<1x!tpu.dma_semaphore, #tpu.memory_space<semaphore_mem>>
      %dma_wait3A_380 = tpu.memref_squeeze %dma_wait3A_379 : memref<1x!tpu.dma_semaphore, #tpu.memory_space<semaphore_mem>> -> memref<!tpu.dma_semaphore, #tpu.memory_space<semaphore_mem>>
      tpu.wait_indirect_dma semaphore(%dma_wait3A_380 : memref<!tpu.dma_semaphore, #tpu.memory_space<semaphore_mem>>) src(%dma_wait3A_378 : memref<10112x16xf32, #tpu.memory_space<hbm>>) dst(%dma_wait3A_368 : memref<128x16xf32, #tpu.memory_space<vmem>>)
      %dma_start3A_381 = arith.constant 1 : i32
      %dma_start3A_382 = arith.constant 1 : i32
      %dma_start3A_383 = arith.constant 0 : i32
      %dma_start3A_384 = arith.constant 0 : i32
      %dma_start3A_385 = tpu.memref_slice %arg10[%dma_start3A_381, %dma_start3A_383, %dma_start3A_384] : memref<8x128x16xf32, #tpu.memory_space<vmem>> -> memref<1x128x16xf32, #tpu.memory_space<vmem>>
      %dma_start3A_386 = tpu.memref_squeeze %dma_start3A_385 : memref<1x128x16xf32, #tpu.memory_space<vmem>> -> memref<128x16xf32, #tpu.memory_space<vmem>>
      %dma_start3A_387 = arith.constant 0 : i32
      %dma_start3A_388 = tpu.memref_slice %arg9[%add3A_362, %dma_start3A_387] : memref<80x128xi32, #tpu.memory_space<vmem>> -> memref<1x128xi32, #tpu.memory_space<vmem>>
      %dma_start3A_389 = tpu.memref_squeeze %dma_start3A_388 : memref<1x128xi32, #tpu.memory_space<vmem>> -> memref<128xi32, #tpu.memory_space<vmem>>
      %dma_start3A_390 = arith.constant 0 : i32
      %dma_start3A_391 = arith.constant 0 : i32
      %dma_start3A_392 = tpu.memref_slice %arg13[%dma_start3A_390, %dma_start3A_391] : memref<10112x16xf32, #tpu.memory_space<vmem_shared>> -> memref<10112x16xf32, #tpu.memory_space<vmem_shared>>
      %dma_start3A_393 = tpu.memref_slice %arg15[%dma_start3A_382] : memref<8x!tpu.dma_semaphore, #tpu.memory_space<semaphore_mem>> -> memref<1x!tpu.dma_semaphore, #tpu.memory_space<semaphore_mem>>
      %dma_start3A_394 = tpu.memref_squeeze %dma_start3A_393 : memref<1x!tpu.dma_semaphore, #tpu.memory_space<semaphore_mem>> -> memref<!tpu.dma_semaphore, #tpu.memory_space<semaphore_mem>>
      tpu.enqueue_indirect_dma source(%dma_start3A_386 : memref<128x16xf32, #tpu.memory_space<vmem>>) target(%dma_start3A_392 : memref<10112x16xf32, #tpu.memory_space<vmem_shared>>) offsets(%dma_start3A_389 : memref<128xi32, #tpu.memory_space<vmem>>) semaphore(%dma_start3A_394 : memref<!tpu.dma_semaphore, #tpu.memory_space<semaphore_mem>>) {add = true}
      %sub3A_395 = arith.constant 1 : i32
      %sub3A_396 = arith.subi %add3A_362, %sub3A_395 : i32
      %ge3A_397 = arith.constant 0 : i32
      %ge3A_398 = arith.cmpi sge, %sub3A_396, %ge3A_397 : i32
      %add3A_399 = arith.constant 8 : i32
      %add3A_400 = arith.addi %sub3A_396, %add3A_399 : i32
      %lt3A_401 = arith.constant 80 : i32
      %lt3A_402 = arith.cmpi slt, %add3A_400, %lt3A_401 : i32
      %and3A_403 = arith.andi %ge3A_398, %lt3A_402 : i1
      %convert_element_type3A_404 = arith.extui %and3A_403 : i1 to i32
      %cond3A_405 = arith.constant 0 : i32
      %cond3A_406 = arith.cmpi ne, %convert_element_type3A_404, %cond3A_405 : i32
      scf.if %cond3A_406 {
        %dma_wait3A_683 = arith.constant 0 : i32
        %dma_wait3A_684 = arith.constant 0 : i32
        %dma_wait3A_685 = arith.constant 0 : i32
        %dma_wait3A_686 = arith.constant 0 : i32
        %dma_wait3A_687 = arith.constant 0 : i32
        %dma_wait3A_688 = tpu.memref_slice %arg10[%dma_wait3A_683, %dma_wait3A_686, %dma_wait3A_687] : memref<8x128x16xf32, #tpu.memory_space<vmem>> -> memref<1x128x16xf32, #tpu.memory_space<vmem>>
        %dma_wait3A_689 = tpu.memref_squeeze %dma_wait3A_688 : memref<1x128x16xf32, #tpu.memory_space<vmem>> -> memref<128x16xf32, #tpu.memory_space<vmem>>
        %dma_wait3A_690 = arith.constant 0 : i32
        %dma_wait3A_691 = tpu.memref_slice %arg9[%dma_wait3A_684, %dma_wait3A_690] : memref<80x128xi32, #tpu.memory_space<vmem>> -> memref<1x128xi32, #tpu.memory_space<vmem>>
        %dma_wait3A_692 = tpu.memref_squeeze %dma_wait3A_691 : memref<1x128xi32, #tpu.memory_space<vmem>> -> memref<128xi32, #tpu.memory_space<vmem>>
        %dma_wait3A_693 = arith.constant 0 : i32
        %dma_wait3A_694 = arith.constant 0 : i32
        %dma_wait3A_695 = tpu.memref_slice %arg13[%dma_wait3A_693, %dma_wait3A_694] : memref<10112x16xf32, #tpu.memory_space<vmem_shared>> -> memref<10112x16xf32, #tpu.memory_space<vmem_shared>>
        %dma_wait3A_696 = tpu.memref_slice %arg15[%dma_wait3A_685] : memref<8x!tpu.dma_semaphore, #tpu.memory_space<semaphore_mem>> -> memref<1x!tpu.dma_semaphore, #tpu.memory_space<semaphore_mem>>
        %dma_wait3A_697 = tpu.memref_squeeze %dma_wait3A_696 : memref<1x!tpu.dma_semaphore, #tpu.memory_space<semaphore_mem>> -> memref<!tpu.dma_semaphore, #tpu.memory_space<semaphore_mem>>
        tpu.wait_indirect_dma semaphore(%dma_wait3A_697 : memref<!tpu.dma_semaphore, #tpu.memory_space<semaphore_mem>>) src(%dma_wait3A_689 : memref<128x16xf32, #tpu.memory_space<vmem>>) dst(%dma_wait3A_695 : memref<10112x16xf32, #tpu.memory_space<vmem_shared>>)
        %add3A_698 = arith.constant 8 : i32
        %add3A_699 = arith.addi %sub3A_396, %add3A_698 : i32
        %dma_start3A_700 = arith.constant 0 : i32
        %dma_start3A_701 = arith.constant 0 : i32
        %dma_start3A_702 = arith.constant 0 : i32
        %dma_start3A_703 = arith.constant 0 : i32
        %dma_start3A_704 = tpu.memref_slice %arg10[%dma_start3A_700, %dma_start3A_702, %dma_start3A_703] : memref<8x128x16xf32, #tpu.memory_space<vmem>> -> memref<1x128x16xf32, #tpu.memory_space<vmem>>
        %dma_start3A_705 = tpu.memref_squeeze %dma_start3A_704 : memref<1x128x16xf32, #tpu.memory_space<vmem>> -> memref<128x16xf32, #tpu.memory_space<vmem>>
        %dma_start3A_706 = arith.constant 0 : i32
        %dma_start3A_707 = tpu.memref_slice %arg8[%add3A_699, %dma_start3A_706] : memref<80x128xi32, #tpu.memory_space<vmem>> -> memref<1x128xi32, #tpu.memory_space<vmem>>
        %dma_start3A_708 = tpu.memref_squeeze %dma_start3A_707 : memref<1x128xi32, #tpu.memory_space<vmem>> -> memref<128xi32, #tpu.memory_space<vmem>>
        %dma_start3A_709 = arith.constant 0 : i32
        %dma_start3A_710 = arith.constant 0 : i32
        %dma_start3A_711 = tpu.memref_slice %arg7[%arg0, %dma_start3A_709, %dma_start3A_710] : memref<2x10112x16xf32, #tpu.memory_space<hbm>> -> memref<1x10112x16xf32, #tpu.memory_space<hbm>>
        %dma_start3A_712 = tpu.memref_squeeze %dma_start3A_711 : memref<1x10112x16xf32, #tpu.memory_space<hbm>> -> memref<10112x16xf32, #tpu.memory_space<hbm>>
        %dma_start3A_713 = arith.constant 0 : i32
        %dma_start3A_714 = arith.constant 0 : i32
        %dma_start3A_715 = tpu.memref_slice %dma_start3A_712[%dma_start3A_713, %dma_start3A_714] : memref<10112x16xf32, #tpu.memory_space<hbm>> -> memref<10112x16xf32, #tpu.memory_space<hbm>>
        %dma_start3A_716 = tpu.memref_slice %arg14[%dma_start3A_701] : memref<8x!tpu.dma_semaphore, #tpu.memory_space<semaphore_mem>> -> memref<1x!tpu.dma_semaphore, #tpu.memory_space<semaphore_mem>>
        %dma_start3A_717 = tpu.memref_squeeze %dma_start3A_716 : memref<1x!tpu.dma_semaphore, #tpu.memory_space<semaphore_mem>> -> memref<!tpu.dma_semaphore, #tpu.memory_space<semaphore_mem>>
        tpu.enqueue_indirect_dma source(%dma_start3A_715 : memref<10112x16xf32, #tpu.memory_space<hbm>>) target(%dma_start3A_705 : memref<128x16xf32, #tpu.memory_space<vmem>>) offsets(%dma_start3A_708 : memref<128xi32, #tpu.memory_space<vmem>>) semaphore(%dma_start3A_717 : memref<!tpu.dma_semaphore, #tpu.memory_space<semaphore_mem>>)
      } else {
      }
      %add3A_407 = arith.constant 2 : i32
      %add3A_408 = arith.addi %add3A_320, %add3A_407 : i32
      %dma_wait3A_409 = arith.constant 2 : i32
      %dma_wait3A_410 = arith.constant 2 : i32
      %dma_wait3A_411 = arith.constant 0 : i32
      %dma_wait3A_412 = arith.constant 0 : i32
      %dma_wait3A_413 = tpu.memref_slice %arg10[%dma_wait3A_409, %dma_wait3A_411, %dma_wait3A_412] : memref<8x128x16xf32, #tpu.memory_space<vmem>> -> memref<1x128x16xf32, #tpu.memory_space<vmem>>
      %dma_wait3A_414 = tpu.memref_squeeze %dma_wait3A_413 : memref<1x128x16xf32, #tpu.memory_space<vmem>> -> memref<128x16xf32, #tpu.memory_space<vmem>>
      %dma_wait3A_415 = arith.constant 0 : i32
      %dma_wait3A_416 = tpu.memref_slice %arg8[%add3A_408, %dma_wait3A_415] : memref<80x128xi32, #tpu.memory_space<vmem>> -> memref<1x128xi32, #tpu.memory_space<vmem>>
      %dma_wait3A_417 = tpu.memref_squeeze %dma_wait3A_416 : memref<1x128xi32, #tpu.memory_space<vmem>> -> memref<128xi32, #tpu.memory_space<vmem>>
      %dma_wait3A_418 = arith.constant 0 : i32
      %dma_wait3A_419 = arith.constant 0 : i32
      %dma_wait3A_420 = tpu.memref_slice %arg7[%arg0, %dma_wait3A_418, %dma_wait3A_419] : memref<2x10112x16xf32, #tpu.memory_space<hbm>> -> memref<1x10112x16xf32, #tpu.memory_space<hbm>>
      %dma_wait3A_421 = tpu.memref_squeeze %dma_wait3A_420 : memref<1x10112x16xf32, #tpu.memory_space<hbm>> -> memref<10112x16xf32, #tpu.memory_space<hbm>>
      %dma_wait3A_422 = arith.constant 0 : i32
      %dma_wait3A_423 = arith.constant 0 : i32
      %dma_wait3A_424 = tpu.memref_slice %dma_wait3A_421[%dma_wait3A_422, %dma_wait3A_423] : memref<10112x16xf32, #tpu.memory_space<hbm>> -> memref<10112x16xf32, #tpu.memory_space<hbm>>
      %dma_wait3A_425 = tpu.memref_slice %arg14[%dma_wait3A_410] : memref<8x!tpu.dma_semaphore, #tpu.memory_space<semaphore_mem>> -> memref<1x!tpu.dma_semaphore, #tpu.memory_space<semaphore_mem>>
      %dma_wait3A_426 = tpu.memref_squeeze %dma_wait3A_425 : memref<1x!tpu.dma_semaphore, #tpu.memory_space<semaphore_mem>> -> memref<!tpu.dma_semaphore, #tpu.memory_space<semaphore_mem>>
      tpu.wait_indirect_dma semaphore(%dma_wait3A_426 : memref<!tpu.dma_semaphore, #tpu.memory_space<semaphore_mem>>) src(%dma_wait3A_424 : memref<10112x16xf32, #tpu.memory_space<hbm>>) dst(%dma_wait3A_414 : memref<128x16xf32, #tpu.memory_space<vmem>>)
      %dma_start3A_427 = arith.constant 2 : i32
      %dma_start3A_428 = arith.constant 2 : i32
      %dma_start3A_429 = arith.constant 0 : i32
      %dma_start3A_430 = arith.constant 0 : i32
      %dma_start3A_431 = tpu.memref_slice %arg10[%dma_start3A_427, %dma_start3A_429, %dma_start3A_430] : memref<8x128x16xf32, #tpu.memory_space<vmem>> -> memref<1x128x16xf32, #tpu.memory_space<vmem>>
      %dma_start3A_432 = tpu.memref_squeeze %dma_start3A_431 : memref<1x128x16xf32, #tpu.memory_space<vmem>> -> memref<128x16xf32, #tpu.memory_space<vmem>>
      %dma_start3A_433 = arith.constant 0 : i32
      %dma_start3A_434 = tpu.memref_slice %arg9[%add3A_408, %dma_start3A_433] : memref<80x128xi32, #tpu.memory_space<vmem>> -> memref<1x128xi32, #tpu.memory_space<vmem>>
      %dma_start3A_435 = tpu.memref_squeeze %dma_start3A_434 : memref<1x128xi32, #tpu.memory_space<vmem>> -> memref<128xi32, #tpu.memory_space<vmem>>
      %dma_start3A_436 = arith.constant 0 : i32
      %dma_start3A_437 = arith.constant 0 : i32
      %dma_start3A_438 = tpu.memref_slice %arg13[%dma_start3A_436, %dma_start3A_437] : memref<10112x16xf32, #tpu.memory_space<vmem_shared>> -> memref<10112x16xf32, #tpu.memory_space<vmem_shared>>
      %dma_start3A_439 = tpu.memref_slice %arg15[%dma_start3A_428] : memref<8x!tpu.dma_semaphore, #tpu.memory_space<semaphore_mem>> -> memref<1x!tpu.dma_semaphore, #tpu.memory_space<semaphore_mem>>
      %dma_start3A_440 = tpu.memref_squeeze %dma_start3A_439 : memref<1x!tpu.dma_semaphore, #tpu.memory_space<semaphore_mem>> -> memref<!tpu.dma_semaphore, #tpu.memory_space<semaphore_mem>>
      tpu.enqueue_indirect_dma source(%dma_start3A_432 : memref<128x16xf32, #tpu.memory_space<vmem>>) target(%dma_start3A_438 : memref<10112x16xf32, #tpu.memory_space<vmem_shared>>) offsets(%dma_start3A_435 : memref<128xi32, #tpu.memory_space<vmem>>) semaphore(%dma_start3A_440 : memref<!tpu.dma_semaphore, #tpu.memory_space<semaphore_mem>>) {add = true}
      %sub3A_441 = arith.constant 1 : i32
      %sub3A_442 = arith.subi %add3A_408, %sub3A_441 : i32
      %ge3A_443 = arith.constant 0 : i32
      %ge3A_444 = arith.cmpi sge, %sub3A_442, %ge3A_443 : i32
      %add3A_445 = arith.constant 8 : i32
      %add3A_446 = arith.addi %sub3A_442, %add3A_445 : i32
      %lt3A_447 = arith.constant 80 : i32
      %lt3A_448 = arith.cmpi slt, %add3A_446, %lt3A_447 : i32
      %and3A_449 = arith.andi %ge3A_444, %lt3A_448 : i1
      %convert_element_type3A_450 = arith.extui %and3A_449 : i1 to i32
      %cond3A_451 = arith.constant 0 : i32
      %cond3A_452 = arith.cmpi ne, %convert_element_type3A_450, %cond3A_451 : i32
      scf.if %cond3A_452 {
        %dma_wait3A_683 = arith.constant 1 : i32
        %dma_wait3A_684 = arith.constant 0 : i32
        %dma_wait3A_685 = arith.constant 1 : i32
        %dma_wait3A_686 = arith.constant 0 : i32
        %dma_wait3A_687 = arith.constant 0 : i32
        %dma_wait3A_688 = tpu.memref_slice %arg10[%dma_wait3A_683, %dma_wait3A_686, %dma_wait3A_687] : memref<8x128x16xf32, #tpu.memory_space<vmem>> -> memref<1x128x16xf32, #tpu.memory_space<vmem>>
        %dma_wait3A_689 = tpu.memref_squeeze %dma_wait3A_688 : memref<1x128x16xf32, #tpu.memory_space<vmem>> -> memref<128x16xf32, #tpu.memory_space<vmem>>
        %dma_wait3A_690 = arith.constant 0 : i32
        %dma_wait3A_691 = tpu.memref_slice %arg9[%dma_wait3A_684, %dma_wait3A_690] : memref<80x128xi32, #tpu.memory_space<vmem>> -> memref<1x128xi32, #tpu.memory_space<vmem>>
        %dma_wait3A_692 = tpu.memref_squeeze %dma_wait3A_691 : memref<1x128xi32, #tpu.memory_space<vmem>> -> memref<128xi32, #tpu.memory_space<vmem>>
        %dma_wait3A_693 = arith.constant 0 : i32
        %dma_wait3A_694 = arith.constant 0 : i32
        %dma_wait3A_695 = tpu.memref_slice %arg13[%dma_wait3A_693, %dma_wait3A_694] : memref<10112x16xf32, #tpu.memory_space<vmem_shared>> -> memref<10112x16xf32, #tpu.memory_space<vmem_shared>>
        %dma_wait3A_696 = tpu.memref_slice %arg15[%dma_wait3A_685] : memref<8x!tpu.dma_semaphore, #tpu.memory_space<semaphore_mem>> -> memref<1x!tpu.dma_semaphore, #tpu.memory_space<semaphore_mem>>
        %dma_wait3A_697 = tpu.memref_squeeze %dma_wait3A_696 : memref<1x!tpu.dma_semaphore, #tpu.memory_space<semaphore_mem>> -> memref<!tpu.dma_semaphore, #tpu.memory_space<semaphore_mem>>
        tpu.wait_indirect_dma semaphore(%dma_wait3A_697 : memref<!tpu.dma_semaphore, #tpu.memory_space<semaphore_mem>>) src(%dma_wait3A_689 : memref<128x16xf32, #tpu.memory_space<vmem>>) dst(%dma_wait3A_695 : memref<10112x16xf32, #tpu.memory_space<vmem_shared>>)
        %add3A_698 = arith.constant 8 : i32
        %add3A_699 = arith.addi %sub3A_442, %add3A_698 : i32
        %dma_start3A_700 = arith.constant 1 : i32
        %dma_start3A_701 = arith.constant 1 : i32
        %dma_start3A_702 = arith.constant 0 : i32
        %dma_start3A_703 = arith.constant 0 : i32
        %dma_start3A_704 = tpu.memref_slice %arg10[%dma_start3A_700, %dma_start3A_702, %dma_start3A_703] : memref<8x128x16xf32, #tpu.memory_space<vmem>> -> memref<1x128x16xf32, #tpu.memory_space<vmem>>
        %dma_start3A_705 = tpu.memref_squeeze %dma_start3A_704 : memref<1x128x16xf32, #tpu.memory_space<vmem>> -> memref<128x16xf32, #tpu.memory_space<vmem>>
        %dma_start3A_706 = arith.constant 0 : i32
        %dma_start3A_707 = tpu.memref_slice %arg8[%add3A_699, %dma_start3A_706] : memref<80x128xi32, #tpu.memory_space<vmem>> -> memref<1x128xi32, #tpu.memory_space<vmem>>
        %dma_start3A_708 = tpu.memref_squeeze %dma_start3A_707 : memref<1x128xi32, #tpu.memory_space<vmem>> -> memref<128xi32, #tpu.memory_space<vmem>>
        %dma_start3A_709 = arith.constant 0 : i32
        %dma_start3A_710 = arith.constant 0 : i32
        %dma_start3A_711 = tpu.memref_slice %arg7[%arg0, %dma_start3A_709, %dma_start3A_710] : memref<2x10112x16xf32, #tpu.memory_space<hbm>> -> memref<1x10112x16xf32, #tpu.memory_space<hbm>>
        %dma_start3A_712 = tpu.memref_squeeze %dma_start3A_711 : memref<1x10112x16xf32, #tpu.memory_space<hbm>> -> memref<10112x16xf32, #tpu.memory_space<hbm>>
        %dma_start3A_713 = arith.constant 0 : i32
        %dma_start3A_714 = arith.constant 0 : i32
        %dma_start3A_715 = tpu.memref_slice %dma_start3A_712[%dma_start3A_713, %dma_start3A_714] : memref<10112x16xf32, #tpu.memory_space<hbm>> -> memref<10112x16xf32, #tpu.memory_space<hbm>>
        %dma_start3A_716 = tpu.memref_slice %arg14[%dma_start3A_701] : memref<8x!tpu.dma_semaphore, #tpu.memory_space<semaphore_mem>> -> memref<1x!tpu.dma_semaphore, #tpu.memory_space<semaphore_mem>>
        %dma_start3A_717 = tpu.memref_squeeze %dma_start3A_716 : memref<1x!tpu.dma_semaphore, #tpu.memory_space<semaphore_mem>> -> memref<!tpu.dma_semaphore, #tpu.memory_space<semaphore_mem>>
        tpu.enqueue_indirect_dma source(%dma_start3A_715 : memref<10112x16xf32, #tpu.memory_space<hbm>>) target(%dma_start3A_705 : memref<128x16xf32, #tpu.memory_space<vmem>>) offsets(%dma_start3A_708 : memref<128xi32, #tpu.memory_space<vmem>>) semaphore(%dma_start3A_717 : memref<!tpu.dma_semaphore, #tpu.memory_space<semaphore_mem>>)
      } else {
      }
      %add3A_453 = arith.constant 3 : i32
      %add3A_454 = arith.addi %add3A_320, %add3A_453 : i32
      %dma_wait3A_455 = arith.constant 3 : i32
      %dma_wait3A_456 = arith.constant 3 : i32
      %dma_wait3A_457 = arith.constant 0 : i32
      %dma_wait3A_458 = arith.constant 0 : i32
      %dma_wait3A_459 = tpu.memref_slice %arg10[%dma_wait3A_455, %dma_wait3A_457, %dma_wait3A_458] : memref<8x128x16xf32, #tpu.memory_space<vmem>> -> memref<1x128x16xf32, #tpu.memory_space<vmem>>
      %dma_wait3A_460 = tpu.memref_squeeze %dma_wait3A_459 : memref<1x128x16xf32, #tpu.memory_space<vmem>> -> memref<128x16xf32, #tpu.memory_space<vmem>>
      %dma_wait3A_461 = arith.constant 0 : i32
      %dma_wait3A_462 = tpu.memref_slice %arg8[%add3A_454, %dma_wait3A_461] : memref<80x128xi32, #tpu.memory_space<vmem>> -> memref<1x128xi32, #tpu.memory_space<vmem>>
      %dma_wait3A_463 = tpu.memref_squeeze %dma_wait3A_462 : memref<1x128xi32, #tpu.memory_space<vmem>> -> memref<128xi32, #tpu.memory_space<vmem>>
      %dma_wait3A_464 = arith.constant 0 : i32
      %dma_wait3A_465 = arith.constant 0 : i32
      %dma_wait3A_466 = tpu.memref_slice %arg7[%arg0, %dma_wait3A_464, %dma_wait3A_465] : memref<2x10112x16xf32, #tpu.memory_space<hbm>> -> memref<1x10112x16xf32, #tpu.memory_space<hbm>>
      %dma_wait3A_467 = tpu.memref_squeeze %dma_wait3A_466 : memref<1x10112x16xf32, #tpu.memory_space<hbm>> -> memref<10112x16xf32, #tpu.memory_space<hbm>>
      %dma_wait3A_468 = arith.constant 0 : i32
      %dma_wait3A_469 = arith.constant 0 : i32
      %dma_wait3A_470 = tpu.memref_slice %dma_wait3A_467[%dma_wait3A_468, %dma_wait3A_469] : memref<10112x16xf32, #tpu.memory_space<hbm>> -> memref<10112x16xf32, #tpu.memory_space<hbm>>
      %dma_wait3A_471 = tpu.memref_slice %arg14[%dma_wait3A_456] : memref<8x!tpu.dma_semaphore, #tpu.memory_space<semaphore_mem>> -> memref<1x!tpu.dma_semaphore, #tpu.memory_space<semaphore_mem>>
      %dma_wait3A_472 = tpu.memref_squeeze %dma_wait3A_471 : memref<1x!tpu.dma_semaphore, #tpu.memory_space<semaphore_mem>> -> memref<!tpu.dma_semaphore, #tpu.memory_space<semaphore_mem>>
      tpu.wait_indirect_dma semaphore(%dma_wait3A_472 : memref<!tpu.dma_semaphore, #tpu.memory_space<semaphore_mem>>) src(%dma_wait3A_470 : memref<10112x16xf32, #tpu.memory_space<hbm>>) dst(%dma_wait3A_460 : memref<128x16xf32, #tpu.memory_space<vmem>>)
      %dma_start3A_473 = arith.constant 3 : i32
      %dma_start3A_474 = arith.constant 3 : i32
      %dma_start3A_475 = arith.constant 0 : i32
      %dma_start3A_476 = arith.constant 0 : i32
      %dma_start3A_477 = tpu.memref_slice %arg10[%dma_start3A_473, %dma_start3A_475, %dma_start3A_476] : memref<8x128x16xf32, #tpu.memory_space<vmem>> -> memref<1x128x16xf32, #tpu.memory_space<vmem>>
      %dma_start3A_478 = tpu.memref_squeeze %dma_start3A_477 : memref<1x128x16xf32, #tpu.memory_space<vmem>> -> memref<128x16xf32, #tpu.memory_space<vmem>>
      %dma_start3A_479 = arith.constant 0 : i32
      %dma_start3A_480 = tpu.memref_slice %arg9[%add3A_454, %dma_start3A_479] : memref<80x128xi32, #tpu.memory_space<vmem>> -> memref<1x128xi32, #tpu.memory_space<vmem>>
      %dma_start3A_481 = tpu.memref_squeeze %dma_start3A_480 : memref<1x128xi32, #tpu.memory_space<vmem>> -> memref<128xi32, #tpu.memory_space<vmem>>
      %dma_start3A_482 = arith.constant 0 : i32
      %dma_start3A_483 = arith.constant 0 : i32
      %dma_start3A_484 = tpu.memref_slice %arg13[%dma_start3A_482, %dma_start3A_483] : memref<10112x16xf32, #tpu.memory_space<vmem_shared>> -> memref<10112x16xf32, #tpu.memory_space<vmem_shared>>
      %dma_start3A_485 = tpu.memref_slice %arg15[%dma_start3A_474] : memref<8x!tpu.dma_semaphore, #tpu.memory_space<semaphore_mem>> -> memref<1x!tpu.dma_semaphore, #tpu.memory_space<semaphore_mem>>
      %dma_start3A_486 = tpu.memref_squeeze %dma_start3A_485 : memref<1x!tpu.dma_semaphore, #tpu.memory_space<semaphore_mem>> -> memref<!tpu.dma_semaphore, #tpu.memory_space<semaphore_mem>>
      tpu.enqueue_indirect_dma source(%dma_start3A_478 : memref<128x16xf32, #tpu.memory_space<vmem>>) target(%dma_start3A_484 : memref<10112x16xf32, #tpu.memory_space<vmem_shared>>) offsets(%dma_start3A_481 : memref<128xi32, #tpu.memory_space<vmem>>) semaphore(%dma_start3A_486 : memref<!tpu.dma_semaphore, #tpu.memory_space<semaphore_mem>>) {add = true}
      %sub3A_487 = arith.constant 1 : i32
      %sub3A_488 = arith.subi %add3A_454, %sub3A_487 : i32
      %ge3A_489 = arith.constant 0 : i32
      %ge3A_490 = arith.cmpi sge, %sub3A_488, %ge3A_489 : i32
      %add3A_491 = arith.constant 8 : i32
      %add3A_492 = arith.addi %sub3A_488, %add3A_491 : i32
      %lt3A_493 = arith.constant 80 : i32
      %lt3A_494 = arith.cmpi slt, %add3A_492, %lt3A_493 : i32
      %and3A_495 = arith.andi %ge3A_490, %lt3A_494 : i1
      %convert_element_type3A_496 = arith.extui %and3A_495 : i1 to i32
      %cond3A_497 = arith.constant 0 : i32
      %cond3A_498 = arith.cmpi ne, %convert_element_type3A_496, %cond3A_497 : i32
      scf.if %cond3A_498 {
        %dma_wait3A_683 = arith.constant 2 : i32
        %dma_wait3A_684 = arith.constant 0 : i32
        %dma_wait3A_685 = arith.constant 2 : i32
        %dma_wait3A_686 = arith.constant 0 : i32
        %dma_wait3A_687 = arith.constant 0 : i32
        %dma_wait3A_688 = tpu.memref_slice %arg10[%dma_wait3A_683, %dma_wait3A_686, %dma_wait3A_687] : memref<8x128x16xf32, #tpu.memory_space<vmem>> -> memref<1x128x16xf32, #tpu.memory_space<vmem>>
        %dma_wait3A_689 = tpu.memref_squeeze %dma_wait3A_688 : memref<1x128x16xf32, #tpu.memory_space<vmem>> -> memref<128x16xf32, #tpu.memory_space<vmem>>
        %dma_wait3A_690 = arith.constant 0 : i32
        %dma_wait3A_691 = tpu.memref_slice %arg9[%dma_wait3A_684, %dma_wait3A_690] : memref<80x128xi32, #tpu.memory_space<vmem>> -> memref<1x128xi32, #tpu.memory_space<vmem>>
        %dma_wait3A_692 = tpu.memref_squeeze %dma_wait3A_691 : memref<1x128xi32, #tpu.memory_space<vmem>> -> memref<128xi32, #tpu.memory_space<vmem>>
        %dma_wait3A_693 = arith.constant 0 : i32
        %dma_wait3A_694 = arith.constant 0 : i32
        %dma_wait3A_695 = tpu.memref_slice %arg13[%dma_wait3A_693, %dma_wait3A_694] : memref<10112x16xf32, #tpu.memory_space<vmem_shared>> -> memref<10112x16xf32, #tpu.memory_space<vmem_shared>>
        %dma_wait3A_696 = tpu.memref_slice %arg15[%dma_wait3A_685] : memref<8x!tpu.dma_semaphore, #tpu.memory_space<semaphore_mem>> -> memref<1x!tpu.dma_semaphore, #tpu.memory_space<semaphore_mem>>
        %dma_wait3A_697 = tpu.memref_squeeze %dma_wait3A_696 : memref<1x!tpu.dma_semaphore, #tpu.memory_space<semaphore_mem>> -> memref<!tpu.dma_semaphore, #tpu.memory_space<semaphore_mem>>
        tpu.wait_indirect_dma semaphore(%dma_wait3A_697 : memref<!tpu.dma_semaphore, #tpu.memory_space<semaphore_mem>>) src(%dma_wait3A_689 : memref<128x16xf32, #tpu.memory_space<vmem>>) dst(%dma_wait3A_695 : memref<10112x16xf32, #tpu.memory_space<vmem_shared>>)
        %add3A_698 = arith.constant 8 : i32
        %add3A_699 = arith.addi %sub3A_488, %add3A_698 : i32
        %dma_start3A_700 = arith.constant 2 : i32
        %dma_start3A_701 = arith.constant 2 : i32
        %dma_start3A_702 = arith.constant 0 : i32
        %dma_start3A_703 = arith.constant 0 : i32
        %dma_start3A_704 = tpu.memref_slice %arg10[%dma_start3A_700, %dma_start3A_702, %dma_start3A_703] : memref<8x128x16xf32, #tpu.memory_space<vmem>> -> memref<1x128x16xf32, #tpu.memory_space<vmem>>
        %dma_start3A_705 = tpu.memref_squeeze %dma_start3A_704 : memref<1x128x16xf32, #tpu.memory_space<vmem>> -> memref<128x16xf32, #tpu.memory_space<vmem>>
        %dma_start3A_706 = arith.constant 0 : i32
        %dma_start3A_707 = tpu.memref_slice %arg8[%add3A_699, %dma_start3A_706] : memref<80x128xi32, #tpu.memory_space<vmem>> -> memref<1x128xi32, #tpu.memory_space<vmem>>
        %dma_start3A_708 = tpu.memref_squeeze %dma_start3A_707 : memref<1x128xi32, #tpu.memory_space<vmem>> -> memref<128xi32, #tpu.memory_space<vmem>>
        %dma_start3A_709 = arith.constant 0 : i32
        %dma_start3A_710 = arith.constant 0 : i32
        %dma_start3A_711 = tpu.memref_slice %arg7[%arg0, %dma_start3A_709, %dma_start3A_710] : memref<2x10112x16xf32, #tpu.memory_space<hbm>> -> memref<1x10112x16xf32, #tpu.memory_space<hbm>>
        %dma_start3A_712 = tpu.memref_squeeze %dma_start3A_711 : memref<1x10112x16xf32, #tpu.memory_space<hbm>> -> memref<10112x16xf32, #tpu.memory_space<hbm>>
        %dma_start3A_713 = arith.constant 0 : i32
        %dma_start3A_714 = arith.constant 0 : i32
        %dma_start3A_715 = tpu.memref_slice %dma_start3A_712[%dma_start3A_713, %dma_start3A_714] : memref<10112x16xf32, #tpu.memory_space<hbm>> -> memref<10112x16xf32, #tpu.memory_space<hbm>>
        %dma_start3A_716 = tpu.memref_slice %arg14[%dma_start3A_701] : memref<8x!tpu.dma_semaphore, #tpu.memory_space<semaphore_mem>> -> memref<1x!tpu.dma_semaphore, #tpu.memory_space<semaphore_mem>>
        %dma_start3A_717 = tpu.memref_squeeze %dma_start3A_716 : memref<1x!tpu.dma_semaphore, #tpu.memory_space<semaphore_mem>> -> memref<!tpu.dma_semaphore, #tpu.memory_space<semaphore_mem>>
        tpu.enqueue_indirect_dma source(%dma_start3A_715 : memref<10112x16xf32, #tpu.memory_space<hbm>>) target(%dma_start3A_705 : memref<128x16xf32, #tpu.memory_space<vmem>>) offsets(%dma_start3A_708 : memref<128xi32, #tpu.memory_space<vmem>>) semaphore(%dma_start3A_717 : memref<!tpu.dma_semaphore, #tpu.memory_space<semaphore_mem>>)
      } else {
      }
      %add3A_499 = arith.constant 4 : i32
      %add3A_500 = arith.addi %add3A_320, %add3A_499 : i32
      %dma_wait3A_501 = arith.constant 4 : i32
      %dma_wait3A_502 = arith.constant 4 : i32
      %dma_wait3A_503 = arith.constant 0 : i32
      %dma_wait3A_504 = arith.constant 0 : i32
      %dma_wait3A_505 = tpu.memref_slice %arg10[%dma_wait3A_501, %dma_wait3A_503, %dma_wait3A_504] : memref<8x128x16xf32, #tpu.memory_space<vmem>> -> memref<1x128x16xf32, #tpu.memory_space<vmem>>
      %dma_wait3A_506 = tpu.memref_squeeze %dma_wait3A_505 : memref<1x128x16xf32, #tpu.memory_space<vmem>> -> memref<128x16xf32, #tpu.memory_space<vmem>>
      %dma_wait3A_507 = arith.constant 0 : i32
      %dma_wait3A_508 = tpu.memref_slice %arg8[%add3A_500, %dma_wait3A_507] : memref<80x128xi32, #tpu.memory_space<vmem>> -> memref<1x128xi32, #tpu.memory_space<vmem>>
      %dma_wait3A_509 = tpu.memref_squeeze %dma_wait3A_508 : memref<1x128xi32, #tpu.memory_space<vmem>> -> memref<128xi32, #tpu.memory_space<vmem>>
      %dma_wait3A_510 = arith.constant 0 : i32
      %dma_wait3A_511 = arith.constant 0 : i32
      %dma_wait3A_512 = tpu.memref_slice %arg7[%arg0, %dma_wait3A_510, %dma_wait3A_511] : memref<2x10112x16xf32, #tpu.memory_space<hbm>> -> memref<1x10112x16xf32, #tpu.memory_space<hbm>>
      %dma_wait3A_513 = tpu.memref_squeeze %dma_wait3A_512 : memref<1x10112x16xf32, #tpu.memory_space<hbm>> -> memref<10112x16xf32, #tpu.memory_space<hbm>>
      %dma_wait3A_514 = arith.constant 0 : i32
      %dma_wait3A_515 = arith.constant 0 : i32
      %dma_wait3A_516 = tpu.memref_slice %dma_wait3A_513[%dma_wait3A_514, %dma_wait3A_515] : memref<10112x16xf32, #tpu.memory_space<hbm>> -> memref<10112x16xf32, #tpu.memory_space<hbm>>
      %dma_wait3A_517 = tpu.memref_slice %arg14[%dma_wait3A_502] : memref<8x!tpu.dma_semaphore, #tpu.memory_space<semaphore_mem>> -> memref<1x!tpu.dma_semaphore, #tpu.memory_space<semaphore_mem>>
      %dma_wait3A_518 = tpu.memref_squeeze %dma_wait3A_517 : memref<1x!tpu.dma_semaphore, #tpu.memory_space<semaphore_mem>> -> memref<!tpu.dma_semaphore, #tpu.memory_space<semaphore_mem>>
      tpu.wait_indirect_dma semaphore(%dma_wait3A_518 : memref<!tpu.dma_semaphore, #tpu.memory_space<semaphore_mem>>) src(%dma_wait3A_516 : memref<10112x16xf32, #tpu.memory_space<hbm>>) dst(%dma_wait3A_506 : memref<128x16xf32, #tpu.memory_space<vmem>>)
      %dma_start3A_519 = arith.constant 4 : i32
      %dma_start3A_520 = arith.constant 4 : i32
      %dma_start3A_521 = arith.constant 0 : i32
      %dma_start3A_522 = arith.constant 0 : i32
      %dma_start3A_523 = tpu.memref_slice %arg10[%dma_start3A_519, %dma_start3A_521, %dma_start3A_522] : memref<8x128x16xf32, #tpu.memory_space<vmem>> -> memref<1x128x16xf32, #tpu.memory_space<vmem>>
      %dma_start3A_524 = tpu.memref_squeeze %dma_start3A_523 : memref<1x128x16xf32, #tpu.memory_space<vmem>> -> memref<128x16xf32, #tpu.memory_space<vmem>>
      %dma_start3A_525 = arith.constant 0 : i32
      %dma_start3A_526 = tpu.memref_slice %arg9[%add3A_500, %dma_start3A_525] : memref<80x128xi32, #tpu.memory_space<vmem>> -> memref<1x128xi32, #tpu.memory_space<vmem>>
      %dma_start3A_527 = tpu.memref_squeeze %dma_start3A_526 : memref<1x128xi32, #tpu.memory_space<vmem>> -> memref<128xi32, #tpu.memory_space<vmem>>
      %dma_start3A_528 = arith.constant 0 : i32
      %dma_start3A_529 = arith.constant 0 : i32
      %dma_start3A_530 = tpu.memref_slice %arg13[%dma_start3A_528, %dma_start3A_529] : memref<10112x16xf32, #tpu.memory_space<vmem_shared>> -> memref<10112x16xf32, #tpu.memory_space<vmem_shared>>
      %dma_start3A_531 = tpu.memref_slice %arg15[%dma_start3A_520] : memref<8x!tpu.dma_semaphore, #tpu.memory_space<semaphore_mem>> -> memref<1x!tpu.dma_semaphore, #tpu.memory_space<semaphore_mem>>
      %dma_start3A_532 = tpu.memref_squeeze %dma_start3A_531 : memref<1x!tpu.dma_semaphore, #tpu.memory_space<semaphore_mem>> -> memref<!tpu.dma_semaphore, #tpu.memory_space<semaphore_mem>>
      tpu.enqueue_indirect_dma source(%dma_start3A_524 : memref<128x16xf32, #tpu.memory_space<vmem>>) target(%dma_start3A_530 : memref<10112x16xf32, #tpu.memory_space<vmem_shared>>) offsets(%dma_start3A_527 : memref<128xi32, #tpu.memory_space<vmem>>) semaphore(%dma_start3A_532 : memref<!tpu.dma_semaphore, #tpu.memory_space<semaphore_mem>>) {add = true}
      %sub3A_533 = arith.constant 1 : i32
      %sub3A_534 = arith.subi %add3A_500, %sub3A_533 : i32
      %ge3A_535 = arith.constant 0 : i32
      %ge3A_536 = arith.cmpi sge, %sub3A_534, %ge3A_535 : i32
      %add3A_537 = arith.constant 8 : i32
      %add3A_538 = arith.addi %sub3A_534, %add3A_537 : i32
      %lt3A_539 = arith.constant 80 : i32
      %lt3A_540 = arith.cmpi slt, %add3A_538, %lt3A_539 : i32
      %and3A_541 = arith.andi %ge3A_536, %lt3A_540 : i1
      %convert_element_type3A_542 = arith.extui %and3A_541 : i1 to i32
      %cond3A_543 = arith.constant 0 : i32
      %cond3A_544 = arith.cmpi ne, %convert_element_type3A_542, %cond3A_543 : i32
      scf.if %cond3A_544 {
        %dma_wait3A_683 = arith.constant 3 : i32
        %dma_wait3A_684 = arith.constant 0 : i32
        %dma_wait3A_685 = arith.constant 3 : i32
        %dma_wait3A_686 = arith.constant 0 : i32
        %dma_wait3A_687 = arith.constant 0 : i32
        %dma_wait3A_688 = tpu.memref_slice %arg10[%dma_wait3A_683, %dma_wait3A_686, %dma_wait3A_687] : memref<8x128x16xf32, #tpu.memory_space<vmem>> -> memref<1x128x16xf32, #tpu.memory_space<vmem>>
        %dma_wait3A_689 = tpu.memref_squeeze %dma_wait3A_688 : memref<1x128x16xf32, #tpu.memory_space<vmem>> -> memref<128x16xf32, #tpu.memory_space<vmem>>
        %dma_wait3A_690 = arith.constant 0 : i32
        %dma_wait3A_691 = tpu.memref_slice %arg9[%dma_wait3A_684, %dma_wait3A_690] : memref<80x128xi32, #tpu.memory_space<vmem>> -> memref<1x128xi32, #tpu.memory_space<vmem>>
        %dma_wait3A_692 = tpu.memref_squeeze %dma_wait3A_691 : memref<1x128xi32, #tpu.memory_space<vmem>> -> memref<128xi32, #tpu.memory_space<vmem>>
        %dma_wait3A_693 = arith.constant 0 : i32
        %dma_wait3A_694 = arith.constant 0 : i32
        %dma_wait3A_695 = tpu.memref_slice %arg13[%dma_wait3A_693, %dma_wait3A_694] : memref<10112x16xf32, #tpu.memory_space<vmem_shared>> -> memref<10112x16xf32, #tpu.memory_space<vmem_shared>>
        %dma_wait3A_696 = tpu.memref_slice %arg15[%dma_wait3A_685] : memref<8x!tpu.dma_semaphore, #tpu.memory_space<semaphore_mem>> -> memref<1x!tpu.dma_semaphore, #tpu.memory_space<semaphore_mem>>
        %dma_wait3A_697 = tpu.memref_squeeze %dma_wait3A_696 : memref<1x!tpu.dma_semaphore, #tpu.memory_space<semaphore_mem>> -> memref<!tpu.dma_semaphore, #tpu.memory_space<semaphore_mem>>
        tpu.wait_indirect_dma semaphore(%dma_wait3A_697 : memref<!tpu.dma_semaphore, #tpu.memory_space<semaphore_mem>>) src(%dma_wait3A_689 : memref<128x16xf32, #tpu.memory_space<vmem>>) dst(%dma_wait3A_695 : memref<10112x16xf32, #tpu.memory_space<vmem_shared>>)
        %add3A_698 = arith.constant 8 : i32
        %add3A_699 = arith.addi %sub3A_534, %add3A_698 : i32
        %dma_start3A_700 = arith.constant 3 : i32
        %dma_start3A_701 = arith.constant 3 : i32
        %dma_start3A_702 = arith.constant 0 : i32
        %dma_start3A_703 = arith.constant 0 : i32
        %dma_start3A_704 = tpu.memref_slice %arg10[%dma_start3A_700, %dma_start3A_702, %dma_start3A_703] : memref<8x128x16xf32, #tpu.memory_space<vmem>> -> memref<1x128x16xf32, #tpu.memory_space<vmem>>
        %dma_start3A_705 = tpu.memref_squeeze %dma_start3A_704 : memref<1x128x16xf32, #tpu.memory_space<vmem>> -> memref<128x16xf32, #tpu.memory_space<vmem>>
        %dma_start3A_706 = arith.constant 0 : i32
        %dma_start3A_707 = tpu.memref_slice %arg8[%add3A_699, %dma_start3A_706] : memref<80x128xi32, #tpu.memory_space<vmem>> -> memref<1x128xi32, #tpu.memory_space<vmem>>
        %dma_start3A_708 = tpu.memref_squeeze %dma_start3A_707 : memref<1x128xi32, #tpu.memory_space<vmem>> -> memref<128xi32, #tpu.memory_space<vmem>>
        %dma_start3A_709 = arith.constant 0 : i32
        %dma_start3A_710 = arith.constant 0 : i32
        %dma_start3A_711 = tpu.memref_slice %arg7[%arg0, %dma_start3A_709, %dma_start3A_710] : memref<2x10112x16xf32, #tpu.memory_space<hbm>> -> memref<1x10112x16xf32, #tpu.memory_space<hbm>>
        %dma_start3A_712 = tpu.memref_squeeze %dma_start3A_711 : memref<1x10112x16xf32, #tpu.memory_space<hbm>> -> memref<10112x16xf32, #tpu.memory_space<hbm>>
        %dma_start3A_713 = arith.constant 0 : i32
        %dma_start3A_714 = arith.constant 0 : i32
        %dma_start3A_715 = tpu.memref_slice %dma_start3A_712[%dma_start3A_713, %dma_start3A_714] : memref<10112x16xf32, #tpu.memory_space<hbm>> -> memref<10112x16xf32, #tpu.memory_space<hbm>>
        %dma_start3A_716 = tpu.memref_slice %arg14[%dma_start3A_701] : memref<8x!tpu.dma_semaphore, #tpu.memory_space<semaphore_mem>> -> memref<1x!tpu.dma_semaphore, #tpu.memory_space<semaphore_mem>>
        %dma_start3A_717 = tpu.memref_squeeze %dma_start3A_716 : memref<1x!tpu.dma_semaphore, #tpu.memory_space<semaphore_mem>> -> memref<!tpu.dma_semaphore, #tpu.memory_space<semaphore_mem>>
        tpu.enqueue_indirect_dma source(%dma_start3A_715 : memref<10112x16xf32, #tpu.memory_space<hbm>>) target(%dma_start3A_705 : memref<128x16xf32, #tpu.memory_space<vmem>>) offsets(%dma_start3A_708 : memref<128xi32, #tpu.memory_space<vmem>>) semaphore(%dma_start3A_717 : memref<!tpu.dma_semaphore, #tpu.memory_space<semaphore_mem>>)
      } else {
      }
      %add3A_545 = arith.constant 5 : i32
      %add3A_546 = arith.addi %add3A_320, %add3A_545 : i32
      %dma_wait3A_547 = arith.constant 5 : i32
      %dma_wait3A_548 = arith.constant 5 : i32
      %dma_wait3A_549 = arith.constant 0 : i32
      %dma_wait3A_550 = arith.constant 0 : i32
      %dma_wait3A_551 = tpu.memref_slice %arg10[%dma_wait3A_547, %dma_wait3A_549, %dma_wait3A_550] : memref<8x128x16xf32, #tpu.memory_space<vmem>> -> memref<1x128x16xf32, #tpu.memory_space<vmem>>
      %dma_wait3A_552 = tpu.memref_squeeze %dma_wait3A_551 : memref<1x128x16xf32, #tpu.memory_space<vmem>> -> memref<128x16xf32, #tpu.memory_space<vmem>>
      %dma_wait3A_553 = arith.constant 0 : i32
      %dma_wait3A_554 = tpu.memref_slice %arg8[%add3A_546, %dma_wait3A_553] : memref<80x128xi32, #tpu.memory_space<vmem>> -> memref<1x128xi32, #tpu.memory_space<vmem>>
      %dma_wait3A_555 = tpu.memref_squeeze %dma_wait3A_554 : memref<1x128xi32, #tpu.memory_space<vmem>> -> memref<128xi32, #tpu.memory_space<vmem>>
      %dma_wait3A_556 = arith.constant 0 : i32
      %dma_wait3A_557 = arith.constant 0 : i32
      %dma_wait3A_558 = tpu.memref_slice %arg7[%arg0, %dma_wait3A_556, %dma_wait3A_557] : memref<2x10112x16xf32, #tpu.memory_space<hbm>> -> memref<1x10112x16xf32, #tpu.memory_space<hbm>>
      %dma_wait3A_559 = tpu.memref_squeeze %dma_wait3A_558 : memref<1x10112x16xf32, #tpu.memory_space<hbm>> -> memref<10112x16xf32, #tpu.memory_space<hbm>>
      %dma_wait3A_560 = arith.constant 0 : i32
      %dma_wait3A_561 = arith.constant 0 : i32
      %dma_wait3A_562 = tpu.memref_slice %dma_wait3A_559[%dma_wait3A_560, %dma_wait3A_561] : memref<10112x16xf32, #tpu.memory_space<hbm>> -> memref<10112x16xf32, #tpu.memory_space<hbm>>
      %dma_wait3A_563 = tpu.memref_slice %arg14[%dma_wait3A_548] : memref<8x!tpu.dma_semaphore, #tpu.memory_space<semaphore_mem>> -> memref<1x!tpu.dma_semaphore, #tpu.memory_space<semaphore_mem>>
      %dma_wait3A_564 = tpu.memref_squeeze %dma_wait3A_563 : memref<1x!tpu.dma_semaphore, #tpu.memory_space<semaphore_mem>> -> memref<!tpu.dma_semaphore, #tpu.memory_space<semaphore_mem>>
      tpu.wait_indirect_dma semaphore(%dma_wait3A_564 : memref<!tpu.dma_semaphore, #tpu.memory_space<semaphore_mem>>) src(%dma_wait3A_562 : memref<10112x16xf32, #tpu.memory_space<hbm>>) dst(%dma_wait3A_552 : memref<128x16xf32, #tpu.memory_space<vmem>>)
      %dma_start3A_565 = arith.constant 5 : i32
      %dma_start3A_566 = arith.constant 5 : i32
      %dma_start3A_567 = arith.constant 0 : i32
      %dma_start3A_568 = arith.constant 0 : i32
      %dma_start3A_569 = tpu.memref_slice %arg10[%dma_start3A_565, %dma_start3A_567, %dma_start3A_568] : memref<8x128x16xf32, #tpu.memory_space<vmem>> -> memref<1x128x16xf32, #tpu.memory_space<vmem>>
      %dma_start3A_570 = tpu.memref_squeeze %dma_start3A_569 : memref<1x128x16xf32, #tpu.memory_space<vmem>> -> memref<128x16xf32, #tpu.memory_space<vmem>>
      %dma_start3A_571 = arith.constant 0 : i32
      %dma_start3A_572 = tpu.memref_slice %arg9[%add3A_546, %dma_start3A_571] : memref<80x128xi32, #tpu.memory_space<vmem>> -> memref<1x128xi32, #tpu.memory_space<vmem>>
      %dma_start3A_573 = tpu.memref_squeeze %dma_start3A_572 : memref<1x128xi32, #tpu.memory_space<vmem>> -> memref<128xi32, #tpu.memory_space<vmem>>
      %dma_start3A_574 = arith.constant 0 : i32
      %dma_start3A_575 = arith.constant 0 : i32
      %dma_start3A_576 = tpu.memref_slice %arg13[%dma_start3A_574, %dma_start3A_575] : memref<10112x16xf32, #tpu.memory_space<vmem_shared>> -> memref<10112x16xf32, #tpu.memory_space<vmem_shared>>
      %dma_start3A_577 = tpu.memref_slice %arg15[%dma_start3A_566] : memref<8x!tpu.dma_semaphore, #tpu.memory_space<semaphore_mem>> -> memref<1x!tpu.dma_semaphore, #tpu.memory_space<semaphore_mem>>
      %dma_start3A_578 = tpu.memref_squeeze %dma_start3A_577 : memref<1x!tpu.dma_semaphore, #tpu.memory_space<semaphore_mem>> -> memref<!tpu.dma_semaphore, #tpu.memory_space<semaphore_mem>>
      tpu.enqueue_indirect_dma source(%dma_start3A_570 : memref<128x16xf32, #tpu.memory_space<vmem>>) target(%dma_start3A_576 : memref<10112x16xf32, #tpu.memory_space<vmem_shared>>) offsets(%dma_start3A_573 : memref<128xi32, #tpu.memory_space<vmem>>) semaphore(%dma_start3A_578 : memref<!tpu.dma_semaphore, #tpu.memory_space<semaphore_mem>>) {add = true}
      %sub3A_579 = arith.constant 1 : i32
      %sub3A_580 = arith.subi %add3A_546, %sub3A_579 : i32
      %ge3A_581 = arith.constant 0 : i32
      %ge3A_582 = arith.cmpi sge, %sub3A_580, %ge3A_581 : i32
      %add3A_583 = arith.constant 8 : i32
      %add3A_584 = arith.addi %sub3A_580, %add3A_583 : i32
      %lt3A_585 = arith.constant 80 : i32
      %lt3A_586 = arith.cmpi slt, %add3A_584, %lt3A_585 : i32
      %and3A_587 = arith.andi %ge3A_582, %lt3A_586 : i1
      %convert_element_type3A_588 = arith.extui %and3A_587 : i1 to i32
      %cond3A_589 = arith.constant 0 : i32
      %cond3A_590 = arith.cmpi ne, %convert_element_type3A_588, %cond3A_589 : i32
      scf.if %cond3A_590 {
        %dma_wait3A_683 = arith.constant 4 : i32
        %dma_wait3A_684 = arith.constant 0 : i32
        %dma_wait3A_685 = arith.constant 4 : i32
        %dma_wait3A_686 = arith.constant 0 : i32
        %dma_wait3A_687 = arith.constant 0 : i32
        %dma_wait3A_688 = tpu.memref_slice %arg10[%dma_wait3A_683, %dma_wait3A_686, %dma_wait3A_687] : memref<8x128x16xf32, #tpu.memory_space<vmem>> -> memref<1x128x16xf32, #tpu.memory_space<vmem>>
        %dma_wait3A_689 = tpu.memref_squeeze %dma_wait3A_688 : memref<1x128x16xf32, #tpu.memory_space<vmem>> -> memref<128x16xf32, #tpu.memory_space<vmem>>
        %dma_wait3A_690 = arith.constant 0 : i32
        %dma_wait3A_691 = tpu.memref_slice %arg9[%dma_wait3A_684, %dma_wait3A_690] : memref<80x128xi32, #tpu.memory_space<vmem>> -> memref<1x128xi32, #tpu.memory_space<vmem>>
        %dma_wait3A_692 = tpu.memref_squeeze %dma_wait3A_691 : memref<1x128xi32, #tpu.memory_space<vmem>> -> memref<128xi32, #tpu.memory_space<vmem>>
        %dma_wait3A_693 = arith.constant 0 : i32
        %dma_wait3A_694 = arith.constant 0 : i32
        %dma_wait3A_695 = tpu.memref_slice %arg13[%dma_wait3A_693, %dma_wait3A_694] : memref<10112x16xf32, #tpu.memory_space<vmem_shared>> -> memref<10112x16xf32, #tpu.memory_space<vmem_shared>>
        %dma_wait3A_696 = tpu.memref_slice %arg15[%dma_wait3A_685] : memref<8x!tpu.dma_semaphore, #tpu.memory_space<semaphore_mem>> -> memref<1x!tpu.dma_semaphore, #tpu.memory_space<semaphore_mem>>
        %dma_wait3A_697 = tpu.memref_squeeze %dma_wait3A_696 : memref<1x!tpu.dma_semaphore, #tpu.memory_space<semaphore_mem>> -> memref<!tpu.dma_semaphore, #tpu.memory_space<semaphore_mem>>
        tpu.wait_indirect_dma semaphore(%dma_wait3A_697 : memref<!tpu.dma_semaphore, #tpu.memory_space<semaphore_mem>>) src(%dma_wait3A_689 : memref<128x16xf32, #tpu.memory_space<vmem>>) dst(%dma_wait3A_695 : memref<10112x16xf32, #tpu.memory_space<vmem_shared>>)
        %add3A_698 = arith.constant 8 : i32
        %add3A_699 = arith.addi %sub3A_580, %add3A_698 : i32
        %dma_start3A_700 = arith.constant 4 : i32
        %dma_start3A_701 = arith.constant 4 : i32
        %dma_start3A_702 = arith.constant 0 : i32
        %dma_start3A_703 = arith.constant 0 : i32
        %dma_start3A_704 = tpu.memref_slice %arg10[%dma_start3A_700, %dma_start3A_702, %dma_start3A_703] : memref<8x128x16xf32, #tpu.memory_space<vmem>> -> memref<1x128x16xf32, #tpu.memory_space<vmem>>
        %dma_start3A_705 = tpu.memref_squeeze %dma_start3A_704 : memref<1x128x16xf32, #tpu.memory_space<vmem>> -> memref<128x16xf32, #tpu.memory_space<vmem>>
        %dma_start3A_706 = arith.constant 0 : i32
        %dma_start3A_707 = tpu.memref_slice %arg8[%add3A_699, %dma_start3A_706] : memref<80x128xi32, #tpu.memory_space<vmem>> -> memref<1x128xi32, #tpu.memory_space<vmem>>
        %dma_start3A_708 = tpu.memref_squeeze %dma_start3A_707 : memref<1x128xi32, #tpu.memory_space<vmem>> -> memref<128xi32, #tpu.memory_space<vmem>>
        %dma_start3A_709 = arith.constant 0 : i32
        %dma_start3A_710 = arith.constant 0 : i32
        %dma_start3A_711 = tpu.memref_slice %arg7[%arg0, %dma_start3A_709, %dma_start3A_710] : memref<2x10112x16xf32, #tpu.memory_space<hbm>> -> memref<1x10112x16xf32, #tpu.memory_space<hbm>>
        %dma_start3A_712 = tpu.memref_squeeze %dma_start3A_711 : memref<1x10112x16xf32, #tpu.memory_space<hbm>> -> memref<10112x16xf32, #tpu.memory_space<hbm>>
        %dma_start3A_713 = arith.constant 0 : i32
        %dma_start3A_714 = arith.constant 0 : i32
        %dma_start3A_715 = tpu.memref_slice %dma_start3A_712[%dma_start3A_713, %dma_start3A_714] : memref<10112x16xf32, #tpu.memory_space<hbm>> -> memref<10112x16xf32, #tpu.memory_space<hbm>>
        %dma_start3A_716 = tpu.memref_slice %arg14[%dma_start3A_701] : memref<8x!tpu.dma_semaphore, #tpu.memory_space<semaphore_mem>> -> memref<1x!tpu.dma_semaphore, #tpu.memory_space<semaphore_mem>>
        %dma_start3A_717 = tpu.memref_squeeze %dma_start3A_716 : memref<1x!tpu.dma_semaphore, #tpu.memory_space<semaphore_mem>> -> memref<!tpu.dma_semaphore, #tpu.memory_space<semaphore_mem>>
        tpu.enqueue_indirect_dma source(%dma_start3A_715 : memref<10112x16xf32, #tpu.memory_space<hbm>>) target(%dma_start3A_705 : memref<128x16xf32, #tpu.memory_space<vmem>>) offsets(%dma_start3A_708 : memref<128xi32, #tpu.memory_space<vmem>>) semaphore(%dma_start3A_717 : memref<!tpu.dma_semaphore, #tpu.memory_space<semaphore_mem>>)
      } else {
      }
      %add3A_591 = arith.constant 6 : i32
      %add3A_592 = arith.addi %add3A_320, %add3A_591 : i32
      %dma_wait3A_593 = arith.constant 6 : i32
      %dma_wait3A_594 = arith.constant 6 : i32
      %dma_wait3A_595 = arith.constant 0 : i32
      %dma_wait3A_596 = arith.constant 0 : i32
      %dma_wait3A_597 = tpu.memref_slice %arg10[%dma_wait3A_593, %dma_wait3A_595, %dma_wait3A_596] : memref<8x128x16xf32, #tpu.memory_space<vmem>> -> memref<1x128x16xf32, #tpu.memory_space<vmem>>
      %dma_wait3A_598 = tpu.memref_squeeze %dma_wait3A_597 : memref<1x128x16xf32, #tpu.memory_space<vmem>> -> memref<128x16xf32, #tpu.memory_space<vmem>>
      %dma_wait3A_599 = arith.constant 0 : i32
      %dma_wait3A_600 = tpu.memref_slice %arg8[%add3A_592, %dma_wait3A_599] : memref<80x128xi32, #tpu.memory_space<vmem>> -> memref<1x128xi32, #tpu.memory_space<vmem>>
      %dma_wait3A_601 = tpu.memref_squeeze %dma_wait3A_600 : memref<1x128xi32, #tpu.memory_space<vmem>> -> memref<128xi32, #tpu.memory_space<vmem>>
      %dma_wait3A_602 = arith.constant 0 : i32
      %dma_wait3A_603 = arith.constant 0 : i32
      %dma_wait3A_604 = tpu.memref_slice %arg7[%arg0, %dma_wait3A_602, %dma_wait3A_603] : memref<2x10112x16xf32, #tpu.memory_space<hbm>> -> memref<1x10112x16xf32, #tpu.memory_space<hbm>>
      %dma_wait3A_605 = tpu.memref_squeeze %dma_wait3A_604 : memref<1x10112x16xf32, #tpu.memory_space<hbm>> -> memref<10112x16xf32, #tpu.memory_space<hbm>>
      %dma_wait3A_606 = arith.constant 0 : i32
      %dma_wait3A_607 = arith.constant 0 : i32
      %dma_wait3A_608 = tpu.memref_slice %dma_wait3A_605[%dma_wait3A_606, %dma_wait3A_607] : memref<10112x16xf32, #tpu.memory_space<hbm>> -> memref<10112x16xf32, #tpu.memory_space<hbm>>
      %dma_wait3A_609 = tpu.memref_slice %arg14[%dma_wait3A_594] : memref<8x!tpu.dma_semaphore, #tpu.memory_space<semaphore_mem>> -> memref<1x!tpu.dma_semaphore, #tpu.memory_space<semaphore_mem>>
      %dma_wait3A_610 = tpu.memref_squeeze %dma_wait3A_609 : memref<1x!tpu.dma_semaphore, #tpu.memory_space<semaphore_mem>> -> memref<!tpu.dma_semaphore, #tpu.memory_space<semaphore_mem>>
      tpu.wait_indirect_dma semaphore(%dma_wait3A_610 : memref<!tpu.dma_semaphore, #tpu.memory_space<semaphore_mem>>) src(%dma_wait3A_608 : memref<10112x16xf32, #tpu.memory_space<hbm>>) dst(%dma_wait3A_598 : memref<128x16xf32, #tpu.memory_space<vmem>>)
      %dma_start3A_611 = arith.constant 6 : i32
      %dma_start3A_612 = arith.constant 6 : i32
      %dma_start3A_613 = arith.constant 0 : i32
      %dma_start3A_614 = arith.constant 0 : i32
      %dma_start3A_615 = tpu.memref_slice %arg10[%dma_start3A_611, %dma_start3A_613, %dma_start3A_614] : memref<8x128x16xf32, #tpu.memory_space<vmem>> -> memref<1x128x16xf32, #tpu.memory_space<vmem>>
      %dma_start3A_616 = tpu.memref_squeeze %dma_start3A_615 : memref<1x128x16xf32, #tpu.memory_space<vmem>> -> memref<128x16xf32, #tpu.memory_space<vmem>>
      %dma_start3A_617 = arith.constant 0 : i32
      %dma_start3A_618 = tpu.memref_slice %arg9[%add3A_592, %dma_start3A_617] : memref<80x128xi32, #tpu.memory_space<vmem>> -> memref<1x128xi32, #tpu.memory_space<vmem>>
      %dma_start3A_619 = tpu.memref_squeeze %dma_start3A_618 : memref<1x128xi32, #tpu.memory_space<vmem>> -> memref<128xi32, #tpu.memory_space<vmem>>
      %dma_start3A_620 = arith.constant 0 : i32
      %dma_start3A_621 = arith.constant 0 : i32
      %dma_start3A_622 = tpu.memref_slice %arg13[%dma_start3A_620, %dma_start3A_621] : memref<10112x16xf32, #tpu.memory_space<vmem_shared>> -> memref<10112x16xf32, #tpu.memory_space<vmem_shared>>
      %dma_start3A_623 = tpu.memref_slice %arg15[%dma_start3A_612] : memref<8x!tpu.dma_semaphore, #tpu.memory_space<semaphore_mem>> -> memref<1x!tpu.dma_semaphore, #tpu.memory_space<semaphore_mem>>
      %dma_start3A_624 = tpu.memref_squeeze %dma_start3A_623 : memref<1x!tpu.dma_semaphore, #tpu.memory_space<semaphore_mem>> -> memref<!tpu.dma_semaphore, #tpu.memory_space<semaphore_mem>>
      tpu.enqueue_indirect_dma source(%dma_start3A_616 : memref<128x16xf32, #tpu.memory_space<vmem>>) target(%dma_start3A_622 : memref<10112x16xf32, #tpu.memory_space<vmem_shared>>) offsets(%dma_start3A_619 : memref<128xi32, #tpu.memory_space<vmem>>) semaphore(%dma_start3A_624 : memref<!tpu.dma_semaphore, #tpu.memory_space<semaphore_mem>>) {add = true}
      %sub3A_625 = arith.constant 1 : i32
      %sub3A_626 = arith.subi %add3A_592, %sub3A_625 : i32
      %ge3A_627 = arith.constant 0 : i32
      %ge3A_628 = arith.cmpi sge, %sub3A_626, %ge3A_627 : i32
      %add3A_629 = arith.constant 8 : i32
      %add3A_630 = arith.addi %sub3A_626, %add3A_629 : i32
      %lt3A_631 = arith.constant 80 : i32
      %lt3A_632 = arith.cmpi slt, %add3A_630, %lt3A_631 : i32
      %and3A_633 = arith.andi %ge3A_628, %lt3A_632 : i1
      %convert_element_type3A_634 = arith.extui %and3A_633 : i1 to i32
      %cond3A_635 = arith.constant 0 : i32
      %cond3A_636 = arith.cmpi ne, %convert_element_type3A_634, %cond3A_635 : i32
      scf.if %cond3A_636 {
        %dma_wait3A_683 = arith.constant 5 : i32
        %dma_wait3A_684 = arith.constant 0 : i32
        %dma_wait3A_685 = arith.constant 5 : i32
        %dma_wait3A_686 = arith.constant 0 : i32
        %dma_wait3A_687 = arith.constant 0 : i32
        %dma_wait3A_688 = tpu.memref_slice %arg10[%dma_wait3A_683, %dma_wait3A_686, %dma_wait3A_687] : memref<8x128x16xf32, #tpu.memory_space<vmem>> -> memref<1x128x16xf32, #tpu.memory_space<vmem>>
        %dma_wait3A_689 = tpu.memref_squeeze %dma_wait3A_688 : memref<1x128x16xf32, #tpu.memory_space<vmem>> -> memref<128x16xf32, #tpu.memory_space<vmem>>
        %dma_wait3A_690 = arith.constant 0 : i32
        %dma_wait3A_691 = tpu.memref_slice %arg9[%dma_wait3A_684, %dma_wait3A_690] : memref<80x128xi32, #tpu.memory_space<vmem>> -> memref<1x128xi32, #tpu.memory_space<vmem>>
        %dma_wait3A_692 = tpu.memref_squeeze %dma_wait3A_691 : memref<1x128xi32, #tpu.memory_space<vmem>> -> memref<128xi32, #tpu.memory_space<vmem>>
        %dma_wait3A_693 = arith.constant 0 : i32
        %dma_wait3A_694 = arith.constant 0 : i32
        %dma_wait3A_695 = tpu.memref_slice %arg13[%dma_wait3A_693, %dma_wait3A_694] : memref<10112x16xf32, #tpu.memory_space<vmem_shared>> -> memref<10112x16xf32, #tpu.memory_space<vmem_shared>>
        %dma_wait3A_696 = tpu.memref_slice %arg15[%dma_wait3A_685] : memref<8x!tpu.dma_semaphore, #tpu.memory_space<semaphore_mem>> -> memref<1x!tpu.dma_semaphore, #tpu.memory_space<semaphore_mem>>
        %dma_wait3A_697 = tpu.memref_squeeze %dma_wait3A_696 : memref<1x!tpu.dma_semaphore, #tpu.memory_space<semaphore_mem>> -> memref<!tpu.dma_semaphore, #tpu.memory_space<semaphore_mem>>
        tpu.wait_indirect_dma semaphore(%dma_wait3A_697 : memref<!tpu.dma_semaphore, #tpu.memory_space<semaphore_mem>>) src(%dma_wait3A_689 : memref<128x16xf32, #tpu.memory_space<vmem>>) dst(%dma_wait3A_695 : memref<10112x16xf32, #tpu.memory_space<vmem_shared>>)
        %add3A_698 = arith.constant 8 : i32
        %add3A_699 = arith.addi %sub3A_626, %add3A_698 : i32
        %dma_start3A_700 = arith.constant 5 : i32
        %dma_start3A_701 = arith.constant 5 : i32
        %dma_start3A_702 = arith.constant 0 : i32
        %dma_start3A_703 = arith.constant 0 : i32
        %dma_start3A_704 = tpu.memref_slice %arg10[%dma_start3A_700, %dma_start3A_702, %dma_start3A_703] : memref<8x128x16xf32, #tpu.memory_space<vmem>> -> memref<1x128x16xf32, #tpu.memory_space<vmem>>
        %dma_start3A_705 = tpu.memref_squeeze %dma_start3A_704 : memref<1x128x16xf32, #tpu.memory_space<vmem>> -> memref<128x16xf32, #tpu.memory_space<vmem>>
        %dma_start3A_706 = arith.constant 0 : i32
        %dma_start3A_707 = tpu.memref_slice %arg8[%add3A_699, %dma_start3A_706] : memref<80x128xi32, #tpu.memory_space<vmem>> -> memref<1x128xi32, #tpu.memory_space<vmem>>
        %dma_start3A_708 = tpu.memref_squeeze %dma_start3A_707 : memref<1x128xi32, #tpu.memory_space<vmem>> -> memref<128xi32, #tpu.memory_space<vmem>>
        %dma_start3A_709 = arith.constant 0 : i32
        %dma_start3A_710 = arith.constant 0 : i32
        %dma_start3A_711 = tpu.memref_slice %arg7[%arg0, %dma_start3A_709, %dma_start3A_710] : memref<2x10112x16xf32, #tpu.memory_space<hbm>> -> memref<1x10112x16xf32, #tpu.memory_space<hbm>>
        %dma_start3A_712 = tpu.memref_squeeze %dma_start3A_711 : memref<1x10112x16xf32, #tpu.memory_space<hbm>> -> memref<10112x16xf32, #tpu.memory_space<hbm>>
        %dma_start3A_713 = arith.constant 0 : i32
        %dma_start3A_714 = arith.constant 0 : i32
        %dma_start3A_715 = tpu.memref_slice %dma_start3A_712[%dma_start3A_713, %dma_start3A_714] : memref<10112x16xf32, #tpu.memory_space<hbm>> -> memref<10112x16xf32, #tpu.memory_space<hbm>>
        %dma_start3A_716 = tpu.memref_slice %arg14[%dma_start3A_701] : memref<8x!tpu.dma_semaphore, #tpu.memory_space<semaphore_mem>> -> memref<1x!tpu.dma_semaphore, #tpu.memory_space<semaphore_mem>>
        %dma_start3A_717 = tpu.memref_squeeze %dma_start3A_716 : memref<1x!tpu.dma_semaphore, #tpu.memory_space<semaphore_mem>> -> memref<!tpu.dma_semaphore, #tpu.memory_space<semaphore_mem>>
        tpu.enqueue_indirect_dma source(%dma_start3A_715 : memref<10112x16xf32, #tpu.memory_space<hbm>>) target(%dma_start3A_705 : memref<128x16xf32, #tpu.memory_space<vmem>>) offsets(%dma_start3A_708 : memref<128xi32, #tpu.memory_space<vmem>>) semaphore(%dma_start3A_717 : memref<!tpu.dma_semaphore, #tpu.memory_space<semaphore_mem>>)
      } else {
      }
      %add3A_637 = arith.constant 7 : i32
      %add3A_638 = arith.addi %add3A_320, %add3A_637 : i32
      %dma_wait3A_639 = arith.constant 7 : i32
      %dma_wait3A_640 = arith.constant 7 : i32
      %dma_wait3A_641 = arith.constant 0 : i32
      %dma_wait3A_642 = arith.constant 0 : i32
      %dma_wait3A_643 = tpu.memref_slice %arg10[%dma_wait3A_639, %dma_wait3A_641, %dma_wait3A_642] : memref<8x128x16xf32, #tpu.memory_space<vmem>> -> memref<1x128x16xf32, #tpu.memory_space<vmem>>
      %dma_wait3A_644 = tpu.memref_squeeze %dma_wait3A_643 : memref<1x128x16xf32, #tpu.memory_space<vmem>> -> memref<128x16xf32, #tpu.memory_space<vmem>>
      %dma_wait3A_645 = arith.constant 0 : i32
      %dma_wait3A_646 = tpu.memref_slice %arg8[%add3A_638, %dma_wait3A_645] : memref<80x128xi32, #tpu.memory_space<vmem>> -> memref<1x128xi32, #tpu.memory_space<vmem>>
      %dma_wait3A_647 = tpu.memref_squeeze %dma_wait3A_646 : memref<1x128xi32, #tpu.memory_space<vmem>> -> memref<128xi32, #tpu.memory_space<vmem>>
      %dma_wait3A_648 = arith.constant 0 : i32
      %dma_wait3A_649 = arith.constant 0 : i32
      %dma_wait3A_650 = tpu.memref_slice %arg7[%arg0, %dma_wait3A_648, %dma_wait3A_649] : memref<2x10112x16xf32, #tpu.memory_space<hbm>> -> memref<1x10112x16xf32, #tpu.memory_space<hbm>>
      %dma_wait3A_651 = tpu.memref_squeeze %dma_wait3A_650 : memref<1x10112x16xf32, #tpu.memory_space<hbm>> -> memref<10112x16xf32, #tpu.memory_space<hbm>>
      %dma_wait3A_652 = arith.constant 0 : i32
      %dma_wait3A_653 = arith.constant 0 : i32
      %dma_wait3A_654 = tpu.memref_slice %dma_wait3A_651[%dma_wait3A_652, %dma_wait3A_653] : memref<10112x16xf32, #tpu.memory_space<hbm>> -> memref<10112x16xf32, #tpu.memory_space<hbm>>
      %dma_wait3A_655 = tpu.memref_slice %arg14[%dma_wait3A_640] : memref<8x!tpu.dma_semaphore, #tpu.memory_space<semaphore_mem>> -> memref<1x!tpu.dma_semaphore, #tpu.memory_space<semaphore_mem>>
      %dma_wait3A_656 = tpu.memref_squeeze %dma_wait3A_655 : memref<1x!tpu.dma_semaphore, #tpu.memory_space<semaphore_mem>> -> memref<!tpu.dma_semaphore, #tpu.memory_space<semaphore_mem>>
      tpu.wait_indirect_dma semaphore(%dma_wait3A_656 : memref<!tpu.dma_semaphore, #tpu.memory_space<semaphore_mem>>) src(%dma_wait3A_654 : memref<10112x16xf32, #tpu.memory_space<hbm>>) dst(%dma_wait3A_644 : memref<128x16xf32, #tpu.memory_space<vmem>>)
      %dma_start3A_657 = arith.constant 7 : i32
      %dma_start3A_658 = arith.constant 7 : i32
      %dma_start3A_659 = arith.constant 0 : i32
      %dma_start3A_660 = arith.constant 0 : i32
      %dma_start3A_661 = tpu.memref_slice %arg10[%dma_start3A_657, %dma_start3A_659, %dma_start3A_660] : memref<8x128x16xf32, #tpu.memory_space<vmem>> -> memref<1x128x16xf32, #tpu.memory_space<vmem>>
      %dma_start3A_662 = tpu.memref_squeeze %dma_start3A_661 : memref<1x128x16xf32, #tpu.memory_space<vmem>> -> memref<128x16xf32, #tpu.memory_space<vmem>>
      %dma_start3A_663 = arith.constant 0 : i32
      %dma_start3A_664 = tpu.memref_slice %arg9[%add3A_638, %dma_start3A_663] : memref<80x128xi32, #tpu.memory_space<vmem>> -> memref<1x128xi32, #tpu.memory_space<vmem>>
      %dma_start3A_665 = tpu.memref_squeeze %dma_start3A_664 : memref<1x128xi32, #tpu.memory_space<vmem>> -> memref<128xi32, #tpu.memory_space<vmem>>
      %dma_start3A_666 = arith.constant 0 : i32
      %dma_start3A_667 = arith.constant 0 : i32
      %dma_start3A_668 = tpu.memref_slice %arg13[%dma_start3A_666, %dma_start3A_667] : memref<10112x16xf32, #tpu.memory_space<vmem_shared>> -> memref<10112x16xf32, #tpu.memory_space<vmem_shared>>
      %dma_start3A_669 = tpu.memref_slice %arg15[%dma_start3A_658] : memref<8x!tpu.dma_semaphore, #tpu.memory_space<semaphore_mem>> -> memref<1x!tpu.dma_semaphore, #tpu.memory_space<semaphore_mem>>
      %dma_start3A_670 = tpu.memref_squeeze %dma_start3A_669 : memref<1x!tpu.dma_semaphore, #tpu.memory_space<semaphore_mem>> -> memref<!tpu.dma_semaphore, #tpu.memory_space<semaphore_mem>>
      tpu.enqueue_indirect_dma source(%dma_start3A_662 : memref<128x16xf32, #tpu.memory_space<vmem>>) target(%dma_start3A_668 : memref<10112x16xf32, #tpu.memory_space<vmem_shared>>) offsets(%dma_start3A_665 : memref<128xi32, #tpu.memory_space<vmem>>) semaphore(%dma_start3A_670 : memref<!tpu.dma_semaphore, #tpu.memory_space<semaphore_mem>>) {add = true}
      %sub3A_671 = arith.constant 1 : i32
      %sub3A_672 = arith.subi %add3A_638, %sub3A_671 : i32
      %ge3A_673 = arith.constant 0 : i32
      %ge3A_674 = arith.cmpi sge, %sub3A_672, %ge3A_673 : i32
      %add3A_675 = arith.constant 8 : i32
      %add3A_676 = arith.addi %sub3A_672, %add3A_675 : i32
      %lt3A_677 = arith.constant 80 : i32
      %lt3A_678 = arith.cmpi slt, %add3A_676, %lt3A_677 : i32
      %and3A_679 = arith.andi %ge3A_674, %lt3A_678 : i1
      %convert_element_type3A_680 = arith.extui %and3A_679 : i1 to i32
      %cond3A_681 = arith.constant 0 : i32
      %cond3A_682 = arith.cmpi ne, %convert_element_type3A_680, %cond3A_681 : i32
      scf.if %cond3A_682 {
        %dma_wait3A_683 = arith.constant 6 : i32
        %dma_wait3A_684 = arith.constant 0 : i32
        %dma_wait3A_685 = arith.constant 6 : i32
        %dma_wait3A_686 = arith.constant 0 : i32
        %dma_wait3A_687 = arith.constant 0 : i32
        %dma_wait3A_688 = tpu.memref_slice %arg10[%dma_wait3A_683, %dma_wait3A_686, %dma_wait3A_687] : memref<8x128x16xf32, #tpu.memory_space<vmem>> -> memref<1x128x16xf32, #tpu.memory_space<vmem>>
        %dma_wait3A_689 = tpu.memref_squeeze %dma_wait3A_688 : memref<1x128x16xf32, #tpu.memory_space<vmem>> -> memref<128x16xf32, #tpu.memory_space<vmem>>
        %dma_wait3A_690 = arith.constant 0 : i32
        %dma_wait3A_691 = tpu.memref_slice %arg9[%dma_wait3A_684, %dma_wait3A_690] : memref<80x128xi32, #tpu.memory_space<vmem>> -> memref<1x128xi32, #tpu.memory_space<vmem>>
        %dma_wait3A_692 = tpu.memref_squeeze %dma_wait3A_691 : memref<1x128xi32, #tpu.memory_space<vmem>> -> memref<128xi32, #tpu.memory_space<vmem>>
        %dma_wait3A_693 = arith.constant 0 : i32
        %dma_wait3A_694 = arith.constant 0 : i32
        %dma_wait3A_695 = tpu.memref_slice %arg13[%dma_wait3A_693, %dma_wait3A_694] : memref<10112x16xf32, #tpu.memory_space<vmem_shared>> -> memref<10112x16xf32, #tpu.memory_space<vmem_shared>>
        %dma_wait3A_696 = tpu.memref_slice %arg15[%dma_wait3A_685] : memref<8x!tpu.dma_semaphore, #tpu.memory_space<semaphore_mem>> -> memref<1x!tpu.dma_semaphore, #tpu.memory_space<semaphore_mem>>
        %dma_wait3A_697 = tpu.memref_squeeze %dma_wait3A_696 : memref<1x!tpu.dma_semaphore, #tpu.memory_space<semaphore_mem>> -> memref<!tpu.dma_semaphore, #tpu.memory_space<semaphore_mem>>
        tpu.wait_indirect_dma semaphore(%dma_wait3A_697 : memref<!tpu.dma_semaphore, #tpu.memory_space<semaphore_mem>>) src(%dma_wait3A_689 : memref<128x16xf32, #tpu.memory_space<vmem>>) dst(%dma_wait3A_695 : memref<10112x16xf32, #tpu.memory_space<vmem_shared>>)
        %add3A_698 = arith.constant 8 : i32
        %add3A_699 = arith.addi %sub3A_672, %add3A_698 : i32
        %dma_start3A_700 = arith.constant 6 : i32
        %dma_start3A_701 = arith.constant 6 : i32
        %dma_start3A_702 = arith.constant 0 : i32
        %dma_start3A_703 = arith.constant 0 : i32
        %dma_start3A_704 = tpu.memref_slice %arg10[%dma_start3A_700, %dma_start3A_702, %dma_start3A_703] : memref<8x128x16xf32, #tpu.memory_space<vmem>> -> memref<1x128x16xf32, #tpu.memory_space<vmem>>
        %dma_start3A_705 = tpu.memref_squeeze %dma_start3A_704 : memref<1x128x16xf32, #tpu.memory_space<vmem>> -> memref<128x16xf32, #tpu.memory_space<vmem>>
        %dma_start3A_706 = arith.constant 0 : i32
        %dma_start3A_707 = tpu.memref_slice %arg8[%add3A_699, %dma_start3A_706] : memref<80x128xi32, #tpu.memory_space<vmem>> -> memref<1x128xi32, #tpu.memory_space<vmem>>
        %dma_start3A_708 = tpu.memref_squeeze %dma_start3A_707 : memref<1x128xi32, #tpu.memory_space<vmem>> -> memref<128xi32, #tpu.memory_space<vmem>>
        %dma_start3A_709 = arith.constant 0 : i32
        %dma_start3A_710 = arith.constant 0 : i32
        %dma_start3A_711 = tpu.memref_slice %arg7[%arg0, %dma_start3A_709, %dma_start3A_710] : memref<2x10112x16xf32, #tpu.memory_space<hbm>> -> memref<1x10112x16xf32, #tpu.memory_space<hbm>>
        %dma_start3A_712 = tpu.memref_squeeze %dma_start3A_711 : memref<1x10112x16xf32, #tpu.memory_space<hbm>> -> memref<10112x16xf32, #tpu.memory_space<hbm>>
        %dma_start3A_713 = arith.constant 0 : i32
        %dma_start3A_714 = arith.constant 0 : i32
        %dma_start3A_715 = tpu.memref_slice %dma_start3A_712[%dma_start3A_713, %dma_start3A_714] : memref<10112x16xf32, #tpu.memory_space<hbm>> -> memref<10112x16xf32, #tpu.memory_space<hbm>>
        %dma_start3A_716 = tpu.memref_slice %arg14[%dma_start3A_701] : memref<8x!tpu.dma_semaphore, #tpu.memory_space<semaphore_mem>> -> memref<1x!tpu.dma_semaphore, #tpu.memory_space<semaphore_mem>>
        %dma_start3A_717 = tpu.memref_squeeze %dma_start3A_716 : memref<1x!tpu.dma_semaphore, #tpu.memory_space<semaphore_mem>> -> memref<!tpu.dma_semaphore, #tpu.memory_space<semaphore_mem>>
        tpu.enqueue_indirect_dma source(%dma_start3A_715 : memref<10112x16xf32, #tpu.memory_space<hbm>>) target(%dma_start3A_705 : memref<128x16xf32, #tpu.memory_space<vmem>>) offsets(%dma_start3A_708 : memref<128xi32, #tpu.memory_space<vmem>>) semaphore(%dma_start3A_717 : memref<!tpu.dma_semaphore, #tpu.memory_space<semaphore_mem>>)
      } else {
      }
    }
    %scan3A_185 = arith.constant 10 : i32
    %dma_wait3A_186 = arith.constant 0 : i32
    %dma_wait3A_187 = arith.constant 0 : i32
    %dma_wait3A_188 = arith.constant 0 : i32
    %dma_wait3A_189 = arith.constant 0 : i32
    %dma_wait3A_190 = arith.constant 0 : i32
    %dma_wait3A_191 = tpu.memref_slice %arg10[%dma_wait3A_186, %dma_wait3A_189, %dma_wait3A_190] : memref<8x128x16xf32, #tpu.memory_space<vmem>> -> memref<1x128x16xf32, #tpu.memory_space<vmem>>
    %dma_wait3A_192 = tpu.memref_squeeze %dma_wait3A_191 : memref<1x128x16xf32, #tpu.memory_space<vmem>> -> memref<128x16xf32, #tpu.memory_space<vmem>>
    %dma_wait3A_193 = arith.constant 0 : i32
    %dma_wait3A_194 = tpu.memref_slice %arg9[%dma_wait3A_187, %dma_wait3A_193] : memref<80x128xi32, #tpu.memory_space<vmem>> -> memref<1x128xi32, #tpu.memory_space<vmem>>
    %dma_wait3A_195 = tpu.memref_squeeze %dma_wait3A_194 : memref<1x128xi32, #tpu.memory_space<vmem>> -> memref<128xi32, #tpu.memory_space<vmem>>
    %dma_wait3A_196 = arith.constant 0 : i32
    %dma_wait3A_197 = arith.constant 0 : i32
    %dma_wait3A_198 = tpu.memref_slice %arg13[%dma_wait3A_196, %dma_wait3A_197] : memref<10112x16xf32, #tpu.memory_space<vmem_shared>> -> memref<10112x16xf32, #tpu.memory_space<vmem_shared>>
    %dma_wait3A_199 = tpu.memref_slice %arg15[%dma_wait3A_188] : memref<8x!tpu.dma_semaphore, #tpu.memory_space<semaphore_mem>> -> memref<1x!tpu.dma_semaphore, #tpu.memory_space<semaphore_mem>>
    %dma_wait3A_200 = tpu.memref_squeeze %dma_wait3A_199 : memref<1x!tpu.dma_semaphore, #tpu.memory_space<semaphore_mem>> -> memref<!tpu.dma_semaphore, #tpu.memory_space<semaphore_mem>>
    tpu.wait_indirect_dma semaphore(%dma_wait3A_200 : memref<!tpu.dma_semaphore, #tpu.memory_space<semaphore_mem>>) src(%dma_wait3A_192 : memref<128x16xf32, #tpu.memory_space<vmem>>) dst(%dma_wait3A_198 : memref<10112x16xf32, #tpu.memory_space<vmem_shared>>)
    %dma_wait3A_201 = arith.constant 1 : i32
    %dma_wait3A_202 = arith.constant 0 : i32
    %dma_wait3A_203 = arith.constant 1 : i32
    %dma_wait3A_204 = arith.constant 0 : i32
    %dma_wait3A_205 = arith.constant 0 : i32
    %dma_wait3A_206 = tpu.memref_slice %arg10[%dma_wait3A_201, %dma_wait3A_204, %dma_wait3A_205] : memref<8x128x16xf32, #tpu.memory_space<vmem>> -> memref<1x128x16xf32, #tpu.memory_space<vmem>>
    %dma_wait3A_207 = tpu.memref_squeeze %dma_wait3A_206 : memref<1x128x16xf32, #tpu.memory_space<vmem>> -> memref<128x16xf32, #tpu.memory_space<vmem>>
    %dma_wait3A_208 = arith.constant 0 : i32
    %dma_wait3A_209 = tpu.memref_slice %arg9[%dma_wait3A_202, %dma_wait3A_208] : memref<80x128xi32, #tpu.memory_space<vmem>> -> memref<1x128xi32, #tpu.memory_space<vmem>>
    %dma_wait3A_210 = tpu.memref_squeeze %dma_wait3A_209 : memref<1x128xi32, #tpu.memory_space<vmem>> -> memref<128xi32, #tpu.memory_space<vmem>>
    %dma_wait3A_211 = arith.constant 0 : i32
    %dma_wait3A_212 = arith.constant 0 : i32
    %dma_wait3A_213 = tpu.memref_slice %arg13[%dma_wait3A_211, %dma_wait3A_212] : memref<10112x16xf32, #tpu.memory_space<vmem_shared>> -> memref<10112x16xf32, #tpu.memory_space<vmem_shared>>
    %dma_wait3A_214 = tpu.memref_slice %arg15[%dma_wait3A_203] : memref<8x!tpu.dma_semaphore, #tpu.memory_space<semaphore_mem>> -> memref<1x!tpu.dma_semaphore, #tpu.memory_space<semaphore_mem>>
    %dma_wait3A_215 = tpu.memref_squeeze %dma_wait3A_214 : memref<1x!tpu.dma_semaphore, #tpu.memory_space<semaphore_mem>> -> memref<!tpu.dma_semaphore, #tpu.memory_space<semaphore_mem>>
    tpu.wait_indirect_dma semaphore(%dma_wait3A_215 : memref<!tpu.dma_semaphore, #tpu.memory_space<semaphore_mem>>) src(%dma_wait3A_207 : memref<128x16xf32, #tpu.memory_space<vmem>>) dst(%dma_wait3A_213 : memref<10112x16xf32, #tpu.memory_space<vmem_shared>>)
    %dma_wait3A_216 = arith.constant 2 : i32
    %dma_wait3A_217 = arith.constant 0 : i32
    %dma_wait3A_218 = arith.constant 2 : i32
    %dma_wait3A_219 = arith.constant 0 : i32
    %dma_wait3A_220 = arith.constant 0 : i32
    %dma_wait3A_221 = tpu.memref_slice %arg10[%dma_wait3A_216, %dma_wait3A_219, %dma_wait3A_220] : memref<8x128x16xf32, #tpu.memory_space<vmem>> -> memref<1x128x16xf32, #tpu.memory_space<vmem>>
    %dma_wait3A_222 = tpu.memref_squeeze %dma_wait3A_221 : memref<1x128x16xf32, #tpu.memory_space<vmem>> -> memref<128x16xf32, #tpu.memory_space<vmem>>
    %dma_wait3A_223 = arith.constant 0 : i32
    %dma_wait3A_224 = tpu.memref_slice %arg9[%dma_wait3A_217, %dma_wait3A_223] : memref<80x128xi32, #tpu.memory_space<vmem>> -> memref<1x128xi32, #tpu.memory_space<vmem>>
    %dma_wait3A_225 = tpu.memref_squeeze %dma_wait3A_224 : memref<1x128xi32, #tpu.memory_space<vmem>> -> memref<128xi32, #tpu.memory_space<vmem>>
    %dma_wait3A_226 = arith.constant 0 : i32
    %dma_wait3A_227 = arith.constant 0 : i32
    %dma_wait3A_228 = tpu.memref_slice %arg13[%dma_wait3A_226, %dma_wait3A_227] : memref<10112x16xf32, #tpu.memory_space<vmem_shared>> -> memref<10112x16xf32, #tpu.memory_space<vmem_shared>>
    %dma_wait3A_229 = tpu.memref_slice %arg15[%dma_wait3A_218] : memref<8x!tpu.dma_semaphore, #tpu.memory_space<semaphore_mem>> -> memref<1x!tpu.dma_semaphore, #tpu.memory_space<semaphore_mem>>
    %dma_wait3A_230 = tpu.memref_squeeze %dma_wait3A_229 : memref<1x!tpu.dma_semaphore, #tpu.memory_space<semaphore_mem>> -> memref<!tpu.dma_semaphore, #tpu.memory_space<semaphore_mem>>
    tpu.wait_indirect_dma semaphore(%dma_wait3A_230 : memref<!tpu.dma_semaphore, #tpu.memory_space<semaphore_mem>>) src(%dma_wait3A_222 : memref<128x16xf32, #tpu.memory_space<vmem>>) dst(%dma_wait3A_228 : memref<10112x16xf32, #tpu.memory_space<vmem_shared>>)
    %dma_wait3A_231 = arith.constant 3 : i32
    %dma_wait3A_232 = arith.constant 0 : i32
    %dma_wait3A_233 = arith.constant 3 : i32
    %dma_wait3A_234 = arith.constant 0 : i32
    %dma_wait3A_235 = arith.constant 0 : i32
    %dma_wait3A_236 = tpu.memref_slice %arg10[%dma_wait3A_231, %dma_wait3A_234, %dma_wait3A_235] : memref<8x128x16xf32, #tpu.memory_space<vmem>> -> memref<1x128x16xf32, #tpu.memory_space<vmem>>
    %dma_wait3A_237 = tpu.memref_squeeze %dma_wait3A_236 : memref<1x128x16xf32, #tpu.memory_space<vmem>> -> memref<128x16xf32, #tpu.memory_space<vmem>>
    %dma_wait3A_238 = arith.constant 0 : i32
    %dma_wait3A_239 = tpu.memref_slice %arg9[%dma_wait3A_232, %dma_wait3A_238] : memref<80x128xi32, #tpu.memory_space<vmem>> -> memref<1x128xi32, #tpu.memory_space<vmem>>
    %dma_wait3A_240 = tpu.memref_squeeze %dma_wait3A_239 : memref<1x128xi32, #tpu.memory_space<vmem>> -> memref<128xi32, #tpu.memory_space<vmem>>
    %dma_wait3A_241 = arith.constant 0 : i32
    %dma_wait3A_242 = arith.constant 0 : i32
    %dma_wait3A_243 = tpu.memref_slice %arg13[%dma_wait3A_241, %dma_wait3A_242] : memref<10112x16xf32, #tpu.memory_space<vmem_shared>> -> memref<10112x16xf32, #tpu.memory_space<vmem_shared>>
    %dma_wait3A_244 = tpu.memref_slice %arg15[%dma_wait3A_233] : memref<8x!tpu.dma_semaphore, #tpu.memory_space<semaphore_mem>> -> memref<1x!tpu.dma_semaphore, #tpu.memory_space<semaphore_mem>>
    %dma_wait3A_245 = tpu.memref_squeeze %dma_wait3A_244 : memref<1x!tpu.dma_semaphore, #tpu.memory_space<semaphore_mem>> -> memref<!tpu.dma_semaphore, #tpu.memory_space<semaphore_mem>>
    tpu.wait_indirect_dma semaphore(%dma_wait3A_245 : memref<!tpu.dma_semaphore, #tpu.memory_space<semaphore_mem>>) src(%dma_wait3A_237 : memref<128x16xf32, #tpu.memory_space<vmem>>) dst(%dma_wait3A_243 : memref<10112x16xf32, #tpu.memory_space<vmem_shared>>)
    %dma_wait3A_246 = arith.constant 4 : i32
    %dma_wait3A_247 = arith.constant 0 : i32
    %dma_wait3A_248 = arith.constant 4 : i32
    %dma_wait3A_249 = arith.constant 0 : i32
    %dma_wait3A_250 = arith.constant 0 : i32
    %dma_wait3A_251 = tpu.memref_slice %arg10[%dma_wait3A_246, %dma_wait3A_249, %dma_wait3A_250] : memref<8x128x16xf32, #tpu.memory_space<vmem>> -> memref<1x128x16xf32, #tpu.memory_space<vmem>>
    %dma_wait3A_252 = tpu.memref_squeeze %dma_wait3A_251 : memref<1x128x16xf32, #tpu.memory_space<vmem>> -> memref<128x16xf32, #tpu.memory_space<vmem>>
    %dma_wait3A_253 = arith.constant 0 : i32
    %dma_wait3A_254 = tpu.memref_slice %arg9[%dma_wait3A_247, %dma_wait3A_253] : memref<80x128xi32, #tpu.memory_space<vmem>> -> memref<1x128xi32, #tpu.memory_space<vmem>>
    %dma_wait3A_255 = tpu.memref_squeeze %dma_wait3A_254 : memref<1x128xi32, #tpu.memory_space<vmem>> -> memref<128xi32, #tpu.memory_space<vmem>>
    %dma_wait3A_256 = arith.constant 0 : i32
    %dma_wait3A_257 = arith.constant 0 : i32
    %dma_wait3A_258 = tpu.memref_slice %arg13[%dma_wait3A_256, %dma_wait3A_257] : memref<10112x16xf32, #tpu.memory_space<vmem_shared>> -> memref<10112x16xf32, #tpu.memory_space<vmem_shared>>
    %dma_wait3A_259 = tpu.memref_slice %arg15[%dma_wait3A_248] : memref<8x!tpu.dma_semaphore, #tpu.memory_space<semaphore_mem>> -> memref<1x!tpu.dma_semaphore, #tpu.memory_space<semaphore_mem>>
    %dma_wait3A_260 = tpu.memref_squeeze %dma_wait3A_259 : memref<1x!tpu.dma_semaphore, #tpu.memory_space<semaphore_mem>> -> memref<!tpu.dma_semaphore, #tpu.memory_space<semaphore_mem>>
    tpu.wait_indirect_dma semaphore(%dma_wait3A_260 : memref<!tpu.dma_semaphore, #tpu.memory_space<semaphore_mem>>) src(%dma_wait3A_252 : memref<128x16xf32, #tpu.memory_space<vmem>>) dst(%dma_wait3A_258 : memref<10112x16xf32, #tpu.memory_space<vmem_shared>>)
    %dma_wait3A_261 = arith.constant 5 : i32
    %dma_wait3A_262 = arith.constant 0 : i32
    %dma_wait3A_263 = arith.constant 5 : i32
    %dma_wait3A_264 = arith.constant 0 : i32
    %dma_wait3A_265 = arith.constant 0 : i32
    %dma_wait3A_266 = tpu.memref_slice %arg10[%dma_wait3A_261, %dma_wait3A_264, %dma_wait3A_265] : memref<8x128x16xf32, #tpu.memory_space<vmem>> -> memref<1x128x16xf32, #tpu.memory_space<vmem>>
    %dma_wait3A_267 = tpu.memref_squeeze %dma_wait3A_266 : memref<1x128x16xf32, #tpu.memory_space<vmem>> -> memref<128x16xf32, #tpu.memory_space<vmem>>
    %dma_wait3A_268 = arith.constant 0 : i32
    %dma_wait3A_269 = tpu.memref_slice %arg9[%dma_wait3A_262, %dma_wait3A_268] : memref<80x128xi32, #tpu.memory_space<vmem>> -> memref<1x128xi32, #tpu.memory_space<vmem>>
    %dma_wait3A_270 = tpu.memref_squeeze %dma_wait3A_269 : memref<1x128xi32, #tpu.memory_space<vmem>> -> memref<128xi32, #tpu.memory_space<vmem>>
    %dma_wait3A_271 = arith.constant 0 : i32
    %dma_wait3A_272 = arith.constant 0 : i32
    %dma_wait3A_273 = tpu.memref_slice %arg13[%dma_wait3A_271, %dma_wait3A_272] : memref<10112x16xf32, #tpu.memory_space<vmem_shared>> -> memref<10112x16xf32, #tpu.memory_space<vmem_shared>>
    %dma_wait3A_274 = tpu.memref_slice %arg15[%dma_wait3A_263] : memref<8x!tpu.dma_semaphore, #tpu.memory_space<semaphore_mem>> -> memref<1x!tpu.dma_semaphore, #tpu.memory_space<semaphore_mem>>
    %dma_wait3A_275 = tpu.memref_squeeze %dma_wait3A_274 : memref<1x!tpu.dma_semaphore, #tpu.memory_space<semaphore_mem>> -> memref<!tpu.dma_semaphore, #tpu.memory_space<semaphore_mem>>
    tpu.wait_indirect_dma semaphore(%dma_wait3A_275 : memref<!tpu.dma_semaphore, #tpu.memory_space<semaphore_mem>>) src(%dma_wait3A_267 : memref<128x16xf32, #tpu.memory_space<vmem>>) dst(%dma_wait3A_273 : memref<10112x16xf32, #tpu.memory_space<vmem_shared>>)
    %dma_wait3A_276 = arith.constant 6 : i32
    %dma_wait3A_277 = arith.constant 0 : i32
    %dma_wait3A_278 = arith.constant 6 : i32
    %dma_wait3A_279 = arith.constant 0 : i32
    %dma_wait3A_280 = arith.constant 0 : i32
    %dma_wait3A_281 = tpu.memref_slice %arg10[%dma_wait3A_276, %dma_wait3A_279, %dma_wait3A_280] : memref<8x128x16xf32, #tpu.memory_space<vmem>> -> memref<1x128x16xf32, #tpu.memory_space<vmem>>
    %dma_wait3A_282 = tpu.memref_squeeze %dma_wait3A_281 : memref<1x128x16xf32, #tpu.memory_space<vmem>> -> memref<128x16xf32, #tpu.memory_space<vmem>>
    %dma_wait3A_283 = arith.constant 0 : i32
    %dma_wait3A_284 = tpu.memref_slice %arg9[%dma_wait3A_277, %dma_wait3A_283] : memref<80x128xi32, #tpu.memory_space<vmem>> -> memref<1x128xi32, #tpu.memory_space<vmem>>
    %dma_wait3A_285 = tpu.memref_squeeze %dma_wait3A_284 : memref<1x128xi32, #tpu.memory_space<vmem>> -> memref<128xi32, #tpu.memory_space<vmem>>
    %dma_wait3A_286 = arith.constant 0 : i32
    %dma_wait3A_287 = arith.constant 0 : i32
    %dma_wait3A_288 = tpu.memref_slice %arg13[%dma_wait3A_286, %dma_wait3A_287] : memref<10112x16xf32, #tpu.memory_space<vmem_shared>> -> memref<10112x16xf32, #tpu.memory_space<vmem_shared>>
    %dma_wait3A_289 = tpu.memref_slice %arg15[%dma_wait3A_278] : memref<8x!tpu.dma_semaphore, #tpu.memory_space<semaphore_mem>> -> memref<1x!tpu.dma_semaphore, #tpu.memory_space<semaphore_mem>>
    %dma_wait3A_290 = tpu.memref_squeeze %dma_wait3A_289 : memref<1x!tpu.dma_semaphore, #tpu.memory_space<semaphore_mem>> -> memref<!tpu.dma_semaphore, #tpu.memory_space<semaphore_mem>>
    tpu.wait_indirect_dma semaphore(%dma_wait3A_290 : memref<!tpu.dma_semaphore, #tpu.memory_space<semaphore_mem>>) src(%dma_wait3A_282 : memref<128x16xf32, #tpu.memory_space<vmem>>) dst(%dma_wait3A_288 : memref<10112x16xf32, #tpu.memory_space<vmem_shared>>)
    %dma_wait3A_291 = arith.constant 7 : i32
    %dma_wait3A_292 = arith.constant 0 : i32
    %dma_wait3A_293 = arith.constant 7 : i32
    %dma_wait3A_294 = arith.constant 0 : i32
    %dma_wait3A_295 = arith.constant 0 : i32
    %dma_wait3A_296 = tpu.memref_slice %arg10[%dma_wait3A_291, %dma_wait3A_294, %dma_wait3A_295] : memref<8x128x16xf32, #tpu.memory_space<vmem>> -> memref<1x128x16xf32, #tpu.memory_space<vmem>>
    %dma_wait3A_297 = tpu.memref_squeeze %dma_wait3A_296 : memref<1x128x16xf32, #tpu.memory_space<vmem>> -> memref<128x16xf32, #tpu.memory_space<vmem>>
    %dma_wait3A_298 = arith.constant 0 : i32
    %dma_wait3A_299 = tpu.memref_slice %arg9[%dma_wait3A_292, %dma_wait3A_298] : memref<80x128xi32, #tpu.memory_space<vmem>> -> memref<1x128xi32, #tpu.memory_space<vmem>>
    %dma_wait3A_300 = tpu.memref_squeeze %dma_wait3A_299 : memref<1x128xi32, #tpu.memory_space<vmem>> -> memref<128xi32, #tpu.memory_space<vmem>>
    %dma_wait3A_301 = arith.constant 0 : i32
    %dma_wait3A_302 = arith.constant 0 : i32
    %dma_wait3A_303 = tpu.memref_slice %arg13[%dma_wait3A_301, %dma_wait3A_302] : memref<10112x16xf32, #tpu.memory_space<vmem_shared>> -> memref<10112x16xf32, #tpu.memory_space<vmem_shared>>
    %dma_wait3A_304 = tpu.memref_slice %arg15[%dma_wait3A_293] : memref<8x!tpu.dma_semaphore, #tpu.memory_space<semaphore_mem>> -> memref<1x!tpu.dma_semaphore, #tpu.memory_space<semaphore_mem>>
    %dma_wait3A_305 = tpu.memref_squeeze %dma_wait3A_304 : memref<1x!tpu.dma_semaphore, #tpu.memory_space<semaphore_mem>> -> memref<!tpu.dma_semaphore, #tpu.memory_space<semaphore_mem>>
    tpu.wait_indirect_dma semaphore(%dma_wait3A_305 : memref<!tpu.dma_semaphore, #tpu.memory_space<semaphore_mem>>) src(%dma_wait3A_297 : memref<128x16xf32, #tpu.memory_space<vmem>>) dst(%dma_wait3A_303 : memref<10112x16xf32, #tpu.memory_space<vmem_shared>>)
    %barrier3A_306 = arith.constant 0 : index
    tpu.barrier barrier_id(%barrier3A_306)
    %mul3A_307 = arith.constant 632 : i32
    %mul3A_308 = arith.muli %arg1, %mul3A_307 : i32
    "tpu.region"() ({
      %run_scoped3A = tpu.sem_alloc : memref<!tpu.dma_semaphore, #tpu.memory_space<semaphore_mem>>
      %dma_start3A_316 = arith.constant 0 : i32
      %dma_start3A_317 = tpu.memref_slice %arg13[%mul3A_308, %dma_start3A_316] : memref<10112x16xf32, #tpu.memory_space<vmem_shared>> -> memref<632x16xf32, #tpu.memory_space<vmem_shared>>
      %dma_start3A_318 = arith.constant 0 : i32
      %dma_start3A_319 = tpu.memref_slice %arg13[%mul3A_308, %dma_start3A_318] : memref<10112x16xf32, #tpu.memory_space<vmem_shared>> -> memref<632x16xf32, #tpu.memory_space<vmem_shared>>
      tpu.enqueue_dma source(%dma_start3A_319 : memref<632x16xf32, #tpu.memory_space<vmem_shared>>) target(%arg11 : memref<632x16xf32, #tpu.memory_space<vmem>>) target_semaphore(%run_scoped3A : memref<!tpu.dma_semaphore, #tpu.memory_space<semaphore_mem>>)
      %dma_wait3A_320 = arith.constant 0 : i32
      %dma_wait3A_321 = tpu.memref_slice %arg13[%mul3A_308, %dma_wait3A_320] : memref<10112x16xf32, #tpu.memory_space<vmem_shared>> -> memref<632x16xf32, #tpu.memory_space<vmem_shared>>
      %dma_wait3A_322 = arith.constant 0 : i32
      %dma_wait3A_323 = tpu.memref_slice %arg13[%mul3A_308, %dma_wait3A_322] : memref<10112x16xf32, #tpu.memory_space<vmem_shared>> -> memref<632x16xf32, #tpu.memory_space<vmem_shared>>
      tpu.wait_dma2 semaphore(%run_scoped3A : memref<!tpu.dma_semaphore, #tpu.memory_space<semaphore_mem>>) src(%dma_wait3A_323 : memref<632x16xf32, #tpu.memory_space<vmem_shared>>) dst(%arg11 : memref<632x16xf32, #tpu.memory_space<vmem>>)
      tpu.yield
    }) : () -> ()
    %scan3A_309 = arith.constant 0 : i32
    %scan3A_310 = arith.constant 79 : i32
    %scan3A_311 = arith.addi %scan3A_309, %scan3A_310 : i32
    %scan3A_312 = arith.constant 1 : i32
    scf.for %scan3A_316 = %scan3A_309 to %scan3A_311 step %scan3A_312  : i32 {
      %mul3A_317 = arith.constant 1 : i32
      %mul3A_318 = arith.muli %scan3A_316, %mul3A_317 : i32
      %add3A_319 = arith.constant 0 : i32
      %add3A_320 = arith.addi %add3A_319, %mul3A_318 : i32
      %mul3A_321 = arith.constant 8 : i32
      %mul3A_322 = arith.muli %mul3A_321, %add3A_320 : i32
      %add3A_323 = arith.constant 0 : i32
      %add3A_324 = arith.addi %mul3A_322, %add3A_323 : i32
      %get3A = arith.index_cast %add3A_324 : i32 to index
      %get3A_325 = arith.constant 0 : index
      %get3A_326 = tpu.vector_load %arg11[%get3A, %get3A_325] {strides = array<i32>} : memref<632x16xf32, #tpu.memory_space<vmem>>, vector<1x16xf32>,
      %get3A_327 = vector.shape_cast %get3A_326 : vector<1x16xf32> to vector<16xf32>
      %swap3A = arith.index_cast %add3A_320 : i32 to index
      %swap3A_328 = arith.constant 0 : index
      %swap3A_329 = tpu.vector_load %arg12[%swap3A, %swap3A_328] {strides = array<i32>} : memref<79x128xf32, #tpu.memory_space<vmem>>, vector<1x16xf32>,
      %swap3A_330 = vector.shape_cast %swap3A_329 : vector<1x16xf32> to vector<16xf32>
      %swap3A_331 = vector.shape_cast %get3A_327 : vector<16xf32> to vector<1x16xf32>
      tpu.vector_store %arg12[%swap3A, %swap3A_328], %swap3A_331 {strides = array<i32>} : memref<79x128xf32, #tpu.memory_space<vmem>>, vector<1x16xf32>,
      %mul3A_332 = arith.constant 8 : i32
      %mul3A_333 = arith.muli %mul3A_332, %add3A_320 : i32
      %add3A_334 = arith.constant 1 : i32
      %add3A_335 = arith.addi %mul3A_333, %add3A_334 : i32
      %get3A_336 = arith.index_cast %add3A_335 : i32 to index
      %get3A_337 = arith.constant 0 : index
      %get3A_338 = tpu.vector_load %arg11[%get3A_336, %get3A_337] {strides = array<i32>} : memref<632x16xf32, #tpu.memory_space<vmem>>, vector<1x16xf32>,
      %get3A_339 = vector.shape_cast %get3A_338 : vector<1x16xf32> to vector<16xf32>
      %swap3A_340 = arith.index_cast %add3A_320 : i32 to index
      %swap3A_341 = arith.constant 16 : index
      %swap3A_342 = tpu.vector_load %arg12[%swap3A_340, %swap3A_341] {strides = array<i32>} : memref<79x128xf32, #tpu.memory_space<vmem>>, vector<1x16xf32>,
      %swap3A_343 = vector.shape_cast %swap3A_342 : vector<1x16xf32> to vector<16xf32>
      %swap3A_344 = vector.shape_cast %get3A_339 : vector<16xf32> to vector<1x16xf32>
      tpu.vector_store %arg12[%swap3A_340, %swap3A_341], %swap3A_344 {strides = array<i32>} : memref<79x128xf32, #tpu.memory_space<vmem>>, vector<1x16xf32>,
      %mul3A_345 = arith.constant 8 : i32
      %mul3A_346 = arith.muli %mul3A_345, %add3A_320 : i32
      %add3A_347 = arith.constant 2 : i32
      %add3A_348 = arith.addi %mul3A_346, %add3A_347 : i32
      %get3A_349 = arith.index_cast %add3A_348 : i32 to index
      %get3A_350 = arith.constant 0 : index
      %get3A_351 = tpu.vector_load %arg11[%get3A_349, %get3A_350] {strides = array<i32>} : memref<632x16xf32, #tpu.memory_space<vmem>>, vector<1x16xf32>,
      %get3A_352 = vector.shape_cast %get3A_351 : vector<1x16xf32> to vector<16xf32>
      %swap3A_353 = arith.index_cast %add3A_320 : i32 to index
      %swap3A_354 = arith.constant 32 : index
      %swap3A_355 = tpu.vector_load %arg12[%swap3A_353, %swap3A_354] {strides = array<i32>} : memref<79x128xf32, #tpu.memory_space<vmem>>, vector<1x16xf32>,
      %swap3A_356 = vector.shape_cast %swap3A_355 : vector<1x16xf32> to vector<16xf32>
      %swap3A_357 = vector.shape_cast %get3A_352 : vector<16xf32> to vector<1x16xf32>
      tpu.vector_store %arg12[%swap3A_353, %swap3A_354], %swap3A_357 {strides = array<i32>} : memref<79x128xf32, #tpu.memory_space<vmem>>, vector<1x16xf32>,
      %mul3A_358 = arith.constant 8 : i32
      %mul3A_359 = arith.muli %mul3A_358, %add3A_320 : i32
      %add3A_360 = arith.constant 3 : i32
      %add3A_361 = arith.addi %mul3A_359, %add3A_360 : i32
      %get3A_362 = arith.index_cast %add3A_361 : i32 to index
      %get3A_363 = arith.constant 0 : index
      %get3A_364 = tpu.vector_load %arg11[%get3A_362, %get3A_363] {strides = array<i32>} : memref<632x16xf32, #tpu.memory_space<vmem>>, vector<1x16xf32>,
      %get3A_365 = vector.shape_cast %get3A_364 : vector<1x16xf32> to vector<16xf32>
      %swap3A_366 = arith.index_cast %add3A_320 : i32 to index
      %swap3A_367 = arith.constant 48 : index
      %swap3A_368 = tpu.vector_load %arg12[%swap3A_366, %swap3A_367] {strides = array<i32>} : memref<79x128xf32, #tpu.memory_space<vmem>>, vector<1x16xf32>,
      %swap3A_369 = vector.shape_cast %swap3A_368 : vector<1x16xf32> to vector<16xf32>
      %swap3A_370 = vector.shape_cast %get3A_365 : vector<16xf32> to vector<1x16xf32>
      tpu.vector_store %arg12[%swap3A_366, %swap3A_367], %swap3A_370 {strides = array<i32>} : memref<79x128xf32, #tpu.memory_space<vmem>>, vector<1x16xf32>,
      %mul3A_371 = arith.constant 8 : i32
      %mul3A_372 = arith.muli %mul3A_371, %add3A_320 : i32
      %add3A_373 = arith.constant 4 : i32
      %add3A_374 = arith.addi %mul3A_372, %add3A_373 : i32
      %get3A_375 = arith.index_cast %add3A_374 : i32 to index
      %get3A_376 = arith.constant 0 : index
      %get3A_377 = tpu.vector_load %arg11[%get3A_375, %get3A_376] {strides = array<i32>} : memref<632x16xf32, #tpu.memory_space<vmem>>, vector<1x16xf32>,
      %get3A_378 = vector.shape_cast %get3A_377 : vector<1x16xf32> to vector<16xf32>
      %swap3A_379 = arith.index_cast %add3A_320 : i32 to index
      %swap3A_380 = arith.constant 64 : index
      %swap3A_381 = tpu.vector_load %arg12[%swap3A_379, %swap3A_380] {strides = array<i32>} : memref<79x128xf32, #tpu.memory_space<vmem>>, vector<1x16xf32>,
      %swap3A_382 = vector.shape_cast %swap3A_381 : vector<1x16xf32> to vector<16xf32>
      %swap3A_383 = vector.shape_cast %get3A_378 : vector<16xf32> to vector<1x16xf32>
      tpu.vector_store %arg12[%swap3A_379, %swap3A_380], %swap3A_383 {strides = array<i32>} : memref<79x128xf32, #tpu.memory_space<vmem>>, vector<1x16xf32>,
      %mul3A_384 = arith.constant 8 : i32
      %mul3A_385 = arith.muli %mul3A_384, %add3A_320 : i32
      %add3A_386 = arith.constant 5 : i32
      %add3A_387 = arith.addi %mul3A_385, %add3A_386 : i32
      %get3A_388 = arith.index_cast %add3A_387 : i32 to index
      %get3A_389 = arith.constant 0 : index
      %get3A_390 = tpu.vector_load %arg11[%get3A_388, %get3A_389] {strides = array<i32>} : memref<632x16xf32, #tpu.memory_space<vmem>>, vector<1x16xf32>,
      %get3A_391 = vector.shape_cast %get3A_390 : vector<1x16xf32> to vector<16xf32>
      %swap3A_392 = arith.index_cast %add3A_320 : i32 to index
      %swap3A_393 = arith.constant 80 : index
      %swap3A_394 = tpu.vector_load %arg12[%swap3A_392, %swap3A_393] {strides = array<i32>} : memref<79x128xf32, #tpu.memory_space<vmem>>, vector<1x16xf32>,
      %swap3A_395 = vector.shape_cast %swap3A_394 : vector<1x16xf32> to vector<16xf32>
      %swap3A_396 = vector.shape_cast %get3A_391 : vector<16xf32> to vector<1x16xf32>
      tpu.vector_store %arg12[%swap3A_392, %swap3A_393], %swap3A_396 {strides = array<i32>} : memref<79x128xf32, #tpu.memory_space<vmem>>, vector<1x16xf32>,
      %mul3A_397 = arith.constant 8 : i32
      %mul3A_398 = arith.muli %mul3A_397, %add3A_320 : i32
      %add3A_399 = arith.constant 6 : i32
      %add3A_400 = arith.addi %mul3A_398, %add3A_399 : i32
      %get3A_401 = arith.index_cast %add3A_400 : i32 to index
      %get3A_402 = arith.constant 0 : index
      %get3A_403 = tpu.vector_load %arg11[%get3A_401, %get3A_402] {strides = array<i32>} : memref<632x16xf32, #tpu.memory_space<vmem>>, vector<1x16xf32>,
      %get3A_404 = vector.shape_cast %get3A_403 : vector<1x16xf32> to vector<16xf32>
      %swap3A_405 = arith.index_cast %add3A_320 : i32 to index
      %swap3A_406 = arith.constant 96 : index
      %swap3A_407 = tpu.vector_load %arg12[%swap3A_405, %swap3A_406] {strides = array<i32>} : memref<79x128xf32, #tpu.memory_space<vmem>>, vector<1x16xf32>,
      %swap3A_408 = vector.shape_cast %swap3A_407 : vector<1x16xf32> to vector<16xf32>
      %swap3A_409 = vector.shape_cast %get3A_404 : vector<16xf32> to vector<1x16xf32>
      tpu.vector_store %arg12[%swap3A_405, %swap3A_406], %swap3A_409 {strides = array<i32>} : memref<79x128xf32, #tpu.memory_space<vmem>>, vector<1x16xf32>,
      %mul3A_410 = arith.constant 8 : i32
      %mul3A_411 = arith.muli %mul3A_410, %add3A_320 : i32
      %add3A_412 = arith.constant 7 : i32
      %add3A_413 = arith.addi %mul3A_411, %add3A_412 : i32
      %get3A_414 = arith.index_cast %add3A_413 : i32 to index
      %get3A_415 = arith.constant 0 : index
      %get3A_416 = tpu.vector_load %arg11[%get3A_414, %get3A_415] {strides = array<i32>} : memref<632x16xf32, #tpu.memory_space<vmem>>, vector<1x16xf32>,
      %get3A_417 = vector.shape_cast %get3A_416 : vector<1x16xf32> to vector<16xf32>
      %swap3A_418 = arith.index_cast %add3A_320 : i32 to index
      %swap3A_419 = arith.constant 112 : index
      %swap3A_420 = tpu.vector_load %arg12[%swap3A_418, %swap3A_419] {strides = array<i32>} : memref<79x128xf32, #tpu.memory_space<vmem>>, vector<1x16xf32>,
      %swap3A_421 = vector.shape_cast %swap3A_420 : vector<1x16xf32> to vector<16xf32>
      %swap3A_422 = vector.shape_cast %get3A_417 : vector<16xf32> to vector<1x16xf32>
      tpu.vector_store %arg12[%swap3A_418, %swap3A_419], %swap3A_422 {strides = array<i32>} : memref<79x128xf32, #tpu.memory_space<vmem>>, vector<1x16xf32>,
    }
    %scan3A_313 = arith.constant 79 : i32
    %mul3A_314 = arith.constant 79 : i32
    %mul3A_315 = arith.muli %arg1, %mul3A_314 : i32
    "tpu.region"() ({
      %run_scoped3A = tpu.sem_alloc : memref<!tpu.dma_semaphore, #tpu.memory_space<semaphore_mem>>
      %dma_start3A_316 = arith.constant 0 : i32
      %dma_start3A_317 = tpu.memref_slice %arg6[%arg0, %mul3A_315, %dma_start3A_316] : memref<2x1264x128xf32, #tpu.memory_space<hbm>> -> memref<1x79x128xf32, #tpu.memory_space<hbm>>
      %dma_start3A_318 = tpu.memref_squeeze %dma_start3A_317 : memref<1x79x128xf32, #tpu.memory_space<hbm>> -> memref<79x128xf32, #tpu.memory_space<hbm>>
      %dma_start3A_319 = arith.constant 0 : i32
      %dma_start3A_320 = tpu.memref_slice %arg6[%arg0, %mul3A_315, %dma_start3A_319] : memref<2x1264x128xf32, #tpu.memory_space<hbm>> -> memref<1x79x128xf32, #tpu.memory_space<hbm>>
      %dma_start3A_321 = tpu.memref_squeeze %dma_start3A_320 : memref<1x79x128xf32, #tpu.memory_space<hbm>> -> memref<79x128xf32, #tpu.memory_space<hbm>>
      tpu.enqueue_dma source(%arg12 : memref<79x128xf32, #tpu.memory_space<vmem>>) target(%dma_start3A_321 : memref<79x128xf32, #tpu.memory_space<hbm>>) target_semaphore(%run_scoped3A : memref<!tpu.dma_semaphore, #tpu.memory_space<semaphore_mem>>)
      %dma_wait3A_322 = arith.constant 0 : i32
      %dma_wait3A_323 = tpu.memref_slice %arg6[%arg0, %mul3A_315, %dma_wait3A_322] : memref<2x1264x128xf32, #tpu.memory_space<hbm>> -> memref<1x79x128xf32, #tpu.memory_space<hbm>>
      %dma_wait3A_324 = tpu.memref_squeeze %dma_wait3A_323 : memref<1x79x128xf32, #tpu.memory_space<hbm>> -> memref<79x128xf32, #tpu.memory_space<hbm>>
      %dma_wait3A_325 = arith.constant 0 : i32
      %dma_wait3A_326 = tpu.memref_slice %arg6[%arg0, %mul3A_315, %dma_wait3A_325] : memref<2x1264x128xf32, #tpu.memory_space<hbm>> -> memref<1x79x128xf32, #tpu.memory_space<hbm>>
      %dma_wait3A_327 = tpu.memref_squeeze %dma_wait3A_326 : memref<1x79x128xf32, #tpu.memory_space<hbm>> -> memref<79x128xf32, #tpu.memory_space<hbm>>
      tpu.wait_dma2 semaphore(%run_scoped3A : memref<!tpu.dma_semaphore, #tpu.memory_space<semaphore_mem>>) src(%arg12 : memref<79x128xf32, #tpu.memory_space<vmem>>) dst(%dma_wait3A_327 : memref<79x128xf32, #tpu.memory_space<hbm>>)
      tpu.yield
    }) : () -> ()
    return
  }
}

#map = affine_map<(d0, d1) -> (0, 0)>
#map1 = affine_map<(d0, d1) -> (0, 0, 0)>
module attributes {stable_mosaic.version = 14 : i64} {
  func.func @agg(%arg0: i32, %arg1: i32, %arg2: memref<1264x128xf32, #tpu.memory_space<hbm>>, %arg3: memref<2560x128xi32, #tpu.memory_space<hbm>>, %arg4: memref<2560x128xi32, #tpu.memory_space<hbm>>, %arg5: memref<10112x16xf32, #tpu.memory_space<hbm>>, %arg6: memref<2x1264x128xf32, #tpu.memory_space<hbm>>, %arg7: memref<2x10112x16xf32, #tpu.memory_space<hbm>>, %arg8: memref<80x128xi32, #tpu.memory_space<vmem>>, %arg9: memref<80x128xi32, #tpu.memory_space<vmem>>, %arg10: memref<8x128x16xf32, #tpu.memory_space<vmem>>, %arg11: memref<632x16xf32, #tpu.memory_space<vmem>>, %arg12: memref<79x128xf32, #tpu.memory_space<vmem>>, %arg13: memref<10112x16xf32, #tpu.memory_space<vmem_shared>>, %arg14: memref<8x!tpu.dma_semaphore, #tpu.memory_space<semaphore_mem>>, %arg15: memref<8x!tpu.dma_semaphore, #tpu.memory_space<semaphore_mem>>, %arg16: memref<!tpu.dma_semaphore, #tpu.memory_space<semaphore_mem>>) attributes {dimension_semantics = [#tpu.dimension_semantics<core_parallel>, #tpu.dimension_semantics<subcore_parallel>], iteration_bounds = array<i64: 2, 16>, scalar_prefetch = 0 : i64, scratch_operands = 9 : i64, tpu.core_type = #tpu.core_type<sc_vector_subcore>, window_params = [{transform_indices = #map}, {transform_indices = #map}, {transform_indices = #map}, {transform_indices = #map}, {transform_indices = #map1}, {transform_indices = #map1}]} {
    %mul3A = arith.constant 16 : i32
    %mul3A_0 = arith.muli %arg0, %mul3A : i32
    %add3A = arith.addi %mul3A_0, %arg1 : i32
    %mul3A_1 = arith.constant 80 : i32
    %mul3A_2 = arith.muli %add3A, %mul3A_1 : i32
    "tpu.region"() ({
      %run_scoped3A = tpu.sem_alloc : memref<!tpu.dma_semaphore, #tpu.memory_space<semaphore_mem>>
      %dma_start3A_316 = arith.constant 0 : i32
      %dma_start3A_317 = tpu.memref_slice %arg3[%mul3A_2, %dma_start3A_316] : memref<2560x128xi32, #tpu.memory_space<hbm>> -> memref<80x128xi32, #tpu.memory_space<hbm>>
      %dma_start3A_318 = arith.constant 0 : i32
      %dma_start3A_319 = tpu.memref_slice %arg3[%mul3A_2, %dma_start3A_318] : memref<2560x128xi32, #tpu.memory_space<hbm>> -> memref<80x128xi32, #tpu.memory_space<hbm>>
      tpu.enqueue_dma source(%dma_start3A_319 : memref<80x128xi32, #tpu.memory_space<hbm>>) target(%arg8 : memref<80x128xi32, #tpu.memory_space<vmem>>) target_semaphore(%run_scoped3A : memref<!tpu.dma_semaphore, #tpu.memory_space<semaphore_mem>>)
      %dma_wait3A_320 = arith.constant 0 : i32
      %dma_wait3A_321 = tpu.memref_slice %arg3[%mul3A_2, %dma_wait3A_320] : memref<2560x128xi32, #tpu.memory_space<hbm>> -> memref<80x128xi32, #tpu.memory_space<hbm>>
      %dma_wait3A_322 = arith.constant 0 : i32
      %dma_wait3A_323 = tpu.memref_slice %arg3[%mul3A_2, %dma_wait3A_322] : memref<2560x128xi32, #tpu.memory_space<hbm>> -> memref<80x128xi32, #tpu.memory_space<hbm>>
      tpu.wait_dma2 semaphore(%run_scoped3A : memref<!tpu.dma_semaphore, #tpu.memory_space<semaphore_mem>>) src(%dma_wait3A_323 : memref<80x128xi32, #tpu.memory_space<hbm>>) dst(%arg8 : memref<80x128xi32, #tpu.memory_space<vmem>>)
      tpu.yield
    }) : () -> ()
    %mul3A_3 = arith.constant 80 : i32
    %mul3A_4 = arith.muli %add3A, %mul3A_3 : i32
    "tpu.region"() ({
      %run_scoped3A = tpu.sem_alloc : memref<!tpu.dma_semaphore, #tpu.memory_space<semaphore_mem>>
      %dma_start3A_316 = arith.constant 0 : i32
      %dma_start3A_317 = tpu.memref_slice %arg4[%mul3A_4, %dma_start3A_316] : memref<2560x128xi32, #tpu.memory_space<hbm>> -> memref<80x128xi32, #tpu.memory_space<hbm>>
      %dma_start3A_318 = arith.constant 0 : i32
      %dma_start3A_319 = tpu.memref_slice %arg4[%mul3A_4, %dma_start3A_318] : memref<2560x128xi32, #tpu.memory_space<hbm>> -> memref<80x128xi32, #tpu.memory_space<hbm>>
      tpu.enqueue_dma source(%dma_start3A_319 : memref<80x128xi32, #tpu.memory_space<hbm>>) target(%arg9 : memref<80x128xi32, #tpu.memory_space<vmem>>) target_semaphore(%run_scoped3A : memref<!tpu.dma_semaphore, #tpu.memory_space<semaphore_mem>>)
      %dma_wait3A_320 = arith.constant 0 : i32
      %dma_wait3A_321 = tpu.memref_slice %arg4[%mul3A_4, %dma_wait3A_320] : memref<2560x128xi32, #tpu.memory_space<hbm>> -> memref<80x128xi32, #tpu.memory_space<hbm>>
      %dma_wait3A_322 = arith.constant 0 : i32
      %dma_wait3A_323 = tpu.memref_slice %arg4[%mul3A_4, %dma_wait3A_322] : memref<2560x128xi32, #tpu.memory_space<hbm>> -> memref<80x128xi32, #tpu.memory_space<hbm>>
      tpu.wait_dma2 semaphore(%run_scoped3A : memref<!tpu.dma_semaphore, #tpu.memory_space<semaphore_mem>>) src(%dma_wait3A_323 : memref<80x128xi32, #tpu.memory_space<hbm>>) dst(%arg9 : memref<80x128xi32, #tpu.memory_space<vmem>>)
      tpu.yield
    }) : () -> ()
    %mul3A_5 = arith.constant 79 : i32
    %mul3A_6 = arith.muli %arg1, %mul3A_5 : i32
    "tpu.region"() ({
      %run_scoped3A = tpu.sem_alloc : memref<!tpu.dma_semaphore, #tpu.memory_space<semaphore_mem>>
      %dma_start3A_316 = arith.constant 0 : i32
      %dma_start3A_317 = tpu.memref_slice %arg2[%mul3A_6, %dma_start3A_316] : memref<1264x128xf32, #tpu.memory_space<hbm>> -> memref<79x128xf32, #tpu.memory_space<hbm>>
      %dma_start3A_318 = arith.constant 0 : i32
      %dma_start3A_319 = tpu.memref_slice %arg2[%mul3A_6, %dma_start3A_318] : memref<1264x128xf32, #tpu.memory_space<hbm>> -> memref<79x128xf32, #tpu.memory_space<hbm>>
      tpu.enqueue_dma source(%dma_start3A_319 : memref<79x128xf32, #tpu.memory_space<hbm>>) target(%arg12 : memref<79x128xf32, #tpu.memory_space<vmem>>) target_semaphore(%run_scoped3A : memref<!tpu.dma_semaphore, #tpu.memory_space<semaphore_mem>>)
      %dma_wait3A_320 = arith.constant 0 : i32
      %dma_wait3A_321 = tpu.memref_slice %arg2[%mul3A_6, %dma_wait3A_320] : memref<1264x128xf32, #tpu.memory_space<hbm>> -> memref<79x128xf32, #tpu.memory_space<hbm>>
      %dma_wait3A_322 = arith.constant 0 : i32
      %dma_wait3A_323 = tpu.memref_slice %arg2[%mul3A_6, %dma_wait3A_322] : memref<1264x128xf32, #tpu.memory_space<hbm>> -> memref<79x128xf32, #tpu.memory_space<hbm>>
      tpu.wait_dma2 semaphore(%run_scoped3A : memref<!tpu.dma_semaphore, #tpu.memory_space<semaphore_mem>>) src(%dma_wait3A_323 : memref<79x128xf32, #tpu.memory_space<hbm>>) dst(%arg12 : memref<79x128xf32, #tpu.memory_space<vmem>>)
      tpu.yield
    }) : () -> ()
    %scan3A = arith.constant 0 : i32
    %scan3A_7 = arith.constant 79 : i32
    %scan3A_8 = arith.addi %scan3A, %scan3A_7 : i32
    %scan3A_9 = arith.constant 1 : i32
    scf.for %scan3A_316 = %scan3A to %scan3A_8 step %scan3A_9  : i32 {
      %mul3A_317 = arith.constant 1 : i32
      %mul3A_318 = arith.muli %scan3A_316, %mul3A_317 : i32
      %add3A_319 = arith.constant 0 : i32
      %add3A_320 = arith.addi %add3A_319, %mul3A_318 : i32
      %get3A = arith.index_cast %add3A_320 : i32 to index
      %get3A_321 = arith.constant 0 : index
      %get3A_322 = tpu.vector_load %arg12[%get3A, %get3A_321] {strides = array<i32>} : memref<79x128xf32, #tpu.memory_space<vmem>>, vector<1x16xf32>,
      %get3A_323 = vector.shape_cast %get3A_322 : vector<1x16xf32> to vector<16xf32>
      %mul3A_324 = arith.constant 8 : i32
      %mul3A_325 = arith.muli %mul3A_324, %add3A_320 : i32
      %add3A_326 = arith.constant 0 : i32
      %add3A_327 = arith.addi %mul3A_325, %add3A_326 : i32
      %swap3A = arith.index_cast %add3A_327 : i32 to index
      %swap3A_328 = arith.constant 0 : index
      %swap3A_329 = tpu.vector_load %arg11[%swap3A, %swap3A_328] {strides = array<i32>} : memref<632x16xf32, #tpu.memory_space<vmem>>, vector<1x16xf32>,
      %swap3A_330 = vector.shape_cast %swap3A_329 : vector<1x16xf32> to vector<16xf32>
      %swap3A_331 = vector.shape_cast %get3A_323 : vector<16xf32> to vector<1x16xf32>
      tpu.vector_store %arg11[%swap3A, %swap3A_328], %swap3A_331 {strides = array<i32>} : memref<632x16xf32, #tpu.memory_space<vmem>>, vector<1x16xf32>,
      %get3A_332 = arith.index_cast %add3A_320 : i32 to index
      %get3A_333 = arith.constant 16 : index
      %get3A_334 = tpu.vector_load %arg12[%get3A_332, %get3A_333] {strides = array<i32>} : memref<79x128xf32, #tpu.memory_space<vmem>>, vector<1x16xf32>,
      %get3A_335 = vector.shape_cast %get3A_334 : vector<1x16xf32> to vector<16xf32>
      %mul3A_336 = arith.constant 8 : i32
      %mul3A_337 = arith.muli %mul3A_336, %add3A_320 : i32
      %add3A_338 = arith.constant 1 : i32
      %add3A_339 = arith.addi %mul3A_337, %add3A_338 : i32
      %swap3A_340 = arith.index_cast %add3A_339 : i32 to index
      %swap3A_341 = arith.constant 0 : index
      %swap3A_342 = tpu.vector_load %arg11[%swap3A_340, %swap3A_341] {strides = array<i32>} : memref<632x16xf32, #tpu.memory_space<vmem>>, vector<1x16xf32>,
      %swap3A_343 = vector.shape_cast %swap3A_342 : vector<1x16xf32> to vector<16xf32>
      %swap3A_344 = vector.shape_cast %get3A_335 : vector<16xf32> to vector<1x16xf32>
      tpu.vector_store %arg11[%swap3A_340, %swap3A_341], %swap3A_344 {strides = array<i32>} : memref<632x16xf32, #tpu.memory_space<vmem>>, vector<1x16xf32>,
      %get3A_345 = arith.index_cast %add3A_320 : i32 to index
      %get3A_346 = arith.constant 32 : index
      %get3A_347 = tpu.vector_load %arg12[%get3A_345, %get3A_346] {strides = array<i32>} : memref<79x128xf32, #tpu.memory_space<vmem>>, vector<1x16xf32>,
      %get3A_348 = vector.shape_cast %get3A_347 : vector<1x16xf32> to vector<16xf32>
      %mul3A_349 = arith.constant 8 : i32
      %mul3A_350 = arith.muli %mul3A_349, %add3A_320 : i32
      %add3A_351 = arith.constant 2 : i32
      %add3A_352 = arith.addi %mul3A_350, %add3A_351 : i32
      %swap3A_353 = arith.index_cast %add3A_352 : i32 to index
      %swap3A_354 = arith.constant 0 : index
      %swap3A_355 = tpu.vector_load %arg11[%swap3A_353, %swap3A_354] {strides = array<i32>} : memref<632x16xf32, #tpu.memory_space<vmem>>, vector<1x16xf32>,
      %swap3A_356 = vector.shape_cast %swap3A_355 : vector<1x16xf32> to vector<16xf32>
      %swap3A_357 = vector.shape_cast %get3A_348 : vector<16xf32> to vector<1x16xf32>
      tpu.vector_store %arg11[%swap3A_353, %swap3A_354], %swap3A_357 {strides = array<i32>} : memref<632x16xf32, #tpu.memory_space<vmem>>, vector<1x16xf32>,
      %get3A_358 = arith.index_cast %add3A_320 : i32 to index
      %get3A_359 = arith.constant 48 : index
      %get3A_360 = tpu.vector_load %arg12[%get3A_358, %get3A_359] {strides = array<i32>} : memref<79x128xf32, #tpu.memory_space<vmem>>, vector<1x16xf32>,
      %get3A_361 = vector.shape_cast %get3A_360 : vector<1x16xf32> to vector<16xf32>
      %mul3A_362 = arith.constant 8 : i32
      %mul3A_363 = arith.muli %mul3A_362, %add3A_320 : i32
      %add3A_364 = arith.constant 3 : i32
      %add3A_365 = arith.addi %mul3A_363, %add3A_364 : i32
      %swap3A_366 = arith.index_cast %add3A_365 : i32 to index
      %swap3A_367 = arith.constant 0 : index
      %swap3A_368 = tpu.vector_load %arg11[%swap3A_366, %swap3A_367] {strides = array<i32>} : memref<632x16xf32, #tpu.memory_space<vmem>>, vector<1x16xf32>,
      %swap3A_369 = vector.shape_cast %swap3A_368 : vector<1x16xf32> to vector<16xf32>
      %swap3A_370 = vector.shape_cast %get3A_361 : vector<16xf32> to vector<1x16xf32>
      tpu.vector_store %arg11[%swap3A_366, %swap3A_367], %swap3A_370 {strides = array<i32>} : memref<632x16xf32, #tpu.memory_space<vmem>>, vector<1x16xf32>,
      %get3A_371 = arith.index_cast %add3A_320 : i32 to index
      %get3A_372 = arith.constant 64 : index
      %get3A_373 = tpu.vector_load %arg12[%get3A_371, %get3A_372] {strides = array<i32>} : memref<79x128xf32, #tpu.memory_space<vmem>>, vector<1x16xf32>,
      %get3A_374 = vector.shape_cast %get3A_373 : vector<1x16xf32> to vector<16xf32>
      %mul3A_375 = arith.constant 8 : i32
      %mul3A_376 = arith.muli %mul3A_375, %add3A_320 : i32
      %add3A_377 = arith.constant 4 : i32
      %add3A_378 = arith.addi %mul3A_376, %add3A_377 : i32
      %swap3A_379 = arith.index_cast %add3A_378 : i32 to index
      %swap3A_380 = arith.constant 0 : index
      %swap3A_381 = tpu.vector_load %arg11[%swap3A_379, %swap3A_380] {strides = array<i32>} : memref<632x16xf32, #tpu.memory_space<vmem>>, vector<1x16xf32>,
      %swap3A_382 = vector.shape_cast %swap3A_381 : vector<1x16xf32> to vector<16xf32>
      %swap3A_383 = vector.shape_cast %get3A_374 : vector<16xf32> to vector<1x16xf32>
      tpu.vector_store %arg11[%swap3A_379, %swap3A_380], %swap3A_383 {strides = array<i32>} : memref<632x16xf32, #tpu.memory_space<vmem>>, vector<1x16xf32>,
      %get3A_384 = arith.index_cast %add3A_320 : i32 to index
      %get3A_385 = arith.constant 80 : index
      %get3A_386 = tpu.vector_load %arg12[%get3A_384, %get3A_385] {strides = array<i32>} : memref<79x128xf32, #tpu.memory_space<vmem>>, vector<1x16xf32>,
      %get3A_387 = vector.shape_cast %get3A_386 : vector<1x16xf32> to vector<16xf32>
      %mul3A_388 = arith.constant 8 : i32
      %mul3A_389 = arith.muli %mul3A_388, %add3A_320 : i32
      %add3A_390 = arith.constant 5 : i32
      %add3A_391 = arith.addi %mul3A_389, %add3A_390 : i32
      %swap3A_392 = arith.index_cast %add3A_391 : i32 to index
      %swap3A_393 = arith.constant 0 : index
      %swap3A_394 = tpu.vector_load %arg11[%swap3A_392, %swap3A_393] {strides = array<i32>} : memref<632x16xf32, #tpu.memory_space<vmem>>, vector<1x16xf32>,
      %swap3A_395 = vector.shape_cast %swap3A_394 : vector<1x16xf32> to vector<16xf32>
      %swap3A_396 = vector.shape_cast %get3A_387 : vector<16xf32> to vector<1x16xf32>
      tpu.vector_store %arg11[%swap3A_392, %swap3A_393], %swap3A_396 {strides = array<i32>} : memref<632x16xf32, #tpu.memory_space<vmem>>, vector<1x16xf32>,
      %get3A_397 = arith.index_cast %add3A_320 : i32 to index
      %get3A_398 = arith.constant 96 : index
      %get3A_399 = tpu.vector_load %arg12[%get3A_397, %get3A_398] {strides = array<i32>} : memref<79x128xf32, #tpu.memory_space<vmem>>, vector<1x16xf32>,
      %get3A_400 = vector.shape_cast %get3A_399 : vector<1x16xf32> to vector<16xf32>
      %mul3A_401 = arith.constant 8 : i32
      %mul3A_402 = arith.muli %mul3A_401, %add3A_320 : i32
      %add3A_403 = arith.constant 6 : i32
      %add3A_404 = arith.addi %mul3A_402, %add3A_403 : i32
      %swap3A_405 = arith.index_cast %add3A_404 : i32 to index
      %swap3A_406 = arith.constant 0 : index
      %swap3A_407 = tpu.vector_load %arg11[%swap3A_405, %swap3A_406] {strides = array<i32>} : memref<632x16xf32, #tpu.memory_space<vmem>>, vector<1x16xf32>,
      %swap3A_408 = vector.shape_cast %swap3A_407 : vector<1x16xf32> to vector<16xf32>
      %swap3A_409 = vector.shape_cast %get3A_400 : vector<16xf32> to vector<1x16xf32>
      tpu.vector_store %arg11[%swap3A_405, %swap3A_406], %swap3A_409 {strides = array<i32>} : memref<632x16xf32, #tpu.memory_space<vmem>>, vector<1x16xf32>,
      %get3A_410 = arith.index_cast %add3A_320 : i32 to index
      %get3A_411 = arith.constant 112 : index
      %get3A_412 = tpu.vector_load %arg12[%get3A_410, %get3A_411] {strides = array<i32>} : memref<79x128xf32, #tpu.memory_space<vmem>>, vector<1x16xf32>,
      %get3A_413 = vector.shape_cast %get3A_412 : vector<1x16xf32> to vector<16xf32>
      %mul3A_414 = arith.constant 8 : i32
      %mul3A_415 = arith.muli %mul3A_414, %add3A_320 : i32
      %add3A_416 = arith.constant 7 : i32
      %add3A_417 = arith.addi %mul3A_415, %add3A_416 : i32
      %swap3A_418 = arith.index_cast %add3A_417 : i32 to index
      %swap3A_419 = arith.constant 0 : index
      %swap3A_420 = tpu.vector_load %arg11[%swap3A_418, %swap3A_419] {strides = array<i32>} : memref<632x16xf32, #tpu.memory_space<vmem>>, vector<1x16xf32>,
      %swap3A_421 = vector.shape_cast %swap3A_420 : vector<1x16xf32> to vector<16xf32>
      %swap3A_422 = vector.shape_cast %get3A_413 : vector<16xf32> to vector<1x16xf32>
      tpu.vector_store %arg11[%swap3A_418, %swap3A_419], %swap3A_422 {strides = array<i32>} : memref<632x16xf32, #tpu.memory_space<vmem>>, vector<1x16xf32>,
    }
    %scan3A_10 = arith.constant 79 : i32
    %mul3A_11 = arith.constant 632 : i32
    %mul3A_12 = arith.muli %arg1, %mul3A_11 : i32
    %dma_start3A = arith.constant 0 : i32
    %dma_start3A_13 = tpu.memref_slice %arg7[%arg0, %mul3A_12, %dma_start3A] : memref<2x10112x16xf32, #tpu.memory_space<hbm>> -> memref<1x632x16xf32, #tpu.memory_space<hbm>>
    %dma_start3A_14 = tpu.memref_squeeze %dma_start3A_13 : memref<1x632x16xf32, #tpu.memory_space<hbm>> -> memref<632x16xf32, #tpu.memory_space<hbm>>
    %dma_start3A_15 = arith.constant 0 : i32
    %dma_start3A_16 = tpu.memref_slice %arg7[%arg0, %mul3A_12, %dma_start3A_15] : memref<2x10112x16xf32, #tpu.memory_space<hbm>> -> memref<1x632x16xf32, #tpu.memory_space<hbm>>
    %dma_start3A_17 = tpu.memref_squeeze %dma_start3A_16 : memref<1x632x16xf32, #tpu.memory_space<hbm>> -> memref<632x16xf32, #tpu.memory_space<hbm>>
    tpu.enqueue_dma source(%arg11 : memref<632x16xf32, #tpu.memory_space<vmem>>) target(%dma_start3A_17 : memref<632x16xf32, #tpu.memory_space<hbm>>) target_semaphore(%arg16 : memref<!tpu.dma_semaphore, #tpu.memory_space<semaphore_mem>>)
    %mul3A_18 = arith.constant 632 : i32
    %mul3A_19 = arith.muli %arg1, %mul3A_18 : i32
    %mul3A_20 = arith.constant 632 : i32
    %mul3A_21 = arith.muli %arg1, %mul3A_20 : i32
    "tpu.region"() ({
      %run_scoped3A = tpu.sem_alloc : memref<!tpu.dma_semaphore, #tpu.memory_space<semaphore_mem>>
      %dma_start3A_316 = arith.constant 0 : i32
      %dma_start3A_317 = tpu.memref_slice %arg13[%mul3A_21, %dma_start3A_316] : memref<10112x16xf32, #tpu.memory_space<vmem_shared>> -> memref<632x16xf32, #tpu.memory_space<vmem_shared>>
      %dma_start3A_318 = arith.constant 0 : i32
      %dma_start3A_319 = tpu.memref_slice %arg5[%mul3A_19, %dma_start3A_318] : memref<10112x16xf32, #tpu.memory_space<hbm>> -> memref<632x16xf32, #tpu.memory_space<hbm>>
      tpu.enqueue_dma source(%dma_start3A_319 : memref<632x16xf32, #tpu.memory_space<hbm>>) target(%dma_start3A_317 : memref<632x16xf32, #tpu.memory_space<vmem_shared>>) target_semaphore(%run_scoped3A : memref<!tpu.dma_semaphore, #tpu.memory_space<semaphore_mem>>)
      %dma_wait3A_320 = arith.constant 0 : i32
      %dma_wait3A_321 = tpu.memref_slice %arg13[%mul3A_21, %dma_wait3A_320] : memref<10112x16xf32, #tpu.memory_space<vmem_shared>> -> memref<632x16xf32, #tpu.memory_space<vmem_shared>>
      %dma_wait3A_322 = arith.constant 0 : i32
      %dma_wait3A_323 = tpu.memref_slice %arg5[%mul3A_19, %dma_wait3A_322] : memref<10112x16xf32, #tpu.memory_space<hbm>> -> memref<632x16xf32, #tpu.memory_space<hbm>>
      tpu.wait_dma2 semaphore(%run_scoped3A : memref<!tpu.dma_semaphore, #tpu.memory_space<semaphore_mem>>) src(%dma_wait3A_323 : memref<632x16xf32, #tpu.memory_space<hbm>>) dst(%dma_wait3A_321 : memref<632x16xf32, #tpu.memory_space<vmem_shared>>)
      tpu.yield
    }) : () -> ()
    %mul3A_22 = arith.constant 632 : i32
    %mul3A_23 = arith.muli %arg1, %mul3A_22 : i32
    %dma_wait3A = arith.constant 0 : i32
    %dma_wait3A_24 = tpu.memref_slice %arg7[%arg0, %mul3A_23, %dma_wait3A] : memref<2x10112x16xf32, #tpu.memory_space<hbm>> -> memref<1x632x16xf32, #tpu.memory_space<hbm>>
    %dma_wait3A_25 = tpu.memref_squeeze %dma_wait3A_24 : memref<1x632x16xf32, #tpu.memory_space<hbm>> -> memref<632x16xf32, #tpu.memory_space<hbm>>
    %dma_wait3A_26 = arith.constant 0 : i32
    %dma_wait3A_27 = tpu.memref_slice %arg7[%arg0, %mul3A_23, %dma_wait3A_26] : memref<2x10112x16xf32, #tpu.memory_space<hbm>> -> memref<1x632x16xf32, #tpu.memory_space<hbm>>
    %dma_wait3A_28 = tpu.memref_squeeze %dma_wait3A_27 : memref<1x632x16xf32, #tpu.memory_space<hbm>> -> memref<632x16xf32, #tpu.memory_space<hbm>>
    tpu.wait_dma2 semaphore(%arg16 : memref<!tpu.dma_semaphore, #tpu.memory_space<semaphore_mem>>) src(%arg11 : memref<632x16xf32, #tpu.memory_space<vmem>>) dst(%dma_wait3A_28 : memref<632x16xf32, #tpu.memory_space<hbm>>)
    %barrier3A = arith.constant 0 : index
    tpu.barrier barrier_id(%barrier3A)
    %dma_start3A_29 = arith.constant 0 : i32
    %dma_start3A_30 = arith.constant 0 : i32
    %dma_start3A_31 = arith.constant 0 : i32
    %dma_start3A_32 = arith.constant 0 : i32
    %dma_start3A_33 = arith.constant 0 : i32
    %dma_start3A_34 = tpu.memref_slice %arg10[%dma_start3A_30, %dma_start3A_32, %dma_start3A_33] : memref<8x128x16xf32, #tpu.memory_space<vmem>> -> memref<1x128x16xf32, #tpu.memory_space<vmem>>
    %dma_start3A_35 = tpu.memref_squeeze %dma_start3A_34 : memref<1x128x16xf32, #tpu.memory_space<vmem>> -> memref<128x16xf32, #tpu.memory_space<vmem>>
    %dma_start3A_36 = arith.constant 0 : i32
    %dma_start3A_37 = tpu.memref_slice %arg8[%dma_start3A_29, %dma_start3A_36] : memref<80x128xi32, #tpu.memory_space<vmem>> -> memref<1x128xi32, #tpu.memory_space<vmem>>
    %dma_start3A_38 = tpu.memref_squeeze %dma_start3A_37 : memref<1x128xi32, #tpu.memory_space<vmem>> -> memref<128xi32, #tpu.memory_space<vmem>>
    %dma_start3A_39 = arith.constant 0 : i32
    %dma_start3A_40 = arith.constant 0 : i32
    %dma_start3A_41 = tpu.memref_slice %arg7[%arg0, %dma_start3A_39, %dma_start3A_40] : memref<2x10112x16xf32, #tpu.memory_space<hbm>> -> memref<1x10112x16xf32, #tpu.memory_space<hbm>>
    %dma_start3A_42 = tpu.memref_squeeze %dma_start3A_41 : memref<1x10112x16xf32, #tpu.memory_space<hbm>> -> memref<10112x16xf32, #tpu.memory_space<hbm>>
    %dma_start3A_43 = arith.constant 0 : i32
    %dma_start3A_44 = arith.constant 0 : i32
    %dma_start3A_45 = tpu.memref_slice %dma_start3A_42[%dma_start3A_43, %dma_start3A_44] : memref<10112x16xf32, #tpu.memory_space<hbm>> -> memref<10112x16xf32, #tpu.memory_space<hbm>>
    %dma_start3A_46 = tpu.memref_slice %arg14[%dma_start3A_31] : memref<8x!tpu.dma_semaphore, #tpu.memory_space<semaphore_mem>> -> memref<1x!tpu.dma_semaphore, #tpu.memory_space<semaphore_mem>>
    %dma_start3A_47 = tpu.memref_squeeze %dma_start3A_46 : memref<1x!tpu.dma_semaphore, #tpu.memory_space<semaphore_mem>> -> memref<!tpu.dma_semaphore, #tpu.memory_space<semaphore_mem>>
    tpu.enqueue_indirect_dma source(%dma_start3A_45 : memref<10112x16xf32, #tpu.memory_space<hbm>>) target(%dma_start3A_35 : memref<128x16xf32, #tpu.memory_space<vmem>>) offsets(%dma_start3A_38 : memref<128xi32, #tpu.memory_space<vmem>>) semaphore(%dma_start3A_47 : memref<!tpu.dma_semaphore, #tpu.memory_space<semaphore_mem>>)
    %dma_start3A_48 = arith.constant 1 : i32
    %dma_start3A_49 = arith.constant 1 : i32
    %dma_start3A_50 = arith.constant 1 : i32
    %dma_start3A_51 = arith.constant 0 : i32
    %dma_start3A_52 = arith.constant 0 : i32
    %dma_start3A_53 = tpu.memref_slice %arg10[%dma_start3A_49, %dma_start3A_51, %dma_start3A_52] : memref<8x128x16xf32, #tpu.memory_space<vmem>> -> memref<1x128x16xf32, #tpu.memory_space<vmem>>
    %dma_start3A_54 = tpu.memref_squeeze %dma_start3A_53 : memref<1x128x16xf32, #tpu.memory_space<vmem>> -> memref<128x16xf32, #tpu.memory_space<vmem>>
    %dma_start3A_55 = arith.constant 0 : i32
    %dma_start3A_56 = tpu.memref_slice %arg8[%dma_start3A_48, %dma_start3A_55] : memref<80x128xi32, #tpu.memory_space<vmem>> -> memref<1x128xi32, #tpu.memory_space<vmem>>
    %dma_start3A_57 = tpu.memref_squeeze %dma_start3A_56 : memref<1x128xi32, #tpu.memory_space<vmem>> -> memref<128xi32, #tpu.memory_space<vmem>>
    %dma_start3A_58 = arith.constant 0 : i32
    %dma_start3A_59 = arith.constant 0 : i32
    %dma_start3A_60 = tpu.memref_slice %arg7[%arg0, %dma_start3A_58, %dma_start3A_59] : memref<2x10112x16xf32, #tpu.memory_space<hbm>> -> memref<1x10112x16xf32, #tpu.memory_space<hbm>>
    %dma_start3A_61 = tpu.memref_squeeze %dma_start3A_60 : memref<1x10112x16xf32, #tpu.memory_space<hbm>> -> memref<10112x16xf32, #tpu.memory_space<hbm>>
    %dma_start3A_62 = arith.constant 0 : i32
    %dma_start3A_63 = arith.constant 0 : i32
    %dma_start3A_64 = tpu.memref_slice %dma_start3A_61[%dma_start3A_62, %dma_start3A_63] : memref<10112x16xf32, #tpu.memory_space<hbm>> -> memref<10112x16xf32, #tpu.memory_space<hbm>>
    %dma_start3A_65 = tpu.memref_slice %arg14[%dma_start3A_50] : memref<8x!tpu.dma_semaphore, #tpu.memory_space<semaphore_mem>> -> memref<1x!tpu.dma_semaphore, #tpu.memory_space<semaphore_mem>>
    %dma_start3A_66 = tpu.memref_squeeze %dma_start3A_65 : memref<1x!tpu.dma_semaphore, #tpu.memory_space<semaphore_mem>> -> memref<!tpu.dma_semaphore, #tpu.memory_space<semaphore_mem>>
    tpu.enqueue_indirect_dma source(%dma_start3A_64 : memref<10112x16xf32, #tpu.memory_space<hbm>>) target(%dma_start3A_54 : memref<128x16xf32, #tpu.memory_space<vmem>>) offsets(%dma_start3A_57 : memref<128xi32, #tpu.memory_space<vmem>>) semaphore(%dma_start3A_66 : memref<!tpu.dma_semaphore, #tpu.memory_space<semaphore_mem>>)
    %dma_start3A_67 = arith.constant 2 : i32
    %dma_start3A_68 = arith.constant 2 : i32
    %dma_start3A_69 = arith.constant 2 : i32
    %dma_start3A_70 = arith.constant 0 : i32
    %dma_start3A_71 = arith.constant 0 : i32
    %dma_start3A_72 = tpu.memref_slice %arg10[%dma_start3A_68, %dma_start3A_70, %dma_start3A_71] : memref<8x128x16xf32, #tpu.memory_space<vmem>> -> memref<1x128x16xf32, #tpu.memory_space<vmem>>
    %dma_start3A_73 = tpu.memref_squeeze %dma_start3A_72 : memref<1x128x16xf32, #tpu.memory_space<vmem>> -> memref<128x16xf32, #tpu.memory_space<vmem>>
    %dma_start3A_74 = arith.constant 0 : i32
    %dma_start3A_75 = tpu.memref_slice %arg8[%dma_start3A_67, %dma_start3A_74] : memref<80x128xi32, #tpu.memory_space<vmem>> -> memref<1x128xi32, #tpu.memory_space<vmem>>
    %dma_start3A_76 = tpu.memref_squeeze %dma_start3A_75 : memref<1x128xi32, #tpu.memory_space<vmem>> -> memref<128xi32, #tpu.memory_space<vmem>>
    %dma_start3A_77 = arith.constant 0 : i32
    %dma_start3A_78 = arith.constant 0 : i32
    %dma_start3A_79 = tpu.memref_slice %arg7[%arg0, %dma_start3A_77, %dma_start3A_78] : memref<2x10112x16xf32, #tpu.memory_space<hbm>> -> memref<1x10112x16xf32, #tpu.memory_space<hbm>>
    %dma_start3A_80 = tpu.memref_squeeze %dma_start3A_79 : memref<1x10112x16xf32, #tpu.memory_space<hbm>> -> memref<10112x16xf32, #tpu.memory_space<hbm>>
    %dma_start3A_81 = arith.constant 0 : i32
    %dma_start3A_82 = arith.constant 0 : i32
    %dma_start3A_83 = tpu.memref_slice %dma_start3A_80[%dma_start3A_81, %dma_start3A_82] : memref<10112x16xf32, #tpu.memory_space<hbm>> -> memref<10112x16xf32, #tpu.memory_space<hbm>>
    %dma_start3A_84 = tpu.memref_slice %arg14[%dma_start3A_69] : memref<8x!tpu.dma_semaphore, #tpu.memory_space<semaphore_mem>> -> memref<1x!tpu.dma_semaphore, #tpu.memory_space<semaphore_mem>>
    %dma_start3A_85 = tpu.memref_squeeze %dma_start3A_84 : memref<1x!tpu.dma_semaphore, #tpu.memory_space<semaphore_mem>> -> memref<!tpu.dma_semaphore, #tpu.memory_space<semaphore_mem>>
    tpu.enqueue_indirect_dma source(%dma_start3A_83 : memref<10112x16xf32, #tpu.memory_space<hbm>>) target(%dma_start3A_73 : memref<128x16xf32, #tpu.memory_space<vmem>>) offsets(%dma_start3A_76 : memref<128xi32, #tpu.memory_space<vmem>>) semaphore(%dma_start3A_85 : memref<!tpu.dma_semaphore, #tpu.memory_space<semaphore_mem>>)
    %dma_start3A_86 = arith.constant 3 : i32
    %dma_start3A_87 = arith.constant 3 : i32
    %dma_start3A_88 = arith.constant 3 : i32
    %dma_start3A_89 = arith.constant 0 : i32
    %dma_start3A_90 = arith.constant 0 : i32
    %dma_start3A_91 = tpu.memref_slice %arg10[%dma_start3A_87, %dma_start3A_89, %dma_start3A_90] : memref<8x128x16xf32, #tpu.memory_space<vmem>> -> memref<1x128x16xf32, #tpu.memory_space<vmem>>
    %dma_start3A_92 = tpu.memref_squeeze %dma_start3A_91 : memref<1x128x16xf32, #tpu.memory_space<vmem>> -> memref<128x16xf32, #tpu.memory_space<vmem>>
    %dma_start3A_93 = arith.constant 0 : i32
    %dma_start3A_94 = tpu.memref_slice %arg8[%dma_start3A_86, %dma_start3A_93] : memref<80x128xi32, #tpu.memory_space<vmem>> -> memref<1x128xi32, #tpu.memory_space<vmem>>
    %dma_start3A_95 = tpu.memref_squeeze %dma_start3A_94 : memref<1x128xi32, #tpu.memory_space<vmem>> -> memref<128xi32, #tpu.memory_space<vmem>>
    %dma_start3A_96 = arith.constant 0 : i32
    %dma_start3A_97 = arith.constant 0 : i32
    %dma_start3A_98 = tpu.memref_slice %arg7[%arg0, %dma_start3A_96, %dma_start3A_97] : memref<2x10112x16xf32, #tpu.memory_space<hbm>> -> memref<1x10112x16xf32, #tpu.memory_space<hbm>>
    %dma_start3A_99 = tpu.memref_squeeze %dma_start3A_98 : memref<1x10112x16xf32, #tpu.memory_space<hbm>> -> memref<10112x16xf32, #tpu.memory_space<hbm>>
    %dma_start3A_100 = arith.constant 0 : i32
    %dma_start3A_101 = arith.constant 0 : i32
    %dma_start3A_102 = tpu.memref_slice %dma_start3A_99[%dma_start3A_100, %dma_start3A_101] : memref<10112x16xf32, #tpu.memory_space<hbm>> -> memref<10112x16xf32, #tpu.memory_space<hbm>>
    %dma_start3A_103 = tpu.memref_slice %arg14[%dma_start3A_88] : memref<8x!tpu.dma_semaphore, #tpu.memory_space<semaphore_mem>> -> memref<1x!tpu.dma_semaphore, #tpu.memory_space<semaphore_mem>>
    %dma_start3A_104 = tpu.memref_squeeze %dma_start3A_103 : memref<1x!tpu.dma_semaphore, #tpu.memory_space<semaphore_mem>> -> memref<!tpu.dma_semaphore, #tpu.memory_space<semaphore_mem>>
    tpu.enqueue_indirect_dma source(%dma_start3A_102 : memref<10112x16xf32, #tpu.memory_space<hbm>>) target(%dma_start3A_92 : memref<128x16xf32, #tpu.memory_space<vmem>>) offsets(%dma_start3A_95 : memref<128xi32, #tpu.memory_space<vmem>>) semaphore(%dma_start3A_104 : memref<!tpu.dma_semaphore, #tpu.memory_space<semaphore_mem>>)
    %dma_start3A_105 = arith.constant 4 : i32
    %dma_start3A_106 = arith.constant 4 : i32
    %dma_start3A_107 = arith.constant 4 : i32
    %dma_start3A_108 = arith.constant 0 : i32
    %dma_start3A_109 = arith.constant 0 : i32
    %dma_start3A_110 = tpu.memref_slice %arg10[%dma_start3A_106, %dma_start3A_108, %dma_start3A_109] : memref<8x128x16xf32, #tpu.memory_space<vmem>> -> memref<1x128x16xf32, #tpu.memory_space<vmem>>
    %dma_start3A_111 = tpu.memref_squeeze %dma_start3A_110 : memref<1x128x16xf32, #tpu.memory_space<vmem>> -> memref<128x16xf32, #tpu.memory_space<vmem>>
    %dma_start3A_112 = arith.constant 0 : i32
    %dma_start3A_113 = tpu.memref_slice %arg8[%dma_start3A_105, %dma_start3A_112] : memref<80x128xi32, #tpu.memory_space<vmem>> -> memref<1x128xi32, #tpu.memory_space<vmem>>
    %dma_start3A_114 = tpu.memref_squeeze %dma_start3A_113 : memref<1x128xi32, #tpu.memory_space<vmem>> -> memref<128xi32, #tpu.memory_space<vmem>>
    %dma_start3A_115 = arith.constant 0 : i32
    %dma_start3A_116 = arith.constant 0 : i32
    %dma_start3A_117 = tpu.memref_slice %arg7[%arg0, %dma_start3A_115, %dma_start3A_116] : memref<2x10112x16xf32, #tpu.memory_space<hbm>> -> memref<1x10112x16xf32, #tpu.memory_space<hbm>>
    %dma_start3A_118 = tpu.memref_squeeze %dma_start3A_117 : memref<1x10112x16xf32, #tpu.memory_space<hbm>> -> memref<10112x16xf32, #tpu.memory_space<hbm>>
    %dma_start3A_119 = arith.constant 0 : i32
    %dma_start3A_120 = arith.constant 0 : i32
    %dma_start3A_121 = tpu.memref_slice %dma_start3A_118[%dma_start3A_119, %dma_start3A_120] : memref<10112x16xf32, #tpu.memory_space<hbm>> -> memref<10112x16xf32, #tpu.memory_space<hbm>>
    %dma_start3A_122 = tpu.memref_slice %arg14[%dma_start3A_107] : memref<8x!tpu.dma_semaphore, #tpu.memory_space<semaphore_mem>> -> memref<1x!tpu.dma_semaphore, #tpu.memory_space<semaphore_mem>>
    %dma_start3A_123 = tpu.memref_squeeze %dma_start3A_122 : memref<1x!tpu.dma_semaphore, #tpu.memory_space<semaphore_mem>> -> memref<!tpu.dma_semaphore, #tpu.memory_space<semaphore_mem>>
    tpu.enqueue_indirect_dma source(%dma_start3A_121 : memref<10112x16xf32, #tpu.memory_space<hbm>>) target(%dma_start3A_111 : memref<128x16xf32, #tpu.memory_space<vmem>>) offsets(%dma_start3A_114 : memref<128xi32, #tpu.memory_space<vmem>>) semaphore(%dma_start3A_123 : memref<!tpu.dma_semaphore, #tpu.memory_space<semaphore_mem>>)
    %dma_start3A_124 = arith.constant 5 : i32
    %dma_start3A_125 = arith.constant 5 : i32
    %dma_start3A_126 = arith.constant 5 : i32
    %dma_start3A_127 = arith.constant 0 : i32
    %dma_start3A_128 = arith.constant 0 : i32
    %dma_start3A_129 = tpu.memref_slice %arg10[%dma_start3A_125, %dma_start3A_127, %dma_start3A_128] : memref<8x128x16xf32, #tpu.memory_space<vmem>> -> memref<1x128x16xf32, #tpu.memory_space<vmem>>
    %dma_start3A_130 = tpu.memref_squeeze %dma_start3A_129 : memref<1x128x16xf32, #tpu.memory_space<vmem>> -> memref<128x16xf32, #tpu.memory_space<vmem>>
    %dma_start3A_131 = arith.constant 0 : i32
    %dma_start3A_132 = tpu.memref_slice %arg8[%dma_start3A_124, %dma_start3A_131] : memref<80x128xi32, #tpu.memory_space<vmem>> -> memref<1x128xi32, #tpu.memory_space<vmem>>
    %dma_start3A_133 = tpu.memref_squeeze %dma_start3A_132 : memref<1x128xi32, #tpu.memory_space<vmem>> -> memref<128xi32, #tpu.memory_space<vmem>>
    %dma_start3A_134 = arith.constant 0 : i32
    %dma_start3A_135 = arith.constant 0 : i32
    %dma_start3A_136 = tpu.memref_slice %arg7[%arg0, %dma_start3A_134, %dma_start3A_135] : memref<2x10112x16xf32, #tpu.memory_space<hbm>> -> memref<1x10112x16xf32, #tpu.memory_space<hbm>>
    %dma_start3A_137 = tpu.memref_squeeze %dma_start3A_136 : memref<1x10112x16xf32, #tpu.memory_space<hbm>> -> memref<10112x16xf32, #tpu.memory_space<hbm>>
    %dma_start3A_138 = arith.constant 0 : i32
    %dma_start3A_139 = arith.constant 0 : i32
    %dma_start3A_140 = tpu.memref_slice %dma_start3A_137[%dma_start3A_138, %dma_start3A_139] : memref<10112x16xf32, #tpu.memory_space<hbm>> -> memref<10112x16xf32, #tpu.memory_space<hbm>>
    %dma_start3A_141 = tpu.memref_slice %arg14[%dma_start3A_126] : memref<8x!tpu.dma_semaphore, #tpu.memory_space<semaphore_mem>> -> memref<1x!tpu.dma_semaphore, #tpu.memory_space<semaphore_mem>>
    %dma_start3A_142 = tpu.memref_squeeze %dma_start3A_141 : memref<1x!tpu.dma_semaphore, #tpu.memory_space<semaphore_mem>> -> memref<!tpu.dma_semaphore, #tpu.memory_space<semaphore_mem>>
    tpu.enqueue_indirect_dma source(%dma_start3A_140 : memref<10112x16xf32, #tpu.memory_space<hbm>>) target(%dma_start3A_130 : memref<128x16xf32, #tpu.memory_space<vmem>>) offsets(%dma_start3A_133 : memref<128xi32, #tpu.memory_space<vmem>>) semaphore(%dma_start3A_142 : memref<!tpu.dma_semaphore, #tpu.memory_space<semaphore_mem>>)
    %dma_start3A_143 = arith.constant 6 : i32
    %dma_start3A_144 = arith.constant 6 : i32
    %dma_start3A_145 = arith.constant 6 : i32
    %dma_start3A_146 = arith.constant 0 : i32
    %dma_start3A_147 = arith.constant 0 : i32
    %dma_start3A_148 = tpu.memref_slice %arg10[%dma_start3A_144, %dma_start3A_146, %dma_start3A_147] : memref<8x128x16xf32, #tpu.memory_space<vmem>> -> memref<1x128x16xf32, #tpu.memory_space<vmem>>
    %dma_start3A_149 = tpu.memref_squeeze %dma_start3A_148 : memref<1x128x16xf32, #tpu.memory_space<vmem>> -> memref<128x16xf32, #tpu.memory_space<vmem>>
    %dma_start3A_150 = arith.constant 0 : i32
    %dma_start3A_151 = tpu.memref_slice %arg8[%dma_start3A_143, %dma_start3A_150] : memref<80x128xi32, #tpu.memory_space<vmem>> -> memref<1x128xi32, #tpu.memory_space<vmem>>
    %dma_start3A_152 = tpu.memref_squeeze %dma_start3A_151 : memref<1x128xi32, #tpu.memory_space<vmem>> -> memref<128xi32, #tpu.memory_space<vmem>>
    %dma_start3A_153 = arith.constant 0 : i32
    %dma_start3A_154 = arith.constant 0 : i32
    %dma_start3A_155 = tpu.memref_slice %arg7[%arg0, %dma_start3A_153, %dma_start3A_154] : memref<2x10112x16xf32, #tpu.memory_space<hbm>> -> memref<1x10112x16xf32, #tpu.memory_space<hbm>>
    %dma_start3A_156 = tpu.memref_squeeze %dma_start3A_155 : memref<1x10112x16xf32, #tpu.memory_space<hbm>> -> memref<10112x16xf32, #tpu.memory_space<hbm>>
    %dma_start3A_157 = arith.constant 0 : i32
    %dma_start3A_158 = arith.constant 0 : i32
    %dma_start3A_159 = tpu.memref_slice %dma_start3A_156[%dma_start3A_157, %dma_start3A_158] : memref<10112x16xf32, #tpu.memory_space<hbm>> -> memref<10112x16xf32, #tpu.memory_space<hbm>>
    %dma_start3A_160 = tpu.memref_slice %arg14[%dma_start3A_145] : memref<8x!tpu.dma_semaphore, #tpu.memory_space<semaphore_mem>> -> memref<1x!tpu.dma_semaphore, #tpu.memory_space<semaphore_mem>>
    %dma_start3A_161 = tpu.memref_squeeze %dma_start3A_160 : memref<1x!tpu.dma_semaphore, #tpu.memory_space<semaphore_mem>> -> memref<!tpu.dma_semaphore, #tpu.memory_space<semaphore_mem>>
    tpu.enqueue_indirect_dma source(%dma_start3A_159 : memref<10112x16xf32, #tpu.memory_space<hbm>>) target(%dma_start3A_149 : memref<128x16xf32, #tpu.memory_space<vmem>>) offsets(%dma_start3A_152 : memref<128xi32, #tpu.memory_space<vmem>>) semaphore(%dma_start3A_161 : memref<!tpu.dma_semaphore, #tpu.memory_space<semaphore_mem>>)
    %dma_start3A_162 = arith.constant 7 : i32
    %dma_start3A_163 = arith.constant 7 : i32
    %dma_start3A_164 = arith.constant 7 : i32
    %dma_start3A_165 = arith.constant 0 : i32
    %dma_start3A_166 = arith.constant 0 : i32
    %dma_start3A_167 = tpu.memref_slice %arg10[%dma_start3A_163, %dma_start3A_165, %dma_start3A_166] : memref<8x128x16xf32, #tpu.memory_space<vmem>> -> memref<1x128x16xf32, #tpu.memory_space<vmem>>
    %dma_start3A_168 = tpu.memref_squeeze %dma_start3A_167 : memref<1x128x16xf32, #tpu.memory_space<vmem>> -> memref<128x16xf32, #tpu.memory_space<vmem>>
    %dma_start3A_169 = arith.constant 0 : i32
    %dma_start3A_170 = tpu.memref_slice %arg8[%dma_start3A_162, %dma_start3A_169] : memref<80x128xi32, #tpu.memory_space<vmem>> -> memref<1x128xi32, #tpu.memory_space<vmem>>
    %dma_start3A_171 = tpu.memref_squeeze %dma_start3A_170 : memref<1x128xi32, #tpu.memory_space<vmem>> -> memref<128xi32, #tpu.memory_space<vmem>>
    %dma_start3A_172 = arith.constant 0 : i32
    %dma_start3A_173 = arith.constant 0 : i32
    %dma_start3A_174 = tpu.memref_slice %arg7[%arg0, %dma_start3A_172, %dma_start3A_173] : memref<2x10112x16xf32, #tpu.memory_space<hbm>> -> memref<1x10112x16xf32, #tpu.memory_space<hbm>>
    %dma_start3A_175 = tpu.memref_squeeze %dma_start3A_174 : memref<1x10112x16xf32, #tpu.memory_space<hbm>> -> memref<10112x16xf32, #tpu.memory_space<hbm>>
    %dma_start3A_176 = arith.constant 0 : i32
    %dma_start3A_177 = arith.constant 0 : i32
    %dma_start3A_178 = tpu.memref_slice %dma_start3A_175[%dma_start3A_176, %dma_start3A_177] : memref<10112x16xf32, #tpu.memory_space<hbm>> -> memref<10112x16xf32, #tpu.memory_space<hbm>>
    %dma_start3A_179 = tpu.memref_slice %arg14[%dma_start3A_164] : memref<8x!tpu.dma_semaphore, #tpu.memory_space<semaphore_mem>> -> memref<1x!tpu.dma_semaphore, #tpu.memory_space<semaphore_mem>>
    %dma_start3A_180 = tpu.memref_squeeze %dma_start3A_179 : memref<1x!tpu.dma_semaphore, #tpu.memory_space<semaphore_mem>> -> memref<!tpu.dma_semaphore, #tpu.memory_space<semaphore_mem>>
    tpu.enqueue_indirect_dma source(%dma_start3A_178 : memref<10112x16xf32, #tpu.memory_space<hbm>>) target(%dma_start3A_168 : memref<128x16xf32, #tpu.memory_space<vmem>>) offsets(%dma_start3A_171 : memref<128xi32, #tpu.memory_space<vmem>>) semaphore(%dma_start3A_180 : memref<!tpu.dma_semaphore, #tpu.memory_space<semaphore_mem>>)
    %scan3A_181 = arith.constant 0 : i32
    %scan3A_182 = arith.constant 10 : i32
    %scan3A_183 = arith.addi %scan3A_181, %scan3A_182 : i32
    %scan3A_184 = arith.constant 1 : i32
    scf.for %scan3A_316 = %scan3A_181 to %scan3A_183 step %scan3A_184  : i32 {
      %mul3A_317 = arith.constant 8 : i32
      %mul3A_318 = arith.muli %scan3A_316, %mul3A_317 : i32
      %add3A_319 = arith.constant 0 : i32
      %add3A_320 = arith.addi %add3A_319, %mul3A_318 : i32
      %add3A_321 = arith.constant 0 : i32
      %add3A_322 = arith.addi %add3A_320, %add3A_321 : i32
      %dma_wait3A_323 = arith.constant 0 : i32
      %dma_wait3A_324 = arith.constant 0 : i32
      %dma_wait3A_325 = arith.constant 0 : i32
      %dma_wait3A_326 = arith.constant 0 : i32
      %dma_wait3A_327 = tpu.memref_slice %arg10[%dma_wait3A_323, %dma_wait3A_325, %dma_wait3A_326] : memref<8x128x16xf32, #tpu.memory_space<vmem>> -> memref<1x128x16xf32, #tpu.memory_space<vmem>>
      %dma_wait3A_328 = tpu.memref_squeeze %dma_wait3A_327 : memref<1x128x16xf32, #tpu.memory_space<vmem>> -> memref<128x16xf32, #tpu.memory_space<vmem>>
      %dma_wait3A_329 = arith.constant 0 : i32
      %dma_wait3A_330 = tpu.memref_slice %arg8[%add3A_322, %dma_wait3A_329] : memref<80x128xi32, #tpu.memory_space<vmem>> -> memref<1x128xi32, #tpu.memory_space<vmem>>
      %dma_wait3A_331 = tpu.memref_squeeze %dma_wait3A_330 : memref<1x128xi32, #tpu.memory_space<vmem>> -> memref<128xi32, #tpu.memory_space<vmem>>
      %dma_wait3A_332 = arith.constant 0 : i32
      %dma_wait3A_333 = arith.constant 0 : i32
      %dma_wait3A_334 = tpu.memref_slice %arg7[%arg0, %dma_wait3A_332, %dma_wait3A_333] : memref<2x10112x16xf32, #tpu.memory_space<hbm>> -> memref<1x10112x16xf32, #tpu.memory_space<hbm>>
      %dma_wait3A_335 = tpu.memref_squeeze %dma_wait3A_334 : memref<1x10112x16xf32, #tpu.memory_space<hbm>> -> memref<10112x16xf32, #tpu.memory_space<hbm>>
      %dma_wait3A_336 = arith.constant 0 : i32
      %dma_wait3A_337 = arith.constant 0 : i32
      %dma_wait3A_338 = tpu.memref_slice %dma_wait3A_335[%dma_wait3A_336, %dma_wait3A_337] : memref<10112x16xf32, #tpu.memory_space<hbm>> -> memref<10112x16xf32, #tpu.memory_space<hbm>>
      %dma_wait3A_339 = tpu.memref_slice %arg14[%dma_wait3A_324] : memref<8x!tpu.dma_semaphore, #tpu.memory_space<semaphore_mem>> -> memref<1x!tpu.dma_semaphore, #tpu.memory_space<semaphore_mem>>
      %dma_wait3A_340 = tpu.memref_squeeze %dma_wait3A_339 : memref<1x!tpu.dma_semaphore, #tpu.memory_space<semaphore_mem>> -> memref<!tpu.dma_semaphore, #tpu.memory_space<semaphore_mem>>
      tpu.wait_indirect_dma semaphore(%dma_wait3A_340 : memref<!tpu.dma_semaphore, #tpu.memory_space<semaphore_mem>>) src(%dma_wait3A_338 : memref<10112x16xf32, #tpu.memory_space<hbm>>) dst(%dma_wait3A_328 : memref<128x16xf32, #tpu.memory_space<vmem>>)
      %dma_start3A_341 = arith.constant 0 : i32
      %dma_start3A_342 = arith.constant 0 : i32
      %dma_start3A_343 = arith.constant 0 : i32
      %dma_start3A_344 = arith.constant 0 : i32
      %dma_start3A_345 = tpu.memref_slice %arg10[%dma_start3A_341, %dma_start3A_343, %dma_start3A_344] : memref<8x128x16xf32, #tpu.memory_space<vmem>> -> memref<1x128x16xf32, #tpu.memory_space<vmem>>
      %dma_start3A_346 = tpu.memref_squeeze %dma_start3A_345 : memref<1x128x16xf32, #tpu.memory_space<vmem>> -> memref<128x16xf32, #tpu.memory_space<vmem>>
      %dma_start3A_347 = arith.constant 0 : i32
      %dma_start3A_348 = tpu.memref_slice %arg9[%add3A_322, %dma_start3A_347] : memref<80x128xi32, #tpu.memory_space<vmem>> -> memref<1x128xi32, #tpu.memory_space<vmem>>
      %dma_start3A_349 = tpu.memref_squeeze %dma_start3A_348 : memref<1x128xi32, #tpu.memory_space<vmem>> -> memref<128xi32, #tpu.memory_space<vmem>>
      %dma_start3A_350 = arith.constant 0 : i32
      %dma_start3A_351 = arith.constant 0 : i32
      %dma_start3A_352 = tpu.memref_slice %arg13[%dma_start3A_350, %dma_start3A_351] : memref<10112x16xf32, #tpu.memory_space<vmem_shared>> -> memref<10112x16xf32, #tpu.memory_space<vmem_shared>>
      %dma_start3A_353 = tpu.memref_slice %arg15[%dma_start3A_342] : memref<8x!tpu.dma_semaphore, #tpu.memory_space<semaphore_mem>> -> memref<1x!tpu.dma_semaphore, #tpu.memory_space<semaphore_mem>>
      %dma_start3A_354 = tpu.memref_squeeze %dma_start3A_353 : memref<1x!tpu.dma_semaphore, #tpu.memory_space<semaphore_mem>> -> memref<!tpu.dma_semaphore, #tpu.memory_space<semaphore_mem>>
      tpu.enqueue_indirect_dma source(%dma_start3A_346 : memref<128x16xf32, #tpu.memory_space<vmem>>) target(%dma_start3A_352 : memref<10112x16xf32, #tpu.memory_space<vmem_shared>>) offsets(%dma_start3A_349 : memref<128xi32, #tpu.memory_space<vmem>>) semaphore(%dma_start3A_354 : memref<!tpu.dma_semaphore, #tpu.memory_space<semaphore_mem>>) {add = true}
      %sub3A = arith.constant 1 : i32
      %sub3A_355 = arith.subi %add3A_322, %sub3A : i32
      %ge3A = arith.constant 0 : i32
      %ge3A_356 = arith.cmpi sge, %sub3A_355, %ge3A : i32
      %add3A_357 = arith.constant 8 : i32
      %add3A_358 = arith.addi %sub3A_355, %add3A_357 : i32
      %lt3A = arith.constant 80 : i32
      %lt3A_359 = arith.cmpi slt, %add3A_358, %lt3A : i32
      %and3A = arith.andi %ge3A_356, %lt3A_359 : i1
      %convert_element_type3A = arith.extui %and3A : i1 to i32
      %cond3A = arith.constant 0 : i32
      %cond3A_360 = arith.cmpi ne, %convert_element_type3A, %cond3A : i32
      scf.if %cond3A_360 {
        %dma_wait3A_683 = arith.constant 7 : i32
        %dma_wait3A_684 = arith.constant 0 : i32
        %dma_wait3A_685 = arith.constant 7 : i32
        %dma_wait3A_686 = arith.constant 0 : i32
        %dma_wait3A_687 = arith.constant 0 : i32
        %dma_wait3A_688 = tpu.memref_slice %arg10[%dma_wait3A_683, %dma_wait3A_686, %dma_wait3A_687] : memref<8x128x16xf32, #tpu.memory_space<vmem>> -> memref<1x128x16xf32, #tpu.memory_space<vmem>>
        %dma_wait3A_689 = tpu.memref_squeeze %dma_wait3A_688 : memref<1x128x16xf32, #tpu.memory_space<vmem>> -> memref<128x16xf32, #tpu.memory_space<vmem>>
        %dma_wait3A_690 = arith.constant 0 : i32
        %dma_wait3A_691 = tpu.memref_slice %arg9[%dma_wait3A_684, %dma_wait3A_690] : memref<80x128xi32, #tpu.memory_space<vmem>> -> memref<1x128xi32, #tpu.memory_space<vmem>>
        %dma_wait3A_692 = tpu.memref_squeeze %dma_wait3A_691 : memref<1x128xi32, #tpu.memory_space<vmem>> -> memref<128xi32, #tpu.memory_space<vmem>>
        %dma_wait3A_693 = arith.constant 0 : i32
        %dma_wait3A_694 = arith.constant 0 : i32
        %dma_wait3A_695 = tpu.memref_slice %arg13[%dma_wait3A_693, %dma_wait3A_694] : memref<10112x16xf32, #tpu.memory_space<vmem_shared>> -> memref<10112x16xf32, #tpu.memory_space<vmem_shared>>
        %dma_wait3A_696 = tpu.memref_slice %arg15[%dma_wait3A_685] : memref<8x!tpu.dma_semaphore, #tpu.memory_space<semaphore_mem>> -> memref<1x!tpu.dma_semaphore, #tpu.memory_space<semaphore_mem>>
        %dma_wait3A_697 = tpu.memref_squeeze %dma_wait3A_696 : memref<1x!tpu.dma_semaphore, #tpu.memory_space<semaphore_mem>> -> memref<!tpu.dma_semaphore, #tpu.memory_space<semaphore_mem>>
        tpu.wait_indirect_dma semaphore(%dma_wait3A_697 : memref<!tpu.dma_semaphore, #tpu.memory_space<semaphore_mem>>) src(%dma_wait3A_689 : memref<128x16xf32, #tpu.memory_space<vmem>>) dst(%dma_wait3A_695 : memref<10112x16xf32, #tpu.memory_space<vmem_shared>>)
        %add3A_698 = arith.constant 8 : i32
        %add3A_699 = arith.addi %sub3A_355, %add3A_698 : i32
        %dma_start3A_700 = arith.constant 7 : i32
        %dma_start3A_701 = arith.constant 7 : i32
        %dma_start3A_702 = arith.constant 0 : i32
        %dma_start3A_703 = arith.constant 0 : i32
        %dma_start3A_704 = tpu.memref_slice %arg10[%dma_start3A_700, %dma_start3A_702, %dma_start3A_703] : memref<8x128x16xf32, #tpu.memory_space<vmem>> -> memref<1x128x16xf32, #tpu.memory_space<vmem>>
        %dma_start3A_705 = tpu.memref_squeeze %dma_start3A_704 : memref<1x128x16xf32, #tpu.memory_space<vmem>> -> memref<128x16xf32, #tpu.memory_space<vmem>>
        %dma_start3A_706 = arith.constant 0 : i32
        %dma_start3A_707 = tpu.memref_slice %arg8[%add3A_699, %dma_start3A_706] : memref<80x128xi32, #tpu.memory_space<vmem>> -> memref<1x128xi32, #tpu.memory_space<vmem>>
        %dma_start3A_708 = tpu.memref_squeeze %dma_start3A_707 : memref<1x128xi32, #tpu.memory_space<vmem>> -> memref<128xi32, #tpu.memory_space<vmem>>
        %dma_start3A_709 = arith.constant 0 : i32
        %dma_start3A_710 = arith.constant 0 : i32
        %dma_start3A_711 = tpu.memref_slice %arg7[%arg0, %dma_start3A_709, %dma_start3A_710] : memref<2x10112x16xf32, #tpu.memory_space<hbm>> -> memref<1x10112x16xf32, #tpu.memory_space<hbm>>
        %dma_start3A_712 = tpu.memref_squeeze %dma_start3A_711 : memref<1x10112x16xf32, #tpu.memory_space<hbm>> -> memref<10112x16xf32, #tpu.memory_space<hbm>>
        %dma_start3A_713 = arith.constant 0 : i32
        %dma_start3A_714 = arith.constant 0 : i32
        %dma_start3A_715 = tpu.memref_slice %dma_start3A_712[%dma_start3A_713, %dma_start3A_714] : memref<10112x16xf32, #tpu.memory_space<hbm>> -> memref<10112x16xf32, #tpu.memory_space<hbm>>
        %dma_start3A_716 = tpu.memref_slice %arg14[%dma_start3A_701] : memref<8x!tpu.dma_semaphore, #tpu.memory_space<semaphore_mem>> -> memref<1x!tpu.dma_semaphore, #tpu.memory_space<semaphore_mem>>
        %dma_start3A_717 = tpu.memref_squeeze %dma_start3A_716 : memref<1x!tpu.dma_semaphore, #tpu.memory_space<semaphore_mem>> -> memref<!tpu.dma_semaphore, #tpu.memory_space<semaphore_mem>>
        tpu.enqueue_indirect_dma source(%dma_start3A_715 : memref<10112x16xf32, #tpu.memory_space<hbm>>) target(%dma_start3A_705 : memref<128x16xf32, #tpu.memory_space<vmem>>) offsets(%dma_start3A_708 : memref<128xi32, #tpu.memory_space<vmem>>) semaphore(%dma_start3A_717 : memref<!tpu.dma_semaphore, #tpu.memory_space<semaphore_mem>>)
      } else {
      }
      %add3A_361 = arith.constant 1 : i32
      %add3A_362 = arith.addi %add3A_320, %add3A_361 : i32
      %dma_wait3A_363 = arith.constant 1 : i32
      %dma_wait3A_364 = arith.constant 1 : i32
      %dma_wait3A_365 = arith.constant 0 : i32
      %dma_wait3A_366 = arith.constant 0 : i32
      %dma_wait3A_367 = tpu.memref_slice %arg10[%dma_wait3A_363, %dma_wait3A_365, %dma_wait3A_366] : memref<8x128x16xf32, #tpu.memory_space<vmem>> -> memref<1x128x16xf32, #tpu.memory_space<vmem>>
      %dma_wait3A_368 = tpu.memref_squeeze %dma_wait3A_367 : memref<1x128x16xf32, #tpu.memory_space<vmem>> -> memref<128x16xf32, #tpu.memory_space<vmem>>
      %dma_wait3A_369 = arith.constant 0 : i32
      %dma_wait3A_370 = tpu.memref_slice %arg8[%add3A_362, %dma_wait3A_369] : memref<80x128xi32, #tpu.memory_space<vmem>> -> memref<1x128xi32, #tpu.memory_space<vmem>>
      %dma_wait3A_371 = tpu.memref_squeeze %dma_wait3A_370 : memref<1x128xi32, #tpu.memory_space<vmem>> -> memref<128xi32, #tpu.memory_space<vmem>>
      %dma_wait3A_372 = arith.constant 0 : i32
      %dma_wait3A_373 = arith.constant 0 : i32
      %dma_wait3A_374 = tpu.memref_slice %arg7[%arg0, %dma_wait3A_372, %dma_wait3A_373] : memref<2x10112x16xf32, #tpu.memory_space<hbm>> -> memref<1x10112x16xf32, #tpu.memory_space<hbm>>
      %dma_wait3A_375 = tpu.memref_squeeze %dma_wait3A_374 : memref<1x10112x16xf32, #tpu.memory_space<hbm>> -> memref<10112x16xf32, #tpu.memory_space<hbm>>
      %dma_wait3A_376 = arith.constant 0 : i32
      %dma_wait3A_377 = arith.constant 0 : i32
      %dma_wait3A_378 = tpu.memref_slice %dma_wait3A_375[%dma_wait3A_376, %dma_wait3A_377] : memref<10112x16xf32, #tpu.memory_space<hbm>> -> memref<10112x16xf32, #tpu.memory_space<hbm>>
      %dma_wait3A_379 = tpu.memref_slice %arg14[%dma_wait3A_364] : memref<8x!tpu.dma_semaphore, #tpu.memory_space<semaphore_mem>> -> memref<1x!tpu.dma_semaphore, #tpu.memory_space<semaphore_mem>>
      %dma_wait3A_380 = tpu.memref_squeeze %dma_wait3A_379 : memref<1x!tpu.dma_semaphore, #tpu.memory_space<semaphore_mem>> -> memref<!tpu.dma_semaphore, #tpu.memory_space<semaphore_mem>>
      tpu.wait_indirect_dma semaphore(%dma_wait3A_380 : memref<!tpu.dma_semaphore, #tpu.memory_space<semaphore_mem>>) src(%dma_wait3A_378 : memref<10112x16xf32, #tpu.memory_space<hbm>>) dst(%dma_wait3A_368 : memref<128x16xf32, #tpu.memory_space<vmem>>)
      %dma_start3A_381 = arith.constant 1 : i32
      %dma_start3A_382 = arith.constant 1 : i32
      %dma_start3A_383 = arith.constant 0 : i32
      %dma_start3A_384 = arith.constant 0 : i32
      %dma_start3A_385 = tpu.memref_slice %arg10[%dma_start3A_381, %dma_start3A_383, %dma_start3A_384] : memref<8x128x16xf32, #tpu.memory_space<vmem>> -> memref<1x128x16xf32, #tpu.memory_space<vmem>>
      %dma_start3A_386 = tpu.memref_squeeze %dma_start3A_385 : memref<1x128x16xf32, #tpu.memory_space<vmem>> -> memref<128x16xf32, #tpu.memory_space<vmem>>
      %dma_start3A_387 = arith.constant 0 : i32
      %dma_start3A_388 = tpu.memref_slice %arg9[%add3A_362, %dma_start3A_387] : memref<80x128xi32, #tpu.memory_space<vmem>> -> memref<1x128xi32, #tpu.memory_space<vmem>>
      %dma_start3A_389 = tpu.memref_squeeze %dma_start3A_388 : memref<1x128xi32, #tpu.memory_space<vmem>> -> memref<128xi32, #tpu.memory_space<vmem>>
      %dma_start3A_390 = arith.constant 0 : i32
      %dma_start3A_391 = arith.constant 0 : i32
      %dma_start3A_392 = tpu.memref_slice %arg13[%dma_start3A_390, %dma_start3A_391] : memref<10112x16xf32, #tpu.memory_space<vmem_shared>> -> memref<10112x16xf32, #tpu.memory_space<vmem_shared>>
      %dma_start3A_393 = tpu.memref_slice %arg15[%dma_start3A_382] : memref<8x!tpu.dma_semaphore, #tpu.memory_space<semaphore_mem>> -> memref<1x!tpu.dma_semaphore, #tpu.memory_space<semaphore_mem>>
      %dma_start3A_394 = tpu.memref_squeeze %dma_start3A_393 : memref<1x!tpu.dma_semaphore, #tpu.memory_space<semaphore_mem>> -> memref<!tpu.dma_semaphore, #tpu.memory_space<semaphore_mem>>
      tpu.enqueue_indirect_dma source(%dma_start3A_386 : memref<128x16xf32, #tpu.memory_space<vmem>>) target(%dma_start3A_392 : memref<10112x16xf32, #tpu.memory_space<vmem_shared>>) offsets(%dma_start3A_389 : memref<128xi32, #tpu.memory_space<vmem>>) semaphore(%dma_start3A_394 : memref<!tpu.dma_semaphore, #tpu.memory_space<semaphore_mem>>) {add = true}
      %sub3A_395 = arith.constant 1 : i32
      %sub3A_396 = arith.subi %add3A_362, %sub3A_395 : i32
      %ge3A_397 = arith.constant 0 : i32
      %ge3A_398 = arith.cmpi sge, %sub3A_396, %ge3A_397 : i32
      %add3A_399 = arith.constant 8 : i32
      %add3A_400 = arith.addi %sub3A_396, %add3A_399 : i32
      %lt3A_401 = arith.constant 80 : i32
      %lt3A_402 = arith.cmpi slt, %add3A_400, %lt3A_401 : i32
      %and3A_403 = arith.andi %ge3A_398, %lt3A_402 : i1
      %convert_element_type3A_404 = arith.extui %and3A_403 : i1 to i32
      %cond3A_405 = arith.constant 0 : i32
      %cond3A_406 = arith.cmpi ne, %convert_element_type3A_404, %cond3A_405 : i32
      scf.if %cond3A_406 {
        %dma_wait3A_683 = arith.constant 0 : i32
        %dma_wait3A_684 = arith.constant 0 : i32
        %dma_wait3A_685 = arith.constant 0 : i32
        %dma_wait3A_686 = arith.constant 0 : i32
        %dma_wait3A_687 = arith.constant 0 : i32
        %dma_wait3A_688 = tpu.memref_slice %arg10[%dma_wait3A_683, %dma_wait3A_686, %dma_wait3A_687] : memref<8x128x16xf32, #tpu.memory_space<vmem>> -> memref<1x128x16xf32, #tpu.memory_space<vmem>>
        %dma_wait3A_689 = tpu.memref_squeeze %dma_wait3A_688 : memref<1x128x16xf32, #tpu.memory_space<vmem>> -> memref<128x16xf32, #tpu.memory_space<vmem>>
        %dma_wait3A_690 = arith.constant 0 : i32
        %dma_wait3A_691 = tpu.memref_slice %arg9[%dma_wait3A_684, %dma_wait3A_690] : memref<80x128xi32, #tpu.memory_space<vmem>> -> memref<1x128xi32, #tpu.memory_space<vmem>>
        %dma_wait3A_692 = tpu.memref_squeeze %dma_wait3A_691 : memref<1x128xi32, #tpu.memory_space<vmem>> -> memref<128xi32, #tpu.memory_space<vmem>>
        %dma_wait3A_693 = arith.constant 0 : i32
        %dma_wait3A_694 = arith.constant 0 : i32
        %dma_wait3A_695 = tpu.memref_slice %arg13[%dma_wait3A_693, %dma_wait3A_694] : memref<10112x16xf32, #tpu.memory_space<vmem_shared>> -> memref<10112x16xf32, #tpu.memory_space<vmem_shared>>
        %dma_wait3A_696 = tpu.memref_slice %arg15[%dma_wait3A_685] : memref<8x!tpu.dma_semaphore, #tpu.memory_space<semaphore_mem>> -> memref<1x!tpu.dma_semaphore, #tpu.memory_space<semaphore_mem>>
        %dma_wait3A_697 = tpu.memref_squeeze %dma_wait3A_696 : memref<1x!tpu.dma_semaphore, #tpu.memory_space<semaphore_mem>> -> memref<!tpu.dma_semaphore, #tpu.memory_space<semaphore_mem>>
        tpu.wait_indirect_dma semaphore(%dma_wait3A_697 : memref<!tpu.dma_semaphore, #tpu.memory_space<semaphore_mem>>) src(%dma_wait3A_689 : memref<128x16xf32, #tpu.memory_space<vmem>>) dst(%dma_wait3A_695 : memref<10112x16xf32, #tpu.memory_space<vmem_shared>>)
        %add3A_698 = arith.constant 8 : i32
        %add3A_699 = arith.addi %sub3A_396, %add3A_698 : i32
        %dma_start3A_700 = arith.constant 0 : i32
        %dma_start3A_701 = arith.constant 0 : i32
        %dma_start3A_702 = arith.constant 0 : i32
        %dma_start3A_703 = arith.constant 0 : i32
        %dma_start3A_704 = tpu.memref_slice %arg10[%dma_start3A_700, %dma_start3A_702, %dma_start3A_703] : memref<8x128x16xf32, #tpu.memory_space<vmem>> -> memref<1x128x16xf32, #tpu.memory_space<vmem>>
        %dma_start3A_705 = tpu.memref_squeeze %dma_start3A_704 : memref<1x128x16xf32, #tpu.memory_space<vmem>> -> memref<128x16xf32, #tpu.memory_space<vmem>>
        %dma_start3A_706 = arith.constant 0 : i32
        %dma_start3A_707 = tpu.memref_slice %arg8[%add3A_699, %dma_start3A_706] : memref<80x128xi32, #tpu.memory_space<vmem>> -> memref<1x128xi32, #tpu.memory_space<vmem>>
        %dma_start3A_708 = tpu.memref_squeeze %dma_start3A_707 : memref<1x128xi32, #tpu.memory_space<vmem>> -> memref<128xi32, #tpu.memory_space<vmem>>
        %dma_start3A_709 = arith.constant 0 : i32
        %dma_start3A_710 = arith.constant 0 : i32
        %dma_start3A_711 = tpu.memref_slice %arg7[%arg0, %dma_start3A_709, %dma_start3A_710] : memref<2x10112x16xf32, #tpu.memory_space<hbm>> -> memref<1x10112x16xf32, #tpu.memory_space<hbm>>
        %dma_start3A_712 = tpu.memref_squeeze %dma_start3A_711 : memref<1x10112x16xf32, #tpu.memory_space<hbm>> -> memref<10112x16xf32, #tpu.memory_space<hbm>>
        %dma_start3A_713 = arith.constant 0 : i32
        %dma_start3A_714 = arith.constant 0 : i32
        %dma_start3A_715 = tpu.memref_slice %dma_start3A_712[%dma_start3A_713, %dma_start3A_714] : memref<10112x16xf32, #tpu.memory_space<hbm>> -> memref<10112x16xf32, #tpu.memory_space<hbm>>
        %dma_start3A_716 = tpu.memref_slice %arg14[%dma_start3A_701] : memref<8x!tpu.dma_semaphore, #tpu.memory_space<semaphore_mem>> -> memref<1x!tpu.dma_semaphore, #tpu.memory_space<semaphore_mem>>
        %dma_start3A_717 = tpu.memref_squeeze %dma_start3A_716 : memref<1x!tpu.dma_semaphore, #tpu.memory_space<semaphore_mem>> -> memref<!tpu.dma_semaphore, #tpu.memory_space<semaphore_mem>>
        tpu.enqueue_indirect_dma source(%dma_start3A_715 : memref<10112x16xf32, #tpu.memory_space<hbm>>) target(%dma_start3A_705 : memref<128x16xf32, #tpu.memory_space<vmem>>) offsets(%dma_start3A_708 : memref<128xi32, #tpu.memory_space<vmem>>) semaphore(%dma_start3A_717 : memref<!tpu.dma_semaphore, #tpu.memory_space<semaphore_mem>>)
      } else {
      }
      %add3A_407 = arith.constant 2 : i32
      %add3A_408 = arith.addi %add3A_320, %add3A_407 : i32
      %dma_wait3A_409 = arith.constant 2 : i32
      %dma_wait3A_410 = arith.constant 2 : i32
      %dma_wait3A_411 = arith.constant 0 : i32
      %dma_wait3A_412 = arith.constant 0 : i32
      %dma_wait3A_413 = tpu.memref_slice %arg10[%dma_wait3A_409, %dma_wait3A_411, %dma_wait3A_412] : memref<8x128x16xf32, #tpu.memory_space<vmem>> -> memref<1x128x16xf32, #tpu.memory_space<vmem>>
      %dma_wait3A_414 = tpu.memref_squeeze %dma_wait3A_413 : memref<1x128x16xf32, #tpu.memory_space<vmem>> -> memref<128x16xf32, #tpu.memory_space<vmem>>
      %dma_wait3A_415 = arith.constant 0 : i32
      %dma_wait3A_416 = tpu.memref_slice %arg8[%add3A_408, %dma_wait3A_415] : memref<80x128xi32, #tpu.memory_space<vmem>> -> memref<1x128xi32, #tpu.memory_space<vmem>>
      %dma_wait3A_417 = tpu.memref_squeeze %dma_wait3A_416 : memref<1x128xi32, #tpu.memory_space<vmem>> -> memref<128xi32, #tpu.memory_space<vmem>>
      %dma_wait3A_418 = arith.constant 0 : i32
      %dma_wait3A_419 = arith.constant 0 : i32
      %dma_wait3A_420 = tpu.memref_slice %arg7[%arg0, %dma_wait3A_418, %dma_wait3A_419] : memref<2x10112x16xf32, #tpu.memory_space<hbm>> -> memref<1x10112x16xf32, #tpu.memory_space<hbm>>
      %dma_wait3A_421 = tpu.memref_squeeze %dma_wait3A_420 : memref<1x10112x16xf32, #tpu.memory_space<hbm>> -> memref<10112x16xf32, #tpu.memory_space<hbm>>
      %dma_wait3A_422 = arith.constant 0 : i32
      %dma_wait3A_423 = arith.constant 0 : i32
      %dma_wait3A_424 = tpu.memref_slice %dma_wait3A_421[%dma_wait3A_422, %dma_wait3A_423] : memref<10112x16xf32, #tpu.memory_space<hbm>> -> memref<10112x16xf32, #tpu.memory_space<hbm>>
      %dma_wait3A_425 = tpu.memref_slice %arg14[%dma_wait3A_410] : memref<8x!tpu.dma_semaphore, #tpu.memory_space<semaphore_mem>> -> memref<1x!tpu.dma_semaphore, #tpu.memory_space<semaphore_mem>>
      %dma_wait3A_426 = tpu.memref_squeeze %dma_wait3A_425 : memref<1x!tpu.dma_semaphore, #tpu.memory_space<semaphore_mem>> -> memref<!tpu.dma_semaphore, #tpu.memory_space<semaphore_mem>>
      tpu.wait_indirect_dma semaphore(%dma_wait3A_426 : memref<!tpu.dma_semaphore, #tpu.memory_space<semaphore_mem>>) src(%dma_wait3A_424 : memref<10112x16xf32, #tpu.memory_space<hbm>>) dst(%dma_wait3A_414 : memref<128x16xf32, #tpu.memory_space<vmem>>)
      %dma_start3A_427 = arith.constant 2 : i32
      %dma_start3A_428 = arith.constant 2 : i32
      %dma_start3A_429 = arith.constant 0 : i32
      %dma_start3A_430 = arith.constant 0 : i32
      %dma_start3A_431 = tpu.memref_slice %arg10[%dma_start3A_427, %dma_start3A_429, %dma_start3A_430] : memref<8x128x16xf32, #tpu.memory_space<vmem>> -> memref<1x128x16xf32, #tpu.memory_space<vmem>>
      %dma_start3A_432 = tpu.memref_squeeze %dma_start3A_431 : memref<1x128x16xf32, #tpu.memory_space<vmem>> -> memref<128x16xf32, #tpu.memory_space<vmem>>
      %dma_start3A_433 = arith.constant 0 : i32
      %dma_start3A_434 = tpu.memref_slice %arg9[%add3A_408, %dma_start3A_433] : memref<80x128xi32, #tpu.memory_space<vmem>> -> memref<1x128xi32, #tpu.memory_space<vmem>>
      %dma_start3A_435 = tpu.memref_squeeze %dma_start3A_434 : memref<1x128xi32, #tpu.memory_space<vmem>> -> memref<128xi32, #tpu.memory_space<vmem>>
      %dma_start3A_436 = arith.constant 0 : i32
      %dma_start3A_437 = arith.constant 0 : i32
      %dma_start3A_438 = tpu.memref_slice %arg13[%dma_start3A_436, %dma_start3A_437] : memref<10112x16xf32, #tpu.memory_space<vmem_shared>> -> memref<10112x16xf32, #tpu.memory_space<vmem_shared>>
      %dma_start3A_439 = tpu.memref_slice %arg15[%dma_start3A_428] : memref<8x!tpu.dma_semaphore, #tpu.memory_space<semaphore_mem>> -> memref<1x!tpu.dma_semaphore, #tpu.memory_space<semaphore_mem>>
      %dma_start3A_440 = tpu.memref_squeeze %dma_start3A_439 : memref<1x!tpu.dma_semaphore, #tpu.memory_space<semaphore_mem>> -> memref<!tpu.dma_semaphore, #tpu.memory_space<semaphore_mem>>
      tpu.enqueue_indirect_dma source(%dma_start3A_432 : memref<128x16xf32, #tpu.memory_space<vmem>>) target(%dma_start3A_438 : memref<10112x16xf32, #tpu.memory_space<vmem_shared>>) offsets(%dma_start3A_435 : memref<128xi32, #tpu.memory_space<vmem>>) semaphore(%dma_start3A_440 : memref<!tpu.dma_semaphore, #tpu.memory_space<semaphore_mem>>) {add = true}
      %sub3A_441 = arith.constant 1 : i32
      %sub3A_442 = arith.subi %add3A_408, %sub3A_441 : i32
      %ge3A_443 = arith.constant 0 : i32
      %ge3A_444 = arith.cmpi sge, %sub3A_442, %ge3A_443 : i32
      %add3A_445 = arith.constant 8 : i32
      %add3A_446 = arith.addi %sub3A_442, %add3A_445 : i32
      %lt3A_447 = arith.constant 80 : i32
      %lt3A_448 = arith.cmpi slt, %add3A_446, %lt3A_447 : i32
      %and3A_449 = arith.andi %ge3A_444, %lt3A_448 : i1
      %convert_element_type3A_450 = arith.extui %and3A_449 : i1 to i32
      %cond3A_451 = arith.constant 0 : i32
      %cond3A_452 = arith.cmpi ne, %convert_element_type3A_450, %cond3A_451 : i32
      scf.if %cond3A_452 {
        %dma_wait3A_683 = arith.constant 1 : i32
        %dma_wait3A_684 = arith.constant 0 : i32
        %dma_wait3A_685 = arith.constant 1 : i32
        %dma_wait3A_686 = arith.constant 0 : i32
        %dma_wait3A_687 = arith.constant 0 : i32
        %dma_wait3A_688 = tpu.memref_slice %arg10[%dma_wait3A_683, %dma_wait3A_686, %dma_wait3A_687] : memref<8x128x16xf32, #tpu.memory_space<vmem>> -> memref<1x128x16xf32, #tpu.memory_space<vmem>>
        %dma_wait3A_689 = tpu.memref_squeeze %dma_wait3A_688 : memref<1x128x16xf32, #tpu.memory_space<vmem>> -> memref<128x16xf32, #tpu.memory_space<vmem>>
        %dma_wait3A_690 = arith.constant 0 : i32
        %dma_wait3A_691 = tpu.memref_slice %arg9[%dma_wait3A_684, %dma_wait3A_690] : memref<80x128xi32, #tpu.memory_space<vmem>> -> memref<1x128xi32, #tpu.memory_space<vmem>>
        %dma_wait3A_692 = tpu.memref_squeeze %dma_wait3A_691 : memref<1x128xi32, #tpu.memory_space<vmem>> -> memref<128xi32, #tpu.memory_space<vmem>>
        %dma_wait3A_693 = arith.constant 0 : i32
        %dma_wait3A_694 = arith.constant 0 : i32
        %dma_wait3A_695 = tpu.memref_slice %arg13[%dma_wait3A_693, %dma_wait3A_694] : memref<10112x16xf32, #tpu.memory_space<vmem_shared>> -> memref<10112x16xf32, #tpu.memory_space<vmem_shared>>
        %dma_wait3A_696 = tpu.memref_slice %arg15[%dma_wait3A_685] : memref<8x!tpu.dma_semaphore, #tpu.memory_space<semaphore_mem>> -> memref<1x!tpu.dma_semaphore, #tpu.memory_space<semaphore_mem>>
        %dma_wait3A_697 = tpu.memref_squeeze %dma_wait3A_696 : memref<1x!tpu.dma_semaphore, #tpu.memory_space<semaphore_mem>> -> memref<!tpu.dma_semaphore, #tpu.memory_space<semaphore_mem>>
        tpu.wait_indirect_dma semaphore(%dma_wait3A_697 : memref<!tpu.dma_semaphore, #tpu.memory_space<semaphore_mem>>) src(%dma_wait3A_689 : memref<128x16xf32, #tpu.memory_space<vmem>>) dst(%dma_wait3A_695 : memref<10112x16xf32, #tpu.memory_space<vmem_shared>>)
        %add3A_698 = arith.constant 8 : i32
        %add3A_699 = arith.addi %sub3A_442, %add3A_698 : i32
        %dma_start3A_700 = arith.constant 1 : i32
        %dma_start3A_701 = arith.constant 1 : i32
        %dma_start3A_702 = arith.constant 0 : i32
        %dma_start3A_703 = arith.constant 0 : i32
        %dma_start3A_704 = tpu.memref_slice %arg10[%dma_start3A_700, %dma_start3A_702, %dma_start3A_703] : memref<8x128x16xf32, #tpu.memory_space<vmem>> -> memref<1x128x16xf32, #tpu.memory_space<vmem>>
        %dma_start3A_705 = tpu.memref_squeeze %dma_start3A_704 : memref<1x128x16xf32, #tpu.memory_space<vmem>> -> memref<128x16xf32, #tpu.memory_space<vmem>>
        %dma_start3A_706 = arith.constant 0 : i32
        %dma_start3A_707 = tpu.memref_slice %arg8[%add3A_699, %dma_start3A_706] : memref<80x128xi32, #tpu.memory_space<vmem>> -> memref<1x128xi32, #tpu.memory_space<vmem>>
        %dma_start3A_708 = tpu.memref_squeeze %dma_start3A_707 : memref<1x128xi32, #tpu.memory_space<vmem>> -> memref<128xi32, #tpu.memory_space<vmem>>
        %dma_start3A_709 = arith.constant 0 : i32
        %dma_start3A_710 = arith.constant 0 : i32
        %dma_start3A_711 = tpu.memref_slice %arg7[%arg0, %dma_start3A_709, %dma_start3A_710] : memref<2x10112x16xf32, #tpu.memory_space<hbm>> -> memref<1x10112x16xf32, #tpu.memory_space<hbm>>
        %dma_start3A_712 = tpu.memref_squeeze %dma_start3A_711 : memref<1x10112x16xf32, #tpu.memory_space<hbm>> -> memref<10112x16xf32, #tpu.memory_space<hbm>>
        %dma_start3A_713 = arith.constant 0 : i32
        %dma_start3A_714 = arith.constant 0 : i32
        %dma_start3A_715 = tpu.memref_slice %dma_start3A_712[%dma_start3A_713, %dma_start3A_714] : memref<10112x16xf32, #tpu.memory_space<hbm>> -> memref<10112x16xf32, #tpu.memory_space<hbm>>
        %dma_start3A_716 = tpu.memref_slice %arg14[%dma_start3A_701] : memref<8x!tpu.dma_semaphore, #tpu.memory_space<semaphore_mem>> -> memref<1x!tpu.dma_semaphore, #tpu.memory_space<semaphore_mem>>
        %dma_start3A_717 = tpu.memref_squeeze %dma_start3A_716 : memref<1x!tpu.dma_semaphore, #tpu.memory_space<semaphore_mem>> -> memref<!tpu.dma_semaphore, #tpu.memory_space<semaphore_mem>>
        tpu.enqueue_indirect_dma source(%dma_start3A_715 : memref<10112x16xf32, #tpu.memory_space<hbm>>) target(%dma_start3A_705 : memref<128x16xf32, #tpu.memory_space<vmem>>) offsets(%dma_start3A_708 : memref<128xi32, #tpu.memory_space<vmem>>) semaphore(%dma_start3A_717 : memref<!tpu.dma_semaphore, #tpu.memory_space<semaphore_mem>>)
      } else {
      }
      %add3A_453 = arith.constant 3 : i32
      %add3A_454 = arith.addi %add3A_320, %add3A_453 : i32
      %dma_wait3A_455 = arith.constant 3 : i32
      %dma_wait3A_456 = arith.constant 3 : i32
      %dma_wait3A_457 = arith.constant 0 : i32
      %dma_wait3A_458 = arith.constant 0 : i32
      %dma_wait3A_459 = tpu.memref_slice %arg10[%dma_wait3A_455, %dma_wait3A_457, %dma_wait3A_458] : memref<8x128x16xf32, #tpu.memory_space<vmem>> -> memref<1x128x16xf32, #tpu.memory_space<vmem>>
      %dma_wait3A_460 = tpu.memref_squeeze %dma_wait3A_459 : memref<1x128x16xf32, #tpu.memory_space<vmem>> -> memref<128x16xf32, #tpu.memory_space<vmem>>
      %dma_wait3A_461 = arith.constant 0 : i32
      %dma_wait3A_462 = tpu.memref_slice %arg8[%add3A_454, %dma_wait3A_461] : memref<80x128xi32, #tpu.memory_space<vmem>> -> memref<1x128xi32, #tpu.memory_space<vmem>>
      %dma_wait3A_463 = tpu.memref_squeeze %dma_wait3A_462 : memref<1x128xi32, #tpu.memory_space<vmem>> -> memref<128xi32, #tpu.memory_space<vmem>>
      %dma_wait3A_464 = arith.constant 0 : i32
      %dma_wait3A_465 = arith.constant 0 : i32
      %dma_wait3A_466 = tpu.memref_slice %arg7[%arg0, %dma_wait3A_464, %dma_wait3A_465] : memref<2x10112x16xf32, #tpu.memory_space<hbm>> -> memref<1x10112x16xf32, #tpu.memory_space<hbm>>
      %dma_wait3A_467 = tpu.memref_squeeze %dma_wait3A_466 : memref<1x10112x16xf32, #tpu.memory_space<hbm>> -> memref<10112x16xf32, #tpu.memory_space<hbm>>
      %dma_wait3A_468 = arith.constant 0 : i32
      %dma_wait3A_469 = arith.constant 0 : i32
      %dma_wait3A_470 = tpu.memref_slice %dma_wait3A_467[%dma_wait3A_468, %dma_wait3A_469] : memref<10112x16xf32, #tpu.memory_space<hbm>> -> memref<10112x16xf32, #tpu.memory_space<hbm>>
      %dma_wait3A_471 = tpu.memref_slice %arg14[%dma_wait3A_456] : memref<8x!tpu.dma_semaphore, #tpu.memory_space<semaphore_mem>> -> memref<1x!tpu.dma_semaphore, #tpu.memory_space<semaphore_mem>>
      %dma_wait3A_472 = tpu.memref_squeeze %dma_wait3A_471 : memref<1x!tpu.dma_semaphore, #tpu.memory_space<semaphore_mem>> -> memref<!tpu.dma_semaphore, #tpu.memory_space<semaphore_mem>>
      tpu.wait_indirect_dma semaphore(%dma_wait3A_472 : memref<!tpu.dma_semaphore, #tpu.memory_space<semaphore_mem>>) src(%dma_wait3A_470 : memref<10112x16xf32, #tpu.memory_space<hbm>>) dst(%dma_wait3A_460 : memref<128x16xf32, #tpu.memory_space<vmem>>)
      %dma_start3A_473 = arith.constant 3 : i32
      %dma_start3A_474 = arith.constant 3 : i32
      %dma_start3A_475 = arith.constant 0 : i32
      %dma_start3A_476 = arith.constant 0 : i32
      %dma_start3A_477 = tpu.memref_slice %arg10[%dma_start3A_473, %dma_start3A_475, %dma_start3A_476] : memref<8x128x16xf32, #tpu.memory_space<vmem>> -> memref<1x128x16xf32, #tpu.memory_space<vmem>>
      %dma_start3A_478 = tpu.memref_squeeze %dma_start3A_477 : memref<1x128x16xf32, #tpu.memory_space<vmem>> -> memref<128x16xf32, #tpu.memory_space<vmem>>
      %dma_start3A_479 = arith.constant 0 : i32
      %dma_start3A_480 = tpu.memref_slice %arg9[%add3A_454, %dma_start3A_479] : memref<80x128xi32, #tpu.memory_space<vmem>> -> memref<1x128xi32, #tpu.memory_space<vmem>>
      %dma_start3A_481 = tpu.memref_squeeze %dma_start3A_480 : memref<1x128xi32, #tpu.memory_space<vmem>> -> memref<128xi32, #tpu.memory_space<vmem>>
      %dma_start3A_482 = arith.constant 0 : i32
      %dma_start3A_483 = arith.constant 0 : i32
      %dma_start3A_484 = tpu.memref_slice %arg13[%dma_start3A_482, %dma_start3A_483] : memref<10112x16xf32, #tpu.memory_space<vmem_shared>> -> memref<10112x16xf32, #tpu.memory_space<vmem_shared>>
      %dma_start3A_485 = tpu.memref_slice %arg15[%dma_start3A_474] : memref<8x!tpu.dma_semaphore, #tpu.memory_space<semaphore_mem>> -> memref<1x!tpu.dma_semaphore, #tpu.memory_space<semaphore_mem>>
      %dma_start3A_486 = tpu.memref_squeeze %dma_start3A_485 : memref<1x!tpu.dma_semaphore, #tpu.memory_space<semaphore_mem>> -> memref<!tpu.dma_semaphore, #tpu.memory_space<semaphore_mem>>
      tpu.enqueue_indirect_dma source(%dma_start3A_478 : memref<128x16xf32, #tpu.memory_space<vmem>>) target(%dma_start3A_484 : memref<10112x16xf32, #tpu.memory_space<vmem_shared>>) offsets(%dma_start3A_481 : memref<128xi32, #tpu.memory_space<vmem>>) semaphore(%dma_start3A_486 : memref<!tpu.dma_semaphore, #tpu.memory_space<semaphore_mem>>) {add = true}
      %sub3A_487 = arith.constant 1 : i32
      %sub3A_488 = arith.subi %add3A_454, %sub3A_487 : i32
      %ge3A_489 = arith.constant 0 : i32
      %ge3A_490 = arith.cmpi sge, %sub3A_488, %ge3A_489 : i32
      %add3A_491 = arith.constant 8 : i32
      %add3A_492 = arith.addi %sub3A_488, %add3A_491 : i32
      %lt3A_493 = arith.constant 80 : i32
      %lt3A_494 = arith.cmpi slt, %add3A_492, %lt3A_493 : i32
      %and3A_495 = arith.andi %ge3A_490, %lt3A_494 : i1
      %convert_element_type3A_496 = arith.extui %and3A_495 : i1 to i32
      %cond3A_497 = arith.constant 0 : i32
      %cond3A_498 = arith.cmpi ne, %convert_element_type3A_496, %cond3A_497 : i32
      scf.if %cond3A_498 {
        %dma_wait3A_683 = arith.constant 2 : i32
        %dma_wait3A_684 = arith.constant 0 : i32
        %dma_wait3A_685 = arith.constant 2 : i32
        %dma_wait3A_686 = arith.constant 0 : i32
        %dma_wait3A_687 = arith.constant 0 : i32
        %dma_wait3A_688 = tpu.memref_slice %arg10[%dma_wait3A_683, %dma_wait3A_686, %dma_wait3A_687] : memref<8x128x16xf32, #tpu.memory_space<vmem>> -> memref<1x128x16xf32, #tpu.memory_space<vmem>>
        %dma_wait3A_689 = tpu.memref_squeeze %dma_wait3A_688 : memref<1x128x16xf32, #tpu.memory_space<vmem>> -> memref<128x16xf32, #tpu.memory_space<vmem>>
        %dma_wait3A_690 = arith.constant 0 : i32
        %dma_wait3A_691 = tpu.memref_slice %arg9[%dma_wait3A_684, %dma_wait3A_690] : memref<80x128xi32, #tpu.memory_space<vmem>> -> memref<1x128xi32, #tpu.memory_space<vmem>>
        %dma_wait3A_692 = tpu.memref_squeeze %dma_wait3A_691 : memref<1x128xi32, #tpu.memory_space<vmem>> -> memref<128xi32, #tpu.memory_space<vmem>>
        %dma_wait3A_693 = arith.constant 0 : i32
        %dma_wait3A_694 = arith.constant 0 : i32
        %dma_wait3A_695 = tpu.memref_slice %arg13[%dma_wait3A_693, %dma_wait3A_694] : memref<10112x16xf32, #tpu.memory_space<vmem_shared>> -> memref<10112x16xf32, #tpu.memory_space<vmem_shared>>
        %dma_wait3A_696 = tpu.memref_slice %arg15[%dma_wait3A_685] : memref<8x!tpu.dma_semaphore, #tpu.memory_space<semaphore_mem>> -> memref<1x!tpu.dma_semaphore, #tpu.memory_space<semaphore_mem>>
        %dma_wait3A_697 = tpu.memref_squeeze %dma_wait3A_696 : memref<1x!tpu.dma_semaphore, #tpu.memory_space<semaphore_mem>> -> memref<!tpu.dma_semaphore, #tpu.memory_space<semaphore_mem>>
        tpu.wait_indirect_dma semaphore(%dma_wait3A_697 : memref<!tpu.dma_semaphore, #tpu.memory_space<semaphore_mem>>) src(%dma_wait3A_689 : memref<128x16xf32, #tpu.memory_space<vmem>>) dst(%dma_wait3A_695 : memref<10112x16xf32, #tpu.memory_space<vmem_shared>>)
        %add3A_698 = arith.constant 8 : i32
        %add3A_699 = arith.addi %sub3A_488, %add3A_698 : i32
        %dma_start3A_700 = arith.constant 2 : i32
        %dma_start3A_701 = arith.constant 2 : i32
        %dma_start3A_702 = arith.constant 0 : i32
        %dma_start3A_703 = arith.constant 0 : i32
        %dma_start3A_704 = tpu.memref_slice %arg10[%dma_start3A_700, %dma_start3A_702, %dma_start3A_703] : memref<8x128x16xf32, #tpu.memory_space<vmem>> -> memref<1x128x16xf32, #tpu.memory_space<vmem>>
        %dma_start3A_705 = tpu.memref_squeeze %dma_start3A_704 : memref<1x128x16xf32, #tpu.memory_space<vmem>> -> memref<128x16xf32, #tpu.memory_space<vmem>>
        %dma_start3A_706 = arith.constant 0 : i32
        %dma_start3A_707 = tpu.memref_slice %arg8[%add3A_699, %dma_start3A_706] : memref<80x128xi32, #tpu.memory_space<vmem>> -> memref<1x128xi32, #tpu.memory_space<vmem>>
        %dma_start3A_708 = tpu.memref_squeeze %dma_start3A_707 : memref<1x128xi32, #tpu.memory_space<vmem>> -> memref<128xi32, #tpu.memory_space<vmem>>
        %dma_start3A_709 = arith.constant 0 : i32
        %dma_start3A_710 = arith.constant 0 : i32
        %dma_start3A_711 = tpu.memref_slice %arg7[%arg0, %dma_start3A_709, %dma_start3A_710] : memref<2x10112x16xf32, #tpu.memory_space<hbm>> -> memref<1x10112x16xf32, #tpu.memory_space<hbm>>
        %dma_start3A_712 = tpu.memref_squeeze %dma_start3A_711 : memref<1x10112x16xf32, #tpu.memory_space<hbm>> -> memref<10112x16xf32, #tpu.memory_space<hbm>>
        %dma_start3A_713 = arith.constant 0 : i32
        %dma_start3A_714 = arith.constant 0 : i32
        %dma_start3A_715 = tpu.memref_slice %dma_start3A_712[%dma_start3A_713, %dma_start3A_714] : memref<10112x16xf32, #tpu.memory_space<hbm>> -> memref<10112x16xf32, #tpu.memory_space<hbm>>
        %dma_start3A_716 = tpu.memref_slice %arg14[%dma_start3A_701] : memref<8x!tpu.dma_semaphore, #tpu.memory_space<semaphore_mem>> -> memref<1x!tpu.dma_semaphore, #tpu.memory_space<semaphore_mem>>
        %dma_start3A_717 = tpu.memref_squeeze %dma_start3A_716 : memref<1x!tpu.dma_semaphore, #tpu.memory_space<semaphore_mem>> -> memref<!tpu.dma_semaphore, #tpu.memory_space<semaphore_mem>>
        tpu.enqueue_indirect_dma source(%dma_start3A_715 : memref<10112x16xf32, #tpu.memory_space<hbm>>) target(%dma_start3A_705 : memref<128x16xf32, #tpu.memory_space<vmem>>) offsets(%dma_start3A_708 : memref<128xi32, #tpu.memory_space<vmem>>) semaphore(%dma_start3A_717 : memref<!tpu.dma_semaphore, #tpu.memory_space<semaphore_mem>>)
      } else {
      }
      %add3A_499 = arith.constant 4 : i32
      %add3A_500 = arith.addi %add3A_320, %add3A_499 : i32
      %dma_wait3A_501 = arith.constant 4 : i32
      %dma_wait3A_502 = arith.constant 4 : i32
      %dma_wait3A_503 = arith.constant 0 : i32
      %dma_wait3A_504 = arith.constant 0 : i32
      %dma_wait3A_505 = tpu.memref_slice %arg10[%dma_wait3A_501, %dma_wait3A_503, %dma_wait3A_504] : memref<8x128x16xf32, #tpu.memory_space<vmem>> -> memref<1x128x16xf32, #tpu.memory_space<vmem>>
      %dma_wait3A_506 = tpu.memref_squeeze %dma_wait3A_505 : memref<1x128x16xf32, #tpu.memory_space<vmem>> -> memref<128x16xf32, #tpu.memory_space<vmem>>
      %dma_wait3A_507 = arith.constant 0 : i32
      %dma_wait3A_508 = tpu.memref_slice %arg8[%add3A_500, %dma_wait3A_507] : memref<80x128xi32, #tpu.memory_space<vmem>> -> memref<1x128xi32, #tpu.memory_space<vmem>>
      %dma_wait3A_509 = tpu.memref_squeeze %dma_wait3A_508 : memref<1x128xi32, #tpu.memory_space<vmem>> -> memref<128xi32, #tpu.memory_space<vmem>>
      %dma_wait3A_510 = arith.constant 0 : i32
      %dma_wait3A_511 = arith.constant 0 : i32
      %dma_wait3A_512 = tpu.memref_slice %arg7[%arg0, %dma_wait3A_510, %dma_wait3A_511] : memref<2x10112x16xf32, #tpu.memory_space<hbm>> -> memref<1x10112x16xf32, #tpu.memory_space<hbm>>
      %dma_wait3A_513 = tpu.memref_squeeze %dma_wait3A_512 : memref<1x10112x16xf32, #tpu.memory_space<hbm>> -> memref<10112x16xf32, #tpu.memory_space<hbm>>
      %dma_wait3A_514 = arith.constant 0 : i32
      %dma_wait3A_515 = arith.constant 0 : i32
      %dma_wait3A_516 = tpu.memref_slice %dma_wait3A_513[%dma_wait3A_514, %dma_wait3A_515] : memref<10112x16xf32, #tpu.memory_space<hbm>> -> memref<10112x16xf32, #tpu.memory_space<hbm>>
      %dma_wait3A_517 = tpu.memref_slice %arg14[%dma_wait3A_502] : memref<8x!tpu.dma_semaphore, #tpu.memory_space<semaphore_mem>> -> memref<1x!tpu.dma_semaphore, #tpu.memory_space<semaphore_mem>>
      %dma_wait3A_518 = tpu.memref_squeeze %dma_wait3A_517 : memref<1x!tpu.dma_semaphore, #tpu.memory_space<semaphore_mem>> -> memref<!tpu.dma_semaphore, #tpu.memory_space<semaphore_mem>>
      tpu.wait_indirect_dma semaphore(%dma_wait3A_518 : memref<!tpu.dma_semaphore, #tpu.memory_space<semaphore_mem>>) src(%dma_wait3A_516 : memref<10112x16xf32, #tpu.memory_space<hbm>>) dst(%dma_wait3A_506 : memref<128x16xf32, #tpu.memory_space<vmem>>)
      %dma_start3A_519 = arith.constant 4 : i32
      %dma_start3A_520 = arith.constant 4 : i32
      %dma_start3A_521 = arith.constant 0 : i32
      %dma_start3A_522 = arith.constant 0 : i32
      %dma_start3A_523 = tpu.memref_slice %arg10[%dma_start3A_519, %dma_start3A_521, %dma_start3A_522] : memref<8x128x16xf32, #tpu.memory_space<vmem>> -> memref<1x128x16xf32, #tpu.memory_space<vmem>>
      %dma_start3A_524 = tpu.memref_squeeze %dma_start3A_523 : memref<1x128x16xf32, #tpu.memory_space<vmem>> -> memref<128x16xf32, #tpu.memory_space<vmem>>
      %dma_start3A_525 = arith.constant 0 : i32
      %dma_start3A_526 = tpu.memref_slice %arg9[%add3A_500, %dma_start3A_525] : memref<80x128xi32, #tpu.memory_space<vmem>> -> memref<1x128xi32, #tpu.memory_space<vmem>>
      %dma_start3A_527 = tpu.memref_squeeze %dma_start3A_526 : memref<1x128xi32, #tpu.memory_space<vmem>> -> memref<128xi32, #tpu.memory_space<vmem>>
      %dma_start3A_528 = arith.constant 0 : i32
      %dma_start3A_529 = arith.constant 0 : i32
      %dma_start3A_530 = tpu.memref_slice %arg13[%dma_start3A_528, %dma_start3A_529] : memref<10112x16xf32, #tpu.memory_space<vmem_shared>> -> memref<10112x16xf32, #tpu.memory_space<vmem_shared>>
      %dma_start3A_531 = tpu.memref_slice %arg15[%dma_start3A_520] : memref<8x!tpu.dma_semaphore, #tpu.memory_space<semaphore_mem>> -> memref<1x!tpu.dma_semaphore, #tpu.memory_space<semaphore_mem>>
      %dma_start3A_532 = tpu.memref_squeeze %dma_start3A_531 : memref<1x!tpu.dma_semaphore, #tpu.memory_space<semaphore_mem>> -> memref<!tpu.dma_semaphore, #tpu.memory_space<semaphore_mem>>
      tpu.enqueue_indirect_dma source(%dma_start3A_524 : memref<128x16xf32, #tpu.memory_space<vmem>>) target(%dma_start3A_530 : memref<10112x16xf32, #tpu.memory_space<vmem_shared>>) offsets(%dma_start3A_527 : memref<128xi32, #tpu.memory_space<vmem>>) semaphore(%dma_start3A_532 : memref<!tpu.dma_semaphore, #tpu.memory_space<semaphore_mem>>) {add = true}
      %sub3A_533 = arith.constant 1 : i32
      %sub3A_534 = arith.subi %add3A_500, %sub3A_533 : i32
      %ge3A_535 = arith.constant 0 : i32
      %ge3A_536 = arith.cmpi sge, %sub3A_534, %ge3A_535 : i32
      %add3A_537 = arith.constant 8 : i32
      %add3A_538 = arith.addi %sub3A_534, %add3A_537 : i32
      %lt3A_539 = arith.constant 80 : i32
      %lt3A_540 = arith.cmpi slt, %add3A_538, %lt3A_539 : i32
      %and3A_541 = arith.andi %ge3A_536, %lt3A_540 : i1
      %convert_element_type3A_542 = arith.extui %and3A_541 : i1 to i32
      %cond3A_543 = arith.constant 0 : i32
      %cond3A_544 = arith.cmpi ne, %convert_element_type3A_542, %cond3A_543 : i32
      scf.if %cond3A_544 {
        %dma_wait3A_683 = arith.constant 3 : i32
        %dma_wait3A_684 = arith.constant 0 : i32
        %dma_wait3A_685 = arith.constant 3 : i32
        %dma_wait3A_686 = arith.constant 0 : i32
        %dma_wait3A_687 = arith.constant 0 : i32
        %dma_wait3A_688 = tpu.memref_slice %arg10[%dma_wait3A_683, %dma_wait3A_686, %dma_wait3A_687] : memref<8x128x16xf32, #tpu.memory_space<vmem>> -> memref<1x128x16xf32, #tpu.memory_space<vmem>>
        %dma_wait3A_689 = tpu.memref_squeeze %dma_wait3A_688 : memref<1x128x16xf32, #tpu.memory_space<vmem>> -> memref<128x16xf32, #tpu.memory_space<vmem>>
        %dma_wait3A_690 = arith.constant 0 : i32
        %dma_wait3A_691 = tpu.memref_slice %arg9[%dma_wait3A_684, %dma_wait3A_690] : memref<80x128xi32, #tpu.memory_space<vmem>> -> memref<1x128xi32, #tpu.memory_space<vmem>>
        %dma_wait3A_692 = tpu.memref_squeeze %dma_wait3A_691 : memref<1x128xi32, #tpu.memory_space<vmem>> -> memref<128xi32, #tpu.memory_space<vmem>>
        %dma_wait3A_693 = arith.constant 0 : i32
        %dma_wait3A_694 = arith.constant 0 : i32
        %dma_wait3A_695 = tpu.memref_slice %arg13[%dma_wait3A_693, %dma_wait3A_694] : memref<10112x16xf32, #tpu.memory_space<vmem_shared>> -> memref<10112x16xf32, #tpu.memory_space<vmem_shared>>
        %dma_wait3A_696 = tpu.memref_slice %arg15[%dma_wait3A_685] : memref<8x!tpu.dma_semaphore, #tpu.memory_space<semaphore_mem>> -> memref<1x!tpu.dma_semaphore, #tpu.memory_space<semaphore_mem>>
        %dma_wait3A_697 = tpu.memref_squeeze %dma_wait3A_696 : memref<1x!tpu.dma_semaphore, #tpu.memory_space<semaphore_mem>> -> memref<!tpu.dma_semaphore, #tpu.memory_space<semaphore_mem>>
        tpu.wait_indirect_dma semaphore(%dma_wait3A_697 : memref<!tpu.dma_semaphore, #tpu.memory_space<semaphore_mem>>) src(%dma_wait3A_689 : memref<128x16xf32, #tpu.memory_space<vmem>>) dst(%dma_wait3A_695 : memref<10112x16xf32, #tpu.memory_space<vmem_shared>>)
        %add3A_698 = arith.constant 8 : i32
        %add3A_699 = arith.addi %sub3A_534, %add3A_698 : i32
        %dma_start3A_700 = arith.constant 3 : i32
        %dma_start3A_701 = arith.constant 3 : i32
        %dma_start3A_702 = arith.constant 0 : i32
        %dma_start3A_703 = arith.constant 0 : i32
        %dma_start3A_704 = tpu.memref_slice %arg10[%dma_start3A_700, %dma_start3A_702, %dma_start3A_703] : memref<8x128x16xf32, #tpu.memory_space<vmem>> -> memref<1x128x16xf32, #tpu.memory_space<vmem>>
        %dma_start3A_705 = tpu.memref_squeeze %dma_start3A_704 : memref<1x128x16xf32, #tpu.memory_space<vmem>> -> memref<128x16xf32, #tpu.memory_space<vmem>>
        %dma_start3A_706 = arith.constant 0 : i32
        %dma_start3A_707 = tpu.memref_slice %arg8[%add3A_699, %dma_start3A_706] : memref<80x128xi32, #tpu.memory_space<vmem>> -> memref<1x128xi32, #tpu.memory_space<vmem>>
        %dma_start3A_708 = tpu.memref_squeeze %dma_start3A_707 : memref<1x128xi32, #tpu.memory_space<vmem>> -> memref<128xi32, #tpu.memory_space<vmem>>
        %dma_start3A_709 = arith.constant 0 : i32
        %dma_start3A_710 = arith.constant 0 : i32
        %dma_start3A_711 = tpu.memref_slice %arg7[%arg0, %dma_start3A_709, %dma_start3A_710] : memref<2x10112x16xf32, #tpu.memory_space<hbm>> -> memref<1x10112x16xf32, #tpu.memory_space<hbm>>
        %dma_start3A_712 = tpu.memref_squeeze %dma_start3A_711 : memref<1x10112x16xf32, #tpu.memory_space<hbm>> -> memref<10112x16xf32, #tpu.memory_space<hbm>>
        %dma_start3A_713 = arith.constant 0 : i32
        %dma_start3A_714 = arith.constant 0 : i32
        %dma_start3A_715 = tpu.memref_slice %dma_start3A_712[%dma_start3A_713, %dma_start3A_714] : memref<10112x16xf32, #tpu.memory_space<hbm>> -> memref<10112x16xf32, #tpu.memory_space<hbm>>
        %dma_start3A_716 = tpu.memref_slice %arg14[%dma_start3A_701] : memref<8x!tpu.dma_semaphore, #tpu.memory_space<semaphore_mem>> -> memref<1x!tpu.dma_semaphore, #tpu.memory_space<semaphore_mem>>
        %dma_start3A_717 = tpu.memref_squeeze %dma_start3A_716 : memref<1x!tpu.dma_semaphore, #tpu.memory_space<semaphore_mem>> -> memref<!tpu.dma_semaphore, #tpu.memory_space<semaphore_mem>>
        tpu.enqueue_indirect_dma source(%dma_start3A_715 : memref<10112x16xf32, #tpu.memory_space<hbm>>) target(%dma_start3A_705 : memref<128x16xf32, #tpu.memory_space<vmem>>) offsets(%dma_start3A_708 : memref<128xi32, #tpu.memory_space<vmem>>) semaphore(%dma_start3A_717 : memref<!tpu.dma_semaphore, #tpu.memory_space<semaphore_mem>>)
      } else {
      }
      %add3A_545 = arith.constant 5 : i32
      %add3A_546 = arith.addi %add3A_320, %add3A_545 : i32
      %dma_wait3A_547 = arith.constant 5 : i32
      %dma_wait3A_548 = arith.constant 5 : i32
      %dma_wait3A_549 = arith.constant 0 : i32
      %dma_wait3A_550 = arith.constant 0 : i32
      %dma_wait3A_551 = tpu.memref_slice %arg10[%dma_wait3A_547, %dma_wait3A_549, %dma_wait3A_550] : memref<8x128x16xf32, #tpu.memory_space<vmem>> -> memref<1x128x16xf32, #tpu.memory_space<vmem>>
      %dma_wait3A_552 = tpu.memref_squeeze %dma_wait3A_551 : memref<1x128x16xf32, #tpu.memory_space<vmem>> -> memref<128x16xf32, #tpu.memory_space<vmem>>
      %dma_wait3A_553 = arith.constant 0 : i32
      %dma_wait3A_554 = tpu.memref_slice %arg8[%add3A_546, %dma_wait3A_553] : memref<80x128xi32, #tpu.memory_space<vmem>> -> memref<1x128xi32, #tpu.memory_space<vmem>>
      %dma_wait3A_555 = tpu.memref_squeeze %dma_wait3A_554 : memref<1x128xi32, #tpu.memory_space<vmem>> -> memref<128xi32, #tpu.memory_space<vmem>>
      %dma_wait3A_556 = arith.constant 0 : i32
      %dma_wait3A_557 = arith.constant 0 : i32
      %dma_wait3A_558 = tpu.memref_slice %arg7[%arg0, %dma_wait3A_556, %dma_wait3A_557] : memref<2x10112x16xf32, #tpu.memory_space<hbm>> -> memref<1x10112x16xf32, #tpu.memory_space<hbm>>
      %dma_wait3A_559 = tpu.memref_squeeze %dma_wait3A_558 : memref<1x10112x16xf32, #tpu.memory_space<hbm>> -> memref<10112x16xf32, #tpu.memory_space<hbm>>
      %dma_wait3A_560 = arith.constant 0 : i32
      %dma_wait3A_561 = arith.constant 0 : i32
      %dma_wait3A_562 = tpu.memref_slice %dma_wait3A_559[%dma_wait3A_560, %dma_wait3A_561] : memref<10112x16xf32, #tpu.memory_space<hbm>> -> memref<10112x16xf32, #tpu.memory_space<hbm>>
      %dma_wait3A_563 = tpu.memref_slice %arg14[%dma_wait3A_548] : memref<8x!tpu.dma_semaphore, #tpu.memory_space<semaphore_mem>> -> memref<1x!tpu.dma_semaphore, #tpu.memory_space<semaphore_mem>>
      %dma_wait3A_564 = tpu.memref_squeeze %dma_wait3A_563 : memref<1x!tpu.dma_semaphore, #tpu.memory_space<semaphore_mem>> -> memref<!tpu.dma_semaphore, #tpu.memory_space<semaphore_mem>>
      tpu.wait_indirect_dma semaphore(%dma_wait3A_564 : memref<!tpu.dma_semaphore, #tpu.memory_space<semaphore_mem>>) src(%dma_wait3A_562 : memref<10112x16xf32, #tpu.memory_space<hbm>>) dst(%dma_wait3A_552 : memref<128x16xf32, #tpu.memory_space<vmem>>)
      %dma_start3A_565 = arith.constant 5 : i32
      %dma_start3A_566 = arith.constant 5 : i32
      %dma_start3A_567 = arith.constant 0 : i32
      %dma_start3A_568 = arith.constant 0 : i32
      %dma_start3A_569 = tpu.memref_slice %arg10[%dma_start3A_565, %dma_start3A_567, %dma_start3A_568] : memref<8x128x16xf32, #tpu.memory_space<vmem>> -> memref<1x128x16xf32, #tpu.memory_space<vmem>>
      %dma_start3A_570 = tpu.memref_squeeze %dma_start3A_569 : memref<1x128x16xf32, #tpu.memory_space<vmem>> -> memref<128x16xf32, #tpu.memory_space<vmem>>
      %dma_start3A_571 = arith.constant 0 : i32
      %dma_start3A_572 = tpu.memref_slice %arg9[%add3A_546, %dma_start3A_571] : memref<80x128xi32, #tpu.memory_space<vmem>> -> memref<1x128xi32, #tpu.memory_space<vmem>>
      %dma_start3A_573 = tpu.memref_squeeze %dma_start3A_572 : memref<1x128xi32, #tpu.memory_space<vmem>> -> memref<128xi32, #tpu.memory_space<vmem>>
      %dma_start3A_574 = arith.constant 0 : i32
      %dma_start3A_575 = arith.constant 0 : i32
      %dma_start3A_576 = tpu.memref_slice %arg13[%dma_start3A_574, %dma_start3A_575] : memref<10112x16xf32, #tpu.memory_space<vmem_shared>> -> memref<10112x16xf32, #tpu.memory_space<vmem_shared>>
      %dma_start3A_577 = tpu.memref_slice %arg15[%dma_start3A_566] : memref<8x!tpu.dma_semaphore, #tpu.memory_space<semaphore_mem>> -> memref<1x!tpu.dma_semaphore, #tpu.memory_space<semaphore_mem>>
      %dma_start3A_578 = tpu.memref_squeeze %dma_start3A_577 : memref<1x!tpu.dma_semaphore, #tpu.memory_space<semaphore_mem>> -> memref<!tpu.dma_semaphore, #tpu.memory_space<semaphore_mem>>
      tpu.enqueue_indirect_dma source(%dma_start3A_570 : memref<128x16xf32, #tpu.memory_space<vmem>>) target(%dma_start3A_576 : memref<10112x16xf32, #tpu.memory_space<vmem_shared>>) offsets(%dma_start3A_573 : memref<128xi32, #tpu.memory_space<vmem>>) semaphore(%dma_start3A_578 : memref<!tpu.dma_semaphore, #tpu.memory_space<semaphore_mem>>) {add = true}
      %sub3A_579 = arith.constant 1 : i32
      %sub3A_580 = arith.subi %add3A_546, %sub3A_579 : i32
      %ge3A_581 = arith.constant 0 : i32
      %ge3A_582 = arith.cmpi sge, %sub3A_580, %ge3A_581 : i32
      %add3A_583 = arith.constant 8 : i32
      %add3A_584 = arith.addi %sub3A_580, %add3A_583 : i32
      %lt3A_585 = arith.constant 80 : i32
      %lt3A_586 = arith.cmpi slt, %add3A_584, %lt3A_585 : i32
      %and3A_587 = arith.andi %ge3A_582, %lt3A_586 : i1
      %convert_element_type3A_588 = arith.extui %and3A_587 : i1 to i32
      %cond3A_589 = arith.constant 0 : i32
      %cond3A_590 = arith.cmpi ne, %convert_element_type3A_588, %cond3A_589 : i32
      scf.if %cond3A_590 {
        %dma_wait3A_683 = arith.constant 4 : i32
        %dma_wait3A_684 = arith.constant 0 : i32
        %dma_wait3A_685 = arith.constant 4 : i32
        %dma_wait3A_686 = arith.constant 0 : i32
        %dma_wait3A_687 = arith.constant 0 : i32
        %dma_wait3A_688 = tpu.memref_slice %arg10[%dma_wait3A_683, %dma_wait3A_686, %dma_wait3A_687] : memref<8x128x16xf32, #tpu.memory_space<vmem>> -> memref<1x128x16xf32, #tpu.memory_space<vmem>>
        %dma_wait3A_689 = tpu.memref_squeeze %dma_wait3A_688 : memref<1x128x16xf32, #tpu.memory_space<vmem>> -> memref<128x16xf32, #tpu.memory_space<vmem>>
        %dma_wait3A_690 = arith.constant 0 : i32
        %dma_wait3A_691 = tpu.memref_slice %arg9[%dma_wait3A_684, %dma_wait3A_690] : memref<80x128xi32, #tpu.memory_space<vmem>> -> memref<1x128xi32, #tpu.memory_space<vmem>>
        %dma_wait3A_692 = tpu.memref_squeeze %dma_wait3A_691 : memref<1x128xi32, #tpu.memory_space<vmem>> -> memref<128xi32, #tpu.memory_space<vmem>>
        %dma_wait3A_693 = arith.constant 0 : i32
        %dma_wait3A_694 = arith.constant 0 : i32
        %dma_wait3A_695 = tpu.memref_slice %arg13[%dma_wait3A_693, %dma_wait3A_694] : memref<10112x16xf32, #tpu.memory_space<vmem_shared>> -> memref<10112x16xf32, #tpu.memory_space<vmem_shared>>
        %dma_wait3A_696 = tpu.memref_slice %arg15[%dma_wait3A_685] : memref<8x!tpu.dma_semaphore, #tpu.memory_space<semaphore_mem>> -> memref<1x!tpu.dma_semaphore, #tpu.memory_space<semaphore_mem>>
        %dma_wait3A_697 = tpu.memref_squeeze %dma_wait3A_696 : memref<1x!tpu.dma_semaphore, #tpu.memory_space<semaphore_mem>> -> memref<!tpu.dma_semaphore, #tpu.memory_space<semaphore_mem>>
        tpu.wait_indirect_dma semaphore(%dma_wait3A_697 : memref<!tpu.dma_semaphore, #tpu.memory_space<semaphore_mem>>) src(%dma_wait3A_689 : memref<128x16xf32, #tpu.memory_space<vmem>>) dst(%dma_wait3A_695 : memref<10112x16xf32, #tpu.memory_space<vmem_shared>>)
        %add3A_698 = arith.constant 8 : i32
        %add3A_699 = arith.addi %sub3A_580, %add3A_698 : i32
        %dma_start3A_700 = arith.constant 4 : i32
        %dma_start3A_701 = arith.constant 4 : i32
        %dma_start3A_702 = arith.constant 0 : i32
        %dma_start3A_703 = arith.constant 0 : i32
        %dma_start3A_704 = tpu.memref_slice %arg10[%dma_start3A_700, %dma_start3A_702, %dma_start3A_703] : memref<8x128x16xf32, #tpu.memory_space<vmem>> -> memref<1x128x16xf32, #tpu.memory_space<vmem>>
        %dma_start3A_705 = tpu.memref_squeeze %dma_start3A_704 : memref<1x128x16xf32, #tpu.memory_space<vmem>> -> memref<128x16xf32, #tpu.memory_space<vmem>>
        %dma_start3A_706 = arith.constant 0 : i32
        %dma_start3A_707 = tpu.memref_slice %arg8[%add3A_699, %dma_start3A_706] : memref<80x128xi32, #tpu.memory_space<vmem>> -> memref<1x128xi32, #tpu.memory_space<vmem>>
        %dma_start3A_708 = tpu.memref_squeeze %dma_start3A_707 : memref<1x128xi32, #tpu.memory_space<vmem>> -> memref<128xi32, #tpu.memory_space<vmem>>
        %dma_start3A_709 = arith.constant 0 : i32
        %dma_start3A_710 = arith.constant 0 : i32
        %dma_start3A_711 = tpu.memref_slice %arg7[%arg0, %dma_start3A_709, %dma_start3A_710] : memref<2x10112x16xf32, #tpu.memory_space<hbm>> -> memref<1x10112x16xf32, #tpu.memory_space<hbm>>
        %dma_start3A_712 = tpu.memref_squeeze %dma_start3A_711 : memref<1x10112x16xf32, #tpu.memory_space<hbm>> -> memref<10112x16xf32, #tpu.memory_space<hbm>>
        %dma_start3A_713 = arith.constant 0 : i32
        %dma_start3A_714 = arith.constant 0 : i32
        %dma_start3A_715 = tpu.memref_slice %dma_start3A_712[%dma_start3A_713, %dma_start3A_714] : memref<10112x16xf32, #tpu.memory_space<hbm>> -> memref<10112x16xf32, #tpu.memory_space<hbm>>
        %dma_start3A_716 = tpu.memref_slice %arg14[%dma_start3A_701] : memref<8x!tpu.dma_semaphore, #tpu.memory_space<semaphore_mem>> -> memref<1x!tpu.dma_semaphore, #tpu.memory_space<semaphore_mem>>
        %dma_start3A_717 = tpu.memref_squeeze %dma_start3A_716 : memref<1x!tpu.dma_semaphore, #tpu.memory_space<semaphore_mem>> -> memref<!tpu.dma_semaphore, #tpu.memory_space<semaphore_mem>>
        tpu.enqueue_indirect_dma source(%dma_start3A_715 : memref<10112x16xf32, #tpu.memory_space<hbm>>) target(%dma_start3A_705 : memref<128x16xf32, #tpu.memory_space<vmem>>) offsets(%dma_start3A_708 : memref<128xi32, #tpu.memory_space<vmem>>) semaphore(%dma_start3A_717 : memref<!tpu.dma_semaphore, #tpu.memory_space<semaphore_mem>>)
      } else {
      }
      %add3A_591 = arith.constant 6 : i32
      %add3A_592 = arith.addi %add3A_320, %add3A_591 : i32
      %dma_wait3A_593 = arith.constant 6 : i32
      %dma_wait3A_594 = arith.constant 6 : i32
      %dma_wait3A_595 = arith.constant 0 : i32
      %dma_wait3A_596 = arith.constant 0 : i32
      %dma_wait3A_597 = tpu.memref_slice %arg10[%dma_wait3A_593, %dma_wait3A_595, %dma_wait3A_596] : memref<8x128x16xf32, #tpu.memory_space<vmem>> -> memref<1x128x16xf32, #tpu.memory_space<vmem>>
      %dma_wait3A_598 = tpu.memref_squeeze %dma_wait3A_597 : memref<1x128x16xf32, #tpu.memory_space<vmem>> -> memref<128x16xf32, #tpu.memory_space<vmem>>
      %dma_wait3A_599 = arith.constant 0 : i32
      %dma_wait3A_600 = tpu.memref_slice %arg8[%add3A_592, %dma_wait3A_599] : memref<80x128xi32, #tpu.memory_space<vmem>> -> memref<1x128xi32, #tpu.memory_space<vmem>>
      %dma_wait3A_601 = tpu.memref_squeeze %dma_wait3A_600 : memref<1x128xi32, #tpu.memory_space<vmem>> -> memref<128xi32, #tpu.memory_space<vmem>>
      %dma_wait3A_602 = arith.constant 0 : i32
      %dma_wait3A_603 = arith.constant 0 : i32
      %dma_wait3A_604 = tpu.memref_slice %arg7[%arg0, %dma_wait3A_602, %dma_wait3A_603] : memref<2x10112x16xf32, #tpu.memory_space<hbm>> -> memref<1x10112x16xf32, #tpu.memory_space<hbm>>
      %dma_wait3A_605 = tpu.memref_squeeze %dma_wait3A_604 : memref<1x10112x16xf32, #tpu.memory_space<hbm>> -> memref<10112x16xf32, #tpu.memory_space<hbm>>
      %dma_wait3A_606 = arith.constant 0 : i32
      %dma_wait3A_607 = arith.constant 0 : i32
      %dma_wait3A_608 = tpu.memref_slice %dma_wait3A_605[%dma_wait3A_606, %dma_wait3A_607] : memref<10112x16xf32, #tpu.memory_space<hbm>> -> memref<10112x16xf32, #tpu.memory_space<hbm>>
      %dma_wait3A_609 = tpu.memref_slice %arg14[%dma_wait3A_594] : memref<8x!tpu.dma_semaphore, #tpu.memory_space<semaphore_mem>> -> memref<1x!tpu.dma_semaphore, #tpu.memory_space<semaphore_mem>>
      %dma_wait3A_610 = tpu.memref_squeeze %dma_wait3A_609 : memref<1x!tpu.dma_semaphore, #tpu.memory_space<semaphore_mem>> -> memref<!tpu.dma_semaphore, #tpu.memory_space<semaphore_mem>>
      tpu.wait_indirect_dma semaphore(%dma_wait3A_610 : memref<!tpu.dma_semaphore, #tpu.memory_space<semaphore_mem>>) src(%dma_wait3A_608 : memref<10112x16xf32, #tpu.memory_space<hbm>>) dst(%dma_wait3A_598 : memref<128x16xf32, #tpu.memory_space<vmem>>)
      %dma_start3A_611 = arith.constant 6 : i32
      %dma_start3A_612 = arith.constant 6 : i32
      %dma_start3A_613 = arith.constant 0 : i32
      %dma_start3A_614 = arith.constant 0 : i32
      %dma_start3A_615 = tpu.memref_slice %arg10[%dma_start3A_611, %dma_start3A_613, %dma_start3A_614] : memref<8x128x16xf32, #tpu.memory_space<vmem>> -> memref<1x128x16xf32, #tpu.memory_space<vmem>>
      %dma_start3A_616 = tpu.memref_squeeze %dma_start3A_615 : memref<1x128x16xf32, #tpu.memory_space<vmem>> -> memref<128x16xf32, #tpu.memory_space<vmem>>
      %dma_start3A_617 = arith.constant 0 : i32
      %dma_start3A_618 = tpu.memref_slice %arg9[%add3A_592, %dma_start3A_617] : memref<80x128xi32, #tpu.memory_space<vmem>> -> memref<1x128xi32, #tpu.memory_space<vmem>>
      %dma_start3A_619 = tpu.memref_squeeze %dma_start3A_618 : memref<1x128xi32, #tpu.memory_space<vmem>> -> memref<128xi32, #tpu.memory_space<vmem>>
      %dma_start3A_620 = arith.constant 0 : i32
      %dma_start3A_621 = arith.constant 0 : i32
      %dma_start3A_622 = tpu.memref_slice %arg13[%dma_start3A_620, %dma_start3A_621] : memref<10112x16xf32, #tpu.memory_space<vmem_shared>> -> memref<10112x16xf32, #tpu.memory_space<vmem_shared>>
      %dma_start3A_623 = tpu.memref_slice %arg15[%dma_start3A_612] : memref<8x!tpu.dma_semaphore, #tpu.memory_space<semaphore_mem>> -> memref<1x!tpu.dma_semaphore, #tpu.memory_space<semaphore_mem>>
      %dma_start3A_624 = tpu.memref_squeeze %dma_start3A_623 : memref<1x!tpu.dma_semaphore, #tpu.memory_space<semaphore_mem>> -> memref<!tpu.dma_semaphore, #tpu.memory_space<semaphore_mem>>
      tpu.enqueue_indirect_dma source(%dma_start3A_616 : memref<128x16xf32, #tpu.memory_space<vmem>>) target(%dma_start3A_622 : memref<10112x16xf32, #tpu.memory_space<vmem_shared>>) offsets(%dma_start3A_619 : memref<128xi32, #tpu.memory_space<vmem>>) semaphore(%dma_start3A_624 : memref<!tpu.dma_semaphore, #tpu.memory_space<semaphore_mem>>) {add = true}
      %sub3A_625 = arith.constant 1 : i32
      %sub3A_626 = arith.subi %add3A_592, %sub3A_625 : i32
      %ge3A_627 = arith.constant 0 : i32
      %ge3A_628 = arith.cmpi sge, %sub3A_626, %ge3A_627 : i32
      %add3A_629 = arith.constant 8 : i32
      %add3A_630 = arith.addi %sub3A_626, %add3A_629 : i32
      %lt3A_631 = arith.constant 80 : i32
      %lt3A_632 = arith.cmpi slt, %add3A_630, %lt3A_631 : i32
      %and3A_633 = arith.andi %ge3A_628, %lt3A_632 : i1
      %convert_element_type3A_634 = arith.extui %and3A_633 : i1 to i32
      %cond3A_635 = arith.constant 0 : i32
      %cond3A_636 = arith.cmpi ne, %convert_element_type3A_634, %cond3A_635 : i32
      scf.if %cond3A_636 {
        %dma_wait3A_683 = arith.constant 5 : i32
        %dma_wait3A_684 = arith.constant 0 : i32
        %dma_wait3A_685 = arith.constant 5 : i32
        %dma_wait3A_686 = arith.constant 0 : i32
        %dma_wait3A_687 = arith.constant 0 : i32
        %dma_wait3A_688 = tpu.memref_slice %arg10[%dma_wait3A_683, %dma_wait3A_686, %dma_wait3A_687] : memref<8x128x16xf32, #tpu.memory_space<vmem>> -> memref<1x128x16xf32, #tpu.memory_space<vmem>>
        %dma_wait3A_689 = tpu.memref_squeeze %dma_wait3A_688 : memref<1x128x16xf32, #tpu.memory_space<vmem>> -> memref<128x16xf32, #tpu.memory_space<vmem>>
        %dma_wait3A_690 = arith.constant 0 : i32
        %dma_wait3A_691 = tpu.memref_slice %arg9[%dma_wait3A_684, %dma_wait3A_690] : memref<80x128xi32, #tpu.memory_space<vmem>> -> memref<1x128xi32, #tpu.memory_space<vmem>>
        %dma_wait3A_692 = tpu.memref_squeeze %dma_wait3A_691 : memref<1x128xi32, #tpu.memory_space<vmem>> -> memref<128xi32, #tpu.memory_space<vmem>>
        %dma_wait3A_693 = arith.constant 0 : i32
        %dma_wait3A_694 = arith.constant 0 : i32
        %dma_wait3A_695 = tpu.memref_slice %arg13[%dma_wait3A_693, %dma_wait3A_694] : memref<10112x16xf32, #tpu.memory_space<vmem_shared>> -> memref<10112x16xf32, #tpu.memory_space<vmem_shared>>
        %dma_wait3A_696 = tpu.memref_slice %arg15[%dma_wait3A_685] : memref<8x!tpu.dma_semaphore, #tpu.memory_space<semaphore_mem>> -> memref<1x!tpu.dma_semaphore, #tpu.memory_space<semaphore_mem>>
        %dma_wait3A_697 = tpu.memref_squeeze %dma_wait3A_696 : memref<1x!tpu.dma_semaphore, #tpu.memory_space<semaphore_mem>> -> memref<!tpu.dma_semaphore, #tpu.memory_space<semaphore_mem>>
        tpu.wait_indirect_dma semaphore(%dma_wait3A_697 : memref<!tpu.dma_semaphore, #tpu.memory_space<semaphore_mem>>) src(%dma_wait3A_689 : memref<128x16xf32, #tpu.memory_space<vmem>>) dst(%dma_wait3A_695 : memref<10112x16xf32, #tpu.memory_space<vmem_shared>>)
        %add3A_698 = arith.constant 8 : i32
        %add3A_699 = arith.addi %sub3A_626, %add3A_698 : i32
        %dma_start3A_700 = arith.constant 5 : i32
        %dma_start3A_701 = arith.constant 5 : i32
        %dma_start3A_702 = arith.constant 0 : i32
        %dma_start3A_703 = arith.constant 0 : i32
        %dma_start3A_704 = tpu.memref_slice %arg10[%dma_start3A_700, %dma_start3A_702, %dma_start3A_703] : memref<8x128x16xf32, #tpu.memory_space<vmem>> -> memref<1x128x16xf32, #tpu.memory_space<vmem>>
        %dma_start3A_705 = tpu.memref_squeeze %dma_start3A_704 : memref<1x128x16xf32, #tpu.memory_space<vmem>> -> memref<128x16xf32, #tpu.memory_space<vmem>>
        %dma_start3A_706 = arith.constant 0 : i32
        %dma_start3A_707 = tpu.memref_slice %arg8[%add3A_699, %dma_start3A_706] : memref<80x128xi32, #tpu.memory_space<vmem>> -> memref<1x128xi32, #tpu.memory_space<vmem>>
        %dma_start3A_708 = tpu.memref_squeeze %dma_start3A_707 : memref<1x128xi32, #tpu.memory_space<vmem>> -> memref<128xi32, #tpu.memory_space<vmem>>
        %dma_start3A_709 = arith.constant 0 : i32
        %dma_start3A_710 = arith.constant 0 : i32
        %dma_start3A_711 = tpu.memref_slice %arg7[%arg0, %dma_start3A_709, %dma_start3A_710] : memref<2x10112x16xf32, #tpu.memory_space<hbm>> -> memref<1x10112x16xf32, #tpu.memory_space<hbm>>
        %dma_start3A_712 = tpu.memref_squeeze %dma_start3A_711 : memref<1x10112x16xf32, #tpu.memory_space<hbm>> -> memref<10112x16xf32, #tpu.memory_space<hbm>>
        %dma_start3A_713 = arith.constant 0 : i32
        %dma_start3A_714 = arith.constant 0 : i32
        %dma_start3A_715 = tpu.memref_slice %dma_start3A_712[%dma_start3A_713, %dma_start3A_714] : memref<10112x16xf32, #tpu.memory_space<hbm>> -> memref<10112x16xf32, #tpu.memory_space<hbm>>
        %dma_start3A_716 = tpu.memref_slice %arg14[%dma_start3A_701] : memref<8x!tpu.dma_semaphore, #tpu.memory_space<semaphore_mem>> -> memref<1x!tpu.dma_semaphore, #tpu.memory_space<semaphore_mem>>
        %dma_start3A_717 = tpu.memref_squeeze %dma_start3A_716 : memref<1x!tpu.dma_semaphore, #tpu.memory_space<semaphore_mem>> -> memref<!tpu.dma_semaphore, #tpu.memory_space<semaphore_mem>>
        tpu.enqueue_indirect_dma source(%dma_start3A_715 : memref<10112x16xf32, #tpu.memory_space<hbm>>) target(%dma_start3A_705 : memref<128x16xf32, #tpu.memory_space<vmem>>) offsets(%dma_start3A_708 : memref<128xi32, #tpu.memory_space<vmem>>) semaphore(%dma_start3A_717 : memref<!tpu.dma_semaphore, #tpu.memory_space<semaphore_mem>>)
      } else {
      }
      %add3A_637 = arith.constant 7 : i32
      %add3A_638 = arith.addi %add3A_320, %add3A_637 : i32
      %dma_wait3A_639 = arith.constant 7 : i32
      %dma_wait3A_640 = arith.constant 7 : i32
      %dma_wait3A_641 = arith.constant 0 : i32
      %dma_wait3A_642 = arith.constant 0 : i32
      %dma_wait3A_643 = tpu.memref_slice %arg10[%dma_wait3A_639, %dma_wait3A_641, %dma_wait3A_642] : memref<8x128x16xf32, #tpu.memory_space<vmem>> -> memref<1x128x16xf32, #tpu.memory_space<vmem>>
      %dma_wait3A_644 = tpu.memref_squeeze %dma_wait3A_643 : memref<1x128x16xf32, #tpu.memory_space<vmem>> -> memref<128x16xf32, #tpu.memory_space<vmem>>
      %dma_wait3A_645 = arith.constant 0 : i32
      %dma_wait3A_646 = tpu.memref_slice %arg8[%add3A_638, %dma_wait3A_645] : memref<80x128xi32, #tpu.memory_space<vmem>> -> memref<1x128xi32, #tpu.memory_space<vmem>>
      %dma_wait3A_647 = tpu.memref_squeeze %dma_wait3A_646 : memref<1x128xi32, #tpu.memory_space<vmem>> -> memref<128xi32, #tpu.memory_space<vmem>>
      %dma_wait3A_648 = arith.constant 0 : i32
      %dma_wait3A_649 = arith.constant 0 : i32
      %dma_wait3A_650 = tpu.memref_slice %arg7[%arg0, %dma_wait3A_648, %dma_wait3A_649] : memref<2x10112x16xf32, #tpu.memory_space<hbm>> -> memref<1x10112x16xf32, #tpu.memory_space<hbm>>
      %dma_wait3A_651 = tpu.memref_squeeze %dma_wait3A_650 : memref<1x10112x16xf32, #tpu.memory_space<hbm>> -> memref<10112x16xf32, #tpu.memory_space<hbm>>
      %dma_wait3A_652 = arith.constant 0 : i32
      %dma_wait3A_653 = arith.constant 0 : i32
      %dma_wait3A_654 = tpu.memref_slice %dma_wait3A_651[%dma_wait3A_652, %dma_wait3A_653] : memref<10112x16xf32, #tpu.memory_space<hbm>> -> memref<10112x16xf32, #tpu.memory_space<hbm>>
      %dma_wait3A_655 = tpu.memref_slice %arg14[%dma_wait3A_640] : memref<8x!tpu.dma_semaphore, #tpu.memory_space<semaphore_mem>> -> memref<1x!tpu.dma_semaphore, #tpu.memory_space<semaphore_mem>>
      %dma_wait3A_656 = tpu.memref_squeeze %dma_wait3A_655 : memref<1x!tpu.dma_semaphore, #tpu.memory_space<semaphore_mem>> -> memref<!tpu.dma_semaphore, #tpu.memory_space<semaphore_mem>>
      tpu.wait_indirect_dma semaphore(%dma_wait3A_656 : memref<!tpu.dma_semaphore, #tpu.memory_space<semaphore_mem>>) src(%dma_wait3A_654 : memref<10112x16xf32, #tpu.memory_space<hbm>>) dst(%dma_wait3A_644 : memref<128x16xf32, #tpu.memory_space<vmem>>)
      %dma_start3A_657 = arith.constant 7 : i32
      %dma_start3A_658 = arith.constant 7 : i32
      %dma_start3A_659 = arith.constant 0 : i32
      %dma_start3A_660 = arith.constant 0 : i32
      %dma_start3A_661 = tpu.memref_slice %arg10[%dma_start3A_657, %dma_start3A_659, %dma_start3A_660] : memref<8x128x16xf32, #tpu.memory_space<vmem>> -> memref<1x128x16xf32, #tpu.memory_space<vmem>>
      %dma_start3A_662 = tpu.memref_squeeze %dma_start3A_661 : memref<1x128x16xf32, #tpu.memory_space<vmem>> -> memref<128x16xf32, #tpu.memory_space<vmem>>
      %dma_start3A_663 = arith.constant 0 : i32
      %dma_start3A_664 = tpu.memref_slice %arg9[%add3A_638, %dma_start3A_663] : memref<80x128xi32, #tpu.memory_space<vmem>> -> memref<1x128xi32, #tpu.memory_space<vmem>>
      %dma_start3A_665 = tpu.memref_squeeze %dma_start3A_664 : memref<1x128xi32, #tpu.memory_space<vmem>> -> memref<128xi32, #tpu.memory_space<vmem>>
      %dma_start3A_666 = arith.constant 0 : i32
      %dma_start3A_667 = arith.constant 0 : i32
      %dma_start3A_668 = tpu.memref_slice %arg13[%dma_start3A_666, %dma_start3A_667] : memref<10112x16xf32, #tpu.memory_space<vmem_shared>> -> memref<10112x16xf32, #tpu.memory_space<vmem_shared>>
      %dma_start3A_669 = tpu.memref_slice %arg15[%dma_start3A_658] : memref<8x!tpu.dma_semaphore, #tpu.memory_space<semaphore_mem>> -> memref<1x!tpu.dma_semaphore, #tpu.memory_space<semaphore_mem>>
      %dma_start3A_670 = tpu.memref_squeeze %dma_start3A_669 : memref<1x!tpu.dma_semaphore, #tpu.memory_space<semaphore_mem>> -> memref<!tpu.dma_semaphore, #tpu.memory_space<semaphore_mem>>
      tpu.enqueue_indirect_dma source(%dma_start3A_662 : memref<128x16xf32, #tpu.memory_space<vmem>>) target(%dma_start3A_668 : memref<10112x16xf32, #tpu.memory_space<vmem_shared>>) offsets(%dma_start3A_665 : memref<128xi32, #tpu.memory_space<vmem>>) semaphore(%dma_start3A_670 : memref<!tpu.dma_semaphore, #tpu.memory_space<semaphore_mem>>) {add = true}
      %sub3A_671 = arith.constant 1 : i32
      %sub3A_672 = arith.subi %add3A_638, %sub3A_671 : i32
      %ge3A_673 = arith.constant 0 : i32
      %ge3A_674 = arith.cmpi sge, %sub3A_672, %ge3A_673 : i32
      %add3A_675 = arith.constant 8 : i32
      %add3A_676 = arith.addi %sub3A_672, %add3A_675 : i32
      %lt3A_677 = arith.constant 80 : i32
      %lt3A_678 = arith.cmpi slt, %add3A_676, %lt3A_677 : i32
      %and3A_679 = arith.andi %ge3A_674, %lt3A_678 : i1
      %convert_element_type3A_680 = arith.extui %and3A_679 : i1 to i32
      %cond3A_681 = arith.constant 0 : i32
      %cond3A_682 = arith.cmpi ne, %convert_element_type3A_680, %cond3A_681 : i32
      scf.if %cond3A_682 {
        %dma_wait3A_683 = arith.constant 6 : i32
        %dma_wait3A_684 = arith.constant 0 : i32
        %dma_wait3A_685 = arith.constant 6 : i32
        %dma_wait3A_686 = arith.constant 0 : i32
        %dma_wait3A_687 = arith.constant 0 : i32
        %dma_wait3A_688 = tpu.memref_slice %arg10[%dma_wait3A_683, %dma_wait3A_686, %dma_wait3A_687] : memref<8x128x16xf32, #tpu.memory_space<vmem>> -> memref<1x128x16xf32, #tpu.memory_space<vmem>>
        %dma_wait3A_689 = tpu.memref_squeeze %dma_wait3A_688 : memref<1x128x16xf32, #tpu.memory_space<vmem>> -> memref<128x16xf32, #tpu.memory_space<vmem>>
        %dma_wait3A_690 = arith.constant 0 : i32
        %dma_wait3A_691 = tpu.memref_slice %arg9[%dma_wait3A_684, %dma_wait3A_690] : memref<80x128xi32, #tpu.memory_space<vmem>> -> memref<1x128xi32, #tpu.memory_space<vmem>>
        %dma_wait3A_692 = tpu.memref_squeeze %dma_wait3A_691 : memref<1x128xi32, #tpu.memory_space<vmem>> -> memref<128xi32, #tpu.memory_space<vmem>>
        %dma_wait3A_693 = arith.constant 0 : i32
        %dma_wait3A_694 = arith.constant 0 : i32
        %dma_wait3A_695 = tpu.memref_slice %arg13[%dma_wait3A_693, %dma_wait3A_694] : memref<10112x16xf32, #tpu.memory_space<vmem_shared>> -> memref<10112x16xf32, #tpu.memory_space<vmem_shared>>
        %dma_wait3A_696 = tpu.memref_slice %arg15[%dma_wait3A_685] : memref<8x!tpu.dma_semaphore, #tpu.memory_space<semaphore_mem>> -> memref<1x!tpu.dma_semaphore, #tpu.memory_space<semaphore_mem>>
        %dma_wait3A_697 = tpu.memref_squeeze %dma_wait3A_696 : memref<1x!tpu.dma_semaphore, #tpu.memory_space<semaphore_mem>> -> memref<!tpu.dma_semaphore, #tpu.memory_space<semaphore_mem>>
        tpu.wait_indirect_dma semaphore(%dma_wait3A_697 : memref<!tpu.dma_semaphore, #tpu.memory_space<semaphore_mem>>) src(%dma_wait3A_689 : memref<128x16xf32, #tpu.memory_space<vmem>>) dst(%dma_wait3A_695 : memref<10112x16xf32, #tpu.memory_space<vmem_shared>>)
        %add3A_698 = arith.constant 8 : i32
        %add3A_699 = arith.addi %sub3A_672, %add3A_698 : i32
        %dma_start3A_700 = arith.constant 6 : i32
        %dma_start3A_701 = arith.constant 6 : i32
        %dma_start3A_702 = arith.constant 0 : i32
        %dma_start3A_703 = arith.constant 0 : i32
        %dma_start3A_704 = tpu.memref_slice %arg10[%dma_start3A_700, %dma_start3A_702, %dma_start3A_703] : memref<8x128x16xf32, #tpu.memory_space<vmem>> -> memref<1x128x16xf32, #tpu.memory_space<vmem>>
        %dma_start3A_705 = tpu.memref_squeeze %dma_start3A_704 : memref<1x128x16xf32, #tpu.memory_space<vmem>> -> memref<128x16xf32, #tpu.memory_space<vmem>>
        %dma_start3A_706 = arith.constant 0 : i32
        %dma_start3A_707 = tpu.memref_slice %arg8[%add3A_699, %dma_start3A_706] : memref<80x128xi32, #tpu.memory_space<vmem>> -> memref<1x128xi32, #tpu.memory_space<vmem>>
        %dma_start3A_708 = tpu.memref_squeeze %dma_start3A_707 : memref<1x128xi32, #tpu.memory_space<vmem>> -> memref<128xi32, #tpu.memory_space<vmem>>
        %dma_start3A_709 = arith.constant 0 : i32
        %dma_start3A_710 = arith.constant 0 : i32
        %dma_start3A_711 = tpu.memref_slice %arg7[%arg0, %dma_start3A_709, %dma_start3A_710] : memref<2x10112x16xf32, #tpu.memory_space<hbm>> -> memref<1x10112x16xf32, #tpu.memory_space<hbm>>
        %dma_start3A_712 = tpu.memref_squeeze %dma_start3A_711 : memref<1x10112x16xf32, #tpu.memory_space<hbm>> -> memref<10112x16xf32, #tpu.memory_space<hbm>>
        %dma_start3A_713 = arith.constant 0 : i32
        %dma_start3A_714 = arith.constant 0 : i32
        %dma_start3A_715 = tpu.memref_slice %dma_start3A_712[%dma_start3A_713, %dma_start3A_714] : memref<10112x16xf32, #tpu.memory_space<hbm>> -> memref<10112x16xf32, #tpu.memory_space<hbm>>
        %dma_start3A_716 = tpu.memref_slice %arg14[%dma_start3A_701] : memref<8x!tpu.dma_semaphore, #tpu.memory_space<semaphore_mem>> -> memref<1x!tpu.dma_semaphore, #tpu.memory_space<semaphore_mem>>
        %dma_start3A_717 = tpu.memref_squeeze %dma_start3A_716 : memref<1x!tpu.dma_semaphore, #tpu.memory_space<semaphore_mem>> -> memref<!tpu.dma_semaphore, #tpu.memory_space<semaphore_mem>>
        tpu.enqueue_indirect_dma source(%dma_start3A_715 : memref<10112x16xf32, #tpu.memory_space<hbm>>) target(%dma_start3A_705 : memref<128x16xf32, #tpu.memory_space<vmem>>) offsets(%dma_start3A_708 : memref<128xi32, #tpu.memory_space<vmem>>) semaphore(%dma_start3A_717 : memref<!tpu.dma_semaphore, #tpu.memory_space<semaphore_mem>>)
      } else {
      }
    }
    %scan3A_185 = arith.constant 10 : i32
    %dma_wait3A_186 = arith.constant 0 : i32
    %dma_wait3A_187 = arith.constant 0 : i32
    %dma_wait3A_188 = arith.constant 0 : i32
    %dma_wait3A_189 = arith.constant 0 : i32
    %dma_wait3A_190 = arith.constant 0 : i32
    %dma_wait3A_191 = tpu.memref_slice %arg10[%dma_wait3A_186, %dma_wait3A_189, %dma_wait3A_190] : memref<8x128x16xf32, #tpu.memory_space<vmem>> -> memref<1x128x16xf32, #tpu.memory_space<vmem>>
    %dma_wait3A_192 = tpu.memref_squeeze %dma_wait3A_191 : memref<1x128x16xf32, #tpu.memory_space<vmem>> -> memref<128x16xf32, #tpu.memory_space<vmem>>
    %dma_wait3A_193 = arith.constant 0 : i32
    %dma_wait3A_194 = tpu.memref_slice %arg9[%dma_wait3A_187, %dma_wait3A_193] : memref<80x128xi32, #tpu.memory_space<vmem>> -> memref<1x128xi32, #tpu.memory_space<vmem>>
    %dma_wait3A_195 = tpu.memref_squeeze %dma_wait3A_194 : memref<1x128xi32, #tpu.memory_space<vmem>> -> memref<128xi32, #tpu.memory_space<vmem>>
    %dma_wait3A_196 = arith.constant 0 : i32
    %dma_wait3A_197 = arith.constant 0 : i32
    %dma_wait3A_198 = tpu.memref_slice %arg13[%dma_wait3A_196, %dma_wait3A_197] : memref<10112x16xf32, #tpu.memory_space<vmem_shared>> -> memref<10112x16xf32, #tpu.memory_space<vmem_shared>>
    %dma_wait3A_199 = tpu.memref_slice %arg15[%dma_wait3A_188] : memref<8x!tpu.dma_semaphore, #tpu.memory_space<semaphore_mem>> -> memref<1x!tpu.dma_semaphore, #tpu.memory_space<semaphore_mem>>
    %dma_wait3A_200 = tpu.memref_squeeze %dma_wait3A_199 : memref<1x!tpu.dma_semaphore, #tpu.memory_space<semaphore_mem>> -> memref<!tpu.dma_semaphore, #tpu.memory_space<semaphore_mem>>
    tpu.wait_indirect_dma semaphore(%dma_wait3A_200 : memref<!tpu.dma_semaphore, #tpu.memory_space<semaphore_mem>>) src(%dma_wait3A_192 : memref<128x16xf32, #tpu.memory_space<vmem>>) dst(%dma_wait3A_198 : memref<10112x16xf32, #tpu.memory_space<vmem_shared>>)
    %dma_wait3A_201 = arith.constant 1 : i32
    %dma_wait3A_202 = arith.constant 0 : i32
    %dma_wait3A_203 = arith.constant 1 : i32
    %dma_wait3A_204 = arith.constant 0 : i32
    %dma_wait3A_205 = arith.constant 0 : i32
    %dma_wait3A_206 = tpu.memref_slice %arg10[%dma_wait3A_201, %dma_wait3A_204, %dma_wait3A_205] : memref<8x128x16xf32, #tpu.memory_space<vmem>> -> memref<1x128x16xf32, #tpu.memory_space<vmem>>
    %dma_wait3A_207 = tpu.memref_squeeze %dma_wait3A_206 : memref<1x128x16xf32, #tpu.memory_space<vmem>> -> memref<128x16xf32, #tpu.memory_space<vmem>>
    %dma_wait3A_208 = arith.constant 0 : i32
    %dma_wait3A_209 = tpu.memref_slice %arg9[%dma_wait3A_202, %dma_wait3A_208] : memref<80x128xi32, #tpu.memory_space<vmem>> -> memref<1x128xi32, #tpu.memory_space<vmem>>
    %dma_wait3A_210 = tpu.memref_squeeze %dma_wait3A_209 : memref<1x128xi32, #tpu.memory_space<vmem>> -> memref<128xi32, #tpu.memory_space<vmem>>
    %dma_wait3A_211 = arith.constant 0 : i32
    %dma_wait3A_212 = arith.constant 0 : i32
    %dma_wait3A_213 = tpu.memref_slice %arg13[%dma_wait3A_211, %dma_wait3A_212] : memref<10112x16xf32, #tpu.memory_space<vmem_shared>> -> memref<10112x16xf32, #tpu.memory_space<vmem_shared>>
    %dma_wait3A_214 = tpu.memref_slice %arg15[%dma_wait3A_203] : memref<8x!tpu.dma_semaphore, #tpu.memory_space<semaphore_mem>> -> memref<1x!tpu.dma_semaphore, #tpu.memory_space<semaphore_mem>>
    %dma_wait3A_215 = tpu.memref_squeeze %dma_wait3A_214 : memref<1x!tpu.dma_semaphore, #tpu.memory_space<semaphore_mem>> -> memref<!tpu.dma_semaphore, #tpu.memory_space<semaphore_mem>>
    tpu.wait_indirect_dma semaphore(%dma_wait3A_215 : memref<!tpu.dma_semaphore, #tpu.memory_space<semaphore_mem>>) src(%dma_wait3A_207 : memref<128x16xf32, #tpu.memory_space<vmem>>) dst(%dma_wait3A_213 : memref<10112x16xf32, #tpu.memory_space<vmem_shared>>)
    %dma_wait3A_216 = arith.constant 2 : i32
    %dma_wait3A_217 = arith.constant 0 : i32
    %dma_wait3A_218 = arith.constant 2 : i32
    %dma_wait3A_219 = arith.constant 0 : i32
    %dma_wait3A_220 = arith.constant 0 : i32
    %dma_wait3A_221 = tpu.memref_slice %arg10[%dma_wait3A_216, %dma_wait3A_219, %dma_wait3A_220] : memref<8x128x16xf32, #tpu.memory_space<vmem>> -> memref<1x128x16xf32, #tpu.memory_space<vmem>>
    %dma_wait3A_222 = tpu.memref_squeeze %dma_wait3A_221 : memref<1x128x16xf32, #tpu.memory_space<vmem>> -> memref<128x16xf32, #tpu.memory_space<vmem>>
    %dma_wait3A_223 = arith.constant 0 : i32
    %dma_wait3A_224 = tpu.memref_slice %arg9[%dma_wait3A_217, %dma_wait3A_223] : memref<80x128xi32, #tpu.memory_space<vmem>> -> memref<1x128xi32, #tpu.memory_space<vmem>>
    %dma_wait3A_225 = tpu.memref_squeeze %dma_wait3A_224 : memref<1x128xi32, #tpu.memory_space<vmem>> -> memref<128xi32, #tpu.memory_space<vmem>>
    %dma_wait3A_226 = arith.constant 0 : i32
    %dma_wait3A_227 = arith.constant 0 : i32
    %dma_wait3A_228 = tpu.memref_slice %arg13[%dma_wait3A_226, %dma_wait3A_227] : memref<10112x16xf32, #tpu.memory_space<vmem_shared>> -> memref<10112x16xf32, #tpu.memory_space<vmem_shared>>
    %dma_wait3A_229 = tpu.memref_slice %arg15[%dma_wait3A_218] : memref<8x!tpu.dma_semaphore, #tpu.memory_space<semaphore_mem>> -> memref<1x!tpu.dma_semaphore, #tpu.memory_space<semaphore_mem>>
    %dma_wait3A_230 = tpu.memref_squeeze %dma_wait3A_229 : memref<1x!tpu.dma_semaphore, #tpu.memory_space<semaphore_mem>> -> memref<!tpu.dma_semaphore, #tpu.memory_space<semaphore_mem>>
    tpu.wait_indirect_dma semaphore(%dma_wait3A_230 : memref<!tpu.dma_semaphore, #tpu.memory_space<semaphore_mem>>) src(%dma_wait3A_222 : memref<128x16xf32, #tpu.memory_space<vmem>>) dst(%dma_wait3A_228 : memref<10112x16xf32, #tpu.memory_space<vmem_shared>>)
    %dma_wait3A_231 = arith.constant 3 : i32
    %dma_wait3A_232 = arith.constant 0 : i32
    %dma_wait3A_233 = arith.constant 3 : i32
    %dma_wait3A_234 = arith.constant 0 : i32
    %dma_wait3A_235 = arith.constant 0 : i32
    %dma_wait3A_236 = tpu.memref_slice %arg10[%dma_wait3A_231, %dma_wait3A_234, %dma_wait3A_235] : memref<8x128x16xf32, #tpu.memory_space<vmem>> -> memref<1x128x16xf32, #tpu.memory_space<vmem>>
    %dma_wait3A_237 = tpu.memref_squeeze %dma_wait3A_236 : memref<1x128x16xf32, #tpu.memory_space<vmem>> -> memref<128x16xf32, #tpu.memory_space<vmem>>
    %dma_wait3A_238 = arith.constant 0 : i32
    %dma_wait3A_239 = tpu.memref_slice %arg9[%dma_wait3A_232, %dma_wait3A_238] : memref<80x128xi32, #tpu.memory_space<vmem>> -> memref<1x128xi32, #tpu.memory_space<vmem>>
    %dma_wait3A_240 = tpu.memref_squeeze %dma_wait3A_239 : memref<1x128xi32, #tpu.memory_space<vmem>> -> memref<128xi32, #tpu.memory_space<vmem>>
    %dma_wait3A_241 = arith.constant 0 : i32
    %dma_wait3A_242 = arith.constant 0 : i32
    %dma_wait3A_243 = tpu.memref_slice %arg13[%dma_wait3A_241, %dma_wait3A_242] : memref<10112x16xf32, #tpu.memory_space<vmem_shared>> -> memref<10112x16xf32, #tpu.memory_space<vmem_shared>>
    %dma_wait3A_244 = tpu.memref_slice %arg15[%dma_wait3A_233] : memref<8x!tpu.dma_semaphore, #tpu.memory_space<semaphore_mem>> -> memref<1x!tpu.dma_semaphore, #tpu.memory_space<semaphore_mem>>
    %dma_wait3A_245 = tpu.memref_squeeze %dma_wait3A_244 : memref<1x!tpu.dma_semaphore, #tpu.memory_space<semaphore_mem>> -> memref<!tpu.dma_semaphore, #tpu.memory_space<semaphore_mem>>
    tpu.wait_indirect_dma semaphore(%dma_wait3A_245 : memref<!tpu.dma_semaphore, #tpu.memory_space<semaphore_mem>>) src(%dma_wait3A_237 : memref<128x16xf32, #tpu.memory_space<vmem>>) dst(%dma_wait3A_243 : memref<10112x16xf32, #tpu.memory_space<vmem_shared>>)
    %dma_wait3A_246 = arith.constant 4 : i32
    %dma_wait3A_247 = arith.constant 0 : i32
    %dma_wait3A_248 = arith.constant 4 : i32
    %dma_wait3A_249 = arith.constant 0 : i32
    %dma_wait3A_250 = arith.constant 0 : i32
    %dma_wait3A_251 = tpu.memref_slice %arg10[%dma_wait3A_246, %dma_wait3A_249, %dma_wait3A_250] : memref<8x128x16xf32, #tpu.memory_space<vmem>> -> memref<1x128x16xf32, #tpu.memory_space<vmem>>
    %dma_wait3A_252 = tpu.memref_squeeze %dma_wait3A_251 : memref<1x128x16xf32, #tpu.memory_space<vmem>> -> memref<128x16xf32, #tpu.memory_space<vmem>>
    %dma_wait3A_253 = arith.constant 0 : i32
    %dma_wait3A_254 = tpu.memref_slice %arg9[%dma_wait3A_247, %dma_wait3A_253] : memref<80x128xi32, #tpu.memory_space<vmem>> -> memref<1x128xi32, #tpu.memory_space<vmem>>
    %dma_wait3A_255 = tpu.memref_squeeze %dma_wait3A_254 : memref<1x128xi32, #tpu.memory_space<vmem>> -> memref<128xi32, #tpu.memory_space<vmem>>
    %dma_wait3A_256 = arith.constant 0 : i32
    %dma_wait3A_257 = arith.constant 0 : i32
    %dma_wait3A_258 = tpu.memref_slice %arg13[%dma_wait3A_256, %dma_wait3A_257] : memref<10112x16xf32, #tpu.memory_space<vmem_shared>> -> memref<10112x16xf32, #tpu.memory_space<vmem_shared>>
    %dma_wait3A_259 = tpu.memref_slice %arg15[%dma_wait3A_248] : memref<8x!tpu.dma_semaphore, #tpu.memory_space<semaphore_mem>> -> memref<1x!tpu.dma_semaphore, #tpu.memory_space<semaphore_mem>>
    %dma_wait3A_260 = tpu.memref_squeeze %dma_wait3A_259 : memref<1x!tpu.dma_semaphore, #tpu.memory_space<semaphore_mem>> -> memref<!tpu.dma_semaphore, #tpu.memory_space<semaphore_mem>>
    tpu.wait_indirect_dma semaphore(%dma_wait3A_260 : memref<!tpu.dma_semaphore, #tpu.memory_space<semaphore_mem>>) src(%dma_wait3A_252 : memref<128x16xf32, #tpu.memory_space<vmem>>) dst(%dma_wait3A_258 : memref<10112x16xf32, #tpu.memory_space<vmem_shared>>)
    %dma_wait3A_261 = arith.constant 5 : i32
    %dma_wait3A_262 = arith.constant 0 : i32
    %dma_wait3A_263 = arith.constant 5 : i32
    %dma_wait3A_264 = arith.constant 0 : i32
    %dma_wait3A_265 = arith.constant 0 : i32
    %dma_wait3A_266 = tpu.memref_slice %arg10[%dma_wait3A_261, %dma_wait3A_264, %dma_wait3A_265] : memref<8x128x16xf32, #tpu.memory_space<vmem>> -> memref<1x128x16xf32, #tpu.memory_space<vmem>>
    %dma_wait3A_267 = tpu.memref_squeeze %dma_wait3A_266 : memref<1x128x16xf32, #tpu.memory_space<vmem>> -> memref<128x16xf32, #tpu.memory_space<vmem>>
    %dma_wait3A_268 = arith.constant 0 : i32
    %dma_wait3A_269 = tpu.memref_slice %arg9[%dma_wait3A_262, %dma_wait3A_268] : memref<80x128xi32, #tpu.memory_space<vmem>> -> memref<1x128xi32, #tpu.memory_space<vmem>>
    %dma_wait3A_270 = tpu.memref_squeeze %dma_wait3A_269 : memref<1x128xi32, #tpu.memory_space<vmem>> -> memref<128xi32, #tpu.memory_space<vmem>>
    %dma_wait3A_271 = arith.constant 0 : i32
    %dma_wait3A_272 = arith.constant 0 : i32
    %dma_wait3A_273 = tpu.memref_slice %arg13[%dma_wait3A_271, %dma_wait3A_272] : memref<10112x16xf32, #tpu.memory_space<vmem_shared>> -> memref<10112x16xf32, #tpu.memory_space<vmem_shared>>
    %dma_wait3A_274 = tpu.memref_slice %arg15[%dma_wait3A_263] : memref<8x!tpu.dma_semaphore, #tpu.memory_space<semaphore_mem>> -> memref<1x!tpu.dma_semaphore, #tpu.memory_space<semaphore_mem>>
    %dma_wait3A_275 = tpu.memref_squeeze %dma_wait3A_274 : memref<1x!tpu.dma_semaphore, #tpu.memory_space<semaphore_mem>> -> memref<!tpu.dma_semaphore, #tpu.memory_space<semaphore_mem>>
    tpu.wait_indirect_dma semaphore(%dma_wait3A_275 : memref<!tpu.dma_semaphore, #tpu.memory_space<semaphore_mem>>) src(%dma_wait3A_267 : memref<128x16xf32, #tpu.memory_space<vmem>>) dst(%dma_wait3A_273 : memref<10112x16xf32, #tpu.memory_space<vmem_shared>>)
    %dma_wait3A_276 = arith.constant 6 : i32
    %dma_wait3A_277 = arith.constant 0 : i32
    %dma_wait3A_278 = arith.constant 6 : i32
    %dma_wait3A_279 = arith.constant 0 : i32
    %dma_wait3A_280 = arith.constant 0 : i32
    %dma_wait3A_281 = tpu.memref_slice %arg10[%dma_wait3A_276, %dma_wait3A_279, %dma_wait3A_280] : memref<8x128x16xf32, #tpu.memory_space<vmem>> -> memref<1x128x16xf32, #tpu.memory_space<vmem>>
    %dma_wait3A_282 = tpu.memref_squeeze %dma_wait3A_281 : memref<1x128x16xf32, #tpu.memory_space<vmem>> -> memref<128x16xf32, #tpu.memory_space<vmem>>
    %dma_wait3A_283 = arith.constant 0 : i32
    %dma_wait3A_284 = tpu.memref_slice %arg9[%dma_wait3A_277, %dma_wait3A_283] : memref<80x128xi32, #tpu.memory_space<vmem>> -> memref<1x128xi32, #tpu.memory_space<vmem>>
    %dma_wait3A_285 = tpu.memref_squeeze %dma_wait3A_284 : memref<1x128xi32, #tpu.memory_space<vmem>> -> memref<128xi32, #tpu.memory_space<vmem>>
    %dma_wait3A_286 = arith.constant 0 : i32
    %dma_wait3A_287 = arith.constant 0 : i32
    %dma_wait3A_288 = tpu.memref_slice %arg13[%dma_wait3A_286, %dma_wait3A_287] : memref<10112x16xf32, #tpu.memory_space<vmem_shared>> -> memref<10112x16xf32, #tpu.memory_space<vmem_shared>>
    %dma_wait3A_289 = tpu.memref_slice %arg15[%dma_wait3A_278] : memref<8x!tpu.dma_semaphore, #tpu.memory_space<semaphore_mem>> -> memref<1x!tpu.dma_semaphore, #tpu.memory_space<semaphore_mem>>
    %dma_wait3A_290 = tpu.memref_squeeze %dma_wait3A_289 : memref<1x!tpu.dma_semaphore, #tpu.memory_space<semaphore_mem>> -> memref<!tpu.dma_semaphore, #tpu.memory_space<semaphore_mem>>
    tpu.wait_indirect_dma semaphore(%dma_wait3A_290 : memref<!tpu.dma_semaphore, #tpu.memory_space<semaphore_mem>>) src(%dma_wait3A_282 : memref<128x16xf32, #tpu.memory_space<vmem>>) dst(%dma_wait3A_288 : memref<10112x16xf32, #tpu.memory_space<vmem_shared>>)
    %dma_wait3A_291 = arith.constant 7 : i32
    %dma_wait3A_292 = arith.constant 0 : i32
    %dma_wait3A_293 = arith.constant 7 : i32
    %dma_wait3A_294 = arith.constant 0 : i32
    %dma_wait3A_295 = arith.constant 0 : i32
    %dma_wait3A_296 = tpu.memref_slice %arg10[%dma_wait3A_291, %dma_wait3A_294, %dma_wait3A_295] : memref<8x128x16xf32, #tpu.memory_space<vmem>> -> memref<1x128x16xf32, #tpu.memory_space<vmem>>
    %dma_wait3A_297 = tpu.memref_squeeze %dma_wait3A_296 : memref<1x128x16xf32, #tpu.memory_space<vmem>> -> memref<128x16xf32, #tpu.memory_space<vmem>>
    %dma_wait3A_298 = arith.constant 0 : i32
    %dma_wait3A_299 = tpu.memref_slice %arg9[%dma_wait3A_292, %dma_wait3A_298] : memref<80x128xi32, #tpu.memory_space<vmem>> -> memref<1x128xi32, #tpu.memory_space<vmem>>
    %dma_wait3A_300 = tpu.memref_squeeze %dma_wait3A_299 : memref<1x128xi32, #tpu.memory_space<vmem>> -> memref<128xi32, #tpu.memory_space<vmem>>
    %dma_wait3A_301 = arith.constant 0 : i32
    %dma_wait3A_302 = arith.constant 0 : i32
    %dma_wait3A_303 = tpu.memref_slice %arg13[%dma_wait3A_301, %dma_wait3A_302] : memref<10112x16xf32, #tpu.memory_space<vmem_shared>> -> memref<10112x16xf32, #tpu.memory_space<vmem_shared>>
    %dma_wait3A_304 = tpu.memref_slice %arg15[%dma_wait3A_293] : memref<8x!tpu.dma_semaphore, #tpu.memory_space<semaphore_mem>> -> memref<1x!tpu.dma_semaphore, #tpu.memory_space<semaphore_mem>>
    %dma_wait3A_305 = tpu.memref_squeeze %dma_wait3A_304 : memref<1x!tpu.dma_semaphore, #tpu.memory_space<semaphore_mem>> -> memref<!tpu.dma_semaphore, #tpu.memory_space<semaphore_mem>>
    tpu.wait_indirect_dma semaphore(%dma_wait3A_305 : memref<!tpu.dma_semaphore, #tpu.memory_space<semaphore_mem>>) src(%dma_wait3A_297 : memref<128x16xf32, #tpu.memory_space<vmem>>) dst(%dma_wait3A_303 : memref<10112x16xf32, #tpu.memory_space<vmem_shared>>)
    %barrier3A_306 = arith.constant 0 : index
    tpu.barrier barrier_id(%barrier3A_306)
    %mul3A_307 = arith.constant 632 : i32
    %mul3A_308 = arith.muli %arg1, %mul3A_307 : i32
    "tpu.region"() ({
      %run_scoped3A = tpu.sem_alloc : memref<!tpu.dma_semaphore, #tpu.memory_space<semaphore_mem>>
      %dma_start3A_316 = arith.constant 0 : i32
      %dma_start3A_317 = tpu.memref_slice %arg13[%mul3A_308, %dma_start3A_316] : memref<10112x16xf32, #tpu.memory_space<vmem_shared>> -> memref<632x16xf32, #tpu.memory_space<vmem_shared>>
      %dma_start3A_318 = arith.constant 0 : i32
      %dma_start3A_319 = tpu.memref_slice %arg13[%mul3A_308, %dma_start3A_318] : memref<10112x16xf32, #tpu.memory_space<vmem_shared>> -> memref<632x16xf32, #tpu.memory_space<vmem_shared>>
      tpu.enqueue_dma source(%dma_start3A_319 : memref<632x16xf32, #tpu.memory_space<vmem_shared>>) target(%arg11 : memref<632x16xf32, #tpu.memory_space<vmem>>) target_semaphore(%run_scoped3A : memref<!tpu.dma_semaphore, #tpu.memory_space<semaphore_mem>>)
      %dma_wait3A_320 = arith.constant 0 : i32
      %dma_wait3A_321 = tpu.memref_slice %arg13[%mul3A_308, %dma_wait3A_320] : memref<10112x16xf32, #tpu.memory_space<vmem_shared>> -> memref<632x16xf32, #tpu.memory_space<vmem_shared>>
      %dma_wait3A_322 = arith.constant 0 : i32
      %dma_wait3A_323 = tpu.memref_slice %arg13[%mul3A_308, %dma_wait3A_322] : memref<10112x16xf32, #tpu.memory_space<vmem_shared>> -> memref<632x16xf32, #tpu.memory_space<vmem_shared>>
      tpu.wait_dma2 semaphore(%run_scoped3A : memref<!tpu.dma_semaphore, #tpu.memory_space<semaphore_mem>>) src(%dma_wait3A_323 : memref<632x16xf32, #tpu.memory_space<vmem_shared>>) dst(%arg11 : memref<632x16xf32, #tpu.memory_space<vmem>>)
      tpu.yield
    }) : () -> ()
    %scan3A_309 = arith.constant 0 : i32
    %scan3A_310 = arith.constant 79 : i32
    %scan3A_311 = arith.addi %scan3A_309, %scan3A_310 : i32
    %scan3A_312 = arith.constant 1 : i32
    scf.for %scan3A_316 = %scan3A_309 to %scan3A_311 step %scan3A_312  : i32 {
      %mul3A_317 = arith.constant 1 : i32
      %mul3A_318 = arith.muli %scan3A_316, %mul3A_317 : i32
      %add3A_319 = arith.constant 0 : i32
      %add3A_320 = arith.addi %add3A_319, %mul3A_318 : i32
      %mul3A_321 = arith.constant 8 : i32
      %mul3A_322 = arith.muli %mul3A_321, %add3A_320 : i32
      %add3A_323 = arith.constant 0 : i32
      %add3A_324 = arith.addi %mul3A_322, %add3A_323 : i32
      %get3A = arith.index_cast %add3A_324 : i32 to index
      %get3A_325 = arith.constant 0 : index
      %get3A_326 = tpu.vector_load %arg11[%get3A, %get3A_325] {strides = array<i32>} : memref<632x16xf32, #tpu.memory_space<vmem>>, vector<1x16xf32>,
      %get3A_327 = vector.shape_cast %get3A_326 : vector<1x16xf32> to vector<16xf32>
      %swap3A = arith.index_cast %add3A_320 : i32 to index
      %swap3A_328 = arith.constant 0 : index
      %swap3A_329 = tpu.vector_load %arg12[%swap3A, %swap3A_328] {strides = array<i32>} : memref<79x128xf32, #tpu.memory_space<vmem>>, vector<1x16xf32>,
      %swap3A_330 = vector.shape_cast %swap3A_329 : vector<1x16xf32> to vector<16xf32>
      %swap3A_331 = vector.shape_cast %get3A_327 : vector<16xf32> to vector<1x16xf32>
      tpu.vector_store %arg12[%swap3A, %swap3A_328], %swap3A_331 {strides = array<i32>} : memref<79x128xf32, #tpu.memory_space<vmem>>, vector<1x16xf32>,
      %mul3A_332 = arith.constant 8 : i32
      %mul3A_333 = arith.muli %mul3A_332, %add3A_320 : i32
      %add3A_334 = arith.constant 1 : i32
      %add3A_335 = arith.addi %mul3A_333, %add3A_334 : i32
      %get3A_336 = arith.index_cast %add3A_335 : i32 to index
      %get3A_337 = arith.constant 0 : index
      %get3A_338 = tpu.vector_load %arg11[%get3A_336, %get3A_337] {strides = array<i32>} : memref<632x16xf32, #tpu.memory_space<vmem>>, vector<1x16xf32>,
      %get3A_339 = vector.shape_cast %get3A_338 : vector<1x16xf32> to vector<16xf32>
      %swap3A_340 = arith.index_cast %add3A_320 : i32 to index
      %swap3A_341 = arith.constant 16 : index
      %swap3A_342 = tpu.vector_load %arg12[%swap3A_340, %swap3A_341] {strides = array<i32>} : memref<79x128xf32, #tpu.memory_space<vmem>>, vector<1x16xf32>,
      %swap3A_343 = vector.shape_cast %swap3A_342 : vector<1x16xf32> to vector<16xf32>
      %swap3A_344 = vector.shape_cast %get3A_339 : vector<16xf32> to vector<1x16xf32>
      tpu.vector_store %arg12[%swap3A_340, %swap3A_341], %swap3A_344 {strides = array<i32>} : memref<79x128xf32, #tpu.memory_space<vmem>>, vector<1x16xf32>,
      %mul3A_345 = arith.constant 8 : i32
      %mul3A_346 = arith.muli %mul3A_345, %add3A_320 : i32
      %add3A_347 = arith.constant 2 : i32
      %add3A_348 = arith.addi %mul3A_346, %add3A_347 : i32
      %get3A_349 = arith.index_cast %add3A_348 : i32 to index
      %get3A_350 = arith.constant 0 : index
      %get3A_351 = tpu.vector_load %arg11[%get3A_349, %get3A_350] {strides = array<i32>} : memref<632x16xf32, #tpu.memory_space<vmem>>, vector<1x16xf32>,
      %get3A_352 = vector.shape_cast %get3A_351 : vector<1x16xf32> to vector<16xf32>
      %swap3A_353 = arith.index_cast %add3A_320 : i32 to index
      %swap3A_354 = arith.constant 32 : index
      %swap3A_355 = tpu.vector_load %arg12[%swap3A_353, %swap3A_354] {strides = array<i32>} : memref<79x128xf32, #tpu.memory_space<vmem>>, vector<1x16xf32>,
      %swap3A_356 = vector.shape_cast %swap3A_355 : vector<1x16xf32> to vector<16xf32>
      %swap3A_357 = vector.shape_cast %get3A_352 : vector<16xf32> to vector<1x16xf32>
      tpu.vector_store %arg12[%swap3A_353, %swap3A_354], %swap3A_357 {strides = array<i32>} : memref<79x128xf32, #tpu.memory_space<vmem>>, vector<1x16xf32>,
      %mul3A_358 = arith.constant 8 : i32
      %mul3A_359 = arith.muli %mul3A_358, %add3A_320 : i32
      %add3A_360 = arith.constant 3 : i32
      %add3A_361 = arith.addi %mul3A_359, %add3A_360 : i32
      %get3A_362 = arith.index_cast %add3A_361 : i32 to index
      %get3A_363 = arith.constant 0 : index
      %get3A_364 = tpu.vector_load %arg11[%get3A_362, %get3A_363] {strides = array<i32>} : memref<632x16xf32, #tpu.memory_space<vmem>>, vector<1x16xf32>,
      %get3A_365 = vector.shape_cast %get3A_364 : vector<1x16xf32> to vector<16xf32>
      %swap3A_366 = arith.index_cast %add3A_320 : i32 to index
      %swap3A_367 = arith.constant 48 : index
      %swap3A_368 = tpu.vector_load %arg12[%swap3A_366, %swap3A_367] {strides = array<i32>} : memref<79x128xf32, #tpu.memory_space<vmem>>, vector<1x16xf32>,
      %swap3A_369 = vector.shape_cast %swap3A_368 : vector<1x16xf32> to vector<16xf32>
      %swap3A_370 = vector.shape_cast %get3A_365 : vector<16xf32> to vector<1x16xf32>
      tpu.vector_store %arg12[%swap3A_366, %swap3A_367], %swap3A_370 {strides = array<i32>} : memref<79x128xf32, #tpu.memory_space<vmem>>, vector<1x16xf32>,
      %mul3A_371 = arith.constant 8 : i32
      %mul3A_372 = arith.muli %mul3A_371, %add3A_320 : i32
      %add3A_373 = arith.constant 4 : i32
      %add3A_374 = arith.addi %mul3A_372, %add3A_373 : i32
      %get3A_375 = arith.index_cast %add3A_374 : i32 to index
      %get3A_376 = arith.constant 0 : index
      %get3A_377 = tpu.vector_load %arg11[%get3A_375, %get3A_376] {strides = array<i32>} : memref<632x16xf32, #tpu.memory_space<vmem>>, vector<1x16xf32>,
      %get3A_378 = vector.shape_cast %get3A_377 : vector<1x16xf32> to vector<16xf32>
      %swap3A_379 = arith.index_cast %add3A_320 : i32 to index
      %swap3A_380 = arith.constant 64 : index
      %swap3A_381 = tpu.vector_load %arg12[%swap3A_379, %swap3A_380] {strides = array<i32>} : memref<79x128xf32, #tpu.memory_space<vmem>>, vector<1x16xf32>,
      %swap3A_382 = vector.shape_cast %swap3A_381 : vector<1x16xf32> to vector<16xf32>
      %swap3A_383 = vector.shape_cast %get3A_378 : vector<16xf32> to vector<1x16xf32>
      tpu.vector_store %arg12[%swap3A_379, %swap3A_380], %swap3A_383 {strides = array<i32>} : memref<79x128xf32, #tpu.memory_space<vmem>>, vector<1x16xf32>,
      %mul3A_384 = arith.constant 8 : i32
      %mul3A_385 = arith.muli %mul3A_384, %add3A_320 : i32
      %add3A_386 = arith.constant 5 : i32
      %add3A_387 = arith.addi %mul3A_385, %add3A_386 : i32
      %get3A_388 = arith.index_cast %add3A_387 : i32 to index
      %get3A_389 = arith.constant 0 : index
      %get3A_390 = tpu.vector_load %arg11[%get3A_388, %get3A_389] {strides = array<i32>} : memref<632x16xf32, #tpu.memory_space<vmem>>, vector<1x16xf32>,
      %get3A_391 = vector.shape_cast %get3A_390 : vector<1x16xf32> to vector<16xf32>
      %swap3A_392 = arith.index_cast %add3A_320 : i32 to index
      %swap3A_393 = arith.constant 80 : index
      %swap3A_394 = tpu.vector_load %arg12[%swap3A_392, %swap3A_393] {strides = array<i32>} : memref<79x128xf32, #tpu.memory_space<vmem>>, vector<1x16xf32>,
      %swap3A_395 = vector.shape_cast %swap3A_394 : vector<1x16xf32> to vector<16xf32>
      %swap3A_396 = vector.shape_cast %get3A_391 : vector<16xf32> to vector<1x16xf32>
      tpu.vector_store %arg12[%swap3A_392, %swap3A_393], %swap3A_396 {strides = array<i32>} : memref<79x128xf32, #tpu.memory_space<vmem>>, vector<1x16xf32>,
      %mul3A_397 = arith.constant 8 : i32
      %mul3A_398 = arith.muli %mul3A_397, %add3A_320 : i32
      %add3A_399 = arith.constant 6 : i32
      %add3A_400 = arith.addi %mul3A_398, %add3A_399 : i32
      %get3A_401 = arith.index_cast %add3A_400 : i32 to index
      %get3A_402 = arith.constant 0 : index
      %get3A_403 = tpu.vector_load %arg11[%get3A_401, %get3A_402] {strides = array<i32>} : memref<632x16xf32, #tpu.memory_space<vmem>>, vector<1x16xf32>,
      %get3A_404 = vector.shape_cast %get3A_403 : vector<1x16xf32> to vector<16xf32>
      %swap3A_405 = arith.index_cast %add3A_320 : i32 to index
      %swap3A_406 = arith.constant 96 : index
      %swap3A_407 = tpu.vector_load %arg12[%swap3A_405, %swap3A_406] {strides = array<i32>} : memref<79x128xf32, #tpu.memory_space<vmem>>, vector<1x16xf32>,
      %swap3A_408 = vector.shape_cast %swap3A_407 : vector<1x16xf32> to vector<16xf32>
      %swap3A_409 = vector.shape_cast %get3A_404 : vector<16xf32> to vector<1x16xf32>
      tpu.vector_store %arg12[%swap3A_405, %swap3A_406], %swap3A_409 {strides = array<i32>} : memref<79x128xf32, #tpu.memory_space<vmem>>, vector<1x16xf32>,
      %mul3A_410 = arith.constant 8 : i32
      %mul3A_411 = arith.muli %mul3A_410, %add3A_320 : i32
      %add3A_412 = arith.constant 7 : i32
      %add3A_413 = arith.addi %mul3A_411, %add3A_412 : i32
      %get3A_414 = arith.index_cast %add3A_413 : i32 to index
      %get3A_415 = arith.constant 0 : index
      %get3A_416 = tpu.vector_load %arg11[%get3A_414, %get3A_415] {strides = array<i32>} : memref<632x16xf32, #tpu.memory_space<vmem>>, vector<1x16xf32>,
      %get3A_417 = vector.shape_cast %get3A_416 : vector<1x16xf32> to vector<16xf32>
      %swap3A_418 = arith.index_cast %add3A_320 : i32 to index
      %swap3A_419 = arith.constant 112 : index
      %swap3A_420 = tpu.vector_load %arg12[%swap3A_418, %swap3A_419] {strides = array<i32>} : memref<79x128xf32, #tpu.memory_space<vmem>>, vector<1x16xf32>,
      %swap3A_421 = vector.shape_cast %swap3A_420 : vector<1x16xf32> to vector<16xf32>
      %swap3A_422 = vector.shape_cast %get3A_417 : vector<16xf32> to vector<1x16xf32>
      tpu.vector_store %arg12[%swap3A_418, %swap3A_419], %swap3A_422 {strides = array<i32>} : memref<79x128xf32, #tpu.memory_space<vmem>>, vector<1x16xf32>,
    }
    %scan3A_313 = arith.constant 79 : i32
    %mul3A_314 = arith.constant 79 : i32
    %mul3A_315 = arith.muli %arg1, %mul3A_314 : i32
    "tpu.region"() ({
      %run_scoped3A = tpu.sem_alloc : memref<!tpu.dma_semaphore, #tpu.memory_space<semaphore_mem>>
      %dma_start3A_316 = arith.constant 0 : i32
      %dma_start3A_317 = tpu.memref_slice %arg6[%arg0, %mul3A_315, %dma_start3A_316] : memref<2x1264x128xf32, #tpu.memory_space<hbm>> -> memref<1x79x128xf32, #tpu.memory_space<hbm>>
      %dma_start3A_318 = tpu.memref_squeeze %dma_start3A_317 : memref<1x79x128xf32, #tpu.memory_space<hbm>> -> memref<79x128xf32, #tpu.memory_space<hbm>>
      %dma_start3A_319 = arith.constant 0 : i32
      %dma_start3A_320 = tpu.memref_slice %arg6[%arg0, %mul3A_315, %dma_start3A_319] : memref<2x1264x128xf32, #tpu.memory_space<hbm>> -> memref<1x79x128xf32, #tpu.memory_space<hbm>>
      %dma_start3A_321 = tpu.memref_squeeze %dma_start3A_320 : memref<1x79x128xf32, #tpu.memory_space<hbm>> -> memref<79x128xf32, #tpu.memory_space<hbm>>
      tpu.enqueue_dma source(%arg12 : memref<79x128xf32, #tpu.memory_space<vmem>>) target(%dma_start3A_321 : memref<79x128xf32, #tpu.memory_space<hbm>>) target_semaphore(%run_scoped3A : memref<!tpu.dma_semaphore, #tpu.memory_space<semaphore_mem>>)
      %dma_wait3A_322 = arith.constant 0 : i32
      %dma_wait3A_323 = tpu.memref_slice %arg6[%arg0, %mul3A_315, %dma_wait3A_322] : memref<2x1264x128xf32, #tpu.memory_space<hbm>> -> memref<1x79x128xf32, #tpu.memory_space<hbm>>
      %dma_wait3A_324 = tpu.memref_squeeze %dma_wait3A_323 : memref<1x79x128xf32, #tpu.memory_space<hbm>> -> memref<79x128xf32, #tpu.memory_space<hbm>>
      %dma_wait3A_325 = arith.constant 0 : i32
      %dma_wait3A_326 = tpu.memref_slice %arg6[%arg0, %mul3A_315, %dma_wait3A_325] : memref<2x1264x128xf32, #tpu.memory_space<hbm>> -> memref<1x79x128xf32, #tpu.memory_space<hbm>>
      %dma_wait3A_327 = tpu.memref_squeeze %dma_wait3A_326 : memref<1x79x128xf32, #tpu.memory_space<hbm>> -> memref<79x128xf32, #tpu.memory_space<hbm>>
      tpu.wait_dma2 semaphore(%run_scoped3A : memref<!tpu.dma_semaphore, #tpu.memory_space<semaphore_mem>>) src(%arg12 : memref<79x128xf32, #tpu.memory_space<vmem>>) dst(%dma_wait3A_327 : memref<79x128xf32, #tpu.memory_space<hbm>>)
      tpu.yield
    }) : () -> ()
    return
  }
}

module attributes {stable_mosaic.version = 14 : i64} {
  func.func @prep_body(%arg0: memref<2x320000xi32, #tpu.memory_space<vmem>>, %arg1: memref<2560x128xi32, #tpu.memory_space<vmem>>, %arg2: memref<2560x128xi32, #tpu.memory_space<vmem>>) attributes {dimension_semantics = [], scalar_prefetch = 0 : i64, scratch_operands = 0 : i64, tpu.core_type = #tpu.core_type<tc>} {
    %get3A = arith.constant 0 : index
    %get3A_0 = arith.constant 0 : index
    %get3A_1 = vector.load %arg0[%get3A, %get3A_0] : memref<2x320000xi32, #tpu.memory_space<vmem>>, vector<1x320000xi32>
    %reshape3A = vector.shape_cast %get3A_1 : vector<1x320000xi32> to vector<2500x128xi32>
    %swap3A = arith.constant 0 : index
    %swap3A_2 = arith.constant 0 : index
    %swap3A_3 = vector.load %arg1[%swap3A, %swap3A_2] : memref<2560x128xi32, #tpu.memory_space<vmem>>, vector<2500x128xi32>
    tpu.vector_store %arg1[%swap3A, %swap3A_2], %reshape3A {strides = array<i32>} : memref<2560x128xi32, #tpu.memory_space<vmem>>, vector<2500x128xi32>,
    %get3A_4 = arith.constant 1 : index
    %get3A_5 = arith.constant 0 : index
    %get3A_6 = vector.load %arg0[%get3A_4, %get3A_5] : memref<2x320000xi32, #tpu.memory_space<vmem>>, vector<1x320000xi32>
    %reshape3A_7 = vector.shape_cast %get3A_6 : vector<1x320000xi32> to vector<2500x128xi32>
    %swap3A_8 = arith.constant 0 : index
    %swap3A_9 = arith.constant 0 : index
    %swap3A_10 = vector.load %arg2[%swap3A_8, %swap3A_9] : memref<2560x128xi32, #tpu.memory_space<vmem>>, vector<2500x128xi32>
    tpu.vector_store %arg2[%swap3A_8, %swap3A_9], %reshape3A_7 {strides = array<i32>} : memref<2560x128xi32, #tpu.memory_space<vmem>>, vector<2500x128xi32>,
    %iota3A = tpu.iota {dimensions = array<i32: 0>} : vector<60x128xi32>
    %mul3A = arith.constant 128 : i32
    %mul3A_11 = vector.broadcast %mul3A : i32 to vector<60x128xi32>
    %mul3A_12 = arith.muli %iota3A, %mul3A_11 : vector<60x128xi32>
    %iota3A_13 = tpu.iota {dimensions = array<i32: 1>} : vector<60x128xi32>
    %add3A = arith.addi %mul3A_12, %iota3A_13 : vector<60x128xi32>
    %mul3A_14 = arith.constant 97 : i32
    %mul3A_15 = vector.broadcast %mul3A_14 : i32 to vector<60x128xi32>
    %mul3A_16 = arith.muli %add3A, %mul3A_15 : vector<60x128xi32>
    %jit3A = arith.constant 10000 : i32
    %eq3A = arith.constant 0 : i32
    %eq3A_17 = arith.cmpi eq, %jit3A, %eq3A : i32
    %jit3A_18 = arith.constant 1 : i32
    %select_n3A = arith.select %eq3A_17, %jit3A_18, %jit3A : i32
    %rem3A = vector.broadcast %select_n3A : i32 to vector<60x128xi32>
    %rem3A_19 = arith.remsi %mul3A_16, %rem3A : vector<60x128xi32>
    %ne3A = arith.constant 0 : i32
    %ne3A_20 = vector.broadcast %ne3A : i32 to vector<60x128xi32>
    %ne3A_21 = arith.cmpi ne, %rem3A_19, %ne3A_20 : vector<60x128xi32>
    %lt3A = arith.constant 0 : i32
    %lt3A_22 = vector.broadcast %lt3A : i32 to vector<60x128xi32>
    %lt3A_23 = arith.cmpi slt, %rem3A_19, %lt3A_22 : vector<60x128xi32>
    %lt3A_24 = arith.constant 0 : i32
    %lt3A_25 = arith.cmpi slt, %select_n3A, %lt3A_24 : i32
    %ne3A_26 = vector.broadcast %lt3A_25 : i1 to vector<60x128xi1>
    %ne3A_27 = vector.broadcast %ne3A_26 : vector<60x128xi1> to vector<60x128xi1>
    %ne3A_28 = arith.xori %lt3A_23, %ne3A_27 : vector<60x128xi1>
    %and3A = arith.andi %ne3A_28, %ne3A_21 : vector<60x128xi1>
    %add3A_29 = vector.broadcast %select_n3A : i32 to vector<60x128xi32>
    %add3A_30 = arith.addi %rem3A_19, %add3A_29 : vector<60x128xi32>
    %select_n3A_31 = arith.select %and3A, %add3A_30, %rem3A_19 : vector<60x128xi1>, vector<60x128xi32>
    %swap3A_32 = arith.constant 2500 : index
    %swap3A_33 = arith.constant 0 : index
    %swap3A_34 = vector.load %arg1[%swap3A_32, %swap3A_33] : memref<2560x128xi32, #tpu.memory_space<vmem>>, vector<60x128xi32>
    tpu.vector_store %arg1[%swap3A_32, %swap3A_33], %select_n3A_31 {strides = array<i32>} : memref<2560x128xi32, #tpu.memory_space<vmem>>, vector<60x128xi32>,
    %jit3A_35 = arith.constant 112 : i32
    %eq3A_36 = arith.constant 0 : i32
    %eq3A_37 = arith.cmpi eq, %jit3A_35, %eq3A_36 : i32
    %jit3A_38 = arith.constant 1 : i32
    %select_n3A_39 = arith.select %eq3A_37, %jit3A_38, %jit3A_35 : i32
    %rem3A_40 = vector.broadcast %select_n3A_39 : i32 to vector<60x128xi32>
    %rem3A_41 = arith.remsi %add3A, %rem3A_40 : vector<60x128xi32>
    %ne3A_42 = arith.constant 0 : i32
    %ne3A_43 = vector.broadcast %ne3A_42 : i32 to vector<60x128xi32>
    %ne3A_44 = arith.cmpi ne, %rem3A_41, %ne3A_43 : vector<60x128xi32>
    %lt3A_45 = arith.constant 0 : i32
    %lt3A_46 = vector.broadcast %lt3A_45 : i32 to vector<60x128xi32>
    %lt3A_47 = arith.cmpi slt, %rem3A_41, %lt3A_46 : vector<60x128xi32>
    %lt3A_48 = arith.constant 0 : i32
    %lt3A_49 = arith.cmpi slt, %select_n3A_39, %lt3A_48 : i32
    %ne3A_50 = vector.broadcast %lt3A_49 : i1 to vector<60x128xi1>
    %ne3A_51 = vector.broadcast %ne3A_50 : vector<60x128xi1> to vector<60x128xi1>
    %ne3A_52 = arith.xori %lt3A_47, %ne3A_51 : vector<60x128xi1>
    %and3A_53 = arith.andi %ne3A_52, %ne3A_44 : vector<60x128xi1>
    %add3A_54 = vector.broadcast %select_n3A_39 : i32 to vector<60x128xi32>
    %add3A_55 = arith.addi %rem3A_41, %add3A_54 : vector<60x128xi32>
    %select_n3A_56 = arith.select %and3A_53, %add3A_55, %rem3A_41 : vector<60x128xi1>, vector<60x128xi32>
    %add3A_57 = arith.constant 10000 : i32
    %add3A_58 = vector.broadcast %add3A_57 : i32 to vector<60x128xi32>
    %add3A_59 = arith.addi %add3A_58, %select_n3A_56 : vector<60x128xi32>
    %swap3A_60 = arith.constant 2500 : index
    %swap3A_61 = arith.constant 0 : index
    %swap3A_62 = vector.load %arg2[%swap3A_60, %swap3A_61] : memref<2560x128xi32, #tpu.memory_space<vmem>>, vector<60x128xi32>
    tpu.vector_store %arg2[%swap3A_60, %swap3A_61], %add3A_59 {strides = array<i32>} : memref<2560x128xi32, #tpu.memory_space<vmem>>, vector<60x128xi32>,
    return
  }
}

module attributes {stable_mosaic.version = 14 : i64} {
  func.func @scale1_body(%arg0: memref<2x1264x128xf32, #tpu.memory_space<vmem>>, %arg1: memref<1264x128xf32, #tpu.memory_space<vmem>>, %arg2: memref<1264x128xf32, #tpu.memory_space<vmem>>, %arg3: memref<1264x128xf32, #tpu.memory_space<vmem>>) attributes {dimension_semantics = [], scalar_prefetch = 0 : i64, scratch_operands = 0 : i64, tpu.core_type = #tpu.core_type<tc>} {
    %get3A = arith.constant 0 : index
    %get3A_0 = arith.constant 0 : index
    %get3A_1 = arith.constant 0 : index
    %get3A_2 = vector.load %arg0[%get3A, %get3A_0, %get3A_1] : memref<2x1264x128xf32, #tpu.memory_space<vmem>>, vector<1x1264x128xf32>
    %get3A_3 = vector.shape_cast %get3A_2 : vector<1x1264x128xf32> to vector<1264x128xf32>
    %get3A_4 = arith.constant 1 : index
    %get3A_5 = arith.constant 0 : index
    %get3A_6 = arith.constant 0 : index
    %get3A_7 = vector.load %arg0[%get3A_4, %get3A_5, %get3A_6] : memref<2x1264x128xf32, #tpu.memory_space<vmem>>, vector<1x1264x128xf32>
    %get3A_8 = vector.shape_cast %get3A_7 : vector<1x1264x128xf32> to vector<1264x128xf32>
    %add3A = arith.addf %get3A_3, %get3A_8 : vector<1264x128xf32>
    %add3A_9 = arith.constant 1.000000e+00 : f32
    %add3A_10 = vector.broadcast %add3A_9 : f32 to vector<1264x128xf32>
    %add3A_11 = arith.addf %add3A, %add3A_10 : vector<1264x128xf32>
    %rsqrt3A = math.rsqrt %add3A_11 : vector<1264x128xf32>
    %swap3A = arith.constant 0 : index
    %swap3A_12 = arith.constant 0 : index
    %swap3A_13 = vector.load %arg3[%swap3A, %swap3A_12] : memref<1264x128xf32, #tpu.memory_space<vmem>>, vector<1264x128xf32>
    tpu.vector_store %arg3[%swap3A, %swap3A_12], %rsqrt3A {strides = array<i32>} : memref<1264x128xf32, #tpu.memory_space<vmem>>, vector<1264x128xf32>,
    %get3A_14 = arith.constant 0 : index
    %get3A_15 = arith.constant 0 : index
    %get3A_16 = vector.load %arg1[%get3A_14, %get3A_15] : memref<1264x128xf32, #tpu.memory_space<vmem>>, vector<1264x128xf32>
    %mul3A = arith.mulf %rsqrt3A, %get3A_16 : vector<1264x128xf32>
    %swap3A_17 = arith.constant 0 : index
    %swap3A_18 = arith.constant 0 : index
    %swap3A_19 = vector.load %arg2[%swap3A_17, %swap3A_18] : memref<1264x128xf32, #tpu.memory_space<vmem>>, vector<1264x128xf32>
    tpu.vector_store %arg2[%swap3A_17, %swap3A_18], %mul3A {strides = array<i32>} : memref<1264x128xf32, #tpu.memory_space<vmem>>, vector<1264x128xf32>,
    return
  }
}

module attributes {stable_mosaic.version = 14 : i64} {
  func.func @mm1_body(%arg0: memref<10000x128xf32, #tpu.memory_space<vmem>>, %arg1: memref<128x16xf32, #tpu.memory_space<vmem>>, %arg2: memref<1264x128xf32, #tpu.memory_space<vmem>>) attributes {dimension_semantics = [], scalar_prefetch = 0 : i64, scratch_operands = 0 : i64, tpu.core_type = #tpu.core_type<tc>} {
    %broadcast_in_dim3A = arith.constant 0.000000e+00 : f32
    %broadcast_in_dim3A_0 = vector.broadcast %broadcast_in_dim3A : f32 to vector<14x16xf32>
    %get3A = arith.constant 0 : index
    %get3A_1 = arith.constant 0 : index
    %get3A_2 = tpu.strided_load %arg0[%get3A, %get3A_1] {strides = array<i32: 8, 1>} : memref<10000x128xf32, #tpu.memory_space<vmem>>, vector<1250x128xf32>
    %get3A_3 = arith.constant 0 : index
    %get3A_4 = arith.constant 0 : index
    %get3A_5 = vector.load %arg1[%get3A_3, %get3A_4] : memref<128x16xf32, #tpu.memory_space<vmem>>, vector<128x16xf32>
    %dot_general3A = arith.constant dense<0.000000e+00> : vector<1250x16xf32>
    %dot_general3A_6 = tpu.matmul %get3A_2, %get3A_5, %dot_general3A {dimension_numbers = #tpu.dot_dimension_numbers<[1], [0], [0], [1], [0, 0, 1, 1], [], []>, transpose_lhs_hint = false} : vector<1250x128xf32>, vector<128x16xf32>, vector<1250x16xf32> -> vector<1250x16xf32>
    %concatenate3A = tpu.concatenate %dot_general3A_6, %broadcast_in_dim3A_0 in 0 : vector<1250x16xf32>, vector<14x16xf32> -> vector<1264x16xf32>
    %swap3A = arith.constant 0 : index
    %swap3A_7 = arith.constant 0 : index
    %swap3A_8 = vector.load %arg2[%swap3A, %swap3A_7] : memref<1264x128xf32, #tpu.memory_space<vmem>>, vector<1264x16xf32>
    tpu.vector_store %arg2[%swap3A, %swap3A_7], %concatenate3A {strides = array<i32>} : memref<1264x128xf32, #tpu.memory_space<vmem>>, vector<1264x16xf32>,
    %get3A_9 = arith.constant 1 : index
    %get3A_10 = arith.constant 0 : index
    %get3A_11 = tpu.strided_load %arg0[%get3A_9, %get3A_10] {strides = array<i32: 8, 1>} : memref<10000x128xf32, #tpu.memory_space<vmem>>, vector<1250x128xf32>
    %get3A_12 = arith.constant 0 : index
    %get3A_13 = arith.constant 0 : index
    %get3A_14 = vector.load %arg1[%get3A_12, %get3A_13] : memref<128x16xf32, #tpu.memory_space<vmem>>, vector<128x16xf32>
    %dot_general3A_15 = arith.constant dense<0.000000e+00> : vector<1250x16xf32>
    %dot_general3A_16 = tpu.matmul %get3A_11, %get3A_14, %dot_general3A_15 {dimension_numbers = #tpu.dot_dimension_numbers<[1], [0], [0], [1], [0, 0, 1, 1], [], []>, transpose_lhs_hint = false} : vector<1250x128xf32>, vector<128x16xf32>, vector<1250x16xf32> -> vector<1250x16xf32>
    %concatenate3A_17 = tpu.concatenate %dot_general3A_16, %broadcast_in_dim3A_0 in 0 : vector<1250x16xf32>, vector<14x16xf32> -> vector<1264x16xf32>
    %swap3A_18 = arith.constant 0 : index
    %swap3A_19 = arith.constant 16 : index
    %swap3A_20 = vector.load %arg2[%swap3A_18, %swap3A_19] : memref<1264x128xf32, #tpu.memory_space<vmem>>, vector<1264x16xf32>
    tpu.vector_store %arg2[%swap3A_18, %swap3A_19], %concatenate3A_17 {strides = array<i32>} : memref<1264x128xf32, #tpu.memory_space<vmem>>, vector<1264x16xf32>,
    %get3A_21 = arith.constant 2 : index
    %get3A_22 = arith.constant 0 : index
    %get3A_23 = tpu.strided_load %arg0[%get3A_21, %get3A_22] {strides = array<i32: 8, 1>} : memref<10000x128xf32, #tpu.memory_space<vmem>>, vector<1250x128xf32>
    %get3A_24 = arith.constant 0 : index
    %get3A_25 = arith.constant 0 : index
    %get3A_26 = vector.load %arg1[%get3A_24, %get3A_25] : memref<128x16xf32, #tpu.memory_space<vmem>>, vector<128x16xf32>
    %dot_general3A_27 = arith.constant dense<0.000000e+00> : vector<1250x16xf32>
    %dot_general3A_28 = tpu.matmul %get3A_23, %get3A_26, %dot_general3A_27 {dimension_numbers = #tpu.dot_dimension_numbers<[1], [0], [0], [1], [0, 0, 1, 1], [], []>, transpose_lhs_hint = false} : vector<1250x128xf32>, vector<128x16xf32>, vector<1250x16xf32> -> vector<1250x16xf32>
    %concatenate3A_29 = tpu.concatenate %dot_general3A_28, %broadcast_in_dim3A_0 in 0 : vector<1250x16xf32>, vector<14x16xf32> -> vector<1264x16xf32>
    %swap3A_30 = arith.constant 0 : index
    %swap3A_31 = arith.constant 32 : index
    %swap3A_32 = vector.load %arg2[%swap3A_30, %swap3A_31] : memref<1264x128xf32, #tpu.memory_space<vmem>>, vector<1264x16xf32>
    tpu.vector_store %arg2[%swap3A_30, %swap3A_31], %concatenate3A_29 {strides = array<i32>} : memref<1264x128xf32, #tpu.memory_space<vmem>>, vector<1264x16xf32>,
    %get3A_33 = arith.constant 3 : index
    %get3A_34 = arith.constant 0 : index
    %get3A_35 = tpu.strided_load %arg0[%get3A_33, %get3A_34] {strides = array<i32: 8, 1>} : memref<10000x128xf32, #tpu.memory_space<vmem>>, vector<1250x128xf32>
    %get3A_36 = arith.constant 0 : index
    %get3A_37 = arith.constant 0 : index
    %get3A_38 = vector.load %arg1[%get3A_36, %get3A_37] : memref<128x16xf32, #tpu.memory_space<vmem>>, vector<128x16xf32>
    %dot_general3A_39 = arith.constant dense<0.000000e+00> : vector<1250x16xf32>
    %dot_general3A_40 = tpu.matmul %get3A_35, %get3A_38, %dot_general3A_39 {dimension_numbers = #tpu.dot_dimension_numbers<[1], [0], [0], [1], [0, 0, 1, 1], [], []>, transpose_lhs_hint = false} : vector<1250x128xf32>, vector<128x16xf32>, vector<1250x16xf32> -> vector<1250x16xf32>
    %concatenate3A_41 = tpu.concatenate %dot_general3A_40, %broadcast_in_dim3A_0 in 0 : vector<1250x16xf32>, vector<14x16xf32> -> vector<1264x16xf32>
    %swap3A_42 = arith.constant 0 : index
    %swap3A_43 = arith.constant 48 : index
    %swap3A_44 = vector.load %arg2[%swap3A_42, %swap3A_43] : memref<1264x128xf32, #tpu.memory_space<vmem>>, vector<1264x16xf32>
    tpu.vector_store %arg2[%swap3A_42, %swap3A_43], %concatenate3A_41 {strides = array<i32>} : memref<1264x128xf32, #tpu.memory_space<vmem>>, vector<1264x16xf32>,
    %get3A_45 = arith.constant 4 : index
    %get3A_46 = arith.constant 0 : index
    %get3A_47 = tpu.strided_load %arg0[%get3A_45, %get3A_46] {strides = array<i32: 8, 1>} : memref<10000x128xf32, #tpu.memory_space<vmem>>, vector<1250x128xf32>
    %get3A_48 = arith.constant 0 : index
    %get3A_49 = arith.constant 0 : index
    %get3A_50 = vector.load %arg1[%get3A_48, %get3A_49] : memref<128x16xf32, #tpu.memory_space<vmem>>, vector<128x16xf32>
    %dot_general3A_51 = arith.constant dense<0.000000e+00> : vector<1250x16xf32>
    %dot_general3A_52 = tpu.matmul %get3A_47, %get3A_50, %dot_general3A_51 {dimension_numbers = #tpu.dot_dimension_numbers<[1], [0], [0], [1], [0, 0, 1, 1], [], []>, transpose_lhs_hint = false} : vector<1250x128xf32>, vector<128x16xf32>, vector<1250x16xf32> -> vector<1250x16xf32>
    %concatenate3A_53 = tpu.concatenate %dot_general3A_52, %broadcast_in_dim3A_0 in 0 : vector<1250x16xf32>, vector<14x16xf32> -> vector<1264x16xf32>
    %swap3A_54 = arith.constant 0 : index
    %swap3A_55 = arith.constant 64 : index
    %swap3A_56 = vector.load %arg2[%swap3A_54, %swap3A_55] : memref<1264x128xf32, #tpu.memory_space<vmem>>, vector<1264x16xf32>
    tpu.vector_store %arg2[%swap3A_54, %swap3A_55], %concatenate3A_53 {strides = array<i32>} : memref<1264x128xf32, #tpu.memory_space<vmem>>, vector<1264x16xf32>,
    %get3A_57 = arith.constant 5 : index
    %get3A_58 = arith.constant 0 : index
    %get3A_59 = tpu.strided_load %arg0[%get3A_57, %get3A_58] {strides = array<i32: 8, 1>} : memref<10000x128xf32, #tpu.memory_space<vmem>>, vector<1250x128xf32>
    %get3A_60 = arith.constant 0 : index
    %get3A_61 = arith.constant 0 : index
    %get3A_62 = vector.load %arg1[%get3A_60, %get3A_61] : memref<128x16xf32, #tpu.memory_space<vmem>>, vector<128x16xf32>
    %dot_general3A_63 = arith.constant dense<0.000000e+00> : vector<1250x16xf32>
    %dot_general3A_64 = tpu.matmul %get3A_59, %get3A_62, %dot_general3A_63 {dimension_numbers = #tpu.dot_dimension_numbers<[1], [0], [0], [1], [0, 0, 1, 1], [], []>, transpose_lhs_hint = false} : vector<1250x128xf32>, vector<128x16xf32>, vector<1250x16xf32> -> vector<1250x16xf32>
    %concatenate3A_65 = tpu.concatenate %dot_general3A_64, %broadcast_in_dim3A_0 in 0 : vector<1250x16xf32>, vector<14x16xf32> -> vector<1264x16xf32>
    %swap3A_66 = arith.constant 0 : index
    %swap3A_67 = arith.constant 80 : index
    %swap3A_68 = vector.load %arg2[%swap3A_66, %swap3A_67] : memref<1264x128xf32, #tpu.memory_space<vmem>>, vector<1264x16xf32>
    tpu.vector_store %arg2[%swap3A_66, %swap3A_67], %concatenate3A_65 {strides = array<i32>} : memref<1264x128xf32, #tpu.memory_space<vmem>>, vector<1264x16xf32>,
    %get3A_69 = arith.constant 6 : index
    %get3A_70 = arith.constant 0 : index
    %get3A_71 = tpu.strided_load %arg0[%get3A_69, %get3A_70] {strides = array<i32: 8, 1>} : memref<10000x128xf32, #tpu.memory_space<vmem>>, vector<1250x128xf32>
    %get3A_72 = arith.constant 0 : index
    %get3A_73 = arith.constant 0 : index
    %get3A_74 = vector.load %arg1[%get3A_72, %get3A_73] : memref<128x16xf32, #tpu.memory_space<vmem>>, vector<128x16xf32>
    %dot_general3A_75 = arith.constant dense<0.000000e+00> : vector<1250x16xf32>
    %dot_general3A_76 = tpu.matmul %get3A_71, %get3A_74, %dot_general3A_75 {dimension_numbers = #tpu.dot_dimension_numbers<[1], [0], [0], [1], [0, 0, 1, 1], [], []>, transpose_lhs_hint = false} : vector<1250x128xf32>, vector<128x16xf32>, vector<1250x16xf32> -> vector<1250x16xf32>
    %concatenate3A_77 = tpu.concatenate %dot_general3A_76, %broadcast_in_dim3A_0 in 0 : vector<1250x16xf32>, vector<14x16xf32> -> vector<1264x16xf32>
    %swap3A_78 = arith.constant 0 : index
    %swap3A_79 = arith.constant 96 : index
    %swap3A_80 = vector.load %arg2[%swap3A_78, %swap3A_79] : memref<1264x128xf32, #tpu.memory_space<vmem>>, vector<1264x16xf32>
    tpu.vector_store %arg2[%swap3A_78, %swap3A_79], %concatenate3A_77 {strides = array<i32>} : memref<1264x128xf32, #tpu.memory_space<vmem>>, vector<1264x16xf32>,
    %get3A_81 = arith.constant 7 : index
    %get3A_82 = arith.constant 0 : index
    %get3A_83 = tpu.strided_load %arg0[%get3A_81, %get3A_82] {strides = array<i32: 8, 1>} : memref<10000x128xf32, #tpu.memory_space<vmem>>, vector<1250x128xf32>
    %get3A_84 = arith.constant 0 : index
    %get3A_85 = arith.constant 0 : index
    %get3A_86 = vector.load %arg1[%get3A_84, %get3A_85] : memref<128x16xf32, #tpu.memory_space<vmem>>, vector<128x16xf32>
    %dot_general3A_87 = arith.constant dense<0.000000e+00> : vector<1250x16xf32>
    %dot_general3A_88 = tpu.matmul %get3A_83, %get3A_86, %dot_general3A_87 {dimension_numbers = #tpu.dot_dimension_numbers<[1], [0], [0], [1], [0, 0, 1, 1], [], []>, transpose_lhs_hint = false} : vector<1250x128xf32>, vector<128x16xf32>, vector<1250x16xf32> -> vector<1250x16xf32>
    %concatenate3A_89 = tpu.concatenate %dot_general3A_88, %broadcast_in_dim3A_0 in 0 : vector<1250x16xf32>, vector<14x16xf32> -> vector<1264x16xf32>
    %swap3A_90 = arith.constant 0 : index
    %swap3A_91 = arith.constant 112 : index
    %swap3A_92 = vector.load %arg2[%swap3A_90, %swap3A_91] : memref<1264x128xf32, #tpu.memory_space<vmem>>, vector<1264x16xf32>
    tpu.vector_store %arg2[%swap3A_90, %swap3A_91], %concatenate3A_89 {strides = array<i32>} : memref<1264x128xf32, #tpu.memory_space<vmem>>, vector<1264x16xf32>,
    return
  }
}

module attributes {stable_mosaic.version = 14 : i64} {
  func.func @stage2_body(%arg0: memref<2x1264x128xf32, #tpu.memory_space<vmem>>, %arg1: memref<1264x128xf32, #tpu.memory_space<vmem>>, %arg2: memref<1264x128xf32, #tpu.memory_space<vmem>>, %arg3: memref<1x128xf32, #tpu.memory_space<vmem>>, %arg4: memref<128x128xf32, #tpu.memory_space<vmem>>, %arg5: memref<1264x128xf32, #tpu.memory_space<vmem>>) attributes {dimension_semantics = [], scalar_prefetch = 0 : i64, scratch_operands = 0 : i64, tpu.core_type = #tpu.core_type<tc>} {
    %get3A = arith.constant 0 : index
    %get3A_0 = arith.constant 0 : index
    %get3A_1 = vector.load %arg2[%get3A, %get3A_0] : memref<1264x128xf32, #tpu.memory_space<vmem>>, vector<1264x128xf32>
    %get3A_2 = arith.constant 0 : index
    %get3A_3 = arith.constant 0 : index
    %get3A_4 = arith.constant 0 : index
    %get3A_5 = vector.load %arg0[%get3A_2, %get3A_3, %get3A_4] : memref<2x1264x128xf32, #tpu.memory_space<vmem>>, vector<1x1264x128xf32>
    %get3A_6 = vector.shape_cast %get3A_5 : vector<1x1264x128xf32> to vector<1264x128xf32>
    %get3A_7 = arith.constant 1 : index
    %get3A_8 = arith.constant 0 : index
    %get3A_9 = arith.constant 0 : index
    %get3A_10 = vector.load %arg0[%get3A_7, %get3A_8, %get3A_9] : memref<2x1264x128xf32, #tpu.memory_space<vmem>>, vector<1x1264x128xf32>
    %get3A_11 = vector.shape_cast %get3A_10 : vector<1x1264x128xf32> to vector<1264x128xf32>
    %add3A = arith.addf %get3A_6, %get3A_11 : vector<1264x128xf32>
    %get3A_12 = arith.constant 0 : index
    %get3A_13 = arith.constant 0 : index
    %get3A_14 = vector.load %arg1[%get3A_12, %get3A_13] : memref<1264x128xf32, #tpu.memory_space<vmem>>, vector<1264x128xf32>
    %add3A_15 = arith.addf %add3A, %get3A_14 : vector<1264x128xf32>
    %mul3A = arith.mulf %get3A_1, %add3A_15 : vector<1264x128xf32>
    %get3A_16 = arith.constant 0 : index
    %get3A_17 = arith.constant 0 : index
    %get3A_18 = vector.load %arg3[%get3A_16, %get3A_17] : memref<1x128xf32, #tpu.memory_space<vmem>>, vector<1x128xf32>
    %add3A_19 = vector.broadcast %get3A_18 : vector<1x128xf32> to vector<1264x128xf32>
    %add3A_20 = arith.addf %mul3A, %add3A_19 : vector<1264x128xf32>
    %max3A = arith.constant 0.000000e+00 : f32
    %max3A_21 = vector.broadcast %max3A : f32 to vector<1264x128xf32>
    %max3A_22 = arith.maximumf %add3A_20, %max3A_21 : vector<1264x128xf32>
    %get3A_23 = arith.constant 0 : index
    %get3A_24 = arith.constant 0 : index
    %get3A_25 = vector.load %arg4[%get3A_23, %get3A_24] : memref<128x128xf32, #tpu.memory_space<vmem>>, vector<128x128xf32>
    %dot_general3A = arith.constant dense<0.000000e+00> : vector<1264x128xf32>
    %dot_general3A_26 = tpu.matmul %max3A_22, %get3A_25, %dot_general3A {dimension_numbers = #tpu.dot_dimension_numbers<[1], [0], [0], [1], [0, 0, 1, 1], [], []>, transpose_lhs_hint = false} : vector<1264x128xf32>, vector<128x128xf32>, vector<1264x128xf32> -> vector<1264x128xf32>
    %mul3A_27 = arith.mulf %get3A_1, %dot_general3A_26 : vector<1264x128xf32>
    %swap3A = arith.constant 0 : index
    %swap3A_28 = arith.constant 0 : index
    %swap3A_29 = vector.load %arg5[%swap3A, %swap3A_28] : memref<1264x128xf32, #tpu.memory_space<vmem>>, vector<1264x128xf32>
    tpu.vector_store %arg5[%swap3A, %swap3A_28], %mul3A_27 {strides = array<i32>} : memref<1264x128xf32, #tpu.memory_space<vmem>>, vector<1264x128xf32>,
    return
  }
}

module attributes {stable_mosaic.version = 14 : i64} {
  func.func @stage3_body(%arg0: memref<2x1264x128xf32, #tpu.memory_space<vmem>>, %arg1: memref<1264x128xf32, #tpu.memory_space<vmem>>, %arg2: memref<1264x128xf32, #tpu.memory_space<vmem>>, %arg3: memref<1x128xf32, #tpu.memory_space<vmem>>, %arg4: memref<128x128xf32, #tpu.memory_space<vmem>>, %arg5: memref<10000x7xf32, #tpu.memory_space<vmem>>) attributes {dimension_semantics = [], scalar_prefetch = 0 : i64, scratch_operands = 0 : i64, tpu.core_type = #tpu.core_type<tc>} {
    %get3A = arith.constant 0 : index
    %get3A_0 = arith.constant 0 : index
    %get3A_1 = vector.load %arg2[%get3A, %get3A_0] : memref<1264x128xf32, #tpu.memory_space<vmem>>, vector<1264x128xf32>
    %get3A_2 = arith.constant 0 : index
    %get3A_3 = arith.constant 0 : index
    %get3A_4 = arith.constant 0 : index
    %get3A_5 = vector.load %arg0[%get3A_2, %get3A_3, %get3A_4] : memref<2x1264x128xf32, #tpu.memory_space<vmem>>, vector<1x1264x128xf32>
    %get3A_6 = vector.shape_cast %get3A_5 : vector<1x1264x128xf32> to vector<1264x128xf32>
    %get3A_7 = arith.constant 1 : index
    %get3A_8 = arith.constant 0 : index
    %get3A_9 = arith.constant 0 : index
    %get3A_10 = vector.load %arg0[%get3A_7, %get3A_8, %get3A_9] : memref<2x1264x128xf32, #tpu.memory_space<vmem>>, vector<1x1264x128xf32>
    %get3A_11 = vector.shape_cast %get3A_10 : vector<1x1264x128xf32> to vector<1264x128xf32>
    %add3A = arith.addf %get3A_6, %get3A_11 : vector<1264x128xf32>
    %get3A_12 = arith.constant 0 : index
    %get3A_13 = arith.constant 0 : index
    %get3A_14 = vector.load %arg1[%get3A_12, %get3A_13] : memref<1264x128xf32, #tpu.memory_space<vmem>>, vector<1264x128xf32>
    %add3A_15 = arith.addf %add3A, %get3A_14 : vector<1264x128xf32>
    %mul3A = arith.mulf %get3A_1, %add3A_15 : vector<1264x128xf32>
    %get3A_16 = arith.constant 0 : index
    %get3A_17 = arith.constant 0 : index
    %get3A_18 = vector.load %arg3[%get3A_16, %get3A_17] : memref<1x128xf32, #tpu.memory_space<vmem>>, vector<1x128xf32>
    %add3A_19 = vector.broadcast %get3A_18 : vector<1x128xf32> to vector<1264x128xf32>
    %add3A_20 = arith.addf %mul3A, %add3A_19 : vector<1264x128xf32>
    %iota3A = tpu.iota {dimensions = array<i32: 1>} : vector<1264x128xi32>
    %jit3A = arith.constant 16 : i32
    %eq3A = arith.constant 0 : i32
    %eq3A_21 = arith.cmpi eq, %jit3A, %eq3A : i32
    %jit3A_22 = arith.constant 1 : i32
    %select_n3A = arith.select %eq3A_21, %jit3A_22, %jit3A : i32
    %rem3A = vector.broadcast %select_n3A : i32 to vector<1264x128xi32>
    %rem3A_23 = arith.remsi %iota3A, %rem3A : vector<1264x128xi32>
    %ne3A = arith.constant 0 : i32
    %ne3A_24 = vector.broadcast %ne3A : i32 to vector<1264x128xi32>
    %ne3A_25 = arith.cmpi ne, %rem3A_23, %ne3A_24 : vector<1264x128xi32>
    %lt3A = arith.constant 0 : i32
    %lt3A_26 = vector.broadcast %lt3A : i32 to vector<1264x128xi32>
    %lt3A_27 = arith.cmpi slt, %rem3A_23, %lt3A_26 : vector<1264x128xi32>
    %lt3A_28 = arith.constant 0 : i32
    %lt3A_29 = arith.cmpi slt, %select_n3A, %lt3A_28 : i32
    %ne3A_30 = vector.broadcast %lt3A_29 : i1 to vector<1264x128xi1>
    %ne3A_31 = vector.broadcast %ne3A_30 : vector<1264x128xi1> to vector<1264x128xi1>
    %ne3A_32 = arith.xori %lt3A_27, %ne3A_31 : vector<1264x128xi1>
    %and3A = arith.andi %ne3A_32, %ne3A_25 : vector<1264x128xi1>
    %add3A_33 = vector.broadcast %select_n3A : i32 to vector<1264x128xi32>
    %add3A_34 = arith.addi %rem3A_23, %add3A_33 : vector<1264x128xi32>
    %select_n3A_35 = arith.select %and3A, %add3A_34, %rem3A_23 : vector<1264x128xi1>, vector<1264x128xi32>
    %lt3A_36 = arith.constant 7 : i32
    %lt3A_37 = vector.broadcast %lt3A_36 : i32 to vector<1264x128xi32>
    %lt3A_38 = arith.cmpi slt, %select_n3A_35, %lt3A_37 : vector<1264x128xi32>
    %jit3A_39 = arith.constant 0xFF800000 : f32
    %broadcast_in_dim3A = vector.broadcast %jit3A_39 : f32 to vector<1264x128xf32>
    %select_n3A_40 = arith.select %lt3A_38, %add3A_20, %broadcast_in_dim3A : vector<1264x128xi1>, vector<1264x128xf32>
    %reduce_max3A = arith.constant dense<0xFF800000> : vector<1264xf32>
    %reduce_max3A_41 = vector.multi_reduction <maximumf>, %select_n3A_40, %reduce_max3A [1] : vector<1264x128xf32> to vector<1264xf32>
    %broadcast_in_dim3A_42 = vector.shape_cast %reduce_max3A_41 : vector<1264xf32> to vector<1264x1xf32>
    %sub3A = vector.broadcast %broadcast_in_dim3A_42 : vector<1264x1xf32> to vector<1264x128xf32>
    %sub3A_43 = arith.subf %add3A_20, %sub3A : vector<1264x128xf32>
    %exp3A = math.exp %sub3A_43 : vector<1264x128xf32>
    %get3A_44 = arith.constant 0 : index
    %get3A_45 = arith.constant 0 : index
    %get3A_46 = vector.load %arg4[%get3A_44, %get3A_45] : memref<128x128xf32, #tpu.memory_space<vmem>>, vector<128x128xf32>
    %dot_general3A = arith.constant dense<0.000000e+00> : vector<1264x128xf32>
    %dot_general3A_47 = tpu.matmul %exp3A, %get3A_46, %dot_general3A {dimension_numbers = #tpu.dot_dimension_numbers<[1], [0], [0], [1], [0, 0, 1, 1], [], []>, transpose_lhs_hint = false} : vector<1264x128xf32>, vector<128x128xf32>, vector<1264x128xf32> -> vector<1264x128xf32>
    %sub3A_48 = vector.broadcast %broadcast_in_dim3A_42 : vector<1264x1xf32> to vector<1264x128xf32>
    %sub3A_49 = arith.subf %add3A_20, %sub3A_48 : vector<1264x128xf32>
    %log3A = math.log %dot_general3A_47 : vector<1264x128xf32>
    %sub3A_50 = arith.subf %sub3A_49, %log3A : vector<1264x128xf32>
    %slice3A = vector.extract_strided_slice %sub3A_50 {offsets = [0, 0], sizes = [1250, 7], strides = [1, 1]} : vector<1264x128xf32> to vector<1250x7xf32>
    %swap3A = arith.constant 0 : index
    %swap3A_51 = arith.constant 0 : index
    %swap3A_52 = tpu.strided_load %arg5[%swap3A, %swap3A_51] {strides = array<i32: 8, 1>} : memref<10000x7xf32, #tpu.memory_space<vmem>>, vector<1250x7xf32>
    tpu.strided_store %arg5[%swap3A, %swap3A_51], %slice3A {strides = array<i32: 8, 1>} : memref<10000x7xf32, #tpu.memory_space<vmem>>, vector<1250x7xf32>
    %slice3A_53 = vector.extract_strided_slice %sub3A_50 {offsets = [0, 16], sizes = [1250, 7], strides = [1, 1]} : vector<1264x128xf32> to vector<1250x7xf32>
    %swap3A_54 = arith.constant 1 : index
    %swap3A_55 = arith.constant 0 : index
    %swap3A_56 = tpu.strided_load %arg5[%swap3A_54, %swap3A_55] {strides = array<i32: 8, 1>} : memref<10000x7xf32, #tpu.memory_space<vmem>>, vector<1250x7xf32>
    tpu.strided_store %arg5[%swap3A_54, %swap3A_55], %slice3A_53 {strides = array<i32: 8, 1>} : memref<10000x7xf32, #tpu.memory_space<vmem>>, vector<1250x7xf32>
    %slice3A_57 = vector.extract_strided_slice %sub3A_50 {offsets = [0, 32], sizes = [1250, 7], strides = [1, 1]} : vector<1264x128xf32> to vector<1250x7xf32>
    %swap3A_58 = arith.constant 2 : index
    %swap3A_59 = arith.constant 0 : index
    %swap3A_60 = tpu.strided_load %arg5[%swap3A_58, %swap3A_59] {strides = array<i32: 8, 1>} : memref<10000x7xf32, #tpu.memory_space<vmem>>, vector<1250x7xf32>
    tpu.strided_store %arg5[%swap3A_58, %swap3A_59], %slice3A_57 {strides = array<i32: 8, 1>} : memref<10000x7xf32, #tpu.memory_space<vmem>>, vector<1250x7xf32>
    %slice3A_61 = vector.extract_strided_slice %sub3A_50 {offsets = [0, 48], sizes = [1250, 7], strides = [1, 1]} : vector<1264x128xf32> to vector<1250x7xf32>
    %swap3A_62 = arith.constant 3 : index
    %swap3A_63 = arith.constant 0 : index
    %swap3A_64 = tpu.strided_load %arg5[%swap3A_62, %swap3A_63] {strides = array<i32: 8, 1>} : memref<10000x7xf32, #tpu.memory_space<vmem>>, vector<1250x7xf32>
    tpu.strided_store %arg5[%swap3A_62, %swap3A_63], %slice3A_61 {strides = array<i32: 8, 1>} : memref<10000x7xf32, #tpu.memory_space<vmem>>, vector<1250x7xf32>
    %slice3A_65 = vector.extract_strided_slice %sub3A_50 {offsets = [0, 64], sizes = [1250, 7], strides = [1, 1]} : vector<1264x128xf32> to vector<1250x7xf32>
    %swap3A_66 = arith.constant 4 : index
    %swap3A_67 = arith.constant 0 : index
    %swap3A_68 = tpu.strided_load %arg5[%swap3A_66, %swap3A_67] {strides = array<i32: 8, 1>} : memref<10000x7xf32, #tpu.memory_space<vmem>>, vector<1250x7xf32>
    tpu.strided_store %arg5[%swap3A_66, %swap3A_67], %slice3A_65 {strides = array<i32: 8, 1>} : memref<10000x7xf32, #tpu.memory_space<vmem>>, vector<1250x7xf32>
    %slice3A_69 = vector.extract_strided_slice %sub3A_50 {offsets = [0, 80], sizes = [1250, 7], strides = [1, 1]} : vector<1264x128xf32> to vector<1250x7xf32>
    %swap3A_70 = arith.constant 5 : index
    %swap3A_71 = arith.constant 0 : index
    %swap3A_72 = tpu.strided_load %arg5[%swap3A_70, %swap3A_71] {strides = array<i32: 8, 1>} : memref<10000x7xf32, #tpu.memory_space<vmem>>, vector<1250x7xf32>
    tpu.strided_store %arg5[%swap3A_70, %swap3A_71], %slice3A_69 {strides = array<i32: 8, 1>} : memref<10000x7xf32, #tpu.memory_space<vmem>>, vector<1250x7xf32>
    %slice3A_73 = vector.extract_strided_slice %sub3A_50 {offsets = [0, 96], sizes = [1250, 7], strides = [1, 1]} : vector<1264x128xf32> to vector<1250x7xf32>
    %swap3A_74 = arith.constant 6 : index
    %swap3A_75 = arith.constant 0 : index
    %swap3A_76 = tpu.strided_load %arg5[%swap3A_74, %swap3A_75] {strides = array<i32: 8, 1>} : memref<10000x7xf32, #tpu.memory_space<vmem>>, vector<1250x7xf32>
    tpu.strided_store %arg5[%swap3A_74, %swap3A_75], %slice3A_73 {strides = array<i32: 8, 1>} : memref<10000x7xf32, #tpu.memory_space<vmem>>, vector<1250x7xf32>
    %slice3A_77 = vector.extract_strided_slice %sub3A_50 {offsets = [0, 112], sizes = [1250, 7], strides = [1, 1]} : vector<1264x128xf32> to vector<1250x7xf32>
    %swap3A_78 = arith.constant 7 : index
    %swap3A_79 = arith.constant 0 : index
    %swap3A_80 = tpu.strided_load %arg5[%swap3A_78, %swap3A_79] {strides = array<i32: 8, 1>} : memref<10000x7xf32, #tpu.memory_space<vmem>>, vector<1250x7xf32>
    tpu.strided_store %arg5[%swap3A_78, %swap3A_79], %slice3A_77 {strides = array<i32: 8, 1>} : memref<10000x7xf32, #tpu.memory_space<vmem>>, vector<1250x7xf32>
    return
  }
}

</mosaic_0001>

<sc_bundles>
// kernel: kernel.10.cloned.1.call-start
scs
__scs_entry_jumppad:
0x0: {  	(pc) =	sbr.rel $0x88, $3  }
0x1: {  	(tag) =	ssettag $0x0;
	lr =	simm.s32 $0x1  }
0x2: {  	[smem:$0x3F9B] =	sst lr;
	_ =	strace $0xD0000000  }
0x3: {  	_ = 	snop  }
0x4: {  	_ = 	snop  }
0x5: {  	_ = 	snop  }
0x6: {  	_ = 	snop  }
0x7: {  	_ = 	snop  }
__scs_overlays_trampoline_lowered:
0x8: {  	[smem:$0x3FAA] =	sst s0  }
0x9: {  	[smem:$0x3FAB] =	sst s1  }
0xa: {  	[smem:$0x3FAC] =	sst s2  }
0xb: {  	[smem:$0x3FAD] =	sst s3  }
0xc: {  	[smem:$0x3FAE] =	sst s4  }
0xd: {  	[smem:$0x3FAF] =	sst s5  }
0xe: {  	[smem:$0x3FB0] =	sst s6  }
0xf: {  	[smem:$0x3FB1] =	sst s7  }
0x10: {  	[smem:$0x3FB2] =	sst s8  }
0x11: {  	[smem:$0x3FB3] =	sst s9;
	s0 =	simm.s32 @!p0 $0x0  }
0x12: {  	s1 =	sld [smem:$0x3F99];
	s0 =	simm.s32 @p0 $0x1  }
0x13: {  	[smem:$0x3FB4] =	sst s0;
	s0 =	simm.s32 @!p1 $0x0  }
0x14: {  	s2 =	sld [smem:$0x3F98];
	s0 =	simm.s32 @p1 $0x1  }
0x15: {  	[smem:$0x3FB5] =	sst s0;
	s0 =	simm.s32 @!p2 $0x0  }
0x16: {  	s3 =	sld [smem:$0x3FDB];
	s0 =	simm.s32 @p2 $0x1  }
0x17: {  	s4 =	simm.s32 $0x1BF5;
	[smem:$0x3FB7] =	sst s0  }
0x18: {  	s0 =	sld [smem:$0x3F9A];
	_ =	swait.ge [sflag:s4], $0x0  }
0x19: {  	s7 =	sld [smem:$0x3F9B]  }
0x1a: {  	s8 =	sadd.s32 $0xFFFFE003, lr  }
0x1b: {  	s9 =	sadd.s32 $0xFFFFFEF7, lr;
	s5 =	simm.s32 $0xFFFFFFFF;
	p2 =	slt.u32 s8, $0xFFFFF086  }
0x1c: {  	p1 =	slt.u32 s9, $0xF7A;
	s5 =	simm.s32 @!p2 $0x0  }
0x1d: {  	s5 =	simm.s32 @p1 $0x1;
	p0 =	seq.s32 s7, s2  }
0x1e: {  	s7 =	smul.u32 @!p0 $0xF7A, s2;
	p2 =	seq.s32 @!p0 s5, $0x0  }
0x1f: {  	s9 =	smul.u32 $0xF7A, s1;
	s8 =	simm.s32 @!p0 $0x1BF5;
	p2 =	por !p2, p0  }
0x20: {  	[sflag:s8] =	ssyncset.s32 @!p0 $0xFFFFF086;
	s6 =	sadd.s32 @!p0 s3, s7;
	s7 =	simm.s32 @!p0 $0x108  }
0x21: {  	s3 =	sadd.s32 s3, s9;
	s6 =	sadd.s32 @!p0 $0x88, s6;
	s7 =	simm.s32 @p2 $0x1082  }
0x22: {  	[simem:s7], [sflag:s8] =	dma.local @!p0 [hbm:s6], $0xF7A  }
0x23: {  	s9 =	sor.u32 $0xD0000000, s2;
	s6 =	simm.s32 $0x108;
	_ =	swait.ge @!p0 [sflag:s8], $0x0  }
0x24: {  	s3 =	sadd.s32 $0x88, s3;
	s6 =	simm.s32 @!p1 $0x1082;
	[sflag:s4] =	ssyncset.s32 $0xFFFFF086  }
0x25: {  	[simem:s6], [sflag:s4] =	dma.local [hbm:s3], $0xF7A  }
0x26: {  	[smem:$0x3F9B] =	sst s1;
	(tag) =	ssettag s2;
	_ =	strace s9  }
0x27: {  	s1 =	sld [smem:$0x3FAB]  }
0x28: {  	s2 =	sld [smem:$0x3FAC]  }
0x29: {  	s4 =	sld [smem:$0x3FAE]  }
0x2a: {  	p0 =	seq.s32 s5, $0x0;
	s5 =	sld [smem:$0x3FAF]  }
0x2b: {  	s6 =	sld [smem:$0x3FB0]  }
0x2c: {  	s7 =	sld [smem:$0x3FB1]  }
0x2d: {  	s3 =	simm.s32 $0x108;
	s8 =	sld [smem:$0x3FB2]  }
0x2e: {  	s3 =	simm.s32 @!p0 $0x1082;
	s9 =	sld [smem:$0x3FB3]  }
0x2f: {  	lr =	sadd.s32 s0, s3;
	s0 =	sld [smem:$0x3FAA]  }
0x30: {  	s3 =	sld [smem:$0x3FAD]  }
0x31: {  	[smem:$0x3FB6] =	sst s10  }
0x32: {  	s10 =	sld [smem:$0x3FB4];
	_ =	sdelay $0x3  }
0x33: {  	p0 =	seq.s32 s10, $0x1;
	s10 =	sld [smem:$0x3FB6];
	_ =	sdelay $0x3  }
0x34: {  	[smem:$0x3FB6] =	sst s10  }
0x35: {  	s10 =	sld [smem:$0x3FB5];
	_ =	sdelay $0x3  }
0x36: {  	p1 =	seq.s32 s10, $0x1;
	s10 =	sld [smem:$0x3FB6];
	_ =	sdelay $0x3  }
0x37: {  	[smem:$0x3FB6] =	sst s10  }
0x38: {  	s10 =	sld [smem:$0x3FB7]  }
0x39: {  	_ = 	snop;
	(pc) =	sbr.ind lr, $3  }
0x3a: {  	_ = 	snop  }
0x3b: {  	_ = 	snop  }
0x3c: {  	p2 =	seq.s32 s10, $0x1;
	s10 =	sld [smem:$0x3FB6]  }
0x3d: {  	_ =	shalt  }
0x3e: {  	_ =	shalt  }
0x3f: {  	_ =	shalt  }
0x40: {  	_ =	shalt  }
0x41: {  	_ =	shalt  }
0x42: {  	_ =	shalt  }
0x43: {  	_ =	shalt  }
0x44: {  	_ =	shalt  }
0x45: {  	_ =	shalt  }
0x46: {  	_ =	shalt  }
0x47: {  	_ =	shalt  }
0x48: {  	_ =	shalt  }
0x49: {  	_ =	shalt  }
0x4a: {  	_ =	shalt  }
0x4b: {  	_ =	shalt  }
0x4c: {  	_ =	shalt  }
0x4d: {  	_ =	shalt  }
0x4e: {  	_ =	shalt  }
0x4f: {  	_ =	shalt  }
0x50: {  	_ =	shalt  }
0x51: {  	_ =	shalt  }
0x52: {  	_ =	shalt  }
0x53: {  	_ =	shalt  }
0x54: {  	_ =	shalt  }
0x55: {  	_ =	shalt  }
0x56: {  	_ =	shalt  }
0x57: {  	_ =	shalt  }
0x58: {  	_ =	shalt  }
0x59: {  	_ =	shalt  }
0x5a: {  	_ =	shalt  }
0x5b: {  	_ =	shalt  }
0x5c: {  	_ =	shalt  }
0x5d: {  	_ =	shalt  }
0x5e: {  	_ =	shalt  }
0x5f: {  	_ =	shalt  }
0x60: {  	_ =	shalt  }
0x61: {  	_ =	shalt  }
0x62: {  	_ =	shalt  }
0x63: {  	_ =	shalt  }
0x64: {  	_ =	shalt  }
0x65: {  	_ =	shalt  }
0x66: {  	_ =	shalt  }
0x67: {  	_ =	shalt  }
0x68: {  	_ =	shalt  }
0x69: {  	_ =	shalt  }
0x6a: {  	_ =	shalt  }
0x6b: {  	_ =	shalt  }
0x6c: {  	_ =	shalt  }
0x6d: {  	_ =	shalt  }
0x6e: {  	_ =	shalt  }
0x6f: {  	_ =	shalt  }
0x70: {  	_ =	shalt  }
0x71: {  	_ =	shalt  }
0x72: {  	_ =	shalt  }
0x73: {  	_ =	shalt  }
0x74: {  	_ =	shalt  }
0x75: {  	_ =	shalt  }
0x76: {  	_ =	shalt  }
0x77: {  	_ =	shalt  }
0x78: {  	_ =	shalt  }
0x79: {  	_ =	shalt  }
0x7a: {  	_ =	shalt  }
0x7b: {  	_ =	shalt  }
0x7c: {  	_ =	shalt  }
0x7d: {  	_ =	shalt  }
0x7e: {  	_ =	shalt  }
0x7f: {  	_ =	shalt  }
0x80: {  	_ =	shalt  }
0x81: {  	_ =	shalt  }
0x82: {  	_ =	shalt  }
0x83: {  	_ =	shalt  }
0x84: {  	_ =	shalt  }
0x85: {  	_ =	shalt  }
0x86: {  	_ =	shalt  }
0x87: {  	_ =	shalt  }
.Lfunc_end0:
.L_simem_size_0:
called_computation_lowered:
.L_overlay_start_0:
0x88: {  	s2 =	sld [smem:$0x3FD9]  }
0x89: {  	s3 =	sld [smem:$0x3FFE];
	_ =	sdelay $0x1  }
0x8a: {  	s1 =	srdreg.scid  }
0x8b: {  	s0 =	sand.u32 $0x1, s1  }
0x8c: {  	s17 =	sshll.u32 s0, $0xA;
	s2 =	sadd.s32 s3, s2  }
0x8d: {  	s2 =	sadd.s32 s2, s17  }
0x8e: {  	[smem:$0x3FC2] =	sst s2  }
0x8f: {  	_ = 	snop  }
0x90: {  	s2 =	sld [smem:$0x3FD0];
	(tm) =	ssettm $0x1  }
0x91: {  	s18 =	sld [smem:$0x3FFB];
	_ =	sdelay $0x3  }
0x92: {  	_ =	strace s18  }
0x93: {  	s3 =	sld [smem:$0x3FFC];
	_ =	sdelay $0x3  }
0x94: {  	_ =	strace s3  }
0x95: {  	s3 =	sld [smem:$0x3FFD];
	_ =	sdelay $0x3  }
0x96: {  	_ =	strace s3  }
0x97: {  	_ =	strace $0x8FFFFFFF  }
0x98: {  	s19 =	sld [smem:$0x3FDB];
	_ =	sdelay $0x1  }
0x99: {  	s4 =	simm.s32 $_scs_section_size  }
0x9a: {  	s5 =	simm.s32 $_size__tile_overlayer_lowered;
	s6 =	simm.s32 $_tile_overlayer_lowered  }
0x9b: {  	s22 =	simm.s32 $0x1BFF;
	s21 =	sshll.u32 s6, $0x1;
	s3 =	sadd.s32 s4, s19  }
0x9c: {  	s7 =	simm.s32 $0x0;
	s20 =	sshll.u32 s5, $0x1;
	s5 =	sadd.s32 s21, s3  }
0x9d: {  	[timem:s7], [sflag:s22] =	dma.local [hbm:s5], s20  }
0x9e: {  	_ =	swait.ge [sflag:s22], s20  }
0x9f: {  	s4 =	ssub.s32 $0x0, s20;
	[sflag:s22] =	ssyncset.done $0x0  }
0xa0: {  	[sflag:s22] =	ssyncadd.s32 s4;
	_ =	sdelay $0x1  }
0xa1: {  	s23 =	simm.s32 $0x1B8B  }
0xa2: {  	_ =	swait.ge [sflag:s23], $0x1  }
0xa3: {  	[sflag:s23] =	ssyncset.done $0x0  }
0xa4: {  	s25 =	simm.s32 $0x1B8E;
	s24 =	sld [smem:$0x3FFE];
	[sflag:s23] =	ssyncadd.s32 $0xFFFFFFFF  }
0xa5: {  	s26 =	simm.s32 $execute0_lowered;
	[smem:$0x3FD2] =	sst s25  }
0xa6: {  	s5 =	sshll.u32 s26, $0x1;
	_ =	strace $0x80000046;
	[dreg:$0x1] =	wrdreg $0xFFFFFFFF  }
0xa7: {  	s28 =	simm.s32 $_size_execute0_lowered;
	s3 =	sadd.s32 s3, s5;
	[dreg:$0x0] =	wrdreg $0x0  }
0xa8: {  	s5 =	sshll.u32 s28, $0x1;
	[dreg:$0x2] =	wrdreg s3  }
0xa9: {  	[dreg:$0x3] =	wrdreg s5  }
0xaa: {  	[dreg:$0x4] =	wrdreg $0xC0  }
0xab: {  	_ =	task [dreg:s7], $0x5FFFF  }
0xac: {  	[dreg:$0x1] =	wrdreg $0xFFFFFFFF  }
0xad: {  	[dreg:$0x0] =	wrdreg $0x60  }
0xae: {  	[dreg:$0x2] =	wrdreg s2  }
0xaf: {  	[dreg:$0x3] =	wrdreg s24  }
0xb0: {  	[dreg:$0x4] =	wrdreg $0x7F000  }
0xb1: {  	[dreg:$0x5] =	wrdreg $0x9  }
0xb2: {  	_ =	task.clear_ibuf [dreg:s7], $0x6FFFF;
	_ =	strace $0x90000046  }
0xb3: {  	s29 =	simm.s32 $0x9;
	_ =	strace $0x80000048  }
0xb4: {  	_ =	swait.ge [sflag:s29], $0x1  }
0xb5: {  	[sflag:s29] =	ssyncadd.s32 $0xFFFFFFFF  }
0xb6: {  	_ =	strace $0x90000048  }
0xb7: {  	_ =	sfence  }
0xb8: {  	s30 =	sld [smem:$0x0];
	_ =	sdelay $0x2  }
0xb9: {  	s31 =	sshll.u32 s1, $0xD;
	s1 =	sshrl.u32 s1, $0x2  }
0xba: {  	s3 =	sand.u32 $0x4000, s31;
	s1 =	sadd.s32 s1, s30  }
0xbb: {  	s0 =	sor.u32 s3, s0;
	s1 =	sshll.u32 s1, $0x11  }
0xbc: {  	s0 =	sor.u32 s1, s0  }
0xbd: {  	s0 =	sadd.s32 $0x8F2B, s0  }
0xbe: {  	[sflag:s0] =	ssyncadd.remote.s32 $0x1  }
0xbf: {  	_ =	sfence.sel $0xFFFF  }
0xc0: {  	[dreg:$0x0] =	wrdreg $0xFFFFFFFF;
	(pc) =	sbr.abs _section_cstart, $3  }
0xc1: {  	[dreg:$0x1] =	wrdreg $0xFFFFFFFF  }
0xc2: {  	_ =	task.clear_ibuf [dreg:s7], $0x2FFFF;
	_ =	strace $0x9FFFFFFF  }
0xc3: {  	(tm) =	ssettm $0x7FFFFFFF  }
tec
execute0_lowered:
.L_overlay_start_1:
0x0: {  	(tag) =	ssettag $0x1  }
0x1: {  	s0 =	srdreg.scid;
	s2 =	rddreg [dreg:$0x1]  }
0x2: {  	s11 =	stileid.u32;
	s3 =	rddreg [dreg:$0x2]  }
0x3: {  	s4 =	simm.s32 $0x0;
	s10 =	simm.s32 $0x9;
	s14 =	simm.s32 $0x80  }
0x4: {  	s16 =	simm.s32 $0x180;
	s17 =	simm.s32 $0x200;
	s18 =	simm.s32 $0x280  }
0x5: {  	s19 =	simm.s32 $0x300;
	s20 =	simm.s32 $0x380;
	s21 =	simm.s32 $0x1  }
0x6: {  	s22 =	simm.s32 $0x2;
	s23 =	simm.s32 $0x3;
	s24 =	simm.s32 $0x4  }
0x7: {  	s25 =	simm.s32 $0x5;
	s28 =	simm.s32 $0x7;
	s29 =	simm.s32 $0x8  }
0x8: {  	s30 =	simm.s32 $0x3000;
	s31 =	simm.s32 $0x5780;
	s0 =	sand.u32 $0x1, s0  }
0x9: {  	s6 =	smul.u32 $0x2780, s11;
	[smem:$0x7FF] =	sst s4;
	s26 =	sshll.u32 s11, $0x6  }
0xa: {  	s1 =	sshll.u32 s0, $0x4;
	s5 =	smul.u32 $0x27800, s0;
	_ =	strace $0x80000047  }
0xb: {  	s0 =	ssub.s32 $0x2, s0;
	s12 =	sor.u32 $0x1C09, s26;
	s26 =	simm.s32 $0x6  }
0xc: {  	s1 =	sor.u32 s11, s1;
	s7 =	sshrl.u32 s6, $0x3;
	s8 =	sshrl.u32 s0, $0x1  }
0xd: {  	s11 =	simm.s32 $0x2800;
	s1 =	smul.u32 $0x500, s1;
	s5 =	sadd.s32 s6, s5  }
0xe: {  	s7 =	sadd.s32 s7, s2;
	s0 =	ssub.s32 s0, s8;
	s6 =	sadd.s32 s6, s3  }
0xf: {  	s5 =	sshrl.u32 s5, $0x3;
	s7 =	sadd.s32 $0x17E00, s7;
	s9 =	smax.u32 s0, $0x1  }
0x10: {  	s13 =	sshrl.u32 s6, $0x3;
	s1 =	sadd.s32 s1, s2;
	s2 =	sadd.s32 s5, s2  }
0x11: {  	s5 =	sadd.s32 $0x3E00, s1;
	s8 =	sadd.s32 $0x1CE00, s2;
	s2 =	simm.s32 $0x0  }
.LBB2_1:
0x12: {  	[tilespmem:s4], [sflag:$0x9] =	stream.linear.gather [hbm4b:s5+s4], $0x2800, $0x38;
	[tilespmem:$0xA680] =	vst v63  }
0x13: {  	_ =	swait.ge [sflag:s10], $0x2800  }
0x14: {  	[sflag:s10] =	ssyncset.done $0x0  }
0x15: {  	[sflag:s10] =	ssyncadd.s32 $0xFFFFD800  }
0x16: {  	s0 =	rddreg [dreg:$0x0]  }
0x17: {  	[tilespmem:s11], [sflag:$0x9] =	stream.linear.gather [hbm4b:s0+s4], $0x800, $0x38;
	[tilespmem:$0xA680] =	vst v63  }
0x18: {  	_ =	swait.ge [sflag:s10], $0x800  }
0x19: {  	[sflag:s10] =	ssyncset.done $0x0  }
0x1a: {  	[sflag:s10] =	ssyncadd.s32 $0xFFFFF800  }
0x1b: {  	[spmem:s13], [sflag:s12] =	dma.local [hbm:s7], $0x4F0  }
0x1c: {  	_ =	swait.ge [sflag:s10], $0x4F0  }
0x1d: {  	[sflag:s10] =	ssyncset.done $0x0  }
0x1e: {  	[sflag:s10] =	ssyncadd.s32 $0xFFFFFB10  }
0x1f: {  	[bflag:$0x0] =	sbarrier.arrive $0xFFFF  }
0x20: {  	[spmem:s3] =	stream.indirect.scatter.add.f32 [tilespmem:s11], [sflag:$0x1], $0x10, s4, s14, $0xb8;
	[tilespmem:$0xA680] =	vst v63  }
0x21: {  	_ = 	snop  }
0x22: {  	[spmem:s3] =	stream.indirect.scatter.add.f32 [tilespmem:s11], [sflag:$0x2], $0x10, s14, s14, $0xb8;
	[tilespmem:$0xA680] =	vst v63  }
0x23: {  	s1 =	simm.s32 $0x100  }
0x24: {  	[spmem:s3] =	stream.indirect.scatter.add.f32 [tilespmem:s11], [sflag:$0x3], $0x10, s1, s14, $0xb8;
	[tilespmem:$0xA680] =	vst v63  }
0x25: {  	_ = 	snop  }
0x26: {  	[spmem:s3] =	stream.indirect.scatter.add.f32 [tilespmem:s11], [sflag:$0x4], $0x10, s16, s14, $0xb8;
	[tilespmem:$0xA680] =	vst v63  }
0x27: {  	_ = 	snop  }
0x28: {  	[spmem:s3] =	stream.indirect.scatter.add.f32 [tilespmem:s11], [sflag:$0x5], $0x10, s17, s14, $0xb8;
	[tilespmem:$0xA680] =	vst v63  }
0x29: {  	_ = 	snop  }
0x2a: {  	[spmem:s3] =	stream.indirect.scatter.add.f32 [tilespmem:s11], [sflag:$0x6], $0x10, s18, s14, $0xb8;
	[tilespmem:$0xA680] =	vst v63  }
0x2b: {  	_ = 	snop  }
0x2c: {  	[spmem:s3] =	stream.indirect.scatter.add.f32 [tilespmem:s11], [sflag:$0x7], $0x10, s19, s14, $0xb8;
	[tilespmem:$0xA680] =	vst v63  }
0x2d: {  	_ = 	snop  }
0x2e: {  	[spmem:s3] =	stream.indirect.scatter.add.f32 [tilespmem:s11], [sflag:$0x8], $0x10, s20, s14, $0xb8;
	[tilespmem:$0xA680] =	vst v63  }
0x2f: {  	_ =	swait.ge [sflag:s21], $0x800  }
0x30: {  	[sflag:s21] =	ssyncset.done $0x0  }
0x31: {  	s15 =	simm.s32 $0x400;
	[sflag:s21] =	ssyncadd.s32 $0xFFFFF800  }
0x32: {  	[spmem:s3] =	stream.indirect.scatter.add.f32 [tilespmem:s11], [sflag:$0x1], $0x10, s15, s14, $0xb8;
	[tilespmem:$0xA680] =	vst v63  }
0x33: {  	_ =	swait.ge [sflag:s22], $0x800  }
0x34: {  	[sflag:s22] =	ssyncset.done $0x0  }
0x35: {  	s1 =	simm.s32 $0x480;
	[sflag:s22] =	ssyncadd.s32 $0xFFFFF800  }
0x36: {  	[spmem:s3] =	stream.indirect.scatter.add.f32 [tilespmem:s11], [sflag:$0x2], $0x10, s1, s14, $0xb8;
	[tilespmem:$0xA680] =	vst v63  }
0x37: {  	_ =	swait.ge [sflag:s23], $0x800  }
0x38: {  	[sflag:s23] =	ssyncset.done $0x0  }
0x39: {  	s15 =	simm.s32 $0x500;
	[sflag:s23] =	ssyncadd.s32 $0xFFFFF800  }
0x3a: {  	[spmem:s3] =	stream.indirect.scatter.add.f32 [tilespmem:s11], [sflag:$0x3], $0x10, s15, s14, $0xb8;
	[tilespmem:$0xA680] =	vst v63  }
0x3b: {  	_ =	swait.ge [sflag:s24], $0x800  }
0x3c: {  	[sflag:s24] =	ssyncset.done $0x0  }
0x3d: {  	s1 =	simm.s32 $0x580;
	[sflag:s24] =	ssyncadd.s32 $0xFFFFF800  }
0x3e: {  	[spmem:s3] =	stream.indirect.scatter.add.f32 [tilespmem:s11], [sflag:$0x4], $0x10, s1, s14, $0xb8;
	[tilespmem:$0xA680] =	vst v63  }
0x3f: {  	_ =	swait.ge [sflag:s25], $0x800  }
0x40: {  	[sflag:s25] =	ssyncset.done $0x0  }
0x41: {  	s15 =	simm.s32 $0x600;
	[sflag:s25] =	ssyncadd.s32 $0xFFFFF800  }
0x42: {  	[spmem:s3] =	stream.indirect.scatter.add.f32 [tilespmem:s11], [sflag:$0x5], $0x10, s15, s14, $0xb8;
	[tilespmem:$0xA680] =	vst v63  }
0x43: {  	_ =	swait.ge [sflag:s26], $0x800  }
0x44: {  	[sflag:s26] =	ssyncset.done $0x0  }
0x45: {  	s1 =	simm.s32 $0x680;
	[sflag:s26] =	ssyncadd.s32 $0xFFFFF800  }
0x46: {  	[spmem:s3] =	stream.indirect.scatter.add.f32 [tilespmem:s11], [sflag:$0x6], $0x10, s1, s14, $0xb8;
	[tilespmem:$0xA680] =	vst v63  }
0x47: {  	_ =	swait.ge [sflag:s28], $0x800  }
0x48: {  	[sflag:s28] =	ssyncset.done $0x0  }
0x49: {  	s15 =	simm.s32 $0x700;
	[sflag:s28] =	ssyncadd.s32 $0xFFFFF800  }
0x4a: {  	[spmem:s3] =	stream.indirect.scatter.add.f32 [tilespmem:s11], [sflag:$0x7], $0x10, s15, s14, $0xb8;
	[tilespmem:$0xA680] =	vst v63  }
0x4b: {  	_ =	swait.ge [sflag:s29], $0x800  }
0x4c: {  	[sflag:s29] =	ssyncset.done $0x0  }
0x4d: {  	s0 =	simm.s32 $0x1000;
	s1 =	simm.s32 $0x780;
	[sflag:s29] =	ssyncadd.s32 $0xFFFFF800  }
.LBB2_2:
0x4e: {  	[spmem:s3] =	stream.indirect.scatter.add.f32 [tilespmem:s11], [sflag:$0x8], $0x10, s1, s14, $0xb8;
	[tilespmem:$0xA680] =	vst v63  }
0x4f: {  	s1 =	smov.u32 s0  }
0x50: {  	p0 =	sne.s32 s0, $0x8000;
	s0 =	sadd.s32 $0x1000, s0;
	_ =	swait.ge [sflag:s21], $0x800  }
0x51: {  	s1 =	sshra.s32 s1, $0x2;
	[sflag:s21] =	ssyncset.done $0x0  }
0x52: {  	s15 =	sadd.s32 $0x400, s1;
	[sflag:s21] =	ssyncadd.s32 $0xFFFFF800  }
0x53: {  	[spmem:s3] =	stream.indirect.scatter.add.f32 [tilespmem:s11], [sflag:$0x1], $0x10, s15, s14, $0xb8;
	[tilespmem:$0xA680] =	vst v63  }
0x54: {  	_ =	swait.ge [sflag:s22], $0x800  }
0x55: {  	[sflag:s22] =	ssyncset.done $0x0  }
0x56: {  	s15 =	sadd.s32 $0x480, s1;
	[sflag:s22] =	ssyncadd.s32 $0xFFFFF800  }
0x57: {  	[spmem:s3] =	stream.indirect.scatter.add.f32 [tilespmem:s11], [sflag:$0x2], $0x10, s15, s14, $0xb8;
	[tilespmem:$0xA680] =	vst v63  }
0x58: {  	_ =	swait.ge [sflag:s23], $0x800  }
0x59: {  	[sflag:s23] =	ssyncset.done $0x0  }
0x5a: {  	s15 =	sadd.s32 $0x500, s1;
	[sflag:s23] =	ssyncadd.s32 $0xFFFFF800  }
0x5b: {  	[spmem:s3] =	stream.indirect.scatter.add.f32 [tilespmem:s11], [sflag:$0x3], $0x10, s15, s14, $0xb8;
	[tilespmem:$0xA680] =	vst v63  }
0x5c: {  	_ =	swait.ge [sflag:s24], $0x800  }
0x5d: {  	[sflag:s24] =	ssyncset.done $0x0  }
0x5e: {  	s15 =	sadd.s32 $0x580, s1;
	[sflag:s24] =	ssyncadd.s32 $0xFFFFF800  }
0x5f: {  	[spmem:s3] =	stream.indirect.scatter.add.f32 [tilespmem:s11], [sflag:$0x4], $0x10, s15, s14, $0xb8;
	[tilespmem:$0xA680] =	vst v63  }
0x60: {  	_ =	swait.ge [sflag:s25], $0x800  }
0x61: {  	[sflag:s25] =	ssyncset.done $0x0  }
0x62: {  	s15 =	sadd.s32 $0x600, s1;
	[sflag:s25] =	ssyncadd.s32 $0xFFFFF800  }
0x63: {  	[spmem:s3] =	stream.indirect.scatter.add.f32 [tilespmem:s11], [sflag:$0x5], $0x10, s15, s14, $0xb8;
	[tilespmem:$0xA680] =	vst v63  }
0x64: {  	_ =	swait.ge [sflag:s26], $0x800  }
0x65: {  	[sflag:s26] =	ssyncset.done $0x0  }
0x66: {  	s15 =	sadd.s32 $0x680, s1;
	[sflag:s26] =	ssyncadd.s32 $0xFFFFF800  }
0x67: {  	[spmem:s3] =	stream.indirect.scatter.add.f32 [tilespmem:s11], [sflag:$0x6], $0x10, s15, s14, $0xb8;
	[tilespmem:$0xA680] =	vst v63  }
0x68: {  	_ =	swait.ge [sflag:s28], $0x800  }
0x69: {  	[sflag:s28] =	ssyncset.done $0x0  }
.Ltmp0:
0x6a: {  	s15 =	sadd.s32 $0x700, s1;
	[sflag:s28] =	ssyncadd.s32 $0xFFFFF800;
	(pc) =	sbr.rel @p0 .LBB2_2-.Ltmp0, $4  }
0x6b: {  	[spmem:s3] =	stream.indirect.scatter.add.f32 [tilespmem:s11], [sflag:$0x7], $0x10, s15, s14, $0xb8;
	[tilespmem:$0xA680] =	vst v63  }
0x6c: {  	_ =	swait.ge [sflag:s29], $0x800  }
0x6d: {  	[sflag:s29] =	ssyncset.done $0x0  }
0x6e: {  	s1 =	sadd.s32 $0x780, s1;
	[sflag:s29] =	ssyncadd.s32 $0xFFFFF800  }
0x6f: {  	[spmem:s3] =	stream.indirect.scatter.add.f32 [tilespmem:s11], [sflag:$0x8], $0x10, s1, s14, $0xb8;
	[tilespmem:$0xA680] =	vst v63  }
0x70: {  	_ =	swait.ge [sflag:s21], $0x800  }
0x71: {  	[sflag:s21] =	ssyncset.done $0x0  }
0x72: {  	[sflag:s21] =	ssyncadd.s32 $0xFFFFF800  }
0x73: {  	_ =	swait.ge [sflag:s22], $0x800  }
0x74: {  	[sflag:s22] =	ssyncset.done $0x0  }
0x75: {  	[sflag:s22] =	ssyncadd.s32 $0xFFFFF800  }
0x76: {  	_ =	swait.ge [sflag:s23], $0x800  }
0x77: {  	[sflag:s23] =	ssyncset.done $0x0  }
0x78: {  	[sflag:s23] =	ssyncadd.s32 $0xFFFFF800  }
0x79: {  	_ =	swait.ge [sflag:s24], $0x800  }
0x7a: {  	[sflag:s24] =	ssyncset.done $0x0  }
0x7b: {  	[sflag:s24] =	ssyncadd.s32 $0xFFFFF800  }
0x7c: {  	_ =	swait.ge [sflag:s25], $0x800  }
0x7d: {  	[sflag:s25] =	ssyncset.done $0x0  }
0x7e: {  	[sflag:s25] =	ssyncadd.s32 $0xFFFFF800  }
0x7f: {  	_ =	swait.ge [sflag:s26], $0x800  }
0x80: {  	[sflag:s26] =	ssyncset.done $0x0  }
0x81: {  	[sflag:s26] =	ssyncadd.s32 $0xFFFFF800  }
0x82: {  	_ =	swait.ge [sflag:s28], $0x800  }
0x83: {  	[sflag:s28] =	ssyncset.done $0x0  }
0x84: {  	[sflag:s28] =	ssyncadd.s32 $0xFFFFF800  }
0x85: {  	_ =	swait.ge [sflag:s29], $0x800  }
0x86: {  	[sflag:s29] =	ssyncset.done $0x0  }
0x87: {  	[sflag:s29] =	ssyncadd.s32 $0xFFFFF800  }
0x88: {  	[bflag:$0x0] =	sbarrier.arrive $0xFFFF  }
0x89: {  	[tilespmem:s30], [sflag:$0x9] =	stream.linear.gather [spmem:s6], $0x2780, $0x38;
	[tilespmem:$0xA680] =	vst v63  }
0x8a: {  	_ =	swait.ge [sflag:s10], $0x2780  }
0x8b: {  	[sflag:s10] =	ssyncset.done $0x0  }
0x8c: {  	s0 =	simm.s32 $0x0;
	[sflag:s10] =	ssyncadd.s32 $0xFFFFD880  }
0x8d: {  	v3 =	vld [tilespmem:s0+$0x3070]  }
0x8e: {  	v4 =	vld [tilespmem:s0+$0x3000]  }
0x8f: {  	v5 =	vld [tilespmem:s0+$0x3010]  }
0x90: {  	v2 =	vld [tilespmem:s0+$0x3020]  }
0x91: {  	v0 =	vld [tilespmem:s0+$0x3030]  }
0x92: {  	v1 =	vld [tilespmem:s0+$0x3040];
	[tilespmem:s0+$0x57F0] =	vst v3  }
0x93: {  	[tilespmem:s0+$0x5780] =	vst v4;
	v3 =	vld [tilespmem:s0+$0x3050]  }
0x94: {  	s1 =	simm.s32 $0x80;
	s15 =	simm.s32 $0x400;
	[tilespmem:s0+$0x5790] =	vst v5;
	v4 =	vld [tilespmem:s0+$0x3060]  }
.LBB2_4:
0x95: {  	p0 =	sne.s32 s15, $0x9C00;
	v5 =	vld [tilespmem:s1+$0x3070];
	[tilespmem:s0+$0x57A0] =	vst v2  }
0x96: {  	v6 =	vld [tilespmem:s1+$0x3000];
	[tilespmem:s0+$0x57B0] =	vst v0  }
0x97: {  	v7 =	vld [tilespmem:s1+$0x3010];
	[tilespmem:s0+$0x57C0] =	vst v1  }
.Ltmp1:
0x98: {  	v2 =	vld [tilespmem:s1+$0x3020];
	[tilespmem:s0+$0x57D0] =	vst v3;
	(pc) =	sbr.rel @p0 .LBB2_4-.Ltmp1, $4  }
0x99: {  	v0 =	vld [tilespmem:s1+$0x3030];
	[tilespmem:s0+$0x57E0] =	vst v4;
	s0 =	smov.u32 s1  }
0x9a: {  	v1 =	vld [tilespmem:s0+$0x3040];
	[tilespmem:s0+$0x57F0] =	vst v5  }
0x9b: {  	[tilespmem:s0+$0x5780] =	vst v6;
	v3 =	vld [tilespmem:s0+$0x3050]  }
0x9c: {  	s1 =	sshra.s32 s15, $0x2;
	s15 =	sadd.s32 $0x200, s15;
	[tilespmem:s0+$0x5790] =	vst v7;
	v4 =	vld [tilespmem:s0+$0x3060]  }
0x9d: {  	v5 =	vld [tilespmem:s1+$0x3070];
	[tilespmem:s0+$0x57A0] =	vst v2  }
0x9e: {  	v2 =	vld [tilespmem:s1+$0x3000];
	[tilespmem:s0+$0x57B0] =	vst v0  }
0x9f: {  	v0 =	vld [tilespmem:s1+$0x3010];
	[tilespmem:s0+$0x57C0] =	vst v1  }
0xa0: {  	v1 =	vld [tilespmem:s1+$0x3020];
	[tilespmem:s0+$0x57D0] =	vst v3  }
0xa1: {  	v3 =	vld [tilespmem:s1+$0x3030];
	[tilespmem:s0+$0x57E0] =	vst v4  }
0xa2: {  	v4 =	vld [tilespmem:s1+$0x3040];
	[tilespmem:s1+$0x57F0] =	vst v5  }
0xa3: {  	v62 =	vld [tilespmem:s1+$0x3050];
	[tilespmem:s1+$0x5780] =	vst v2  }
0xa4: {  	v63 =	vld [tilespmem:s1+$0x3060];
	[tilespmem:s1+$0x5790] =	vst v0  }
0xa5: {  	[tilespmem:s1+$0x57A0] =	vst v1  }
0xa6: {  	[tilespmem:s1+$0x57B0] =	vst v3  }
0xa7: {  	s2 =	sadd.s32 $0x1, s2;
	[tilespmem:s1+$0x57C0] =	vst v4  }
0xa8: {  	p0 =	sne.s32 s2, s9;
	[tilespmem:s1+$0x57D0] =	vst v62  }
.Ltmp2:
0xa9: {  	[tilespmem:s1+$0x57E0] =	vst v63;
	(pc) =	sbr.rel @p0 .LBB2_1-.Ltmp2, $4  }
0xaa: {  	[hbm4b:s8+s4] =	stream.linear.scatter [tilespmem:s31], [sflag:$0x9], $0x2780, $0x38;
	[tilespmem:$0xA680] =	vst v63  }
0xab: {  	_ =	swait.ge [sflag:s10], $0x2780  }
0xac: {  	[sflag:s10] =	ssyncset.done $0x0  }
0xad: {  	[sflag:s10] =	ssyncadd.s32 $0xFFFFD880  }
0xae: {  	_ =	sfence.sel $0x180000  }
0xaf: {  	[bflag:$0x0] =	sbarrier.arrive $0xFFFF  }
0xb0: {  	_ =	strace $0x90000047  }
0xb1: {  	s0 =	stileid.u32;
	[bflag:$0x2] =	sbarrier.arrive $0xFFFF  }
0xb2: {  	p0 =	sne.s32 s0, $0x0;
	s0 =	rddreg [dreg:$0x3]  }
0xb3: {  	s0 =	sadd.s32 @!p0 $0x100000, s0  }
0xb4: {  	[sflag:s0] =	ssyncadd.tile.s32 @!p0 $0x1;
	_ =	shalt  }
.Lfunc_end2:
_tile_overlayer_lowered:
.L_overlay_start_2:
0xb5: {  	(tag) =	ssettag $0x2  }
0xb6: {  	s0 =	rddreg [dreg:$0x0];
	s2 =	stileid.u32  }
0xb7: {  	s1 =	rddreg [dreg:$0x1];
	p0 =	sne.s32 s2, $0x0  }
0xb8: {  	s3 =	rddreg [dreg:$0x2];
	[bflag:$0x3] =	sbarrier.arrive $0xFFFF;
	s2 =	simm.s32 @!p0 $0x1C09  }
0xb9: {  	[timem:s3], [sflag:s2] =	dma.local @!p0 [hbm:s0], s1  }
0xba: {  	s0 =	simm.s32 @!p0 $0x9  }
0xbb: {  	_ =	swait.ge @!p0 [sflag:s0], s1  }
0xbc: {  	s1 =	ssub.s32 @!p0 $0x0, s1;
	[sflag:s0] =	ssyncset.done @!p0 $0x0  }
0xbd: {  	[sflag:s0] =	ssyncadd.s32 @!p0 s1  }
0xbe: {  	[bflag:$0x3] =	sbarrier.arrive $0xFFFF  }
0xbf: {  	_ =	shalt  }

// kernel: kernel.13.cloned.1.call-start
scs
__scs_entry_jumppad:
0x0: {  	(pc) =	sbr.rel $0x88, $3  }
0x1: {  	(tag) =	ssettag $0x0;
	lr =	simm.s32 $0x1  }
0x2: {  	[smem:$0x3F9B] =	sst lr;
	_ =	strace $0xD0000000  }
0x3: {  	_ = 	snop  }
0x4: {  	_ = 	snop  }
0x5: {  	_ = 	snop  }
0x6: {  	_ = 	snop  }
0x7: {  	_ = 	snop  }
__scs_overlays_trampoline_lowered:
0x8: {  	[smem:$0x3FAA] =	sst s0  }
0x9: {  	[smem:$0x3FAB] =	sst s1  }
0xa: {  	[smem:$0x3FAC] =	sst s2  }
0xb: {  	[smem:$0x3FAD] =	sst s3  }
0xc: {  	[smem:$0x3FAE] =	sst s4  }
0xd: {  	[smem:$0x3FAF] =	sst s5  }
0xe: {  	[smem:$0x3FB0] =	sst s6  }
0xf: {  	[smem:$0x3FB1] =	sst s7  }
0x10: {  	[smem:$0x3FB2] =	sst s8  }
0x11: {  	[smem:$0x3FB3] =	sst s9;
	s0 =	simm.s32 @!p0 $0x0  }
0x12: {  	s1 =	sld [smem:$0x3F99];
	s0 =	simm.s32 @p0 $0x1  }
0x13: {  	[smem:$0x3FB4] =	sst s0;
	s0 =	simm.s32 @!p1 $0x0  }
0x14: {  	s2 =	sld [smem:$0x3F98];
	s0 =	simm.s32 @p1 $0x1  }
0x15: {  	[smem:$0x3FB5] =	sst s0;
	s0 =	simm.s32 @!p2 $0x0  }
0x16: {  	s3 =	sld [smem:$0x3FDB];
	s0 =	simm.s32 @p2 $0x1  }
0x17: {  	s4 =	simm.s32 $0x1BF5;
	[smem:$0x3FB7] =	sst s0  }
0x18: {  	s0 =	sld [smem:$0x3F9A];
	_ =	swait.ge [sflag:s4], $0x0  }
0x19: {  	s7 =	sld [smem:$0x3F9B]  }
0x1a: {  	s8 =	sadd.s32 $0xFFFFE003, lr  }
0x1b: {  	s9 =	sadd.s32 $0xFFFFFEF7, lr;
	s5 =	simm.s32 $0xFFFFFFFF;
	p2 =	slt.u32 s8, $0xFFFFF086  }
0x1c: {  	p1 =	slt.u32 s9, $0xF7A;
	s5 =	simm.s32 @!p2 $0x0  }
0x1d: {  	s5 =	simm.s32 @p1 $0x1;
	p0 =	seq.s32 s7, s2  }
0x1e: {  	s7 =	smul.u32 @!p0 $0xF7A, s2;
	p2 =	seq.s32 @!p0 s5, $0x0  }
0x1f: {  	s9 =	smul.u32 $0xF7A, s1;
	s8 =	simm.s32 @!p0 $0x1BF5;
	p2 =	por !p2, p0  }
0x20: {  	[sflag:s8] =	ssyncset.s32 @!p0 $0xFFFFF086;
	s6 =	sadd.s32 @!p0 s3, s7;
	s7 =	simm.s32 @!p0 $0x108  }
0x21: {  	s3 =	sadd.s32 s3, s9;
	s6 =	sadd.s32 @!p0 $0x88, s6;
	s7 =	simm.s32 @p2 $0x1082  }
0x22: {  	[simem:s7], [sflag:s8] =	dma.local @!p0 [hbm:s6], $0xF7A  }
0x23: {  	s9 =	sor.u32 $0xD0000000, s2;
	s6 =	simm.s32 $0x108;
	_ =	swait.ge @!p0 [sflag:s8], $0x0  }
0x24: {  	s3 =	sadd.s32 $0x88, s3;
	s6 =	simm.s32 @!p1 $0x1082;
	[sflag:s4] =	ssyncset.s32 $0xFFFFF086  }
0x25: {  	[simem:s6], [sflag:s4] =	dma.local [hbm:s3], $0xF7A  }
0x26: {  	[smem:$0x3F9B] =	sst s1;
	(tag) =	ssettag s2;
	_ =	strace s9  }
0x27: {  	s1 =	sld [smem:$0x3FAB]  }
0x28: {  	s2 =	sld [smem:$0x3FAC]  }
0x29: {  	s4 =	sld [smem:$0x3FAE]  }
0x2a: {  	p0 =	seq.s32 s5, $0x0;
	s5 =	sld [smem:$0x3FAF]  }
0x2b: {  	s6 =	sld [smem:$0x3FB0]  }
0x2c: {  	s7 =	sld [smem:$0x3FB1]  }
0x2d: {  	s3 =	simm.s32 $0x108;
	s8 =	sld [smem:$0x3FB2]  }
0x2e: {  	s3 =	simm.s32 @!p0 $0x1082;
	s9 =	sld [smem:$0x3FB3]  }
0x2f: {  	lr =	sadd.s32 s0, s3;
	s0 =	sld [smem:$0x3FAA]  }
0x30: {  	s3 =	sld [smem:$0x3FAD]  }
0x31: {  	[smem:$0x3FB6] =	sst s10  }
0x32: {  	s10 =	sld [smem:$0x3FB4];
	_ =	sdelay $0x3  }
0x33: {  	p0 =	seq.s32 s10, $0x1;
	s10 =	sld [smem:$0x3FB6];
	_ =	sdelay $0x3  }
0x34: {  	[smem:$0x3FB6] =	sst s10  }
0x35: {  	s10 =	sld [smem:$0x3FB5];
	_ =	sdelay $0x3  }
0x36: {  	p1 =	seq.s32 s10, $0x1;
	s10 =	sld [smem:$0x3FB6];
	_ =	sdelay $0x3  }
0x37: {  	[smem:$0x3FB6] =	sst s10  }
0x38: {  	s10 =	sld [smem:$0x3FB7]  }
0x39: {  	_ = 	snop;
	(pc) =	sbr.ind lr, $3  }
0x3a: {  	_ = 	snop  }
0x3b: {  	_ = 	snop  }
0x3c: {  	p2 =	seq.s32 s10, $0x1;
	s10 =	sld [smem:$0x3FB6]  }
0x3d: {  	_ =	shalt  }
0x3e: {  	_ =	shalt  }
0x3f: {  	_ =	shalt  }
0x40: {  	_ =	shalt  }
0x41: {  	_ =	shalt  }
0x42: {  	_ =	shalt  }
0x43: {  	_ =	shalt  }
0x44: {  	_ =	shalt  }
0x45: {  	_ =	shalt  }
0x46: {  	_ =	shalt  }
0x47: {  	_ =	shalt  }
0x48: {  	_ =	shalt  }
0x49: {  	_ =	shalt  }
0x4a: {  	_ =	shalt  }
0x4b: {  	_ =	shalt  }
0x4c: {  	_ =	shalt  }
0x4d: {  	_ =	shalt  }
0x4e: {  	_ =	shalt  }
0x4f: {  	_ =	shalt  }
0x50: {  	_ =	shalt  }
0x51: {  	_ =	shalt  }
0x52: {  	_ =	shalt  }
0x53: {  	_ =	shalt  }
0x54: {  	_ =	shalt  }
0x55: {  	_ =	shalt  }
0x56: {  	_ =	shalt  }
0x57: {  	_ =	shalt  }
0x58: {  	_ =	shalt  }
0x59: {  	_ =	shalt  }
0x5a: {  	_ =	shalt  }
0x5b: {  	_ =	shalt  }
0x5c: {  	_ =	shalt  }
0x5d: {  	_ =	shalt  }
0x5e: {  	_ =	shalt  }
0x5f: {  	_ =	shalt  }
0x60: {  	_ =	shalt  }
0x61: {  	_ =	shalt  }
0x62: {  	_ =	shalt  }
0x63: {  	_ =	shalt  }
0x64: {  	_ =	shalt  }
0x65: {  	_ =	shalt  }
0x66: {  	_ =	shalt  }
0x67: {  	_ =	shalt  }
0x68: {  	_ =	shalt  }
0x69: {  	_ =	shalt  }
0x6a: {  	_ =	shalt  }
0x6b: {  	_ =	shalt  }
0x6c: {  	_ =	shalt  }
0x6d: {  	_ =	shalt  }
0x6e: {  	_ =	shalt  }
0x6f: {  	_ =	shalt  }
0x70: {  	_ =	shalt  }
0x71: {  	_ =	shalt  }
0x72: {  	_ =	shalt  }
0x73: {  	_ =	shalt  }
0x74: {  	_ =	shalt  }
0x75: {  	_ =	shalt  }
0x76: {  	_ =	shalt  }
0x77: {  	_ =	shalt  }
0x78: {  	_ =	shalt  }
0x79: {  	_ =	shalt  }
0x7a: {  	_ =	shalt  }
0x7b: {  	_ =	shalt  }
0x7c: {  	_ =	shalt  }
0x7d: {  	_ =	shalt  }
0x7e: {  	_ =	shalt  }
0x7f: {  	_ =	shalt  }
0x80: {  	_ =	shalt  }
0x81: {  	_ =	shalt  }
0x82: {  	_ =	shalt  }
0x83: {  	_ =	shalt  }
0x84: {  	_ =	shalt  }
0x85: {  	_ =	shalt  }
0x86: {  	_ =	shalt  }
0x87: {  	_ =	shalt  }
.Lfunc_end0:
.L_simem_size_0:
called_computation.1_lowered:
.L_overlay_start_0:
0x88: {  	s2 =	sld [smem:$0x3FD9]  }
0x89: {  	s3 =	sld [smem:$0x3FFE];
	_ =	sdelay $0x1  }
0x8a: {  	s1 =	srdreg.scid  }
0x8b: {  	s0 =	sand.u32 $0x1, s1  }
0x8c: {  	s16 =	sshll.u32 s0, $0xA;
	s2 =	sadd.s32 s3, s2  }
0x8d: {  	s2 =	sadd.s32 s2, s16  }
0x8e: {  	[smem:$0x3FC2] =	sst s2  }
0x8f: {  	_ = 	snop  }
0x90: {  	(tm) =	ssettm $0x1  }
0x91: {  	s17 =	sld [smem:$0x3FFB];
	_ =	sdelay $0x3  }
0x92: {  	_ =	strace s17  }
0x93: {  	s2 =	sld [smem:$0x3FFC];
	_ =	sdelay $0x3  }
0x94: {  	_ =	strace s2  }
0x95: {  	s2 =	sld [smem:$0x3FFD];
	_ =	sdelay $0x3  }
0x96: {  	_ =	strace s2  }
0x97: {  	_ =	strace $0x8FFFFFFF  }
0x98: {  	s18 =	sld [smem:$0x3FDB];
	_ =	sdelay $0x1  }
0x99: {  	s19 =	simm.s32 $_scs_section_size  }
0x9a: {  	s4 =	simm.s32 $_size__tile_overlayer_lowered;
	s5 =	simm.s32 $_tile_overlayer_lowered  }
0x9b: {  	s22 =	simm.s32 $0x1BFF;
	s21 =	sshll.u32 s5, $0x1;
	s2 =	sadd.s32 s19, s18  }
0x9c: {  	s6 =	simm.s32 $0x0;
	s20 =	sshll.u32 s4, $0x1;
	s4 =	sadd.s32 s21, s2  }
0x9d: {  	[timem:s6], [sflag:s22] =	dma.local [hbm:s4], s20  }
0x9e: {  	_ =	swait.ge [sflag:s22], s20  }
0x9f: {  	s3 =	ssub.s32 $0x0, s20;
	[sflag:s22] =	ssyncset.done $0x0  }
0xa0: {  	[sflag:s22] =	ssyncadd.s32 s3;
	_ =	sdelay $0x1  }
0xa1: {  	s23 =	simm.s32 $0x1B8B  }
0xa2: {  	_ =	swait.ge [sflag:s23], $0x1  }
0xa3: {  	[sflag:s23] =	ssyncset.done $0x0  }
0xa4: {  	s25 =	simm.s32 $0x1B8E;
	s24 =	sld [smem:$0x3FFE];
	[sflag:s23] =	ssyncadd.s32 $0xFFFFFFFF  }
0xa5: {  	s26 =	simm.s32 $execute0_lowered;
	[smem:$0x3FD2] =	sst s25  }
0xa6: {  	s4 =	sshll.u32 s26, $0x1;
	_ =	strace $0x80000049;
	[dreg:$0x1] =	wrdreg $0xFFFFFFFF  }
0xa7: {  	s28 =	simm.s32 $_size_execute0_lowered;
	s2 =	sadd.s32 s2, s4;
	[dreg:$0x0] =	wrdreg $0x0  }
0xa8: {  	s4 =	sshll.u32 s28, $0x1;
	[dreg:$0x2] =	wrdreg s2  }
0xa9: {  	[dreg:$0x3] =	wrdreg s4  }
0xaa: {  	[dreg:$0x4] =	wrdreg $0xC0  }
0xab: {  	_ =	task [dreg:s6], $0x5FFFF  }
0xac: {  	[dreg:$0x1] =	wrdreg $0xFFFFFFFF  }
0xad: {  	[dreg:$0x0] =	wrdreg $0x60  }
0xae: {  	[dreg:$0x2] =	wrdreg s24  }
0xaf: {  	[dreg:$0x3] =	wrdreg $0xDF000  }
0xb0: {  	[dreg:$0x4] =	wrdreg $0x9  }
0xb1: {  	_ =	task.clear_ibuf [dreg:s6], $0x5FFFF;
	_ =	strace $0x90000049  }
0xb2: {  	s29 =	simm.s32 $0x9;
	_ =	strace $0x8000004B  }
0xb3: {  	_ =	swait.ge [sflag:s29], $0x1  }
0xb4: {  	[sflag:s29] =	ssyncadd.s32 $0xFFFFFFFF  }
0xb5: {  	_ =	strace $0x9000004B  }
0xb6: {  	_ =	sfence  }
0xb7: {  	s30 =	sld [smem:$0x0];
	_ =	sdelay $0x2  }
0xb8: {  	s31 =	sshll.u32 s1, $0xD;
	s1 =	sshrl.u32 s1, $0x2  }
0xb9: {  	s3 =	sand.u32 $0x4000, s31;
	s1 =	sadd.s32 s1, s30  }
0xba: {  	s0 =	sor.u32 s3, s0;
	s1 =	sshll.u32 s1, $0x11  }
0xbb: {  	s0 =	sor.u32 s1, s0  }
0xbc: {  	s0 =	sadd.s32 $0x8F2B, s0  }
0xbd: {  	[sflag:s0] =	ssyncadd.remote.s32 $0x1  }
0xbe: {  	_ =	sfence.sel $0xFFFF  }
0xbf: {  	[dreg:$0x0] =	wrdreg $0xFFFFFFFF;
	(pc) =	sbr.abs _section_cstart, $3  }
0xc0: {  	[dreg:$0x1] =	wrdreg $0xFFFFFFFF  }
0xc1: {  	_ =	task.clear_ibuf [dreg:s6], $0x2FFFF;
	_ =	strace $0x9FFFFFFF  }
0xc2: {  	(tm) =	ssettm $0x7FFFFFFF  }
0xc3: {  	_ =	shalt  }
tec
execute0_lowered:
.L_overlay_start_1:
0x0: {  	(tag) =	ssettag $0x1  }
0x1: {  	s0 =	srdreg.scid;
	s3 =	rddreg [dreg:$0x0]  }
0x2: {  	s11 =	stileid.u32;
	s2 =	rddreg [dreg:$0x1]  }
0x3: {  	s13 =	simm.s32 $0x0;
	s18 =	simm.s32 $0x12;
	s29 =	simm.s32 $0x7000  }
0x4: {  	s31 =	simm.s32 $0x7800;
	s28 =	simm.s32 $0x2;
	s30 =	simm.s32 $0x3  }
0x5: {  	s14 =	simm.s32 $0x5;
	s15 =	simm.s32 $0xB;
	s16 =	simm.s32 $0xC  }
0x6: {  	s12 =	simm.s32 $0xE;
	s17 =	simm.s32 $0xF;
	s0 =	sand.u32 $0x1, s0  }
0x7: {  	s4 =	smul.u32 $0x2780, s11;
	[smem:$0x7FF] =	sst s13;
	s25 =	sshll.u32 s11, $0x6  }
0x8: {  	s1 =	sshll.u32 s0, $0x4;
	s5 =	smul.u32 $0x27800, s0;
	_ =	strace $0x8000004A  }
0x9: {  	s0 =	ssub.s32 $0x2, s0;
	s1 =	sor.u32 s11, s1;
	s6 =	sshrl.u32 s4, $0x3  }
0xa: {  	s8 =	sshrl.u32 s0, $0x1;
	s11 =	simm.s32 $0xD;
	s1 =	smul.u32 $0x500, s1  }
0xb: {  	s7 =	sadd.s32 s4, s5;
	s6 =	sadd.s32 s6, s3;
	s0 =	ssub.s32 s0, s8  }
0xc: {  	s4 =	sadd.s32 s4, s2;
	s22 =	sshrl.u32 s5, $0x3;
	s5 =	simm.s32 $0x7  }
0xd: {  	s8 =	simm.s32 $0x0;
	s7 =	sshrl.u32 s7, $0x3;
	s20 =	sadd.s32 $0x1CE00, s6  }
0xe: {  	s23 =	sadd.s32 $0x17E00, s6;
	s0 =	smax.u32 s0, $0x1;
	[dreg:$0x7] =	wrdreg s4  }
0xf: {  	s26 =	sshrl.u32 s4, $0x3;
	s4 =	simm.s32 $0x6;
	[dreg:$0x5] =	wrdreg s20  }
0x10: {  	s6 =	simm.s32 $0x8;
	s1 =	sadd.s32 s1, s3;
	[dreg:$0x8] =	wrdreg s23  }
0x11: {  	s9 =	sadd.s32 s7, s3;
	s3 =	sadd.s32 $0x21E00, s3;
	[dreg:$0xa] =	wrdreg s0  }
0x12: {  	s0 =	sor.u32 $0x1C12, s25;
	[dreg:$0xc] =	wrdreg s26;
	s20 =	simm.s32 $0x80  }
0x13: {  	s26 =	simm.s32 $0x6800;
	s23 =	simm.s32 $0x8800;
	s25 =	simm.s32 $0x1  }
0x14: {  	s19 =	sadd.s32 $0xDE00, s1;
	s1 =	sadd.s32 $0x3E00, s1;
	[dreg:$0xb] =	wrdreg s0  }
0x15: {  	s21 =	sadd.s32 s3, s7;
	s10 =	sadd.s32 s3, s22;
	[dreg:$0x3] =	wrdreg s19  }
0x16: {  	s24 =	sadd.s32 $0x2BC00, s9;
	s22 =	simm.s32 $0x5800;
	[dreg:$0x4] =	wrdreg s1  }
0x17: {  	s0 =	simm.s32 $0x8000;
	s7 =	simm.s32 $0x9;
	[dreg:$0x6] =	wrdreg s21  }
0x18: {  	s9 =	simm.s32 $0xA;
	[dreg:$0x9] =	wrdreg s24;
	s19 =	simm.s32 $0xB780  }
0x19: {  	s21 =	simm.s32 $0x5000;
	s24 =	simm.s32 $0x6000;
	s1 =	simm.s32 $0x4  }
.LBB2_1:
0x1a: {  	[dreg:$0xd] =	wrdreg s8  }
0x1b: {  	s3 =	rddreg [dreg:$0x3]  }
0x1c: {  	[tilespmem:s13], [sflag:$0x12] =	stream.linear.gather [hbm4b:s3+s13], $0x2800, $0x38;
	[tilespmem:$0x10680] =	vst v63  }
0x1d: {  	_ =	swait.ge [sflag:s18], $0x2800  }
0x1e: {  	[sflag:s18] =	ssyncset.done $0x0  }
0x1f: {  	s8 =	simm.s32 $0x2800;
	s3 =	rddreg [dreg:$0x4];
	[sflag:s18] =	ssyncadd.s32 $0xFFFFD800  }
0x20: {  	[tilespmem:s8], [sflag:$0x12] =	stream.linear.gather [hbm4b:s3+s13], $0x2800, $0x38;
	[tilespmem:$0x10680] =	vst v63  }
0x21: {  	_ =	swait.ge [sflag:s18], $0x2800  }
0x22: {  	[sflag:s18] =	ssyncset.done $0x0  }
0x23: {  	s8 =	rddreg [dreg:$0x5];
	[sflag:s18] =	ssyncadd.s32 $0xFFFFD800  }
0x24: {  	[tilespmem:s19], [sflag:$0x12] =	stream.linear.gather [hbm4b:s8+s13], $0x2780, $0x38;
	[tilespmem:$0x10680] =	vst v63  }
0x25: {  	_ =	swait.ge [sflag:s18], $0x2780  }
0x26: {  	[sflag:s18] =	ssyncset.done $0x0  }
0x27: {  	s8 =	simm.s32 $0x0;
	[sflag:s18] =	ssyncadd.s32 $0xFFFFD880  }
0x28: {  	v3 =	vld [tilespmem:s8+$0xB7F0]  }
0x29: {  	v4 =	vld [tilespmem:s8+$0xB780]  }
0x2a: {  	v5 =	vld [tilespmem:s8+$0xB790]  }
0x2b: {  	v2 =	vld [tilespmem:s8+$0xB7A0]  }
0x2c: {  	v0 =	vld [tilespmem:s8+$0xB7B0]  }
0x2d: {  	v1 =	vld [tilespmem:s8+$0xB7C0];
	[tilespmem:s8+$0x9070] =	vst v3  }
0x2e: {  	[tilespmem:s8+$0x9000] =	vst v4;
	v3 =	vld [tilespmem:s8+$0xB7D0]  }
0x2f: {  	s3 =	simm.s32 $0x400;
	s19 =	simm.s32 $0x80;
	[tilespmem:s8+$0x9010] =	vst v5;
	v4 =	vld [tilespmem:s8+$0xB7E0]  }
.LBB2_2:
0x30: {  	p0 =	sne.s32 s3, $0x9C00;
	v5 =	vld [tilespmem:s19+$0xB7F0];
	[tilespmem:s8+$0x9020] =	vst v2  }
0x31: {  	v6 =	vld [tilespmem:s19+$0xB780];
	[tilespmem:s8+$0x9030] =	vst v0  }
0x32: {  	v7 =	vld [tilespmem:s19+$0xB790];
	[tilespmem:s8+$0x9040] =	vst v1  }
.Ltmp0:
0x33: {  	v2 =	vld [tilespmem:s19+$0xB7A0];
	[tilespmem:s8+$0x9050] =	vst v3;
	(pc) =	sbr.rel @p0 .LBB2_2-.Ltmp0, $4  }
0x34: {  	v0 =	vld [tilespmem:s19+$0xB7B0];
	[tilespmem:s8+$0x9060] =	vst v4;
	s8 =	smov.u32 s19  }
0x35: {  	v1 =	vld [tilespmem:s8+$0xB7C0];
	[tilespmem:s8+$0x9070] =	vst v5  }
0x36: {  	[tilespmem:s8+$0x9000] =	vst v6;
	v3 =	vld [tilespmem:s8+$0xB7D0]  }
0x37: {  	s19 =	sshra.s32 s3, $0x2;
	s3 =	sadd.s32 $0x200, s3;
	[tilespmem:s8+$0x9010] =	vst v7;
	v4 =	vld [tilespmem:s8+$0xB7E0]  }
0x38: {  	v5 =	vld [tilespmem:s19+$0xB7F0];
	[tilespmem:s8+$0x9020] =	vst v2  }
0x39: {  	v2 =	vld [tilespmem:s19+$0xB780];
	[tilespmem:s8+$0x9030] =	vst v0  }
0x3a: {  	v0 =	vld [tilespmem:s19+$0xB790];
	[tilespmem:s8+$0x9040] =	vst v1  }
0x3b: {  	v1 =	vld [tilespmem:s19+$0xB7A0];
	[tilespmem:s8+$0x9050] =	vst v3  }
0x3c: {  	v3 =	vld [tilespmem:s19+$0xB7B0];
	[tilespmem:s8+$0x9060] =	vst v4  }
0x3d: {  	v4 =	vld [tilespmem:s19+$0xB7C0];
	[tilespmem:s19+$0x9070] =	vst v5  }
0x3e: {  	v62 =	vld [tilespmem:s19+$0xB7D0];
	[tilespmem:s19+$0x9000] =	vst v2  }
0x3f: {  	v63 =	vld [tilespmem:s19+$0xB7E0];
	[tilespmem:s19+$0x9010] =	vst v0  }
0x40: {  	[tilespmem:s19+$0x9020] =	vst v1  }
0x41: {  	[tilespmem:s19+$0x9030] =	vst v3  }
0x42: {  	[tilespmem:s19+$0x9040] =	vst v4  }
0x43: {  	s3 =	rddreg [dreg:$0x6];
	[tilespmem:s19+$0x9050] =	vst v62  }
0x44: {  	s13 =	simm.s32 $0x9000;
	s8 =	rddreg [dreg:$0xb];
	[tilespmem:s19+$0x9060] =	vst v63;
	s19 =	simm.s32 $0x0  }
0x45: {  	[hbm4b:s3+s19] =	stream.linear.scatter [tilespmem:s13], [sflag:$0x11], $0x2780, $0x38;
	[tilespmem:$0x10680] =	vst v63  }
0x46: {  	s3 =	rddreg [dreg:$0x8]  }
0x47: {  	s13 =	rddreg [dreg:$0xc]  }
0x48: {  	[spmem:s13], [sflag:s8] =	dma.local [hbm:s3], $0x4F0  }
0x49: {  	_ =	swait.ge [sflag:s18], $0x4F0  }
0x4a: {  	[sflag:s18] =	ssyncset.done $0x0  }
0x4b: {  	[sflag:s18] =	ssyncadd.s32 $0xFFFFFB10;
	s18 =	simm.s32 $0x11  }
0x4c: {  	_ =	swait.ge [sflag:s18], $0x2780  }
0x4d: {  	[sflag:s18] =	ssyncset.done $0x0  }
0x4e: {  	[sflag:s18] =	ssyncadd.s32 $0xFFFFD880  }
0x4f: {  	[bflag:$0x0] =	sbarrier.arrive $0xFFFF  }
0x50: {  	[tilespmem:s21], [sflag:$0x1] =	stream.indirect.gather [hbm4b:s10+s20], $0x10, s19, s20, $0xb8;
	[tilespmem:$0x10680] =	vst v63  }
0x51: {  	_ = 	snop  }
0x52: {  	[tilespmem:s22], [sflag:$0x2] =	stream.indirect.gather [hbm4b:s10+s20], $0x10, s20, s20, $0xb8;
	[tilespmem:$0x10680] =	vst v63  }
0x53: {  	s8 =	simm.s32 $0x100  }
0x54: {  	[tilespmem:s24], [sflag:$0x3] =	stream.indirect.gather [hbm4b:s10+s20], $0x10, s8, s20, $0xb8;
	[tilespmem:$0x10680] =	vst v63  }
0x55: {  	s13 =	simm.s32 $0x180  }
0x56: {  	[tilespmem:s26], [sflag:$0x4] =	stream.indirect.gather [hbm4b:s10+s20], $0x10, s13, s20, $0xb8;
	[tilespmem:$0x10680] =	vst v63  }
0x57: {  	s18 =	simm.s32 $0x200  }
0x58: {  	[tilespmem:s29], [sflag:$0x5] =	stream.indirect.gather [hbm4b:s10+s20], $0x10, s18, s20, $0xb8;
	[tilespmem:$0x10680] =	vst v63  }
0x59: {  	s8 =	simm.s32 $0x280  }
0x5a: {  	[tilespmem:s31], [sflag:$0x6] =	stream.indirect.gather [hbm4b:s10+s20], $0x10, s8, s20, $0xb8;
	[tilespmem:$0x10680] =	vst v63  }
0x5b: {  	s13 =	simm.s32 $0x300  }
0x5c: {  	[tilespmem:s0], [sflag:$0x7] =	stream.indirect.gather [hbm4b:s10+s20], $0x10, s13, s20, $0xb8;
	[tilespmem:$0x10680] =	vst v63  }
0x5d: {  	s18 =	simm.s32 $0x380  }
0x5e: {  	[tilespmem:s23], [sflag:$0x8] =	stream.indirect.gather [hbm4b:s10+s20], $0x10, s18, s20, $0xb8;
	[tilespmem:$0x10680] =	vst v63  }
.LBB2_4:
0x5f: {  	_ =	swait.ge [sflag:s25], $0x800  }
0x60: {  	s8 =	sshra.s32 s19, $0x2;
	[sflag:s25] =	ssyncset.done $0x0  }
0x61: {  	p0 =	seq.s32 s19, $0x0;
	s3 =	sadd.s32 $0x2800, s8;
	[sflag:s25] =	ssyncadd.s32 $0xFFFFF800  }
0x62: {  	[spmem:s2] =	stream.indirect.scatter.add.f32 [tilespmem:s21], [sflag:$0x9], $0x10, s3, s20, $0xb8;
	[tilespmem:$0x10680] =	vst v63  }
0x63: {  	s3 =	simm.s32 @!p0 $0x10  }
0x64: {  	_ =	swait.ge @!p0 [sflag:s3], $0x800  }
0x65: {  	[sflag:s3] =	ssyncset.done @!p0 $0x0  }
0x66: {  	[sflag:s3] =	ssyncadd.s32 @!p0 $0xFFFFF800;
	s3 =	sshra.s32 @!p0 s19, $0x2  }
0x67: {  	s18 =	simm.s32 @!p0 $0x80;
	s13 =	simm.s32 @!p0 $0x8800;
	s3 =	sadd.s32 @!p0 $0x380, s3  }
0x68: {  	[tilespmem:s13], [sflag:$0x8] =	stream.indirect.gather @!p0 [hbm4b:s10+s18], $0x10, s3, s18, $0xb8;
	[tilespmem:$0x10680] =	vst v63  }
0x69: {  	p0 =	seq.s32 s19, $0x9000  }
.Ltmp1:
0x6a: {  	_ = 	snop;
	(pc) =	sbr.rel @p0 .LBB2_6-.Ltmp1, $4  }
0x6b: {  	_ =	swait.ge [sflag:s28], $0x800  }
0x6c: {  	[sflag:s28] =	ssyncset.done $0x0  }
0x6d: {  	s18 =	sadd.s32 $0x2880, s8;
	s3 =	sadd.s32 $0x2900, s8;
	[sflag:s28] =	ssyncadd.s32 $0xFFFFF800  }
0x6e: {  	[spmem:s2] =	stream.indirect.scatter.add.f32 [tilespmem:s22], [sflag:$0xA], $0x10, s18, s20, $0xb8;
	[tilespmem:$0x10680] =	vst v63  }
0x6f: {  	_ =	swait.ge [sflag:s7], $0x800  }
0x70: {  	[sflag:s7] =	ssyncset.done $0x0  }
0x71: {  	s13 =	sadd.s32 $0x400, s8;
	[sflag:s7] =	ssyncadd.s32 $0xFFFFF800  }
0x72: {  	[tilespmem:s21], [sflag:$0x1] =	stream.indirect.gather [hbm4b:s10+s20], $0x10, s13, s20, $0xb8;
	[tilespmem:$0x10680] =	vst v63  }
0x73: {  	_ =	swait.ge [sflag:s30], $0x800  }
0x74: {  	[sflag:s30] =	ssyncset.done $0x0  }
0x75: {  	[sflag:s30] =	ssyncadd.s32 $0xFFFFF800  }
0x76: {  	[spmem:s2] =	stream.indirect.scatter.add.f32 [tilespmem:s24], [sflag:$0xB], $0x10, s3, s20, $0xb8;
	[tilespmem:$0x10680] =	vst v63  }
0x77: {  	_ =	swait.ge [sflag:s9], $0x800  }
0x78: {  	[sflag:s9] =	ssyncset.done $0x0  }
0x79: {  	s18 =	sadd.s32 $0x480, s8;
	[sflag:s9] =	ssyncadd.s32 $0xFFFFF800  }
0x7a: {  	[tilespmem:s22], [sflag:$0x2] =	stream.indirect.gather [hbm4b:s10+s20], $0x10, s18, s20, $0xb8;
	[tilespmem:$0x10680] =	vst v63  }
0x7b: {  	_ =	swait.ge [sflag:s1], $0x800  }
0x7c: {  	[sflag:s1] =	ssyncset.done $0x0  }
0x7d: {  	s13 =	sadd.s32 $0x2980, s8;
	[sflag:s1] =	ssyncadd.s32 $0xFFFFF800  }
0x7e: {  	[spmem:s2] =	stream.indirect.scatter.add.f32 [tilespmem:s26], [sflag:$0xC], $0x10, s13, s20, $0xb8;
	[tilespmem:$0x10680] =	vst v63  }
0x7f: {  	_ =	swait.ge [sflag:s15], $0x800  }
0x80: {  	[sflag:s15] =	ssyncset.done $0x0  }
0x81: {  	s18 =	sadd.s32 $0x500, s8;
	[sflag:s15] =	ssyncadd.s32 $0xFFFFF800  }
0x82: {  	[tilespmem:s24], [sflag:$0x3] =	stream.indirect.gather [hbm4b:s10+s20], $0x10, s18, s20, $0xb8;
	[tilespmem:$0x10680] =	vst v63  }
0x83: {  	_ =	swait.ge [sflag:s14], $0x800  }
0x84: {  	[sflag:s14] =	ssyncset.done $0x0  }
0x85: {  	s13 =	sadd.s32 $0x2A00, s8;
	[sflag:s14] =	ssyncadd.s32 $0xFFFFF800  }
0x86: {  	[spmem:s2] =	stream.indirect.scatter.add.f32 [tilespmem:s29], [sflag:$0xD], $0x10, s13, s20, $0xb8;
	[tilespmem:$0x10680] =	vst v63  }
0x87: {  	_ =	swait.ge [sflag:s16], $0x800  }
0x88: {  	[sflag:s16] =	ssyncset.done $0x0  }
0x89: {  	s18 =	sadd.s32 $0x580, s8;
	[sflag:s16] =	ssyncadd.s32 $0xFFFFF800  }
0x8a: {  	[tilespmem:s26], [sflag:$0x4] =	stream.indirect.gather [hbm4b:s10+s20], $0x10, s18, s20, $0xb8;
	[tilespmem:$0x10680] =	vst v63  }
0x8b: {  	_ =	swait.ge [sflag:s4], $0x800  }
0x8c: {  	[sflag:s4] =	ssyncset.done $0x0  }
0x8d: {  	s13 =	sadd.s32 $0x2A80, s8;
	[sflag:s4] =	ssyncadd.s32 $0xFFFFF800  }
0x8e: {  	[spmem:s2] =	stream.indirect.scatter.add.f32 [tilespmem:s31], [sflag:$0xE], $0x10, s13, s20, $0xb8;
	[tilespmem:$0x10680] =	vst v63  }
0x8f: {  	_ =	swait.ge [sflag:s11], $0x800  }
0x90: {  	[sflag:s11] =	ssyncset.done $0x0  }
0x91: {  	s18 =	sadd.s32 $0x600, s8;
	[sflag:s11] =	ssyncadd.s32 $0xFFFFF800  }
0x92: {  	[tilespmem:s29], [sflag:$0x5] =	stream.indirect.gather [hbm4b:s10+s20], $0x10, s18, s20, $0xb8;
	[tilespmem:$0x10680] =	vst v63  }
0x93: {  	_ =	swait.ge [sflag:s5], $0x800  }
0x94: {  	[sflag:s5] =	ssyncset.done $0x0  }
0x95: {  	s13 =	sadd.s32 $0x2B00, s8;
	[sflag:s5] =	ssyncadd.s32 $0xFFFFF800  }
0x96: {  	[spmem:s2] =	stream.indirect.scatter.add.f32 [tilespmem:s0], [sflag:$0xF], $0x10, s13, s20, $0xb8;
	[tilespmem:$0x10680] =	vst v63  }
0x97: {  	_ =	swait.ge [sflag:s12], $0x800  }
0x98: {  	[sflag:s12] =	ssyncset.done $0x0  }
0x99: {  	s18 =	sadd.s32 $0x680, s8;
	[sflag:s12] =	ssyncadd.s32 $0xFFFFF800  }
0x9a: {  	[tilespmem:s31], [sflag:$0x6] =	stream.indirect.gather [hbm4b:s10+s20], $0x10, s18, s20, $0xb8;
	[tilespmem:$0x10680] =	vst v63  }
0x9b: {  	_ =	swait.ge [sflag:s6], $0x800  }
0x9c: {  	[sflag:s6] =	ssyncset.done $0x0  }
0x9d: {  	s13 =	sadd.s32 $0x2B80, s8;
	[sflag:s6] =	ssyncadd.s32 $0xFFFFF800  }
0x9e: {  	[spmem:s2] =	stream.indirect.scatter.add.f32 [tilespmem:s23], [sflag:$0x10], $0x10, s13, s20, $0xb8;
	[tilespmem:$0x10680] =	vst v63  }
.Ltmp2:
0x9f: {  	_ = 	snop;
	(pc) =	sbr.rel .LBB2_4-.Ltmp2, $4  }
0xa0: {  	_ =	swait.ge [sflag:s17], $0x800  }
0xa1: {  	[sflag:s17] =	ssyncset.done $0x0  }
0xa2: {  	s19 =	sadd.s32 $0x1000, s19;
	s18 =	sadd.s32 $0x700, s8;
	[sflag:s17] =	ssyncadd.s32 $0xFFFFF800  }
0xa3: {  	[tilespmem:s0], [sflag:$0x7] =	stream.indirect.gather [hbm4b:s10+s20], $0x10, s18, s20, $0xb8;
	[tilespmem:$0x10680] =	vst v63  }
.LBB2_6:
0xa4: {  	_ =	swait.ge [sflag:s30], $0x800  }
0xa5: {  	[sflag:s30] =	ssyncset.done $0x0  }
0xa6: {  	[sflag:s30] =	ssyncadd.s32 $0xFFFFF800  }
0xa7: {  	[spmem:s2] =	stream.indirect.scatter.add.f32 [tilespmem:s24], [sflag:$0xB], $0x10, s3, s20, $0xb8;
	[tilespmem:$0x10680] =	vst v63  }
0xa8: {  	_ =	swait.ge [sflag:s1], $0x800  }
0xa9: {  	[sflag:s1] =	ssyncset.done $0x0  }
0xaa: {  	s19 =	sadd.s32 $0x2980, s8;
	[sflag:s1] =	ssyncadd.s32 $0xFFFFF800  }
0xab: {  	[spmem:s2] =	stream.indirect.scatter.add.f32 [tilespmem:s26], [sflag:$0xC], $0x10, s19, s20, $0xb8;
	[tilespmem:$0x10680] =	vst v63  }
0xac: {  	_ =	swait.ge [sflag:s14], $0x800  }
0xad: {  	[sflag:s14] =	ssyncset.done $0x0  }
0xae: {  	s13 =	sadd.s32 $0x2A00, s8;
	[sflag:s14] =	ssyncadd.s32 $0xFFFFF800  }
0xaf: {  	[spmem:s2] =	stream.indirect.scatter.add.f32 [tilespmem:s29], [sflag:$0xD], $0x10, s13, s20, $0xb8;
	[tilespmem:$0x10680] =	vst v63  }
0xb0: {  	_ =	swait.ge [sflag:s4], $0x800  }
0xb1: {  	[sflag:s4] =	ssyncset.done $0x0  }
0xb2: {  	s18 =	sadd.s32 $0x2A80, s8;
	[sflag:s4] =	ssyncadd.s32 $0xFFFFF800  }
0xb3: {  	[spmem:s2] =	stream.indirect.scatter.add.f32 [tilespmem:s31], [sflag:$0xE], $0x10, s18, s20, $0xb8;
	[tilespmem:$0x10680] =	vst v63  }
0xb4: {  	_ =	swait.ge [sflag:s5], $0x800  }
0xb5: {  	[sflag:s5] =	ssyncset.done $0x0  }
0xb6: {  	s19 =	sadd.s32 $0x2B00, s8;
	[sflag:s5] =	ssyncadd.s32 $0xFFFFF800  }
0xb7: {  	[spmem:s2] =	stream.indirect.scatter.add.f32 [tilespmem:s0], [sflag:$0xF], $0x10, s19, s20, $0xb8;
	[tilespmem:$0x10680] =	vst v63  }
0xb8: {  	_ =	swait.ge [sflag:s6], $0x800  }
0xb9: {  	[sflag:s6] =	ssyncset.done $0x0  }
0xba: {  	s8 =	simm.s32 $0x4F80;
	[sflag:s6] =	ssyncadd.s32 $0xFFFFF800  }
0xbb: {  	[spmem:s2] =	stream.indirect.scatter.add.f32 [tilespmem:s23], [sflag:$0x10], $0x10, s8, s20, $0xb8;
	[tilespmem:$0x10680] =	vst v63  }
0xbc: {  	_ =	swait.ge [sflag:s7], $0x800  }
0xbd: {  	[sflag:s7] =	ssyncset.done $0x0  }
0xbe: {  	[sflag:s7] =	ssyncadd.s32 $0xFFFFF800  }
0xbf: {  	_ =	swait.ge [sflag:s9], $0x800  }
0xc0: {  	[sflag:s9] =	ssyncset.done $0x0  }
0xc1: {  	[sflag:s9] =	ssyncadd.s32 $0xFFFFF800  }
0xc2: {  	_ =	swait.ge [sflag:s15], $0x800  }
0xc3: {  	[sflag:s15] =	ssyncset.done $0x0  }
0xc4: {  	[sflag:s15] =	ssyncadd.s32 $0xFFFFF800  }
0xc5: {  	_ =	swait.ge [sflag:s16], $0x800  }
0xc6: {  	[sflag:s16] =	ssyncset.done $0x0  }
0xc7: {  	[sflag:s16] =	ssyncadd.s32 $0xFFFFF800  }
0xc8: {  	_ =	swait.ge [sflag:s11], $0x800  }
0xc9: {  	[sflag:s11] =	ssyncset.done $0x0  }
0xca: {  	[sflag:s11] =	ssyncadd.s32 $0xFFFFF800  }
0xcb: {  	_ =	swait.ge [sflag:s12], $0x800  }
0xcc: {  	[sflag:s12] =	ssyncset.done $0x0  }
0xcd: {  	[sflag:s12] =	ssyncadd.s32 $0xFFFFF800  }
0xce: {  	_ =	swait.ge [sflag:s17], $0x800  }
0xcf: {  	[sflag:s17] =	ssyncset.done $0x0  }
0xd0: {  	s13 =	simm.s32 $0x10;
	[sflag:s17] =	ssyncadd.s32 $0xFFFFF800  }
0xd1: {  	_ =	swait.ge [sflag:s13], $0x800  }
0xd2: {  	[sflag:s13] =	ssyncset.done $0x0  }
0xd3: {  	[sflag:s13] =	ssyncadd.s32 $0xFFFFF800  }
0xd4: {  	[bflag:$0x0] =	sbarrier.arrive $0xFFFF  }
0xd5: {  	s19 =	simm.s32 $0x9000;
	s18 =	rddreg [dreg:$0x7]  }
0xd6: {  	[tilespmem:s19], [sflag:$0x12] =	stream.linear.gather [spmem:s18], $0x2780, $0x38;
	[tilespmem:$0x10680] =	vst v63  }
0xd7: {  	s18 =	simm.s32 $0x12  }
0xd8: {  	_ =	swait.ge [sflag:s18], $0x2780  }
0xd9: {  	[sflag:s18] =	ssyncset.done $0x0  }
0xda: {  	s8 =	simm.s32 $0x0;
	[sflag:s18] =	ssyncadd.s32 $0xFFFFD880  }
0xdb: {  	v3 =	vld [tilespmem:s8+$0x9070]  }
0xdc: {  	v4 =	vld [tilespmem:s8+$0x9000]  }
0xdd: {  	v5 =	vld [tilespmem:s8+$0x9010]  }
0xde: {  	v2 =	vld [tilespmem:s8+$0x9020]  }
0xdf: {  	v0 =	vld [tilespmem:s8+$0x9030]  }
0xe0: {  	v1 =	vld [tilespmem:s8+$0x9040];
	[tilespmem:s8+$0xB7F0] =	vst v3  }
0xe1: {  	[tilespmem:s8+$0xB780] =	vst v4;
	v3 =	vld [tilespmem:s8+$0x9050]  }
0xe2: {  	s3 =	simm.s32 $0x400;
	s19 =	simm.s32 $0x80;
	[tilespmem:s8+$0xB790] =	vst v5;
	v4 =	vld [tilespmem:s8+$0x9060]  }
.LBB2_7:
0xe3: {  	p0 =	sne.s32 s3, $0x9C00;
	v5 =	vld [tilespmem:s19+$0x9070];
	[tilespmem:s8+$0xB7A0] =	vst v2  }
0xe4: {  	v6 =	vld [tilespmem:s19+$0x9000];
	[tilespmem:s8+$0xB7B0] =	vst v0  }
0xe5: {  	v7 =	vld [tilespmem:s19+$0x9010];
	[tilespmem:s8+$0xB7C0] =	vst v1  }
.Ltmp3:
0xe6: {  	v2 =	vld [tilespmem:s19+$0x9020];
	[tilespmem:s8+$0xB7D0] =	vst v3;
	(pc) =	sbr.rel @p0 .LBB2_7-.Ltmp3, $4  }
0xe7: {  	v0 =	vld [tilespmem:s19+$0x9030];
	[tilespmem:s8+$0xB7E0] =	vst v4;
	s8 =	smov.u32 s19  }
0xe8: {  	v1 =	vld [tilespmem:s8+$0x9040];
	[tilespmem:s8+$0xB7F0] =	vst v5  }
0xe9: {  	[tilespmem:s8+$0xB780] =	vst v6;
	v3 =	vld [tilespmem:s8+$0x9050]  }
0xea: {  	s19 =	sshra.s32 s3, $0x2;
	s3 =	sadd.s32 $0x200, s3;
	[tilespmem:s8+$0xB790] =	vst v7;
	v4 =	vld [tilespmem:s8+$0x9060]  }
0xeb: {  	v5 =	vld [tilespmem:s19+$0x9070];
	[tilespmem:s8+$0xB7A0] =	vst v2  }
0xec: {  	v2 =	vld [tilespmem:s19+$0x9000];
	[tilespmem:s8+$0xB7B0] =	vst v0  }
0xed: {  	v0 =	vld [tilespmem:s19+$0x9010];
	[tilespmem:s8+$0xB7C0] =	vst v1  }
0xee: {  	v1 =	vld [tilespmem:s19+$0x9020];
	[tilespmem:s8+$0xB7D0] =	vst v3  }
0xef: {  	v3 =	vld [tilespmem:s19+$0x9030];
	[tilespmem:s8+$0xB7E0] =	vst v4  }
0xf0: {  	v4 =	vld [tilespmem:s19+$0x9040];
	[tilespmem:s19+$0xB7F0] =	vst v5  }
0xf1: {  	v62 =	vld [tilespmem:s19+$0x9050];
	[tilespmem:s19+$0xB780] =	vst v2  }
0xf2: {  	v63 =	vld [tilespmem:s19+$0x9060];
	[tilespmem:s19+$0xB790] =	vst v0  }
0xf3: {  	[tilespmem:s19+$0xB7A0] =	vst v1  }
0xf4: {  	[tilespmem:s19+$0xB7B0] =	vst v3  }
0xf5: {  	[tilespmem:s19+$0xB7C0] =	vst v4  }
0xf6: {  	[tilespmem:s19+$0xB7D0] =	vst v62  }
0xf7: {  	s13 =	simm.s32 $0x0;
	s3 =	rddreg [dreg:$0x9];
	[tilespmem:s19+$0xB7E0] =	vst v63;
	s19 =	simm.s32 $0xB780  }
0xf8: {  	[hbm4b:s3+s13] =	stream.linear.scatter [tilespmem:s19], [sflag:$0x12], $0x2780, $0x38;
	[tilespmem:$0x10680] =	vst v63  }
0xf9: {  	_ =	swait.ge [sflag:s18], $0x2780  }
0xfa: {  	s3 =	rddreg [dreg:$0xd]  }
0xfb: {  	s8 =	sadd.s32 $0x1, s3;
	s3 =	rddreg [dreg:$0xa]  }
0xfc: {  	p0 =	sne.s32 s8, s3  }
.Ltmp4:
0xfd: {  	_ = 	snop;
	(pc) =	sbr.rel @p0 .LBB2_1-.Ltmp4, $3  }
0xfe: {  	_ =	sdelay $0x1  }
0xff: {  	[sflag:s18] =	ssyncset.done $0x0  }
0x100: {  	[sflag:s18] =	ssyncadd.s32 $0xFFFFD880  }
0x101: {  	_ =	sfence.sel $0x180000  }
0x102: {  	[bflag:$0x0] =	sbarrier.arrive $0xFFFF  }
0x103: {  	_ =	strace $0x9000004A  }
0x104: {  	s0 =	stileid.u32;
	[bflag:$0x2] =	sbarrier.arrive $0xFFFF  }
0x105: {  	p0 =	sne.s32 s0, $0x0;
	s0 =	rddreg [dreg:$0x2]  }
0x106: {  	s0 =	sadd.s32 @!p0 $0x100000, s0  }
0x107: {  	[sflag:s0] =	ssyncadd.tile.s32 @!p0 $0x1;
	_ =	shalt  }
.Lfunc_end2:
_tile_overlayer_lowered:
.L_overlay_start_2:
0x108: {  	(tag) =	ssettag $0x2  }
0x109: {  	s0 =	rddreg [dreg:$0x0];
	s2 =	stileid.u32  }
0x10a: {  	s1 =	rddreg [dreg:$0x1];
	p0 =	sne.s32 s2, $0x0  }
0x10b: {  	s3 =	rddreg [dreg:$0x2];
	[bflag:$0x3] =	sbarrier.arrive $0xFFFF;
	s2 =	simm.s32 @!p0 $0x1C12  }
0x10c: {  	[timem:s3], [sflag:s2] =	dma.local @!p0 [hbm:s0], s1  }
0x10d: {  	s0 =	simm.s32 @!p0 $0x12  }
0x10e: {  	_ =	swait.ge @!p0 [sflag:s0], s1  }
0x10f: {  	s1 =	ssub.s32 @!p0 $0x0, s1;
	[sflag:s0] =	ssyncset.done @!p0 $0x0  }
0x110: {  	[sflag:s0] =	ssyncadd.s32 @!p0 s1  }
0x111: {  	[bflag:$0x3] =	sbarrier.arrive $0xFFFF  }
0x112: {  	_ =	shalt  }

// kernel: kernel.16.cloned.1.call-start
scs
__scs_entry_jumppad:
0x0: {  	(pc) =	sbr.rel $0x88, $3  }
0x1: {  	(tag) =	ssettag $0x0;
	lr =	simm.s32 $0x1  }
0x2: {  	[smem:$0x3F9B] =	sst lr;
	_ =	strace $0xD0000000  }
0x3: {  	_ = 	snop  }
0x4: {  	_ = 	snop  }
0x5: {  	_ = 	snop  }
0x6: {  	_ = 	snop  }
0x7: {  	_ = 	snop  }
__scs_overlays_trampoline_lowered:
0x8: {  	[smem:$0x3FAA] =	sst s0  }
0x9: {  	[smem:$0x3FAB] =	sst s1  }
0xa: {  	[smem:$0x3FAC] =	sst s2  }
0xb: {  	[smem:$0x3FAD] =	sst s3  }
0xc: {  	[smem:$0x3FAE] =	sst s4  }
0xd: {  	[smem:$0x3FAF] =	sst s5  }
0xe: {  	[smem:$0x3FB0] =	sst s6  }
0xf: {  	[smem:$0x3FB1] =	sst s7  }
0x10: {  	[smem:$0x3FB2] =	sst s8  }
0x11: {  	[smem:$0x3FB3] =	sst s9;
	s0 =	simm.s32 @!p0 $0x0  }
0x12: {  	s1 =	sld [smem:$0x3F99];
	s0 =	simm.s32 @p0 $0x1  }
0x13: {  	[smem:$0x3FB4] =	sst s0;
	s0 =	simm.s32 @!p1 $0x0  }
0x14: {  	s2 =	sld [smem:$0x3F98];
	s0 =	simm.s32 @p1 $0x1  }
0x15: {  	[smem:$0x3FB5] =	sst s0;
	s0 =	simm.s32 @!p2 $0x0  }
0x16: {  	s3 =	sld [smem:$0x3FDB];
	s0 =	simm.s32 @p2 $0x1  }
0x17: {  	s4 =	simm.s32 $0x1BF5;
	[smem:$0x3FB7] =	sst s0  }
0x18: {  	s0 =	sld [smem:$0x3F9A];
	_ =	swait.ge [sflag:s4], $0x0  }
0x19: {  	s7 =	sld [smem:$0x3F9B]  }
0x1a: {  	s8 =	sadd.s32 $0xFFFFE003, lr  }
0x1b: {  	s9 =	sadd.s32 $0xFFFFFEF7, lr;
	s5 =	simm.s32 $0xFFFFFFFF;
	p2 =	slt.u32 s8, $0xFFFFF086  }
0x1c: {  	p1 =	slt.u32 s9, $0xF7A;
	s5 =	simm.s32 @!p2 $0x0  }
0x1d: {  	s5 =	simm.s32 @p1 $0x1;
	p0 =	seq.s32 s7, s2  }
0x1e: {  	s7 =	smul.u32 @!p0 $0xF7A, s2;
	p2 =	seq.s32 @!p0 s5, $0x0  }
0x1f: {  	s9 =	smul.u32 $0xF7A, s1;
	s8 =	simm.s32 @!p0 $0x1BF5;
	p2 =	por !p2, p0  }
0x20: {  	[sflag:s8] =	ssyncset.s32 @!p0 $0xFFFFF086;
	s6 =	sadd.s32 @!p0 s3, s7;
	s7 =	simm.s32 @!p0 $0x108  }
0x21: {  	s3 =	sadd.s32 s3, s9;
	s6 =	sadd.s32 @!p0 $0x88, s6;
	s7 =	simm.s32 @p2 $0x1082  }
0x22: {  	[simem:s7], [sflag:s8] =	dma.local @!p0 [hbm:s6], $0xF7A  }
0x23: {  	s9 =	sor.u32 $0xD0000000, s2;
	s6 =	simm.s32 $0x108;
	_ =	swait.ge @!p0 [sflag:s8], $0x0  }
0x24: {  	s3 =	sadd.s32 $0x88, s3;
	s6 =	simm.s32 @!p1 $0x1082;
	[sflag:s4] =	ssyncset.s32 $0xFFFFF086  }
0x25: {  	[simem:s6], [sflag:s4] =	dma.local [hbm:s3], $0xF7A  }
0x26: {  	[smem:$0x3F9B] =	sst s1;
	(tag) =	ssettag s2;
	_ =	strace s9  }
0x27: {  	s1 =	sld [smem:$0x3FAB]  }
0x28: {  	s2 =	sld [smem:$0x3FAC]  }
0x29: {  	s4 =	sld [smem:$0x3FAE]  }
0x2a: {  	p0 =	seq.s32 s5, $0x0;
	s5 =	sld [smem:$0x3FAF]  }
0x2b: {  	s6 =	sld [smem:$0x3FB0]  }
0x2c: {  	s7 =	sld [smem:$0x3FB1]  }
0x2d: {  	s3 =	simm.s32 $0x108;
	s8 =	sld [smem:$0x3FB2]  }
0x2e: {  	s3 =	simm.s32 @!p0 $0x1082;
	s9 =	sld [smem:$0x3FB3]  }
0x2f: {  	lr =	sadd.s32 s0, s3;
	s0 =	sld [smem:$0x3FAA]  }
0x30: {  	s3 =	sld [smem:$0x3FAD]  }
0x31: {  	[smem:$0x3FB6] =	sst s10  }
0x32: {  	s10 =	sld [smem:$0x3FB4];
	_ =	sdelay $0x3  }
0x33: {  	p0 =	seq.s32 s10, $0x1;
	s10 =	sld [smem:$0x3FB6];
	_ =	sdelay $0x3  }
0x34: {  	[smem:$0x3FB6] =	sst s10  }
0x35: {  	s10 =	sld [smem:$0x3FB5];
	_ =	sdelay $0x3  }
0x36: {  	p1 =	seq.s32 s10, $0x1;
	s10 =	sld [smem:$0x3FB6];
	_ =	sdelay $0x3  }
0x37: {  	[smem:$0x3FB6] =	sst s10  }
0x38: {  	s10 =	sld [smem:$0x3FB7]  }
0x39: {  	_ = 	snop;
	(pc) =	sbr.ind lr, $3  }
0x3a: {  	_ = 	snop  }
0x3b: {  	_ = 	snop  }
0x3c: {  	p2 =	seq.s32 s10, $0x1;
	s10 =	sld [smem:$0x3FB6]  }
0x3d: {  	_ =	shalt  }
0x3e: {  	_ =	shalt  }
0x3f: {  	_ =	shalt  }
0x40: {  	_ =	shalt  }
0x41: {  	_ =	shalt  }
0x42: {  	_ =	shalt  }
0x43: {  	_ =	shalt  }
0x44: {  	_ =	shalt  }
0x45: {  	_ =	shalt  }
0x46: {  	_ =	shalt  }
0x47: {  	_ =	shalt  }
0x48: {  	_ =	shalt  }
0x49: {  	_ =	shalt  }
0x4a: {  	_ =	shalt  }
0x4b: {  	_ =	shalt  }
0x4c: {  	_ =	shalt  }
0x4d: {  	_ =	shalt  }
0x4e: {  	_ =	shalt  }
0x4f: {  	_ =	shalt  }
0x50: {  	_ =	shalt  }
0x51: {  	_ =	shalt  }
0x52: {  	_ =	shalt  }
0x53: {  	_ =	shalt  }
0x54: {  	_ =	shalt  }
0x55: {  	_ =	shalt  }
0x56: {  	_ =	shalt  }
0x57: {  	_ =	shalt  }
0x58: {  	_ =	shalt  }
0x59: {  	_ =	shalt  }
0x5a: {  	_ =	shalt  }
0x5b: {  	_ =	shalt  }
0x5c: {  	_ =	shalt  }
0x5d: {  	_ =	shalt  }
0x5e: {  	_ =	shalt  }
0x5f: {  	_ =	shalt  }
0x60: {  	_ =	shalt  }
0x61: {  	_ =	shalt  }
0x62: {  	_ =	shalt  }
0x63: {  	_ =	shalt  }
0x64: {  	_ =	shalt  }
0x65: {  	_ =	shalt  }
0x66: {  	_ =	shalt  }
0x67: {  	_ =	shalt  }
0x68: {  	_ =	shalt  }
0x69: {  	_ =	shalt  }
0x6a: {  	_ =	shalt  }
0x6b: {  	_ =	shalt  }
0x6c: {  	_ =	shalt  }
0x6d: {  	_ =	shalt  }
0x6e: {  	_ =	shalt  }
0x6f: {  	_ =	shalt  }
0x70: {  	_ =	shalt  }
0x71: {  	_ =	shalt  }
0x72: {  	_ =	shalt  }
0x73: {  	_ =	shalt  }
0x74: {  	_ =	shalt  }
0x75: {  	_ =	shalt  }
0x76: {  	_ =	shalt  }
0x77: {  	_ =	shalt  }
0x78: {  	_ =	shalt  }
0x79: {  	_ =	shalt  }
0x7a: {  	_ =	shalt  }
0x7b: {  	_ =	shalt  }
0x7c: {  	_ =	shalt  }
0x7d: {  	_ =	shalt  }
0x7e: {  	_ =	shalt  }
0x7f: {  	_ =	shalt  }
0x80: {  	_ =	shalt  }
0x81: {  	_ =	shalt  }
0x82: {  	_ =	shalt  }
0x83: {  	_ =	shalt  }
0x84: {  	_ =	shalt  }
0x85: {  	_ =	shalt  }
0x86: {  	_ =	shalt  }
0x87: {  	_ =	shalt  }
.Lfunc_end0:
.L_simem_size_0:
called_computation.2_lowered:
.L_overlay_start_0:
0x88: {  	s2 =	sld [smem:$0x3FD9]  }
0x89: {  	s3 =	sld [smem:$0x3FFE];
	_ =	sdelay $0x1  }
0x8a: {  	s1 =	srdreg.scid  }
0x8b: {  	s0 =	sand.u32 $0x1, s1  }
0x8c: {  	s16 =	sshll.u32 s0, $0xA;
	s2 =	sadd.s32 s3, s2  }
0x8d: {  	s2 =	sadd.s32 s2, s16  }
0x8e: {  	[smem:$0x3FC2] =	sst s2  }
0x8f: {  	_ = 	snop  }
0x90: {  	(tm) =	ssettm $0x1  }
0x91: {  	s17 =	sld [smem:$0x3FFB];
	_ =	sdelay $0x3  }
0x92: {  	_ =	strace s17  }
0x93: {  	s2 =	sld [smem:$0x3FFC];
	_ =	sdelay $0x3  }
0x94: {  	_ =	strace s2  }
0x95: {  	s2 =	sld [smem:$0x3FFD];
	_ =	sdelay $0x3  }
0x96: {  	_ =	strace s2  }
0x97: {  	_ =	strace $0x8FFFFFFF  }
0x98: {  	s18 =	sld [smem:$0x3FDB];
	_ =	sdelay $0x1  }
0x99: {  	s19 =	simm.s32 $_scs_section_size  }
0x9a: {  	s4 =	simm.s32 $_size__tile_overlayer_lowered;
	s5 =	simm.s32 $_tile_overlayer_lowered  }
0x9b: {  	s22 =	simm.s32 $0x1BFF;
	s21 =	sshll.u32 s5, $0x1;
	s2 =	sadd.s32 s19, s18  }
0x9c: {  	s6 =	simm.s32 $0x0;
	s20 =	sshll.u32 s4, $0x1;
	s4 =	sadd.s32 s21, s2  }
0x9d: {  	[timem:s6], [sflag:s22] =	dma.local [hbm:s4], s20  }
0x9e: {  	_ =	swait.ge [sflag:s22], s20  }
0x9f: {  	s3 =	ssub.s32 $0x0, s20;
	[sflag:s22] =	ssyncset.done $0x0  }
0xa0: {  	[sflag:s22] =	ssyncadd.s32 s3;
	_ =	sdelay $0x1  }
0xa1: {  	s23 =	simm.s32 $0x1B8B  }
0xa2: {  	_ =	swait.ge [sflag:s23], $0x1  }
0xa3: {  	[sflag:s23] =	ssyncset.done $0x0  }
0xa4: {  	s25 =	simm.s32 $0x1B8E;
	s24 =	sld [smem:$0x3FFE];
	[sflag:s23] =	ssyncadd.s32 $0xFFFFFFFF  }
0xa5: {  	s26 =	simm.s32 $execute0_lowered;
	[smem:$0x3FD2] =	sst s25  }
0xa6: {  	s4 =	sshll.u32 s26, $0x1;
	_ =	strace $0x8000004C;
	[dreg:$0x1] =	wrdreg $0xFFFFFFFF  }
0xa7: {  	s28 =	simm.s32 $_size_execute0_lowered;
	s2 =	sadd.s32 s2, s4;
	[dreg:$0x0] =	wrdreg $0x0  }
0xa8: {  	s4 =	sshll.u32 s28, $0x1;
	[dreg:$0x2] =	wrdreg s2  }
0xa9: {  	[dreg:$0x3] =	wrdreg s4  }
0xaa: {  	[dreg:$0x4] =	wrdreg $0xC0  }
0xab: {  	_ =	task [dreg:s6], $0x5FFFF  }
0xac: {  	[dreg:$0x1] =	wrdreg $0xFFFFFFFF  }
0xad: {  	[dreg:$0x0] =	wrdreg $0x60  }
0xae: {  	[dreg:$0x2] =	wrdreg s24  }
0xaf: {  	[dreg:$0x3] =	wrdreg $0xDF000  }
0xb0: {  	[dreg:$0x4] =	wrdreg $0x9  }
0xb1: {  	_ =	task.clear_ibuf [dreg:s6], $0x5FFFF;
	_ =	strace $0x9000004C  }
0xb2: {  	s29 =	simm.s32 $0x9;
	_ =	strace $0x8000004E  }
0xb3: {  	_ =	swait.ge [sflag:s29], $0x1  }
0xb4: {  	[sflag:s29] =	ssyncadd.s32 $0xFFFFFFFF  }
0xb5: {  	_ =	strace $0x9000004E  }
0xb6: {  	_ =	sfence  }
0xb7: {  	s30 =	sld [smem:$0x0];
	_ =	sdelay $0x2  }
0xb8: {  	s31 =	sshll.u32 s1, $0xD;
	s1 =	sshrl.u32 s1, $0x2  }
0xb9: {  	s3 =	sand.u32 $0x4000, s31;
	s1 =	sadd.s32 s1, s30  }
0xba: {  	s0 =	sor.u32 s3, s0;
	s1 =	sshll.u32 s1, $0x11  }
0xbb: {  	s0 =	sor.u32 s1, s0  }
0xbc: {  	s0 =	sadd.s32 $0x8F2B, s0  }
0xbd: {  	[sflag:s0] =	ssyncadd.remote.s32 $0x1  }
0xbe: {  	_ =	sfence.sel $0xFFFF  }
0xbf: {  	[dreg:$0x0] =	wrdreg $0xFFFFFFFF;
	(pc) =	sbr.abs _section_cstart, $3  }
0xc0: {  	[dreg:$0x1] =	wrdreg $0xFFFFFFFF  }
0xc1: {  	_ =	task.clear_ibuf [dreg:s6], $0x2FFFF;
	_ =	strace $0x9FFFFFFF  }
0xc2: {  	(tm) =	ssettm $0x7FFFFFFF  }
0xc3: {  	_ =	shalt  }
tec
execute0_lowered:
.L_overlay_start_1:
0x0: {  	(tag) =	ssettag $0x1  }
0x1: {  	s0 =	srdreg.scid;
	s3 =	rddreg [dreg:$0x0]  }
0x2: {  	s11 =	stileid.u32;
	s2 =	rddreg [dreg:$0x1]  }
0x3: {  	s13 =	simm.s32 $0x0;
	s18 =	simm.s32 $0x12;
	s29 =	simm.s32 $0x7000  }
0x4: {  	s31 =	simm.s32 $0x7800;
	s28 =	simm.s32 $0x2;
	s30 =	simm.s32 $0x3  }
0x5: {  	s14 =	simm.s32 $0x5;
	s15 =	simm.s32 $0xB;
	s16 =	simm.s32 $0xC  }
0x6: {  	s12 =	simm.s32 $0xE;
	s17 =	simm.s32 $0xF;
	s0 =	sand.u32 $0x1, s0  }
0x7: {  	s4 =	smul.u32 $0x2780, s11;
	[smem:$0x7FF] =	sst s13;
	s25 =	sshll.u32 s11, $0x6  }
0x8: {  	s1 =	sshll.u32 s0, $0x4;
	s5 =	smul.u32 $0x27800, s0;
	_ =	strace $0x8000004D  }
0x9: {  	s0 =	ssub.s32 $0x2, s0;
	s1 =	sor.u32 s11, s1;
	s6 =	sshrl.u32 s4, $0x3  }
0xa: {  	s8 =	sshrl.u32 s0, $0x1;
	s11 =	simm.s32 $0xD;
	s1 =	smul.u32 $0x500, s1  }
0xb: {  	s7 =	sadd.s32 s4, s5;
	s6 =	sadd.s32 s6, s3;
	s0 =	ssub.s32 s0, s8  }
0xc: {  	s4 =	sadd.s32 s4, s2;
	s22 =	sshrl.u32 s5, $0x3;
	s5 =	simm.s32 $0x7  }
0xd: {  	s8 =	simm.s32 $0x0;
	s7 =	sshrl.u32 s7, $0x3;
	s20 =	sadd.s32 $0x1CE00, s6  }
0xe: {  	s23 =	sadd.s32 $0x17E00, s6;
	s0 =	smax.u32 s0, $0x1;
	[dreg:$0x7] =	wrdreg s4  }
0xf: {  	s26 =	sshrl.u32 s4, $0x3;
	s4 =	simm.s32 $0x6;
	[dreg:$0x5] =	wrdreg s20  }
0x10: {  	s6 =	simm.s32 $0x8;
	s1 =	sadd.s32 s1, s3;
	[dreg:$0x8] =	wrdreg s23  }
0x11: {  	s9 =	sadd.s32 s7, s3;
	s3 =	sadd.s32 $0x21E00, s3;
	[dreg:$0xa] =	wrdreg s0  }
0x12: {  	s0 =	sor.u32 $0x1C12, s25;
	[dreg:$0xc] =	wrdreg s26;
	s20 =	simm.s32 $0x80  }
0x13: {  	s26 =	simm.s32 $0x6800;
	s23 =	simm.s32 $0x8800;
	s25 =	simm.s32 $0x1  }
0x14: {  	s19 =	sadd.s32 $0xDE00, s1;
	s1 =	sadd.s32 $0x3E00, s1;
	[dreg:$0xb] =	wrdreg s0  }
0x15: {  	s21 =	sadd.s32 s3, s7;
	s10 =	sadd.s32 s3, s22;
	[dreg:$0x3] =	wrdreg s19  }
0x16: {  	s24 =	sadd.s32 $0x2BC00, s9;
	s22 =	simm.s32 $0x5800;
	[dreg:$0x4] =	wrdreg s1  }
0x17: {  	s0 =	simm.s32 $0x8000;
	s7 =	simm.s32 $0x9;
	[dreg:$0x6] =	wrdreg s21  }
0x18: {  	s9 =	simm.s32 $0xA;
	[dreg:$0x9] =	wrdreg s24;
	s19 =	simm.s32 $0xB780  }
0x19: {  	s21 =	simm.s32 $0x5000;
	s24 =	simm.s32 $0x6000;
	s1 =	simm.s32 $0x4  }
.LBB2_1:
0x1a: {  	[dreg:$0xd] =	wrdreg s8  }
0x1b: {  	s3 =	rddreg [dreg:$0x3]  }
0x1c: {  	[tilespmem:s13], [sflag:$0x12] =	stream.linear.gather [hbm4b:s3+s13], $0x2800, $0x38;
	[tilespmem:$0x10680] =	vst v63  }
0x1d: {  	_ =	swait.ge [sflag:s18], $0x2800  }
0x1e: {  	[sflag:s18] =	ssyncset.done $0x0  }
0x1f: {  	s8 =	simm.s32 $0x2800;
	s3 =	rddreg [dreg:$0x4];
	[sflag:s18] =	ssyncadd.s32 $0xFFFFD800  }
0x20: {  	[tilespmem:s8], [sflag:$0x12] =	stream.linear.gather [hbm4b:s3+s13], $0x2800, $0x38;
	[tilespmem:$0x10680] =	vst v63  }
0x21: {  	_ =	swait.ge [sflag:s18], $0x2800  }
0x22: {  	[sflag:s18] =	ssyncset.done $0x0  }
0x23: {  	s8 =	rddreg [dreg:$0x5];
	[sflag:s18] =	ssyncadd.s32 $0xFFFFD800  }
0x24: {  	[tilespmem:s19], [sflag:$0x12] =	stream.linear.gather [hbm4b:s8+s13], $0x2780, $0x38;
	[tilespmem:$0x10680] =	vst v63  }
0x25: {  	_ =	swait.ge [sflag:s18], $0x2780  }
0x26: {  	[sflag:s18] =	ssyncset.done $0x0  }
0x27: {  	s8 =	simm.s32 $0x0;
	[sflag:s18] =	ssyncadd.s32 $0xFFFFD880  }
0x28: {  	v3 =	vld [tilespmem:s8+$0xB7F0]  }
0x29: {  	v4 =	vld [tilespmem:s8+$0xB780]  }
0x2a: {  	v5 =	vld [tilespmem:s8+$0xB790]  }
0x2b: {  	v2 =	vld [tilespmem:s8+$0xB7A0]  }
0x2c: {  	v0 =	vld [tilespmem:s8+$0xB7B0]  }
0x2d: {  	v1 =	vld [tilespmem:s8+$0xB7C0];
	[tilespmem:s8+$0x9070] =	vst v3  }
0x2e: {  	[tilespmem:s8+$0x9000] =	vst v4;
	v3 =	vld [tilespmem:s8+$0xB7D0]  }
0x2f: {  	s3 =	simm.s32 $0x400;
	s19 =	simm.s32 $0x80;
	[tilespmem:s8+$0x9010] =	vst v5;
	v4 =	vld [tilespmem:s8+$0xB7E0]  }
.LBB2_2:
0x30: {  	p0 =	sne.s32 s3, $0x9C00;
	v5 =	vld [tilespmem:s19+$0xB7F0];
	[tilespmem:s8+$0x9020] =	vst v2  }
0x31: {  	v6 =	vld [tilespmem:s19+$0xB780];
	[tilespmem:s8+$0x9030] =	vst v0  }
0x32: {  	v7 =	vld [tilespmem:s19+$0xB790];
	[tilespmem:s8+$0x9040] =	vst v1  }
.Ltmp0:
0x33: {  	v2 =	vld [tilespmem:s19+$0xB7A0];
	[tilespmem:s8+$0x9050] =	vst v3;
	(pc) =	sbr.rel @p0 .LBB2_2-.Ltmp0, $4  }
0x34: {  	v0 =	vld [tilespmem:s19+$0xB7B0];
	[tilespmem:s8+$0x9060] =	vst v4;
	s8 =	smov.u32 s19  }
0x35: {  	v1 =	vld [tilespmem:s8+$0xB7C0];
	[tilespmem:s8+$0x9070] =	vst v5  }
0x36: {  	[tilespmem:s8+$0x9000] =	vst v6;
	v3 =	vld [tilespmem:s8+$0xB7D0]  }
0x37: {  	s19 =	sshra.s32 s3, $0x2;
	s3 =	sadd.s32 $0x200, s3;
	[tilespmem:s8+$0x9010] =	vst v7;
	v4 =	vld [tilespmem:s8+$0xB7E0]  }
0x38: {  	v5 =	vld [tilespmem:s19+$0xB7F0];
	[tilespmem:s8+$0x9020] =	vst v2  }
0x39: {  	v2 =	vld [tilespmem:s19+$0xB780];
	[tilespmem:s8+$0x9030] =	vst v0  }
0x3a: {  	v0 =	vld [tilespmem:s19+$0xB790];
	[tilespmem:s8+$0x9040] =	vst v1  }
0x3b: {  	v1 =	vld [tilespmem:s19+$0xB7A0];
	[tilespmem:s8+$0x9050] =	vst v3  }
0x3c: {  	v3 =	vld [tilespmem:s19+$0xB7B0];
	[tilespmem:s8+$0x9060] =	vst v4  }
0x3d: {  	v4 =	vld [tilespmem:s19+$0xB7C0];
	[tilespmem:s19+$0x9070] =	vst v5  }
0x3e: {  	v62 =	vld [tilespmem:s19+$0xB7D0];
	[tilespmem:s19+$0x9000] =	vst v2  }
0x3f: {  	v63 =	vld [tilespmem:s19+$0xB7E0];
	[tilespmem:s19+$0x9010] =	vst v0  }
0x40: {  	[tilespmem:s19+$0x9020] =	vst v1  }
0x41: {  	[tilespmem:s19+$0x9030] =	vst v3  }
0x42: {  	[tilespmem:s19+$0x9040] =	vst v4  }
0x43: {  	s3 =	rddreg [dreg:$0x6];
	[tilespmem:s19+$0x9050] =	vst v62  }
0x44: {  	s13 =	simm.s32 $0x9000;
	s8 =	rddreg [dreg:$0xb];
	[tilespmem:s19+$0x9060] =	vst v63;
	s19 =	simm.s32 $0x0  }
0x45: {  	[hbm4b:s3+s19] =	stream.linear.scatter [tilespmem:s13], [sflag:$0x11], $0x2780, $0x38;
	[tilespmem:$0x10680] =	vst v63  }
0x46: {  	s3 =	rddreg [dreg:$0x8]  }
0x47: {  	s13 =	rddreg [dreg:$0xc]  }
0x48: {  	[spmem:s13], [sflag:s8] =	dma.local [hbm:s3], $0x4F0  }
0x49: {  	_ =	swait.ge [sflag:s18], $0x4F0  }
0x4a: {  	[sflag:s18] =	ssyncset.done $0x0  }
0x4b: {  	[sflag:s18] =	ssyncadd.s32 $0xFFFFFB10;
	s18 =	simm.s32 $0x11  }
0x4c: {  	_ =	swait.ge [sflag:s18], $0x2780  }
0x4d: {  	[sflag:s18] =	ssyncset.done $0x0  }
0x4e: {  	[sflag:s18] =	ssyncadd.s32 $0xFFFFD880  }
0x4f: {  	[bflag:$0x0] =	sbarrier.arrive $0xFFFF  }
0x50: {  	[tilespmem:s21], [sflag:$0x1] =	stream.indirect.gather [hbm4b:s10+s20], $0x10, s19, s20, $0xb8;
	[tilespmem:$0x10680] =	vst v63  }
0x51: {  	_ = 	snop  }
0x52: {  	[tilespmem:s22], [sflag:$0x2] =	stream.indirect.gather [hbm4b:s10+s20], $0x10, s20, s20, $0xb8;
	[tilespmem:$0x10680] =	vst v63  }
0x53: {  	s8 =	simm.s32 $0x100  }
0x54: {  	[tilespmem:s24], [sflag:$0x3] =	stream.indirect.gather [hbm4b:s10+s20], $0x10, s8, s20, $0xb8;
	[tilespmem:$0x10680] =	vst v63  }
0x55: {  	s13 =	simm.s32 $0x180  }
0x56: {  	[tilespmem:s26], [sflag:$0x4] =	stream.indirect.gather [hbm4b:s10+s20], $0x10, s13, s20, $0xb8;
	[tilespmem:$0x10680] =	vst v63  }
0x57: {  	s18 =	simm.s32 $0x200  }
0x58: {  	[tilespmem:s29], [sflag:$0x5] =	stream.indirect.gather [hbm4b:s10+s20], $0x10, s18, s20, $0xb8;
	[tilespmem:$0x10680] =	vst v63  }
0x59: {  	s8 =	simm.s32 $0x280  }
0x5a: {  	[tilespmem:s31], [sflag:$0x6] =	stream.indirect.gather [hbm4b:s10+s20], $0x10, s8, s20, $0xb8;
	[tilespmem:$0x10680] =	vst v63  }
0x5b: {  	s13 =	simm.s32 $0x300  }
0x5c: {  	[tilespmem:s0], [sflag:$0x7] =	stream.indirect.gather [hbm4b:s10+s20], $0x10, s13, s20, $0xb8;
	[tilespmem:$0x10680] =	vst v63  }
0x5d: {  	s18 =	simm.s32 $0x380  }
0x5e: {  	[tilespmem:s23], [sflag:$0x8] =	stream.indirect.gather [hbm4b:s10+s20], $0x10, s18, s20, $0xb8;
	[tilespmem:$0x10680] =	vst v63  }
.LBB2_4:
0x5f: {  	_ =	swait.ge [sflag:s25], $0x800  }
0x60: {  	s8 =	sshra.s32 s19, $0x2;
	[sflag:s25] =	ssyncset.done $0x0  }
0x61: {  	p0 =	seq.s32 s19, $0x0;
	s3 =	sadd.s32 $0x2800, s8;
	[sflag:s25] =	ssyncadd.s32 $0xFFFFF800  }
0x62: {  	[spmem:s2] =	stream.indirect.scatter.add.f32 [tilespmem:s21], [sflag:$0x9], $0x10, s3, s20, $0xb8;
	[tilespmem:$0x10680] =	vst v63  }
0x63: {  	s3 =	simm.s32 @!p0 $0x10  }
0x64: {  	_ =	swait.ge @!p0 [sflag:s3], $0x800  }
0x65: {  	[sflag:s3] =	ssyncset.done @!p0 $0x0  }
0x66: {  	[sflag:s3] =	ssyncadd.s32 @!p0 $0xFFFFF800;
	s3 =	sshra.s32 @!p0 s19, $0x2  }
0x67: {  	s18 =	simm.s32 @!p0 $0x80;
	s13 =	simm.s32 @!p0 $0x8800;
	s3 =	sadd.s32 @!p0 $0x380, s3  }
0x68: {  	[tilespmem:s13], [sflag:$0x8] =	stream.indirect.gather @!p0 [hbm4b:s10+s18], $0x10, s3, s18, $0xb8;
	[tilespmem:$0x10680] =	vst v63  }
0x69: {  	p0 =	seq.s32 s19, $0x9000  }
.Ltmp1:
0x6a: {  	_ = 	snop;
	(pc) =	sbr.rel @p0 .LBB2_6-.Ltmp1, $4  }
0x6b: {  	_ =	swait.ge [sflag:s28], $0x800  }
0x6c: {  	[sflag:s28] =	ssyncset.done $0x0  }
0x6d: {  	s18 =	sadd.s32 $0x2880, s8;
	s3 =	sadd.s32 $0x2900, s8;
	[sflag:s28] =	ssyncadd.s32 $0xFFFFF800  }
0x6e: {  	[spmem:s2] =	stream.indirect.scatter.add.f32 [tilespmem:s22], [sflag:$0xA], $0x10, s18, s20, $0xb8;
	[tilespmem:$0x10680] =	vst v63  }
0x6f: {  	_ =	swait.ge [sflag:s7], $0x800  }
0x70: {  	[sflag:s7] =	ssyncset.done $0x0  }
0x71: {  	s13 =	sadd.s32 $0x400, s8;
	[sflag:s7] =	ssyncadd.s32 $0xFFFFF800  }
0x72: {  	[tilespmem:s21], [sflag:$0x1] =	stream.indirect.gather [hbm4b:s10+s20], $0x10, s13, s20, $0xb8;
	[tilespmem:$0x10680] =	vst v63  }
0x73: {  	_ =	swait.ge [sflag:s30], $0x800  }
0x74: {  	[sflag:s30] =	ssyncset.done $0x0  }
0x75: {  	[sflag:s30] =	ssyncadd.s32 $0xFFFFF800  }
0x76: {  	[spmem:s2] =	stream.indirect.scatter.add.f32 [tilespmem:s24], [sflag:$0xB], $0x10, s3, s20, $0xb8;
	[tilespmem:$0x10680] =	vst v63  }
0x77: {  	_ =	swait.ge [sflag:s9], $0x800  }
0x78: {  	[sflag:s9] =	ssyncset.done $0x0  }
0x79: {  	s18 =	sadd.s32 $0x480, s8;
	[sflag:s9] =	ssyncadd.s32 $0xFFFFF800  }
0x7a: {  	[tilespmem:s22], [sflag:$0x2] =	stream.indirect.gather [hbm4b:s10+s20], $0x10, s18, s20, $0xb8;
	[tilespmem:$0x10680] =	vst v63  }
0x7b: {  	_ =	swait.ge [sflag:s1], $0x800  }
0x7c: {  	[sflag:s1] =	ssyncset.done $0x0  }
0x7d: {  	s13 =	sadd.s32 $0x2980, s8;
	[sflag:s1] =	ssyncadd.s32 $0xFFFFF800  }
0x7e: {  	[spmem:s2] =	stream.indirect.scatter.add.f32 [tilespmem:s26], [sflag:$0xC], $0x10, s13, s20, $0xb8;
	[tilespmem:$0x10680] =	vst v63  }
0x7f: {  	_ =	swait.ge [sflag:s15], $0x800  }
0x80: {  	[sflag:s15] =	ssyncset.done $0x0  }
0x81: {  	s18 =	sadd.s32 $0x500, s8;
	[sflag:s15] =	ssyncadd.s32 $0xFFFFF800  }
0x82: {  	[tilespmem:s24], [sflag:$0x3] =	stream.indirect.gather [hbm4b:s10+s20], $0x10, s18, s20, $0xb8;
	[tilespmem:$0x10680] =	vst v63  }
0x83: {  	_ =	swait.ge [sflag:s14], $0x800  }
0x84: {  	[sflag:s14] =	ssyncset.done $0x0  }
0x85: {  	s13 =	sadd.s32 $0x2A00, s8;
	[sflag:s14] =	ssyncadd.s32 $0xFFFFF800  }
0x86: {  	[spmem:s2] =	stream.indirect.scatter.add.f32 [tilespmem:s29], [sflag:$0xD], $0x10, s13, s20, $0xb8;
	[tilespmem:$0x10680] =	vst v63  }
0x87: {  	_ =	swait.ge [sflag:s16], $0x800  }
0x88: {  	[sflag:s16] =	ssyncset.done $0x0  }
0x89: {  	s18 =	sadd.s32 $0x580, s8;
	[sflag:s16] =	ssyncadd.s32 $0xFFFFF800  }
0x8a: {  	[tilespmem:s26], [sflag:$0x4] =	stream.indirect.gather [hbm4b:s10+s20], $0x10, s18, s20, $0xb8;
	[tilespmem:$0x10680] =	vst v63  }
0x8b: {  	_ =	swait.ge [sflag:s4], $0x800  }
0x8c: {  	[sflag:s4] =	ssyncset.done $0x0  }
0x8d: {  	s13 =	sadd.s32 $0x2A80, s8;
	[sflag:s4] =	ssyncadd.s32 $0xFFFFF800  }
0x8e: {  	[spmem:s2] =	stream.indirect.scatter.add.f32 [tilespmem:s31], [sflag:$0xE], $0x10, s13, s20, $0xb8;
	[tilespmem:$0x10680] =	vst v63  }
0x8f: {  	_ =	swait.ge [sflag:s11], $0x800  }
0x90: {  	[sflag:s11] =	ssyncset.done $0x0  }
0x91: {  	s18 =	sadd.s32 $0x600, s8;
	[sflag:s11] =	ssyncadd.s32 $0xFFFFF800  }
0x92: {  	[tilespmem:s29], [sflag:$0x5] =	stream.indirect.gather [hbm4b:s10+s20], $0x10, s18, s20, $0xb8;
	[tilespmem:$0x10680] =	vst v63  }
0x93: {  	_ =	swait.ge [sflag:s5], $0x800  }
0x94: {  	[sflag:s5] =	ssyncset.done $0x0  }
0x95: {  	s13 =	sadd.s32 $0x2B00, s8;
	[sflag:s5] =	ssyncadd.s32 $0xFFFFF800  }
0x96: {  	[spmem:s2] =	stream.indirect.scatter.add.f32 [tilespmem:s0], [sflag:$0xF], $0x10, s13, s20, $0xb8;
	[tilespmem:$0x10680] =	vst v63  }
0x97: {  	_ =	swait.ge [sflag:s12], $0x800  }
0x98: {  	[sflag:s12] =	ssyncset.done $0x0  }
0x99: {  	s18 =	sadd.s32 $0x680, s8;
	[sflag:s12] =	ssyncadd.s32 $0xFFFFF800  }
0x9a: {  	[tilespmem:s31], [sflag:$0x6] =	stream.indirect.gather [hbm4b:s10+s20], $0x10, s18, s20, $0xb8;
	[tilespmem:$0x10680] =	vst v63  }
0x9b: {  	_ =	swait.ge [sflag:s6], $0x800  }
0x9c: {  	[sflag:s6] =	ssyncset.done $0x0  }
0x9d: {  	s13 =	sadd.s32 $0x2B80, s8;
	[sflag:s6] =	ssyncadd.s32 $0xFFFFF800  }
0x9e: {  	[spmem:s2] =	stream.indirect.scatter.add.f32 [tilespmem:s23], [sflag:$0x10], $0x10, s13, s20, $0xb8;
	[tilespmem:$0x10680] =	vst v63  }
.Ltmp2:
0x9f: {  	_ = 	snop;
	(pc) =	sbr.rel .LBB2_4-.Ltmp2, $4  }
0xa0: {  	_ =	swait.ge [sflag:s17], $0x800  }
0xa1: {  	[sflag:s17] =	ssyncset.done $0x0  }
0xa2: {  	s19 =	sadd.s32 $0x1000, s19;
	s18 =	sadd.s32 $0x700, s8;
	[sflag:s17] =	ssyncadd.s32 $0xFFFFF800  }
0xa3: {  	[tilespmem:s0], [sflag:$0x7] =	stream.indirect.gather [hbm4b:s10+s20], $0x10, s18, s20, $0xb8;
	[tilespmem:$0x10680] =	vst v63  }
.LBB2_6:
0xa4: {  	_ =	swait.ge [sflag:s30], $0x800  }
0xa5: {  	[sflag:s30] =	ssyncset.done $0x0  }
0xa6: {  	[sflag:s30] =	ssyncadd.s32 $0xFFFFF800  }
0xa7: {  	[spmem:s2] =	stream.indirect.scatter.add.f32 [tilespmem:s24], [sflag:$0xB], $0x10, s3, s20, $0xb8;
	[tilespmem:$0x10680] =	vst v63  }
0xa8: {  	_ =	swait.ge [sflag:s1], $0x800  }
0xa9: {  	[sflag:s1] =	ssyncset.done $0x0  }
0xaa: {  	s19 =	sadd.s32 $0x2980, s8;
	[sflag:s1] =	ssyncadd.s32 $0xFFFFF800  }
0xab: {  	[spmem:s2] =	stream.indirect.scatter.add.f32 [tilespmem:s26], [sflag:$0xC], $0x10, s19, s20, $0xb8;
	[tilespmem:$0x10680] =	vst v63  }
0xac: {  	_ =	swait.ge [sflag:s14], $0x800  }
0xad: {  	[sflag:s14] =	ssyncset.done $0x0  }
0xae: {  	s13 =	sadd.s32 $0x2A00, s8;
	[sflag:s14] =	ssyncadd.s32 $0xFFFFF800  }
0xaf: {  	[spmem:s2] =	stream.indirect.scatter.add.f32 [tilespmem:s29], [sflag:$0xD], $0x10, s13, s20, $0xb8;
	[tilespmem:$0x10680] =	vst v63  }
0xb0: {  	_ =	swait.ge [sflag:s4], $0x800  }
0xb1: {  	[sflag:s4] =	ssyncset.done $0x0  }
0xb2: {  	s18 =	sadd.s32 $0x2A80, s8;
	[sflag:s4] =	ssyncadd.s32 $0xFFFFF800  }
0xb3: {  	[spmem:s2] =	stream.indirect.scatter.add.f32 [tilespmem:s31], [sflag:$0xE], $0x10, s18, s20, $0xb8;
	[tilespmem:$0x10680] =	vst v63  }
0xb4: {  	_ =	swait.ge [sflag:s5], $0x800  }
0xb5: {  	[sflag:s5] =	ssyncset.done $0x0  }
0xb6: {  	s19 =	sadd.s32 $0x2B00, s8;
	[sflag:s5] =	ssyncadd.s32 $0xFFFFF800  }
0xb7: {  	[spmem:s2] =	stream.indirect.scatter.add.f32 [tilespmem:s0], [sflag:$0xF], $0x10, s19, s20, $0xb8;
	[tilespmem:$0x10680] =	vst v63  }
0xb8: {  	_ =	swait.ge [sflag:s6], $0x800  }
0xb9: {  	[sflag:s6] =	ssyncset.done $0x0  }
0xba: {  	s8 =	simm.s32 $0x4F80;
	[sflag:s6] =	ssyncadd.s32 $0xFFFFF800  }
0xbb: {  	[spmem:s2] =	stream.indirect.scatter.add.f32 [tilespmem:s23], [sflag:$0x10], $0x10, s8, s20, $0xb8;
	[tilespmem:$0x10680] =	vst v63  }
0xbc: {  	_ =	swait.ge [sflag:s7], $0x800  }
0xbd: {  	[sflag:s7] =	ssyncset.done $0x0  }
0xbe: {  	[sflag:s7] =	ssyncadd.s32 $0xFFFFF800  }
0xbf: {  	_ =	swait.ge [sflag:s9], $0x800  }
0xc0: {  	[sflag:s9] =	ssyncset.done $0x0  }
0xc1: {  	[sflag:s9] =	ssyncadd.s32 $0xFFFFF800  }
0xc2: {  	_ =	swait.ge [sflag:s15], $0x800  }
0xc3: {  	[sflag:s15] =	ssyncset.done $0x0  }
0xc4: {  	[sflag:s15] =	ssyncadd.s32 $0xFFFFF800  }
0xc5: {  	_ =	swait.ge [sflag:s16], $0x800  }
0xc6: {  	[sflag:s16] =	ssyncset.done $0x0  }
0xc7: {  	[sflag:s16] =	ssyncadd.s32 $0xFFFFF800  }
0xc8: {  	_ =	swait.ge [sflag:s11], $0x800  }
0xc9: {  	[sflag:s11] =	ssyncset.done $0x0  }
0xca: {  	[sflag:s11] =	ssyncadd.s32 $0xFFFFF800  }
0xcb: {  	_ =	swait.ge [sflag:s12], $0x800  }
0xcc: {  	[sflag:s12] =	ssyncset.done $0x0  }
0xcd: {  	[sflag:s12] =	ssyncadd.s32 $0xFFFFF800  }
0xce: {  	_ =	swait.ge [sflag:s17], $0x800  }
0xcf: {  	[sflag:s17] =	ssyncset.done $0x0  }
0xd0: {  	s13 =	simm.s32 $0x10;
	[sflag:s17] =	ssyncadd.s32 $0xFFFFF800  }
0xd1: {  	_ =	swait.ge [sflag:s13], $0x800  }
0xd2: {  	[sflag:s13] =	ssyncset.done $0x0  }
0xd3: {  	[sflag:s13] =	ssyncadd.s32 $0xFFFFF800  }
0xd4: {  	[bflag:$0x0] =	sbarrier.arrive $0xFFFF  }
0xd5: {  	s19 =	simm.s32 $0x9000;
	s18 =	rddreg [dreg:$0x7]  }
0xd6: {  	[tilespmem:s19], [sflag:$0x12] =	stream.linear.gather [spmem:s18], $0x2780, $0x38;
	[tilespmem:$0x10680] =	vst v63  }
0xd7: {  	s18 =	simm.s32 $0x12  }
0xd8: {  	_ =	swait.ge [sflag:s18], $0x2780  }
0xd9: {  	[sflag:s18] =	ssyncset.done $0x0  }
0xda: {  	s8 =	simm.s32 $0x0;
	[sflag:s18] =	ssyncadd.s32 $0xFFFFD880  }
0xdb: {  	v3 =	vld [tilespmem:s8+$0x9070]  }
0xdc: {  	v4 =	vld [tilespmem:s8+$0x9000]  }
0xdd: {  	v5 =	vld [tilespmem:s8+$0x9010]  }
0xde: {  	v2 =	vld [tilespmem:s8+$0x9020]  }
0xdf: {  	v0 =	vld [tilespmem:s8+$0x9030]  }
0xe0: {  	v1 =	vld [tilespmem:s8+$0x9040];
	[tilespmem:s8+$0xB7F0] =	vst v3  }
0xe1: {  	[tilespmem:s8+$0xB780] =	vst v4;
	v3 =	vld [tilespmem:s8+$0x9050]  }
0xe2: {  	s3 =	simm.s32 $0x400;
	s19 =	simm.s32 $0x80;
	[tilespmem:s8+$0xB790] =	vst v5;
	v4 =	vld [tilespmem:s8+$0x9060]  }
.LBB2_7:
0xe3: {  	p0 =	sne.s32 s3, $0x9C00;
	v5 =	vld [tilespmem:s19+$0x9070];
	[tilespmem:s8+$0xB7A0] =	vst v2  }
0xe4: {  	v6 =	vld [tilespmem:s19+$0x9000];
	[tilespmem:s8+$0xB7B0] =	vst v0  }
0xe5: {  	v7 =	vld [tilespmem:s19+$0x9010];
	[tilespmem:s8+$0xB7C0] =	vst v1  }
.Ltmp3:
0xe6: {  	v2 =	vld [tilespmem:s19+$0x9020];
	[tilespmem:s8+$0xB7D0] =	vst v3;
	(pc) =	sbr.rel @p0 .LBB2_7-.Ltmp3, $4  }
0xe7: {  	v0 =	vld [tilespmem:s19+$0x9030];
	[tilespmem:s8+$0xB7E0] =	vst v4;
	s8 =	smov.u32 s19  }
0xe8: {  	v1 =	vld [tilespmem:s8+$0x9040];
	[tilespmem:s8+$0xB7F0] =	vst v5  }
0xe9: {  	[tilespmem:s8+$0xB780] =	vst v6;
	v3 =	vld [tilespmem:s8+$0x9050]  }
0xea: {  	s19 =	sshra.s32 s3, $0x2;
	s3 =	sadd.s32 $0x200, s3;
	[tilespmem:s8+$0xB790] =	vst v7;
	v4 =	vld [tilespmem:s8+$0x9060]  }
0xeb: {  	v5 =	vld [tilespmem:s19+$0x9070];
	[tilespmem:s8+$0xB7A0] =	vst v2  }
0xec: {  	v2 =	vld [tilespmem:s19+$0x9000];
	[tilespmem:s8+$0xB7B0] =	vst v0  }
0xed: {  	v0 =	vld [tilespmem:s19+$0x9010];
	[tilespmem:s8+$0xB7C0] =	vst v1  }
0xee: {  	v1 =	vld [tilespmem:s19+$0x9020];
	[tilespmem:s8+$0xB7D0] =	vst v3  }
0xef: {  	v3 =	vld [tilespmem:s19+$0x9030];
	[tilespmem:s8+$0xB7E0] =	vst v4  }
0xf0: {  	v4 =	vld [tilespmem:s19+$0x9040];
	[tilespmem:s19+$0xB7F0] =	vst v5  }
0xf1: {  	v62 =	vld [tilespmem:s19+$0x9050];
	[tilespmem:s19+$0xB780] =	vst v2  }
0xf2: {  	v63 =	vld [tilespmem:s19+$0x9060];
	[tilespmem:s19+$0xB790] =	vst v0  }
0xf3: {  	[tilespmem:s19+$0xB7A0] =	vst v1  }
0xf4: {  	[tilespmem:s19+$0xB7B0] =	vst v3  }
0xf5: {  	[tilespmem:s19+$0xB7C0] =	vst v4  }
0xf6: {  	[tilespmem:s19+$0xB7D0] =	vst v62  }
0xf7: {  	s13 =	simm.s32 $0x0;
	s3 =	rddreg [dreg:$0x9];
	[tilespmem:s19+$0xB7E0] =	vst v63;
	s19 =	simm.s32 $0xB780  }
0xf8: {  	[hbm4b:s3+s13] =	stream.linear.scatter [tilespmem:s19], [sflag:$0x12], $0x2780, $0x38;
	[tilespmem:$0x10680] =	vst v63  }
0xf9: {  	_ =	swait.ge [sflag:s18], $0x2780  }
0xfa: {  	s3 =	rddreg [dreg:$0xd]  }
0xfb: {  	s8 =	sadd.s32 $0x1, s3;
	s3 =	rddreg [dreg:$0xa]  }
0xfc: {  	p0 =	sne.s32 s8, s3  }
.Ltmp4:
0xfd: {  	_ = 	snop;
	(pc) =	sbr.rel @p0 .LBB2_1-.Ltmp4, $3  }
0xfe: {  	_ =	sdelay $0x1  }
0xff: {  	[sflag:s18] =	ssyncset.done $0x0  }
0x100: {  	[sflag:s18] =	ssyncadd.s32 $0xFFFFD880  }
0x101: {  	_ =	sfence.sel $0x180000  }
0x102: {  	[bflag:$0x0] =	sbarrier.arrive $0xFFFF  }
0x103: {  	_ =	strace $0x9000004D  }
0x104: {  	s0 =	stileid.u32;
	[bflag:$0x2] =	sbarrier.arrive $0xFFFF  }
0x105: {  	p0 =	sne.s32 s0, $0x0;
	s0 =	rddreg [dreg:$0x2]  }
0x106: {  	s0 =	sadd.s32 @!p0 $0x100000, s0  }
0x107: {  	[sflag:s0] =	ssyncadd.tile.s32 @!p0 $0x1;
	_ =	shalt  }
.Lfunc_end2:
_tile_overlayer_lowered:
.L_overlay_start_2:
0x108: {  	(tag) =	ssettag $0x2  }
0x109: {  	s0 =	rddreg [dreg:$0x0];
	s2 =	stileid.u32  }
0x10a: {  	s1 =	rddreg [dreg:$0x1];
	p0 =	sne.s32 s2, $0x0  }
0x10b: {  	s3 =	rddreg [dreg:$0x2];
	[bflag:$0x3] =	sbarrier.arrive $0xFFFF;
	s2 =	simm.s32 @!p0 $0x1C12  }
0x10c: {  	[timem:s3], [sflag:s2] =	dma.local @!p0 [hbm:s0], s1  }
0x10d: {  	s0 =	simm.s32 @!p0 $0x12  }
0x10e: {  	_ =	swait.ge @!p0 [sflag:s0], s1  }
0x10f: {  	s1 =	ssub.s32 @!p0 $0x0, s1;
	[sflag:s0] =	ssyncset.done @!p0 $0x0  }
0x110: {  	[sflag:s0] =	ssyncadd.s32 @!p0 s1  }
0x111: {  	[bflag:$0x3] =	sbarrier.arrive $0xFFFF  }
0x112: {  	_ =	shalt  }

</sc_bundles>
